<compile_context>
chip_gen: v7x
topology: tpu7x:2x2x1
jax: 0.10.2.dev20260603
libtpu: 0.0.44.dev20260713+nightly
codegen_flags: <defaults>
</compile_context>

<pallas_src>
import jax
import jax.numpy as jnp
from jax import lax
from jax.experimental import pallas as pl
from jax.experimental.pallas import tpu as pltpu
from jax.experimental.pallas import tpu_sc as plsc

_NC = 2
_NS = 16
_B = 128
_RPC = 32
_NBUF = 4
_H = 128
_S = 32


def _seg_sum_sc(xs, src, dst, n_dst, dt=jnp.bfloat16):
    e = src.shape[0]
    ept = ((e + _NS * _RPC * _B - 1) // (_NS * _RPC * _B)) * _RPC * _B
    e_pad = ept * _NS
    rows_pt = ept // _B
    chunks = rows_pt // _RPC
    half_rows_pt = rows_pt // 2
    half_chunks = chunks // 2
    n_dst_pad = ((n_dst + 1 + 63) // 64) * 64
    zc = n_dst_pad // 32
    z_iter = (zc + _NS - 1) // _NS

    if e_pad > e:
        pad = e_pad - e
        src = jnp.concatenate([src, jnp.zeros((pad,), jnp.int32)])
        dst = jnp.concatenate([dst, jnp.full((pad,), jnp.int32(n_dst))])
    src2 = src.reshape(e_pad // _B, _B)
    dst2 = dst.reshape(e_pad // _B, _B)
    zrow_c = jnp.zeros((32, _S), dt)
    ones_c = jnp.concatenate(
        [jnp.ones((_B, 1), dt), jnp.zeros((_B, _S - 1), dt)], axis=1)

    mesh = plsc.VectorSubcoreMesh(core_axis_name="c", subcore_axis_name="s")

    def body(x0, x1, x2, x3, src_hbm, dst_hbm, zrow_hbm, ones_hbm,
             o0, o1, o2, o3, c0, c1,
             src_st, dst_st, rows, ones_blk, zrow, acc, sem, sem2):
        cid = lax.axis_index("c")
        sid = lax.axis_index("s")
        pltpu.sync_copy(zrow_hbm, zrow)
        pltpu.sync_copy(ones_hbm, ones_blk)

        def zero_acc():
            def zb(z, carry):
                czk = z * _NS + sid
                @pl.when(czk < zc)
                def _():
                    pltpu.sync_copy(zrow, acc.at[pl.ds(czk * 32, 32), :])
                return carry
            lax.fori_loop(0, z_iter, zb, 0)

        def write_out(o):
            def wb(w, carry):
                wck = w * _NS + sid
                @pl.when(wck < zc)
                def _():
                    pltpu.sync_copy(acc.at[pl.ds(wck * 32, 32), :],
                                    o.at[pl.ds(wck * 32, 32), :])
                return carry
            lax.fori_loop(0, z_iter, wb, 0)

        def scan_pass(x, row0, nchunks):
            ngroups = _RPC

            def gather_desc(gi, par):
                return pltpu.make_async_copy(
                    x.at[src_st.at[gi]], rows.at[par], sem)

            def chunk_body(ch, carry):
                base = row0 + ch * _RPC
                pltpu.sync_copy(src_hbm.at[pl.ds(base, _RPC), :], src_st)
                pltpu.sync_copy(dst_hbm.at[pl.ds(base, _RPC), :], dst_st)
                for pre in range(_NBUF - 1):
                    gather_desc(pre, pre).start()

                def scat_desc(gi, par):
                    return pltpu.make_async_copy(
                        rows.at[par], acc.at[dst_st.at[gi]], sem2)

                def grp(g, carry2):
                    par = g & (_NBUF - 1)
                    @pl.when(g > 0)
                    def _():
                        scat_desc(g - 1, (g - 1) & (_NBUF - 1)).wait()
                    @pl.when(g + _NBUF - 1 < ngroups)
                    def _():
                        gather_desc(g + _NBUF - 1,
                                    (g + _NBUF - 1) & (_NBUF - 1)).start()
                    gather_desc(g, par).wait()
                    pltpu.async_copy(rows.at[par], acc.at[dst_st.at[g]],
                                     sem2, add=True)
                    return carry2
                lax.fori_loop(0, ngroups, grp, 0)
                scat_desc(ngroups - 1, (ngroups - 1) & (_NBUF - 1)).wait()
                return carry
            lax.fori_loop(0, nchunks, chunk_body, 0)

        def count_pass(row0, nchunks):
            def chunk_body(ch, carry):
                base = row0 + ch * _RPC
                pltpu.sync_copy(dst_hbm.at[pl.ds(base, _RPC), :], dst_st)

                def one_row(j, carry2):
                    pltpu.async_copy(ones_blk, acc.at[dst_st.at[j]], sem2,
                                     add=True)
                    return carry2
                lax.fori_loop(0, _RPC, one_row, 0)

                def drain(j, carry2):
                    pltpu.make_async_copy(ones_blk,
                                          acc.at[dst_st.at[j]], sem2).wait()
                    return carry2
                lax.fori_loop(0, _RPC, drain, 0)
                return carry
            lax.fori_loop(0, nchunks, chunk_body, 0)

        xs_refs = (x0, x1, x2, x3)
        os_refs = (o0, o1, o2, o3)
        for p in range(4):
            own = cid == (p // 2)
            @pl.when(own)
            def _():
                zero_acc()
            plsc.subcore_barrier()
            @pl.when(own)
            def _():
                scan_pass(xs_refs[p], sid * rows_pt, chunks)
            plsc.subcore_barrier()
            @pl.when(own)
            def _():
                write_out(os_refs[p])
            plsc.subcore_barrier()

        zero_acc()
        plsc.subcore_barrier()
        count_pass(cid * (e_pad // _B // 2) + sid * half_rows_pt, half_chunks)
        plsc.subcore_barrier()
        @pl.when(cid == 0)
        def _():
            write_out(c0)
        @pl.when(cid == 1)
        def _():
            write_out(c1)

    kern = pl.kernel(
        body,
        out_type=tuple(jax.ShapeDtypeStruct((n_dst_pad, _S), dt)
                       for _ in range(6)),
        mesh=mesh,
        compiler_params=pltpu.CompilerParams(use_tc_tiling_on_sc=False),
        scratch_types=[
            pltpu.VMEM((_RPC, _B), jnp.int32),
            pltpu.VMEM((_RPC, _B), jnp.int32),
            pltpu.VMEM((_NBUF, _B, _S), dt),
            pltpu.VMEM((_B, _S), dt),
            pltpu.VMEM((32, _S), dt),
            pltpu.VMEM_SHARED((n_dst_pad, _S), dt),
            pltpu.SemaphoreType.DMA,
            pltpu.SemaphoreType.DMA,
        ],
    )
    return kern(xs[0], xs[1], xs[2], xs[3], src2, dst2, zrow_c, ones_c)


_BLK = 2000


def _shard_specs(n):
    return [pl.BlockSpec((_BLK, _S), lambda i: (i, 0)) for _ in range(n)]


def _shard_outs(n, dt=jnp.bfloat16):
    return tuple(jax.ShapeDtypeStruct((n, _S), dt) for _ in range(4))


def _enc2(x, w, b, w2):
    n = x.shape[0]

    def body(x_ref, w_ref, b_ref, w2_ref, o0, o1, o2, o3):
        h = jnp.maximum(jnp.dot(x_ref[...], w_ref[...],
                                preferred_element_type=jnp.float32)
                        + b_ref[...], 0.0)
        y = jnp.dot(h, w2_ref[...], preferred_element_type=jnp.float32)
        yb = y.astype(jnp.bfloat16)
        for k, o in enumerate((o0, o1, o2, o3)):
            o[...] = yb[:, k * _S:(k + 1) * _S]

    return pl.pallas_call(
        body,
        grid=(n // _BLK,),
        in_specs=[pl.BlockSpec((_BLK, _H), lambda i: (i, 0)),
                  pl.BlockSpec((_H, _H), lambda i: (0, 0)),
                  pl.BlockSpec((1, _H), lambda i: (0, 0)),
                  pl.BlockSpec((_H, _H), lambda i: (0, 0))],
        out_specs=_shard_specs(4),
        out_shape=_shard_outs(n),
    )(x, w, b.reshape(1, _H), w2)


def _enc(x, w, b):
    n = x.shape[0]

    def body(x_ref, w_ref, b_ref, o_ref):
        o_ref[...] = jnp.maximum(
            jnp.dot(x_ref[...], w_ref[...], preferred_element_type=jnp.float32)
            + b_ref[...], 0.0)

    return pl.pallas_call(
        body,
        grid=(n // _BLK,),
        in_specs=[pl.BlockSpec((_BLK, _H), lambda i: (i, 0)),
                  pl.BlockSpec((_H, _H), lambda i: (0, 0)),
                  pl.BlockSpec((1, _H), lambda i: (0, 0))],
        out_specs=pl.BlockSpec((_BLK, _H), lambda i: (i, 0)),
        out_shape=jax.ShapeDtypeStruct((n, _H), jnp.float32),
    )(x, w, b.reshape(1, _H))


def _evt_update(evt_h, s4, c0, c1, wr, bl, wl_next):
    n = evt_h.shape[0]

    def body(e_ref, s0, s1, s2, s3, c0_ref, c1_ref, wr_ref, bl_ref, wn_ref,
             o0, o1, o2, o3):
        eh = e_ref[...]
        ssum = jnp.concatenate(
            [s0[...], s1[...], s2[...], s3[...]], axis=1).astype(jnp.float32)
        cnt = (c0_ref[...][:, :1].astype(jnp.float32)
               + c1_ref[...][:, :1].astype(jnp.float32))
        mean = ssum / jnp.maximum(cnt, 1.0)
        h2 = jnp.maximum(
            eh + mean + bl_ref[...]
            + jnp.dot(eh, wr_ref[...], preferred_element_type=jnp.float32), 0.0)
        y = jnp.dot(h2, wn_ref[...], preferred_element_type=jnp.float32)
        for k, o in enumerate((o0, o1, o2, o3)):
            o[...] = y[:, k * _S:(k + 1) * _S]

    return pl.pallas_call(
        body,
        grid=(n // _BLK,),
        in_specs=[pl.BlockSpec((_BLK, _H), lambda i: (i, 0))]
                 + _shard_specs(6)
                 + [pl.BlockSpec((_H, _H), lambda i: (0, 0)),
                    pl.BlockSpec((1, _H), lambda i: (0, 0)),
                    pl.BlockSpec((_H, _H), lambda i: (0, 0))],
        out_specs=_shard_specs(4),
        out_shape=_shard_outs(n, jnp.float32),
    )(evt_h, *s4, c0, c1, wr, bl.reshape(1, _H), wl_next)


def _loc_head(loc_x, s4, c0, c1, w_loc, b_loc, wr, bl, w1, b1, w2, b2):
    n = loc_x.shape[0]
    hh = _H // 2

    def body(x_ref, s0, s1, s2, s3, c0_ref, c1_ref, wloc_ref, bloc_ref,
             wr_ref, bl_ref, w1_ref, b1_ref, w2_ref, b2_ref, o_ref):
        lh = jnp.maximum(
            jnp.dot(x_ref[...], wloc_ref[...], preferred_element_type=jnp.float32)
            + bloc_ref[...], 0.0)
        ssum = jnp.concatenate(
            [s0[...], s1[...], s2[...], s3[...]], axis=1).astype(jnp.float32)
        cnt = (c0_ref[...][:, :1].astype(jnp.float32)
               + c1_ref[...][:, :1].astype(jnp.float32))
        mean = ssum / jnp.maximum(cnt, 1.0)
        h2 = jnp.maximum(
            mean + bl_ref[...]
            + jnp.dot(lh, wr_ref[...], preferred_element_type=jnp.float32), 0.0)
        hid = jnp.maximum(
            jnp.dot(h2, w1_ref[...], preferred_element_type=jnp.float32)
            + b1_ref[...], 0.0)
        o_ref[...] = (jnp.dot(hid, w2_ref[...], preferred_element_type=jnp.float32)
                      + b2_ref[...])

    return pl.pallas_call(
        body,
        grid=(n // _BLK,),
        in_specs=[pl.BlockSpec((_BLK, _H), lambda i: (i, 0))]
                 + _shard_specs(6)
                 + [pl.BlockSpec((_H, _H), lambda i: (0, 0)),
                    pl.BlockSpec((1, _H), lambda i: (0, 0)),
                    pl.BlockSpec((_H, _H), lambda i: (0, 0)),
                    pl.BlockSpec((1, _H), lambda i: (0, 0)),
                    pl.BlockSpec((_H, hh), lambda i: (0, 0)),
                    pl.BlockSpec((1, hh), lambda i: (0, 0)),
                    pl.BlockSpec((hh, 1), lambda i: (0, 0)),
                    pl.BlockSpec((1, 1), lambda i: (0, 0))],
        out_specs=pl.BlockSpec((_BLK, 1), lambda i: (i, 0)),
        out_shape=jax.ShapeDtypeStruct((n, 1), jnp.float32),
    )(loc_x, *s4, c0, c1, w_loc, b_loc.reshape(1, _H), wr, bl.reshape(1, _H),
      w1, b1.reshape(1, hh), w2, b2.reshape(1, 1))


def kernel(location_x, event_x, actor_x, actor_edge_index, event_edge_index,
           W_loc, b_loc, W_evt, b_evt, W_act, b_act, Wl_ae, bl_ae, Wr_ae,
           Wl_el, bl_el, Wr_el, W1, b1, W2, b2):
    n_evt = event_x.shape[0]
    n_loc = location_x.shape[0]

    act_y = _enc2(actor_x, W_act, b_act, Wl_ae)
    evt_h = _enc(event_x, W_evt, b_evt)

    *s_ae, ca0, ca1 = _seg_sum_sc(act_y, actor_edge_index[0],
                                  actor_edge_index[1], n_dst=n_evt)

    evt_z = _evt_update(evt_h, s_ae, ca0, ca1, Wr_ae, bl_ae, Wl_el)

    *s_el, ce0, ce1 = _seg_sum_sc(evt_z, event_edge_index[0],
                                  event_edge_index[1], n_dst=n_loc,
                                  dt=jnp.float32)

    out = _loc_head(location_x, s_el, ce0, ce1, W_loc, b_loc, Wr_el, bl_el,
                    W1, b1, W2, b2)
    return out[:, 0]

# --- scband reference (transcript-rebuilt; emitter-appended) ---
"""Pipeline reference for scband-hetero-gnnmodel-21698174779796 (READ-ONLY COPY).

The authoritative reference and input builder live on the scoring server;
editing this copy changes nothing except your own understanding.
"""

import jax, jax.numpy as jnp
import numpy as np

NUM_LOC = 10000
NUM_EVT = 50000
NUM_ACT = 50000
E_AE = 500000
E_EL = 500000
D_LOC = 128
D_EVT = 128
D_ACT = 128
H = 128


def _sage(x_src, x_dst, src, dst, Wl, bl, Wr, num_dst):
    # PyG SAGEConv with mean aggregation: lin_l(mean_{j->i} x_src[j]) + lin_r(x_dst[i])
    g = jnp.take(x_src, src, axis=0)
    s = jax.ops.segment_sum(g, dst, num_segments=num_dst)
    c = jax.ops.segment_sum(jnp.ones((src.shape[0],), x_src.dtype), dst, num_segments=num_dst)
    mean = s / jnp.clip(c, 1.0)[:, None]
    return mean @ Wl + bl + x_dst @ Wr


def setup_inputs(seed: int = 0):
    key = jax.random.key(seed)
    ks = jax.random.split(key, 24)
    sc = 0.05
    inp = {}
    inp["location_x"] = jax.random.normal(ks[0], (NUM_LOC, D_LOC), jnp.float32)
    inp["event_x"] = jax.random.normal(ks[1], (NUM_EVT, D_EVT), jnp.float32)
    inp["actor_x"] = jax.random.normal(ks[2], (NUM_ACT, D_ACT), jnp.float32)
    ae_src = jax.random.randint(ks[3], (E_AE,), 0, NUM_ACT)
    ae_dst = jax.random.randint(ks[4], (E_AE,), 0, NUM_EVT)
    inp["actor_edge_index"] = jnp.stack([ae_src, ae_dst], axis=0)
    el_src = jax.random.randint(ks[5], (E_EL,), 0, NUM_EVT)
    el_dst = jax.random.randint(ks[6], (E_EL,), 0, NUM_LOC)
    inp["event_edge_index"] = jnp.stack([el_src, el_dst], axis=0)
    inp["W_loc"] = jax.random.normal(ks[7], (D_LOC, H), jnp.float32) * sc
    inp["b_loc"] = jnp.zeros((H,), jnp.float32)
    inp["W_evt"] = jax.random.normal(ks[8], (D_EVT, H), jnp.float32) * sc
    inp["b_evt"] = jnp.zeros((H,), jnp.float32)
    inp["W_act"] = jax.random.normal(ks[9], (D_ACT, H), jnp.float32) * sc
    inp["b_act"] = jnp.zeros((H,), jnp.float32)
    inp["Wl_ae"] = jax.random.normal(ks[10], (H, H), jnp.float32) * sc
    inp["bl_ae"] = jnp.zeros((H,), jnp.float32)
    inp["Wr_ae"] = jax.random.normal(ks[11], (H, H), jnp.float32) * sc
    inp["Wl_el"] = jax.random.normal(ks[12], (H, H), jnp.float32) * sc
    inp["bl_el"] = jnp.zeros((H,), jnp.float32)
    inp["Wr_el"] = jax.random.normal(ks[13], (H, H), jnp.float32) * sc
    inp["W1"] = jax.random.normal(ks[14], (H, H // 2), jnp.float32) * sc
    inp["b1"] = jnp.zeros((H // 2,), jnp.float32)
    inp["W2"] = jax.random.normal(ks[15], (H // 2, 1), jnp.float32) * sc
    inp["b2"] = jnp.zeros((1,), jnp.float32)
    return inp


def reference(location_x, event_x, actor_x, actor_edge_index, event_edge_index, W_loc, b_loc, W_evt, b_evt, W_act, b_act, Wl_ae, bl_ae, Wr_ae, Wl_el, bl_el, Wr_el, W1, b1, W2, b2):
    loc_h = jax.nn.relu(location_x @ W_loc + b_loc)
    evt_h = jax.nn.relu(event_x @ W_evt + b_evt)
    act_h = jax.nn.relu(actor_x @ W_act + b_act)
    msg = _sage(act_h, evt_h, actor_edge_index[0], actor_edge_index[1], Wl_ae, bl_ae, Wr_ae, NUM_EVT)
    evt_h = jax.nn.relu(evt_h + msg)
    loc_h = jax.nn.relu(_sage(evt_h, loc_h, event_edge_index[0], event_edge_index[1], Wl_el, bl_el, Wr_el, NUM_LOC))
    hidden = jax.nn.relu(loc_h @ W1 + b1)
    logits = (hidden @ W2 + b2).squeeze(-1)
    return logits

if __name__ == "__main__":
    import jax
    _d = setup_inputs()
    print(jax.jit(kernel)(*tuple(_d.values())))

</pallas_src>

<mosaic_0001>
#map = affine_map<(d0, d1) -> (0, 0)>
module attributes {stable_mosaic.version = 14 : i64} {
  func.func @body(%arg0: i32, %arg1: i32, %arg2: memref<50000x32xf32, #tpu.memory_space<hbm>>, %arg3: memref<50000x32xf32, #tpu.memory_space<hbm>>, %arg4: memref<50000x32xf32, #tpu.memory_space<hbm>>, %arg5: memref<50000x32xf32, #tpu.memory_space<hbm>>, %arg6: memref<4096x128xi32, #tpu.memory_space<hbm>>, %arg7: memref<4096x128xi32, #tpu.memory_space<hbm>>, %arg8: memref<32x32xf32, #tpu.memory_space<hbm>>, %arg9: memref<128x32xf32, #tpu.memory_space<hbm>>, %arg10: memref<10048x32xf32, #tpu.memory_space<hbm>>, %arg11: memref<10048x32xf32, #tpu.memory_space<hbm>>, %arg12: memref<10048x32xf32, #tpu.memory_space<hbm>>, %arg13: memref<10048x32xf32, #tpu.memory_space<hbm>>, %arg14: memref<10048x32xf32, #tpu.memory_space<hbm>>, %arg15: memref<10048x32xf32, #tpu.memory_space<hbm>>, %arg16: memref<32x128xi32, #tpu.memory_space<vmem>>, %arg17: memref<32x128xi32, #tpu.memory_space<vmem>>, %arg18: memref<4x128x32xf32, #tpu.memory_space<vmem>>, %arg19: memref<128x32xf32, #tpu.memory_space<vmem>>, %arg20: memref<32x32xf32, #tpu.memory_space<vmem>>, %arg21: memref<10048x32xf32, #tpu.memory_space<vmem_shared>>, %arg22: memref<!tpu.dma_semaphore, #tpu.memory_space<semaphore_mem>>, %arg23: memref<!tpu.dma_semaphore, #tpu.memory_space<semaphore_mem>>) attributes {dimension_semantics = [#tpu.dimension_semantics<core_parallel>, #tpu.dimension_semantics<subcore_parallel>], iteration_bounds = array<i64: 2, 16>, scalar_prefetch = 0 : i64, scratch_operands = 8 : i64, tpu.core_type = #tpu.core_type<sc_vector_subcore>, window_params = [{transform_indices = #map}, {transform_indices = #map}, {transform_indices = #map}, {transform_indices = #map}, {transform_indices = #map}, {transform_indices = #map}, {transform_indices = #map}, {transform_indices = #map}, {transform_indices = #map}, {transform_indices = #map}, {transform_indices = #map}, {transform_indices = #map}, {transform_indices = #map}, {transform_indices = #map}]} {
    "tpu.region"() ({
      %run_scoped3A = tpu.sem_alloc : memref<!tpu.dma_semaphore, #tpu.memory_space<semaphore_mem>>
      tpu.enqueue_dma source(%arg8 : memref<32x32xf32, #tpu.memory_space<hbm>>) target(%arg20 : memref<32x32xf32, #tpu.memory_space<vmem>>) target_semaphore(%run_scoped3A : memref<!tpu.dma_semaphore, #tpu.memory_space<semaphore_mem>>)
      tpu.wait_dma2 semaphore(%run_scoped3A : memref<!tpu.dma_semaphore, #tpu.memory_space<semaphore_mem>>) src(%arg8 : memref<32x32xf32, #tpu.memory_space<hbm>>) dst(%arg20 : memref<32x32xf32, #tpu.memory_space<vmem>>)
      tpu.yield
    }) : () -> ()
    "tpu.region"() ({
      %run_scoped3A = tpu.sem_alloc : memref<!tpu.dma_semaphore, #tpu.memory_space<semaphore_mem>>
      tpu.enqueue_dma source(%arg9 : memref<128x32xf32, #tpu.memory_space<hbm>>) target(%arg19 : memref<128x32xf32, #tpu.memory_space<vmem>>) target_semaphore(%run_scoped3A : memref<!tpu.dma_semaphore, #tpu.memory_space<semaphore_mem>>)
      tpu.wait_dma2 semaphore(%run_scoped3A : memref<!tpu.dma_semaphore, #tpu.memory_space<semaphore_mem>>) src(%arg9 : memref<128x32xf32, #tpu.memory_space<hbm>>) dst(%arg19 : memref<128x32xf32, #tpu.memory_space<vmem>>)
      tpu.yield
    }) : () -> ()
    %eq3A = arith.constant 0 : i32
    %eq3A_0 = arith.cmpi eq, %arg0, %eq3A : i32
    %convert_element_type3A = arith.extui %eq3A_0 : i1 to i32
    %cond3A = arith.constant 0 : i32
    %cond3A_1 = arith.cmpi ne, %convert_element_type3A, %cond3A : i32
    scf.if %cond3A_1 {
      %scan3A_78 = arith.constant 0 : i32
      %scan3A_79 = arith.constant 0 : i32
      %scan3A_80 = arith.constant 20 : i32
      %scan3A_81 = arith.addi %scan3A_79, %scan3A_80 : i32
      %scan3A_82 = arith.constant 1 : i32
      scf.for %scan3A_84 = %scan3A_79 to %scan3A_81 step %scan3A_82  : i32 {
        %mul3A_85 = arith.constant 16 : i32
        %mul3A_86 = arith.muli %scan3A_84, %mul3A_85 : i32
        %add3A_87 = arith.addi %mul3A_86, %arg1 : i32
        %lt3A = arith.constant 314 : i32
        %lt3A_88 = arith.cmpi slt, %add3A_87, %lt3A : i32
        %convert_element_type3A_89 = arith.extui %lt3A_88 : i1 to i32
        %cond3A_90 = arith.constant 0 : i32
        %cond3A_91 = arith.cmpi ne, %convert_element_type3A_89, %cond3A_90 : i32
        scf.if %cond3A_91 {
          %mul3A_92 = arith.constant 32 : i32
          %mul3A_93 = arith.muli %add3A_87, %mul3A_92 : i32
          "tpu.region"() ({
            %run_scoped3A = tpu.sem_alloc : memref<!tpu.dma_semaphore, #tpu.memory_space<semaphore_mem>>
            %dma_start3A = arith.constant 0 : i32
            %dma_start3A_94 = tpu.memref_slice %arg21[%mul3A_93, %dma_start3A] : memref<10048x32xf32, #tpu.memory_space<vmem_shared>> -> memref<32x32xf32, #tpu.memory_space<vmem_shared>>
            %dma_start3A_95 = arith.constant 0 : i32
            %dma_start3A_96 = tpu.memref_slice %arg21[%mul3A_93, %dma_start3A_95] : memref<10048x32xf32, #tpu.memory_space<vmem_shared>> -> memref<32x32xf32, #tpu.memory_space<vmem_shared>>
            tpu.enqueue_dma source(%arg20 : memref<32x32xf32, #tpu.memory_space<vmem>>) target(%dma_start3A_96 : memref<32x32xf32, #tpu.memory_space<vmem_shared>>) target_semaphore(%run_scoped3A : memref<!tpu.dma_semaphore, #tpu.memory_space<semaphore_mem>>)
            %dma_wait3A = arith.constant 0 : i32
            %dma_wait3A_97 = tpu.memref_slice %arg21[%mul3A_93, %dma_wait3A] : memref<10048x32xf32, #tpu.memory_space<vmem_shared>> -> memref<32x32xf32, #tpu.memory_space<vmem_shared>>
            %dma_wait3A_98 = arith.constant 0 : i32
            %dma_wait3A_99 = tpu.memref_slice %arg21[%mul3A_93, %dma_wait3A_98] : memref<10048x32xf32, #tpu.memory_space<vmem_shared>> -> memref<32x32xf32, #tpu.memory_space<vmem_shared>>
            tpu.wait_dma2 semaphore(%run_scoped3A : memref<!tpu.dma_semaphore, #tpu.memory_space<semaphore_mem>>) src(%arg20 : memref<32x32xf32, #tpu.memory_space<vmem>>) dst(%dma_wait3A_99 : memref<32x32xf32, #tpu.memory_space<vmem_shared>>)
            tpu.yield
          }) : () -> ()
        } else {
        }
      }
      %scan3A_83 = arith.constant 20 : i32
    } else {
    }
    %barrier3A = arith.constant 0 : index
    tpu.barrier barrier_id(%barrier3A)
    %convert_element_type3A_2 = arith.extui %eq3A_0 : i1 to i32
    %cond3A_3 = arith.constant 0 : i32
    %cond3A_4 = arith.cmpi ne, %convert_element_type3A_2, %cond3A_3 : i32
    scf.if %cond3A_4 {
      %mul3A_78 = arith.constant 256 : i32
      %mul3A_79 = arith.muli %arg1, %mul3A_78 : i32
      %scan3A_80 = arith.constant 0 : i32
      %scan3A_81 = arith.constant 0 : i32
      %scan3A_82 = arith.constant 8 : i32
      %scan3A_83 = arith.addi %scan3A_81, %scan3A_82 : i32
      %scan3A_84 = arith.constant 1 : i32
      scf.for %scan3A_86 = %scan3A_81 to %scan3A_83 step %scan3A_84  : i32 {
        %mul3A_87 = arith.constant 32 : i32
        %mul3A_88 = arith.muli %scan3A_86, %mul3A_87 : i32
        %add3A_89 = arith.addi %mul3A_79, %mul3A_88 : i32
        "tpu.region"() ({
          %run_scoped3A = tpu.sem_alloc : memref<!tpu.dma_semaphore, #tpu.memory_space<semaphore_mem>>
          %dma_start3A_142 = arith.constant 0 : i32
          %dma_start3A_143 = tpu.memref_slice %arg6[%add3A_89, %dma_start3A_142] : memref<4096x128xi32, #tpu.memory_space<hbm>> -> memref<32x128xi32, #tpu.memory_space<hbm>>
          %dma_start3A_144 = arith.constant 0 : i32
          %dma_start3A_145 = tpu.memref_slice %arg6[%add3A_89, %dma_start3A_144] : memref<4096x128xi32, #tpu.memory_space<hbm>> -> memref<32x128xi32, #tpu.memory_space<hbm>>
          tpu.enqueue_dma source(%dma_start3A_145 : memref<32x128xi32, #tpu.memory_space<hbm>>) target(%arg16 : memref<32x128xi32, #tpu.memory_space<vmem>>) target_semaphore(%run_scoped3A : memref<!tpu.dma_semaphore, #tpu.memory_space<semaphore_mem>>)
          %dma_wait3A_146 = arith.constant 0 : i32
          %dma_wait3A_147 = tpu.memref_slice %arg6[%add3A_89, %dma_wait3A_146] : memref<4096x128xi32, #tpu.memory_space<hbm>> -> memref<32x128xi32, #tpu.memory_space<hbm>>
          %dma_wait3A_148 = arith.constant 0 : i32
          %dma_wait3A_149 = tpu.memref_slice %arg6[%add3A_89, %dma_wait3A_148] : memref<4096x128xi32, #tpu.memory_space<hbm>> -> memref<32x128xi32, #tpu.memory_space<hbm>>
          tpu.wait_dma2 semaphore(%run_scoped3A : memref<!tpu.dma_semaphore, #tpu.memory_space<semaphore_mem>>) src(%dma_wait3A_149 : memref<32x128xi32, #tpu.memory_space<hbm>>) dst(%arg16 : memref<32x128xi32, #tpu.memory_space<vmem>>)
          tpu.yield
        }) : () -> ()
        "tpu.region"() ({
          %run_scoped3A = tpu.sem_alloc : memref<!tpu.dma_semaphore, #tpu.memory_space<semaphore_mem>>
          %dma_start3A_142 = arith.constant 0 : i32
          %dma_start3A_143 = tpu.memref_slice %arg7[%add3A_89, %dma_start3A_142] : memref<4096x128xi32, #tpu.memory_space<hbm>> -> memref<32x128xi32, #tpu.memory_space<hbm>>
          %dma_start3A_144 = arith.constant 0 : i32
          %dma_start3A_145 = tpu.memref_slice %arg7[%add3A_89, %dma_start3A_144] : memref<4096x128xi32, #tpu.memory_space<hbm>> -> memref<32x128xi32, #tpu.memory_space<hbm>>
          tpu.enqueue_dma source(%dma_start3A_145 : memref<32x128xi32, #tpu.memory_space<hbm>>) target(%arg17 : memref<32x128xi32, #tpu.memory_space<vmem>>) target_semaphore(%run_scoped3A : memref<!tpu.dma_semaphore, #tpu.memory_space<semaphore_mem>>)
          %dma_wait3A_146 = arith.constant 0 : i32
          %dma_wait3A_147 = tpu.memref_slice %arg7[%add3A_89, %dma_wait3A_146] : memref<4096x128xi32, #tpu.memory_space<hbm>> -> memref<32x128xi32, #tpu.memory_space<hbm>>
          %dma_wait3A_148 = arith.constant 0 : i32
          %dma_wait3A_149 = tpu.memref_slice %arg7[%add3A_89, %dma_wait3A_148] : memref<4096x128xi32, #tpu.memory_space<hbm>> -> memref<32x128xi32, #tpu.memory_space<hbm>>
          tpu.wait_dma2 semaphore(%run_scoped3A : memref<!tpu.dma_semaphore, #tpu.memory_space<semaphore_mem>>) src(%dma_wait3A_149 : memref<32x128xi32, #tpu.memory_space<hbm>>) dst(%arg17 : memref<32x128xi32, #tpu.memory_space<vmem>>)
          tpu.yield
        }) : () -> ()
        %dma_start3A = arith.constant 0 : i32
        %dma_start3A_90 = arith.constant 0 : i32
        %dma_start3A_91 = arith.constant 0 : i32
        %dma_start3A_92 = arith.constant 0 : i32
        %dma_start3A_93 = tpu.memref_slice %arg18[%dma_start3A_90, %dma_start3A_91, %dma_start3A_92] : memref<4x128x32xf32, #tpu.memory_space<vmem>> -> memref<1x128x32xf32, #tpu.memory_space<vmem>>
        %dma_start3A_94 = tpu.memref_squeeze %dma_start3A_93 : memref<1x128x32xf32, #tpu.memory_space<vmem>> -> memref<128x32xf32, #tpu.memory_space<vmem>>
        %dma_start3A_95 = arith.constant 0 : i32
        %dma_start3A_96 = tpu.memref_slice %arg16[%dma_start3A, %dma_start3A_95] : memref<32x128xi32, #tpu.memory_space<vmem>> -> memref<1x128xi32, #tpu.memory_space<vmem>>
        %dma_start3A_97 = tpu.memref_squeeze %dma_start3A_96 : memref<1x128xi32, #tpu.memory_space<vmem>> -> memref<128xi32, #tpu.memory_space<vmem>>
        %dma_start3A_98 = arith.constant 0 : i32
        %dma_start3A_99 = arith.constant 0 : i32
        %dma_start3A_100 = tpu.memref_slice %arg2[%dma_start3A_98, %dma_start3A_99] : memref<50000x32xf32, #tpu.memory_space<hbm>> -> memref<50000x32xf32, #tpu.memory_space<hbm>>
        tpu.enqueue_indirect_dma source(%dma_start3A_100 : memref<50000x32xf32, #tpu.memory_space<hbm>>) target(%dma_start3A_94 : memref<128x32xf32, #tpu.memory_space<vmem>>) offsets(%dma_start3A_97 : memref<128xi32, #tpu.memory_space<vmem>>) semaphore(%arg22 : memref<!tpu.dma_semaphore, #tpu.memory_space<semaphore_mem>>)
        %dma_start3A_101 = arith.constant 1 : i32
        %dma_start3A_102 = arith.constant 1 : i32
        %dma_start3A_103 = arith.constant 0 : i32
        %dma_start3A_104 = arith.constant 0 : i32
        %dma_start3A_105 = tpu.memref_slice %arg18[%dma_start3A_102, %dma_start3A_103, %dma_start3A_104] : memref<4x128x32xf32, #tpu.memory_space<vmem>> -> memref<1x128x32xf32, #tpu.memory_space<vmem>>
        %dma_start3A_106 = tpu.memref_squeeze %dma_start3A_105 : memref<1x128x32xf32, #tpu.memory_space<vmem>> -> memref<128x32xf32, #tpu.memory_space<vmem>>
        %dma_start3A_107 = arith.constant 0 : i32
        %dma_start3A_108 = tpu.memref_slice %arg16[%dma_start3A_101, %dma_start3A_107] : memref<32x128xi32, #tpu.memory_space<vmem>> -> memref<1x128xi32, #tpu.memory_space<vmem>>
        %dma_start3A_109 = tpu.memref_squeeze %dma_start3A_108 : memref<1x128xi32, #tpu.memory_space<vmem>> -> memref<128xi32, #tpu.memory_space<vmem>>
        %dma_start3A_110 = arith.constant 0 : i32
        %dma_start3A_111 = arith.constant 0 : i32
        %dma_start3A_112 = tpu.memref_slice %arg2[%dma_start3A_110, %dma_start3A_111] : memref<50000x32xf32, #tpu.memory_space<hbm>> -> memref<50000x32xf32, #tpu.memory_space<hbm>>
        tpu.enqueue_indirect_dma source(%dma_start3A_112 : memref<50000x32xf32, #tpu.memory_space<hbm>>) target(%dma_start3A_106 : memref<128x32xf32, #tpu.memory_space<vmem>>) offsets(%dma_start3A_109 : memref<128xi32, #tpu.memory_space<vmem>>) semaphore(%arg22 : memref<!tpu.dma_semaphore, #tpu.memory_space<semaphore_mem>>)
        %dma_start3A_113 = arith.constant 2 : i32
        %dma_start3A_114 = arith.constant 2 : i32
        %dma_start3A_115 = arith.constant 0 : i32
        %dma_start3A_116 = arith.constant 0 : i32
        %dma_start3A_117 = tpu.memref_slice %arg18[%dma_start3A_114, %dma_start3A_115, %dma_start3A_116] : memref<4x128x32xf32, #tpu.memory_space<vmem>> -> memref<1x128x32xf32, #tpu.memory_space<vmem>>
        %dma_start3A_118 = tpu.memref_squeeze %dma_start3A_117 : memref<1x128x32xf32, #tpu.memory_space<vmem>> -> memref<128x32xf32, #tpu.memory_space<vmem>>
        %dma_start3A_119 = arith.constant 0 : i32
        %dma_start3A_120 = tpu.memref_slice %arg16[%dma_start3A_113, %dma_start3A_119] : memref<32x128xi32, #tpu.memory_space<vmem>> -> memref<1x128xi32, #tpu.memory_space<vmem>>
        %dma_start3A_121 = tpu.memref_squeeze %dma_start3A_120 : memref<1x128xi32, #tpu.memory_space<vmem>> -> memref<128xi32, #tpu.memory_space<vmem>>
        %dma_start3A_122 = arith.constant 0 : i32
        %dma_start3A_123 = arith.constant 0 : i32
        %dma_start3A_124 = tpu.memref_slice %arg2[%dma_start3A_122, %dma_start3A_123] : memref<50000x32xf32, #tpu.memory_space<hbm>> -> memref<50000x32xf32, #tpu.memory_space<hbm>>
        tpu.enqueue_indirect_dma source(%dma_start3A_124 : memref<50000x32xf32, #tpu.memory_space<hbm>>) target(%dma_start3A_118 : memref<128x32xf32, #tpu.memory_space<vmem>>) offsets(%dma_start3A_121 : memref<128xi32, #tpu.memory_space<vmem>>) semaphore(%arg22 : memref<!tpu.dma_semaphore, #tpu.memory_space<semaphore_mem>>)
        %scan3A_125 = arith.constant 0 : i32
        %scan3A_126 = arith.constant 0 : i32
        %scan3A_127 = arith.constant 32 : i32
        %scan3A_128 = arith.addi %scan3A_126, %scan3A_127 : i32
        %scan3A_129 = arith.constant 1 : i32
        scf.for %scan3A_142 = %scan3A_126 to %scan3A_128 step %scan3A_129  : i32 {
          %and3A = arith.constant 3 : i32
          %and3A_143 = arith.andi %scan3A_142, %and3A : i32
          %gt3A = arith.constant 0 : i32
          %gt3A_144 = arith.cmpi sgt, %scan3A_142, %gt3A : i32
          %convert_element_type3A_145 = arith.extui %gt3A_144 : i1 to i32
          %cond3A_146 = arith.constant 0 : i32
          %cond3A_147 = arith.cmpi ne, %convert_element_type3A_145, %cond3A_146 : i32
          scf.if %cond3A_147 {
            %sub3A_175 = arith.constant 1 : i32
            %sub3A_176 = arith.subi %scan3A_142, %sub3A_175 : i32
            %sub3A_177 = arith.constant 1 : i32
            %sub3A_178 = arith.subi %scan3A_142, %sub3A_177 : i32
            %and3A_179 = arith.constant 3 : i32
            %and3A_180 = arith.andi %sub3A_178, %and3A_179 : i32
            %dma_wait3A_181 = arith.constant 0 : i32
            %dma_wait3A_182 = arith.constant 0 : i32
            %dma_wait3A_183 = tpu.memref_slice %arg18[%and3A_180, %dma_wait3A_181, %dma_wait3A_182] : memref<4x128x32xf32, #tpu.memory_space<vmem>> -> memref<1x128x32xf32, #tpu.memory_space<vmem>>
            %dma_wait3A_184 = tpu.memref_squeeze %dma_wait3A_183 : memref<1x128x32xf32, #tpu.memory_space<vmem>> -> memref<128x32xf32, #tpu.memory_space<vmem>>
            %dma_wait3A_185 = arith.constant 0 : i32
            %dma_wait3A_186 = tpu.memref_slice %arg17[%sub3A_176, %dma_wait3A_185] : memref<32x128xi32, #tpu.memory_space<vmem>> -> memref<1x128xi32, #tpu.memory_space<vmem>>
            %dma_wait3A_187 = tpu.memref_squeeze %dma_wait3A_186 : memref<1x128xi32, #tpu.memory_space<vmem>> -> memref<128xi32, #tpu.memory_space<vmem>>
            %dma_wait3A_188 = arith.constant 0 : i32
            %dma_wait3A_189 = arith.constant 0 : i32
            %dma_wait3A_190 = tpu.memref_slice %arg21[%dma_wait3A_188, %dma_wait3A_189] : memref<10048x32xf32, #tpu.memory_space<vmem_shared>> -> memref<10048x32xf32, #tpu.memory_space<vmem_shared>>
            tpu.wait_indirect_dma semaphore(%arg23 : memref<!tpu.dma_semaphore, #tpu.memory_space<semaphore_mem>>) src(%dma_wait3A_184 : memref<128x32xf32, #tpu.memory_space<vmem>>) dst(%dma_wait3A_190 : memref<10048x32xf32, #tpu.memory_space<vmem_shared>>)
          } else {
          }
          %add3A_148 = arith.constant 4 : i32
          %add3A_149 = arith.addi %scan3A_142, %add3A_148 : i32
          %sub3A = arith.constant 1 : i32
          %sub3A_150 = arith.subi %add3A_149, %sub3A : i32
          %lt3A = arith.constant 32 : i32
          %lt3A_151 = arith.cmpi slt, %sub3A_150, %lt3A : i32
          %convert_element_type3A_152 = arith.extui %lt3A_151 : i1 to i32
          %cond3A_153 = arith.constant 0 : i32
          %cond3A_154 = arith.cmpi ne, %convert_element_type3A_152, %cond3A_153 : i32
          scf.if %cond3A_154 {
            %add3A_175 = arith.constant 4 : i32
            %add3A_176 = arith.addi %scan3A_142, %add3A_175 : i32
            %sub3A_177 = arith.constant 1 : i32
            %sub3A_178 = arith.subi %add3A_176, %sub3A_177 : i32
            %add3A_179 = arith.constant 4 : i32
            %add3A_180 = arith.addi %scan3A_142, %add3A_179 : i32
            %sub3A_181 = arith.constant 1 : i32
            %sub3A_182 = arith.subi %add3A_180, %sub3A_181 : i32
            %and3A_183 = arith.constant 3 : i32
            %and3A_184 = arith.andi %sub3A_182, %and3A_183 : i32
            %dma_start3A_185 = arith.constant 0 : i32
            %dma_start3A_186 = arith.constant 0 : i32
            %dma_start3A_187 = tpu.memref_slice %arg18[%and3A_184, %dma_start3A_185, %dma_start3A_186] : memref<4x128x32xf32, #tpu.memory_space<vmem>> -> memref<1x128x32xf32, #tpu.memory_space<vmem>>
            %dma_start3A_188 = tpu.memref_squeeze %dma_start3A_187 : memref<1x128x32xf32, #tpu.memory_space<vmem>> -> memref<128x32xf32, #tpu.memory_space<vmem>>
            %dma_start3A_189 = arith.constant 0 : i32
            %dma_start3A_190 = tpu.memref_slice %arg16[%sub3A_178, %dma_start3A_189] : memref<32x128xi32, #tpu.memory_space<vmem>> -> memref<1x128xi32, #tpu.memory_space<vmem>>
            %dma_start3A_191 = tpu.memref_squeeze %dma_start3A_190 : memref<1x128xi32, #tpu.memory_space<vmem>> -> memref<128xi32, #tpu.memory_space<vmem>>
            %dma_start3A_192 = arith.constant 0 : i32
            %dma_start3A_193 = arith.constant 0 : i32
            %dma_start3A_194 = tpu.memref_slice %arg2[%dma_start3A_192, %dma_start3A_193] : memref<50000x32xf32, #tpu.memory_space<hbm>> -> memref<50000x32xf32, #tpu.memory_space<hbm>>
            tpu.enqueue_indirect_dma source(%dma_start3A_194 : memref<50000x32xf32, #tpu.memory_space<hbm>>) target(%dma_start3A_188 : memref<128x32xf32, #tpu.memory_space<vmem>>) offsets(%dma_start3A_191 : memref<128xi32, #tpu.memory_space<vmem>>) semaphore(%arg22 : memref<!tpu.dma_semaphore, #tpu.memory_space<semaphore_mem>>)
          } else {
          }
          %dma_wait3A_155 = arith.constant 0 : i32
          %dma_wait3A_156 = arith.constant 0 : i32
          %dma_wait3A_157 = tpu.memref_slice %arg18[%and3A_143, %dma_wait3A_155, %dma_wait3A_156] : memref<4x128x32xf32, #tpu.memory_space<vmem>> -> memref<1x128x32xf32, #tpu.memory_space<vmem>>
          %dma_wait3A_158 = tpu.memref_squeeze %dma_wait3A_157 : memref<1x128x32xf32, #tpu.memory_space<vmem>> -> memref<128x32xf32, #tpu.memory_space<vmem>>
          %dma_wait3A_159 = arith.constant 0 : i32
          %dma_wait3A_160 = tpu.memref_slice %arg16[%scan3A_142, %dma_wait3A_159] : memref<32x128xi32, #tpu.memory_space<vmem>> -> memref<1x128xi32, #tpu.memory_space<vmem>>
          %dma_wait3A_161 = tpu.memref_squeeze %dma_wait3A_160 : memref<1x128xi32, #tpu.memory_space<vmem>> -> memref<128xi32, #tpu.memory_space<vmem>>
          %dma_wait3A_162 = arith.constant 0 : i32
          %dma_wait3A_163 = arith.constant 0 : i32
          %dma_wait3A_164 = tpu.memref_slice %arg2[%dma_wait3A_162, %dma_wait3A_163] : memref<50000x32xf32, #tpu.memory_space<hbm>> -> memref<50000x32xf32, #tpu.memory_space<hbm>>
          tpu.wait_indirect_dma semaphore(%arg22 : memref<!tpu.dma_semaphore, #tpu.memory_space<semaphore_mem>>) src(%dma_wait3A_164 : memref<50000x32xf32, #tpu.memory_space<hbm>>) dst(%dma_wait3A_158 : memref<128x32xf32, #tpu.memory_space<vmem>>)
          %dma_start3A_165 = arith.constant 0 : i32
          %dma_start3A_166 = arith.constant 0 : i32
          %dma_start3A_167 = tpu.memref_slice %arg18[%and3A_143, %dma_start3A_165, %dma_start3A_166] : memref<4x128x32xf32, #tpu.memory_space<vmem>> -> memref<1x128x32xf32, #tpu.memory_space<vmem>>
          %dma_start3A_168 = tpu.memref_squeeze %dma_start3A_167 : memref<1x128x32xf32, #tpu.memory_space<vmem>> -> memref<128x32xf32, #tpu.memory_space<vmem>>
          %dma_start3A_169 = arith.constant 0 : i32
          %dma_start3A_170 = tpu.memref_slice %arg17[%scan3A_142, %dma_start3A_169] : memref<32x128xi32, #tpu.memory_space<vmem>> -> memref<1x128xi32, #tpu.memory_space<vmem>>
          %dma_start3A_171 = tpu.memref_squeeze %dma_start3A_170 : memref<1x128xi32, #tpu.memory_space<vmem>> -> memref<128xi32, #tpu.memory_space<vmem>>
          %dma_start3A_172 = arith.constant 0 : i32
          %dma_start3A_173 = arith.constant 0 : i32
          %dma_start3A_174 = tpu.memref_slice %arg21[%dma_start3A_172, %dma_start3A_173] : memref<10048x32xf32, #tpu.memory_space<vmem_shared>> -> memref<10048x32xf32, #tpu.memory_space<vmem_shared>>
          tpu.enqueue_indirect_dma source(%dma_start3A_168 : memref<128x32xf32, #tpu.memory_space<vmem>>) target(%dma_start3A_174 : memref<10048x32xf32, #tpu.memory_space<vmem_shared>>) offsets(%dma_start3A_171 : memref<128xi32, #tpu.memory_space<vmem>>) semaphore(%arg23 : memref<!tpu.dma_semaphore, #tpu.memory_space<semaphore_mem>>) {add = true}
        }
        %scan3A_130 = arith.constant 32 : i32
        %dma_wait3A = arith.constant 3 : i32
        %dma_wait3A_131 = arith.constant 31 : i32
        %dma_wait3A_132 = arith.constant 0 : i32
        %dma_wait3A_133 = arith.constant 0 : i32
        %dma_wait3A_134 = tpu.memref_slice %arg18[%dma_wait3A, %dma_wait3A_132, %dma_wait3A_133] : memref<4x128x32xf32, #tpu.memory_space<vmem>> -> memref<1x128x32xf32, #tpu.memory_space<vmem>>
        %dma_wait3A_135 = tpu.memref_squeeze %dma_wait3A_134 : memref<1x128x32xf32, #tpu.memory_space<vmem>> -> memref<128x32xf32, #tpu.memory_space<vmem>>
        %dma_wait3A_136 = arith.constant 0 : i32
        %dma_wait3A_137 = tpu.memref_slice %arg17[%dma_wait3A_131, %dma_wait3A_136] : memref<32x128xi32, #tpu.memory_space<vmem>> -> memref<1x128xi32, #tpu.memory_space<vmem>>
        %dma_wait3A_138 = tpu.memref_squeeze %dma_wait3A_137 : memref<1x128xi32, #tpu.memory_space<vmem>> -> memref<128xi32, #tpu.memory_space<vmem>>
        %dma_wait3A_139 = arith.constant 0 : i32
        %dma_wait3A_140 = arith.constant 0 : i32
        %dma_wait3A_141 = tpu.memref_slice %arg21[%dma_wait3A_139, %dma_wait3A_140] : memref<10048x32xf32, #tpu.memory_space<vmem_shared>> -> memref<10048x32xf32, #tpu.memory_space<vmem_shared>>
        tpu.wait_indirect_dma semaphore(%arg23 : memref<!tpu.dma_semaphore, #tpu.memory_space<semaphore_mem>>) src(%dma_wait3A_135 : memref<128x32xf32, #tpu.memory_space<vmem>>) dst(%dma_wait3A_141 : memref<10048x32xf32, #tpu.memory_space<vmem_shared>>)
      }
      %scan3A_85 = arith.constant 8 : i32
    } else {
    }
    %barrier3A_5 = arith.constant 0 : index
    tpu.barrier barrier_id(%barrier3A_5)
    %convert_element_type3A_6 = arith.extui %eq3A_0 : i1 to i32
    %cond3A_7 = arith.constant 0 : i32
    %cond3A_8 = arith.cmpi ne, %convert_element_type3A_6, %cond3A_7 : i32
    scf.if %cond3A_8 {
      %scan3A_78 = arith.constant 0 : i32
      %scan3A_79 = arith.constant 0 : i32
      %scan3A_80 = arith.constant 20 : i32
      %scan3A_81 = arith.addi %scan3A_79, %scan3A_80 : i32
      %scan3A_82 = arith.constant 1 : i32
      scf.for %scan3A_84 = %scan3A_79 to %scan3A_81 step %scan3A_82  : i32 {
        %mul3A_85 = arith.constant 16 : i32
        %mul3A_86 = arith.muli %scan3A_84, %mul3A_85 : i32
        %add3A_87 = arith.addi %mul3A_86, %arg1 : i32
        %lt3A = arith.constant 314 : i32
        %lt3A_88 = arith.cmpi slt, %add3A_87, %lt3A : i32
        %convert_element_type3A_89 = arith.extui %lt3A_88 : i1 to i32
        %cond3A_90 = arith.constant 0 : i32
        %cond3A_91 = arith.cmpi ne, %convert_element_type3A_89, %cond3A_90 : i32
        scf.if %cond3A_91 {
          %mul3A_92 = arith.constant 32 : i32
          %mul3A_93 = arith.muli %add3A_87, %mul3A_92 : i32
          %mul3A_94 = arith.constant 32 : i32
          %mul3A_95 = arith.muli %add3A_87, %mul3A_94 : i32
          "tpu.region"() ({
            %run_scoped3A = tpu.sem_alloc : memref<!tpu.dma_semaphore, #tpu.memory_space<semaphore_mem>>
            %dma_start3A = arith.constant 0 : i32
            %dma_start3A_96 = tpu.memref_slice %arg10[%mul3A_95, %dma_start3A] : memref<10048x32xf32, #tpu.memory_space<hbm>> -> memref<32x32xf32, #tpu.memory_space<hbm>>
            %dma_start3A_97 = arith.constant 0 : i32
            %dma_start3A_98 = tpu.memref_slice %arg21[%mul3A_93, %dma_start3A_97] : memref<10048x32xf32, #tpu.memory_space<vmem_shared>> -> memref<32x32xf32, #tpu.memory_space<vmem_shared>>
            tpu.enqueue_dma source(%dma_start3A_98 : memref<32x32xf32, #tpu.memory_space<vmem_shared>>) target(%dma_start3A_96 : memref<32x32xf32, #tpu.memory_space<hbm>>) target_semaphore(%run_scoped3A : memref<!tpu.dma_semaphore, #tpu.memory_space<semaphore_mem>>)
            %dma_wait3A = arith.constant 0 : i32
            %dma_wait3A_99 = tpu.memref_slice %arg10[%mul3A_95, %dma_wait3A] : memref<10048x32xf32, #tpu.memory_space<hbm>> -> memref<32x32xf32, #tpu.memory_space<hbm>>
            %dma_wait3A_100 = arith.constant 0 : i32
            %dma_wait3A_101 = tpu.memref_slice %arg21[%mul3A_93, %dma_wait3A_100] : memref<10048x32xf32, #tpu.memory_space<vmem_shared>> -> memref<32x32xf32, #tpu.memory_space<vmem_shared>>
            tpu.wait_dma2 semaphore(%run_scoped3A : memref<!tpu.dma_semaphore, #tpu.memory_space<semaphore_mem>>) src(%dma_wait3A_101 : memref<32x32xf32, #tpu.memory_space<vmem_shared>>) dst(%dma_wait3A_99 : memref<32x32xf32, #tpu.memory_space<hbm>>)
            tpu.yield
          }) : () -> ()
        } else {
        }
      }
      %scan3A_83 = arith.constant 20 : i32
    } else {
    }
    %barrier3A_9 = arith.constant 0 : index
    tpu.barrier barrier_id(%barrier3A_9)
    %eq3A_10 = arith.constant 0 : i32
    %eq3A_11 = arith.cmpi eq, %arg0, %eq3A_10 : i32
    %convert_element_type3A_12 = arith.extui %eq3A_11 : i1 to i32
    %cond3A_13 = arith.constant 0 : i32
    %cond3A_14 = arith.cmpi ne, %convert_element_type3A_12, %cond3A_13 : i32
    scf.if %cond3A_14 {
      %scan3A_78 = arith.constant 0 : i32
      %scan3A_79 = arith.constant 0 : i32
      %scan3A_80 = arith.constant 20 : i32
      %scan3A_81 = arith.addi %scan3A_79, %scan3A_80 : i32
      %scan3A_82 = arith.constant 1 : i32
      scf.for %scan3A_84 = %scan3A_79 to %scan3A_81 step %scan3A_82  : i32 {
        %mul3A_85 = arith.constant 16 : i32
        %mul3A_86 = arith.muli %scan3A_84, %mul3A_85 : i32
        %add3A_87 = arith.addi %mul3A_86, %arg1 : i32
        %lt3A = arith.constant 314 : i32
        %lt3A_88 = arith.cmpi slt, %add3A_87, %lt3A : i32
        %convert_element_type3A_89 = arith.extui %lt3A_88 : i1 to i32
        %cond3A_90 = arith.constant 0 : i32
        %cond3A_91 = arith.cmpi ne, %convert_element_type3A_89, %cond3A_90 : i32
        scf.if %cond3A_91 {
          %mul3A_92 = arith.constant 32 : i32
          %mul3A_93 = arith.muli %add3A_87, %mul3A_92 : i32
          "tpu.region"() ({
            %run_scoped3A = tpu.sem_alloc : memref<!tpu.dma_semaphore, #tpu.memory_space<semaphore_mem>>
            %dma_start3A = arith.constant 0 : i32
            %dma_start3A_94 = tpu.memref_slice %arg21[%mul3A_93, %dma_start3A] : memref<10048x32xf32, #tpu.memory_space<vmem_shared>> -> memref<32x32xf32, #tpu.memory_space<vmem_shared>>
            %dma_start3A_95 = arith.constant 0 : i32
            %dma_start3A_96 = tpu.memref_slice %arg21[%mul3A_93, %dma_start3A_95] : memref<10048x32xf32, #tpu.memory_space<vmem_shared>> -> memref<32x32xf32, #tpu.memory_space<vmem_shared>>
            tpu.enqueue_dma source(%arg20 : memref<32x32xf32, #tpu.memory_space<vmem>>) target(%dma_start3A_96 : memref<32x32xf32, #tpu.memory_space<vmem_shared>>) target_semaphore(%run_scoped3A : memref<!tpu.dma_semaphore, #tpu.memory_space<semaphore_mem>>)
            %dma_wait3A = arith.constant 0 : i32
            %dma_wait3A_97 = tpu.memref_slice %arg21[%mul3A_93, %dma_wait3A] : memref<10048x32xf32, #tpu.memory_space<vmem_shared>> -> memref<32x32xf32, #tpu.memory_space<vmem_shared>>
            %dma_wait3A_98 = arith.constant 0 : i32
            %dma_wait3A_99 = tpu.memref_slice %arg21[%mul3A_93, %dma_wait3A_98] : memref<10048x32xf32, #tpu.memory_space<vmem_shared>> -> memref<32x32xf32, #tpu.memory_space<vmem_shared>>
            tpu.wait_dma2 semaphore(%run_scoped3A : memref<!tpu.dma_semaphore, #tpu.memory_space<semaphore_mem>>) src(%arg20 : memref<32x32xf32, #tpu.memory_space<vmem>>) dst(%dma_wait3A_99 : memref<32x32xf32, #tpu.memory_space<vmem_shared>>)
            tpu.yield
          }) : () -> ()
        } else {
        }
      }
      %scan3A_83 = arith.constant 20 : i32
    } else {
    }
    %barrier3A_15 = arith.constant 0 : index
    tpu.barrier barrier_id(%barrier3A_15)
    %convert_element_type3A_16 = arith.extui %eq3A_11 : i1 to i32
    %cond3A_17 = arith.constant 0 : i32
    %cond3A_18 = arith.cmpi ne, %convert_element_type3A_16, %cond3A_17 : i32
    scf.if %cond3A_18 {
      %mul3A_78 = arith.constant 256 : i32
      %mul3A_79 = arith.muli %arg1, %mul3A_78 : i32
      %scan3A_80 = arith.constant 0 : i32
      %scan3A_81 = arith.constant 0 : i32
      %scan3A_82 = arith.constant 8 : i32
      %scan3A_83 = arith.addi %scan3A_81, %scan3A_82 : i32
      %scan3A_84 = arith.constant 1 : i32
      scf.for %scan3A_86 = %scan3A_81 to %scan3A_83 step %scan3A_84  : i32 {
        %mul3A_87 = arith.constant 32 : i32
        %mul3A_88 = arith.muli %scan3A_86, %mul3A_87 : i32
        %add3A_89 = arith.addi %mul3A_79, %mul3A_88 : i32
        "tpu.region"() ({
          %run_scoped3A = tpu.sem_alloc : memref<!tpu.dma_semaphore, #tpu.memory_space<semaphore_mem>>
          %dma_start3A_142 = arith.constant 0 : i32
          %dma_start3A_143 = tpu.memref_slice %arg6[%add3A_89, %dma_start3A_142] : memref<4096x128xi32, #tpu.memory_space<hbm>> -> memref<32x128xi32, #tpu.memory_space<hbm>>
          %dma_start3A_144 = arith.constant 0 : i32
          %dma_start3A_145 = tpu.memref_slice %arg6[%add3A_89, %dma_start3A_144] : memref<4096x128xi32, #tpu.memory_space<hbm>> -> memref<32x128xi32, #tpu.memory_space<hbm>>
          tpu.enqueue_dma source(%dma_start3A_145 : memref<32x128xi32, #tpu.memory_space<hbm>>) target(%arg16 : memref<32x128xi32, #tpu.memory_space<vmem>>) target_semaphore(%run_scoped3A : memref<!tpu.dma_semaphore, #tpu.memory_space<semaphore_mem>>)
          %dma_wait3A_146 = arith.constant 0 : i32
          %dma_wait3A_147 = tpu.memref_slice %arg6[%add3A_89, %dma_wait3A_146] : memref<4096x128xi32, #tpu.memory_space<hbm>> -> memref<32x128xi32, #tpu.memory_space<hbm>>
          %dma_wait3A_148 = arith.constant 0 : i32
          %dma_wait3A_149 = tpu.memref_slice %arg6[%add3A_89, %dma_wait3A_148] : memref<4096x128xi32, #tpu.memory_space<hbm>> -> memref<32x128xi32, #tpu.memory_space<hbm>>
          tpu.wait_dma2 semaphore(%run_scoped3A : memref<!tpu.dma_semaphore, #tpu.memory_space<semaphore_mem>>) src(%dma_wait3A_149 : memref<32x128xi32, #tpu.memory_space<hbm>>) dst(%arg16 : memref<32x128xi32, #tpu.memory_space<vmem>>)
          tpu.yield
        }) : () -> ()
        "tpu.region"() ({
          %run_scoped3A = tpu.sem_alloc : memref<!tpu.dma_semaphore, #tpu.memory_space<semaphore_mem>>
          %dma_start3A_142 = arith.constant 0 : i32
          %dma_start3A_143 = tpu.memref_slice %arg7[%add3A_89, %dma_start3A_142] : memref<4096x128xi32, #tpu.memory_space<hbm>> -> memref<32x128xi32, #tpu.memory_space<hbm>>
          %dma_start3A_144 = arith.constant 0 : i32
          %dma_start3A_145 = tpu.memref_slice %arg7[%add3A_89, %dma_start3A_144] : memref<4096x128xi32, #tpu.memory_space<hbm>> -> memref<32x128xi32, #tpu.memory_space<hbm>>
          tpu.enqueue_dma source(%dma_start3A_145 : memref<32x128xi32, #tpu.memory_space<hbm>>) target(%arg17 : memref<32x128xi32, #tpu.memory_space<vmem>>) target_semaphore(%run_scoped3A : memref<!tpu.dma_semaphore, #tpu.memory_space<semaphore_mem>>)
          %dma_wait3A_146 = arith.constant 0 : i32
          %dma_wait3A_147 = tpu.memref_slice %arg7[%add3A_89, %dma_wait3A_146] : memref<4096x128xi32, #tpu.memory_space<hbm>> -> memref<32x128xi32, #tpu.memory_space<hbm>>
          %dma_wait3A_148 = arith.constant 0 : i32
          %dma_wait3A_149 = tpu.memref_slice %arg7[%add3A_89, %dma_wait3A_148] : memref<4096x128xi32, #tpu.memory_space<hbm>> -> memref<32x128xi32, #tpu.memory_space<hbm>>
          tpu.wait_dma2 semaphore(%run_scoped3A : memref<!tpu.dma_semaphore, #tpu.memory_space<semaphore_mem>>) src(%dma_wait3A_149 : memref<32x128xi32, #tpu.memory_space<hbm>>) dst(%arg17 : memref<32x128xi32, #tpu.memory_space<vmem>>)
          tpu.yield
        }) : () -> ()
        %dma_start3A = arith.constant 0 : i32
        %dma_start3A_90 = arith.constant 0 : i32
        %dma_start3A_91 = arith.constant 0 : i32
        %dma_start3A_92 = arith.constant 0 : i32
        %dma_start3A_93 = tpu.memref_slice %arg18[%dma_start3A_90, %dma_start3A_91, %dma_start3A_92] : memref<4x128x32xf32, #tpu.memory_space<vmem>> -> memref<1x128x32xf32, #tpu.memory_space<vmem>>
        %dma_start3A_94 = tpu.memref_squeeze %dma_start3A_93 : memref<1x128x32xf32, #tpu.memory_space<vmem>> -> memref<128x32xf32, #tpu.memory_space<vmem>>
        %dma_start3A_95 = arith.constant 0 : i32
        %dma_start3A_96 = tpu.memref_slice %arg16[%dma_start3A, %dma_start3A_95] : memref<32x128xi32, #tpu.memory_space<vmem>> -> memref<1x128xi32, #tpu.memory_space<vmem>>
        %dma_start3A_97 = tpu.memref_squeeze %dma_start3A_96 : memref<1x128xi32, #tpu.memory_space<vmem>> -> memref<128xi32, #tpu.memory_space<vmem>>
        %dma_start3A_98 = arith.constant 0 : i32
        %dma_start3A_99 = arith.constant 0 : i32
        %dma_start3A_100 = tpu.memref_slice %arg3[%dma_start3A_98, %dma_start3A_99] : memref<50000x32xf32, #tpu.memory_space<hbm>> -> memref<50000x32xf32, #tpu.memory_space<hbm>>
        tpu.enqueue_indirect_dma source(%dma_start3A_100 : memref<50000x32xf32, #tpu.memory_space<hbm>>) target(%dma_start3A_94 : memref<128x32xf32, #tpu.memory_space<vmem>>) offsets(%dma_start3A_97 : memref<128xi32, #tpu.memory_space<vmem>>) semaphore(%arg22 : memref<!tpu.dma_semaphore, #tpu.memory_space<semaphore_mem>>)
        %dma_start3A_101 = arith.constant 1 : i32
        %dma_start3A_102 = arith.constant 1 : i32
        %dma_start3A_103 = arith.constant 0 : i32
        %dma_start3A_104 = arith.constant 0 : i32
        %dma_start3A_105 = tpu.memref_slice %arg18[%dma_start3A_102, %dma_start3A_103, %dma_start3A_104] : memref<4x128x32xf32, #tpu.memory_space<vmem>> -> memref<1x128x32xf32, #tpu.memory_space<vmem>>
        %dma_start3A_106 = tpu.memref_squeeze %dma_start3A_105 : memref<1x128x32xf32, #tpu.memory_space<vmem>> -> memref<128x32xf32, #tpu.memory_space<vmem>>
        %dma_start3A_107 = arith.constant 0 : i32
        %dma_start3A_108 = tpu.memref_slice %arg16[%dma_start3A_101, %dma_start3A_107] : memref<32x128xi32, #tpu.memory_space<vmem>> -> memref<1x128xi32, #tpu.memory_space<vmem>>
        %dma_start3A_109 = tpu.memref_squeeze %dma_start3A_108 : memref<1x128xi32, #tpu.memory_space<vmem>> -> memref<128xi32, #tpu.memory_space<vmem>>
        %dma_start3A_110 = arith.constant 0 : i32
        %dma_start3A_111 = arith.constant 0 : i32
        %dma_start3A_112 = tpu.memref_slice %arg3[%dma_start3A_110, %dma_start3A_111] : memref<50000x32xf32, #tpu.memory_space<hbm>> -> memref<50000x32xf32, #tpu.memory_space<hbm>>
        tpu.enqueue_indirect_dma source(%dma_start3A_112 : memref<50000x32xf32, #tpu.memory_space<hbm>>) target(%dma_start3A_106 : memref<128x32xf32, #tpu.memory_space<vmem>>) offsets(%dma_start3A_109 : memref<128xi32, #tpu.memory_space<vmem>>) semaphore(%arg22 : memref<!tpu.dma_semaphore, #tpu.memory_space<semaphore_mem>>)
        %dma_start3A_113 = arith.constant 2 : i32
        %dma_start3A_114 = arith.constant 2 : i32
        %dma_start3A_115 = arith.constant 0 : i32
        %dma_start3A_116 = arith.constant 0 : i32
        %dma_start3A_117 = tpu.memref_slice %arg18[%dma_start3A_114, %dma_start3A_115, %dma_start3A_116] : memref<4x128x32xf32, #tpu.memory_space<vmem>> -> memref<1x128x32xf32, #tpu.memory_space<vmem>>
        %dma_start3A_118 = tpu.memref_squeeze %dma_start3A_117 : memref<1x128x32xf32, #tpu.memory_space<vmem>> -> memref<128x32xf32, #tpu.memory_space<vmem>>
        %dma_start3A_119 = arith.constant 0 : i32
        %dma_start3A_120 = tpu.memref_slice %arg16[%dma_start3A_113, %dma_start3A_119] : memref<32x128xi32, #tpu.memory_space<vmem>> -> memref<1x128xi32, #tpu.memory_space<vmem>>
        %dma_start3A_121 = tpu.memref_squeeze %dma_start3A_120 : memref<1x128xi32, #tpu.memory_space<vmem>> -> memref<128xi32, #tpu.memory_space<vmem>>
        %dma_start3A_122 = arith.constant 0 : i32
        %dma_start3A_123 = arith.constant 0 : i32
        %dma_start3A_124 = tpu.memref_slice %arg3[%dma_start3A_122, %dma_start3A_123] : memref<50000x32xf32, #tpu.memory_space<hbm>> -> memref<50000x32xf32, #tpu.memory_space<hbm>>
        tpu.enqueue_indirect_dma source(%dma_start3A_124 : memref<50000x32xf32, #tpu.memory_space<hbm>>) target(%dma_start3A_118 : memref<128x32xf32, #tpu.memory_space<vmem>>) offsets(%dma_start3A_121 : memref<128xi32, #tpu.memory_space<vmem>>) semaphore(%arg22 : memref<!tpu.dma_semaphore, #tpu.memory_space<semaphore_mem>>)
        %scan3A_125 = arith.constant 0 : i32
        %scan3A_126 = arith.constant 0 : i32
        %scan3A_127 = arith.constant 32 : i32
        %scan3A_128 = arith.addi %scan3A_126, %scan3A_127 : i32
        %scan3A_129 = arith.constant 1 : i32
        scf.for %scan3A_142 = %scan3A_126 to %scan3A_128 step %scan3A_129  : i32 {
          %and3A = arith.constant 3 : i32
          %and3A_143 = arith.andi %scan3A_142, %and3A : i32
          %gt3A = arith.constant 0 : i32
          %gt3A_144 = arith.cmpi sgt, %scan3A_142, %gt3A : i32
          %convert_element_type3A_145 = arith.extui %gt3A_144 : i1 to i32
          %cond3A_146 = arith.constant 0 : i32
          %cond3A_147 = arith.cmpi ne, %convert_element_type3A_145, %cond3A_146 : i32
          scf.if %cond3A_147 {
            %sub3A_175 = arith.constant 1 : i32
            %sub3A_176 = arith.subi %scan3A_142, %sub3A_175 : i32
            %sub3A_177 = arith.constant 1 : i32
            %sub3A_178 = arith.subi %scan3A_142, %sub3A_177 : i32
            %and3A_179 = arith.constant 3 : i32
            %and3A_180 = arith.andi %sub3A_178, %and3A_179 : i32
            %dma_wait3A_181 = arith.constant 0 : i32
            %dma_wait3A_182 = arith.constant 0 : i32
            %dma_wait3A_183 = tpu.memref_slice %arg18[%and3A_180, %dma_wait3A_181, %dma_wait3A_182] : memref<4x128x32xf32, #tpu.memory_space<vmem>> -> memref<1x128x32xf32, #tpu.memory_space<vmem>>
            %dma_wait3A_184 = tpu.memref_squeeze %dma_wait3A_183 : memref<1x128x32xf32, #tpu.memory_space<vmem>> -> memref<128x32xf32, #tpu.memory_space<vmem>>
            %dma_wait3A_185 = arith.constant 0 : i32
            %dma_wait3A_186 = tpu.memref_slice %arg17[%sub3A_176, %dma_wait3A_185] : memref<32x128xi32, #tpu.memory_space<vmem>> -> memref<1x128xi32, #tpu.memory_space<vmem>>
            %dma_wait3A_187 = tpu.memref_squeeze %dma_wait3A_186 : memref<1x128xi32, #tpu.memory_space<vmem>> -> memref<128xi32, #tpu.memory_space<vmem>>
            %dma_wait3A_188 = arith.constant 0 : i32
            %dma_wait3A_189 = arith.constant 0 : i32
            %dma_wait3A_190 = tpu.memref_slice %arg21[%dma_wait3A_188, %dma_wait3A_189] : memref<10048x32xf32, #tpu.memory_space<vmem_shared>> -> memref<10048x32xf32, #tpu.memory_space<vmem_shared>>
            tpu.wait_indirect_dma semaphore(%arg23 : memref<!tpu.dma_semaphore, #tpu.memory_space<semaphore_mem>>) src(%dma_wait3A_184 : memref<128x32xf32, #tpu.memory_space<vmem>>) dst(%dma_wait3A_190 : memref<10048x32xf32, #tpu.memory_space<vmem_shared>>)
          } else {
          }
          %add3A_148 = arith.constant 4 : i32
          %add3A_149 = arith.addi %scan3A_142, %add3A_148 : i32
          %sub3A = arith.constant 1 : i32
          %sub3A_150 = arith.subi %add3A_149, %sub3A : i32
          %lt3A = arith.constant 32 : i32
          %lt3A_151 = arith.cmpi slt, %sub3A_150, %lt3A : i32
          %convert_element_type3A_152 = arith.extui %lt3A_151 : i1 to i32
          %cond3A_153 = arith.constant 0 : i32
          %cond3A_154 = arith.cmpi ne, %convert_element_type3A_152, %cond3A_153 : i32
          scf.if %cond3A_154 {
            %add3A_175 = arith.constant 4 : i32
            %add3A_176 = arith.addi %scan3A_142, %add3A_175 : i32
            %sub3A_177 = arith.constant 1 : i32
            %sub3A_178 = arith.subi %add3A_176, %sub3A_177 : i32
            %add3A_179 = arith.constant 4 : i32
            %add3A_180 = arith.addi %scan3A_142, %add3A_179 : i32
            %sub3A_181 = arith.constant 1 : i32
            %sub3A_182 = arith.subi %add3A_180, %sub3A_181 : i32
            %and3A_183 = arith.constant 3 : i32
            %and3A_184 = arith.andi %sub3A_182, %and3A_183 : i32
            %dma_start3A_185 = arith.constant 0 : i32
            %dma_start3A_186 = arith.constant 0 : i32
            %dma_start3A_187 = tpu.memref_slice %arg18[%and3A_184, %dma_start3A_185, %dma_start3A_186] : memref<4x128x32xf32, #tpu.memory_space<vmem>> -> memref<1x128x32xf32, #tpu.memory_space<vmem>>
            %dma_start3A_188 = tpu.memref_squeeze %dma_start3A_187 : memref<1x128x32xf32, #tpu.memory_space<vmem>> -> memref<128x32xf32, #tpu.memory_space<vmem>>
            %dma_start3A_189 = arith.constant 0 : i32
            %dma_start3A_190 = tpu.memref_slice %arg16[%sub3A_178, %dma_start3A_189] : memref<32x128xi32, #tpu.memory_space<vmem>> -> memref<1x128xi32, #tpu.memory_space<vmem>>
            %dma_start3A_191 = tpu.memref_squeeze %dma_start3A_190 : memref<1x128xi32, #tpu.memory_space<vmem>> -> memref<128xi32, #tpu.memory_space<vmem>>
            %dma_start3A_192 = arith.constant 0 : i32
            %dma_start3A_193 = arith.constant 0 : i32
            %dma_start3A_194 = tpu.memref_slice %arg3[%dma_start3A_192, %dma_start3A_193] : memref<50000x32xf32, #tpu.memory_space<hbm>> -> memref<50000x32xf32, #tpu.memory_space<hbm>>
            tpu.enqueue_indirect_dma source(%dma_start3A_194 : memref<50000x32xf32, #tpu.memory_space<hbm>>) target(%dma_start3A_188 : memref<128x32xf32, #tpu.memory_space<vmem>>) offsets(%dma_start3A_191 : memref<128xi32, #tpu.memory_space<vmem>>) semaphore(%arg22 : memref<!tpu.dma_semaphore, #tpu.memory_space<semaphore_mem>>)
          } else {
          }
          %dma_wait3A_155 = arith.constant 0 : i32
          %dma_wait3A_156 = arith.constant 0 : i32
          %dma_wait3A_157 = tpu.memref_slice %arg18[%and3A_143, %dma_wait3A_155, %dma_wait3A_156] : memref<4x128x32xf32, #tpu.memory_space<vmem>> -> memref<1x128x32xf32, #tpu.memory_space<vmem>>
          %dma_wait3A_158 = tpu.memref_squeeze %dma_wait3A_157 : memref<1x128x32xf32, #tpu.memory_space<vmem>> -> memref<128x32xf32, #tpu.memory_space<vmem>>
          %dma_wait3A_159 = arith.constant 0 : i32
          %dma_wait3A_160 = tpu.memref_slice %arg16[%scan3A_142, %dma_wait3A_159] : memref<32x128xi32, #tpu.memory_space<vmem>> -> memref<1x128xi32, #tpu.memory_space<vmem>>
          %dma_wait3A_161 = tpu.memref_squeeze %dma_wait3A_160 : memref<1x128xi32, #tpu.memory_space<vmem>> -> memref<128xi32, #tpu.memory_space<vmem>>
          %dma_wait3A_162 = arith.constant 0 : i32
          %dma_wait3A_163 = arith.constant 0 : i32
          %dma_wait3A_164 = tpu.memref_slice %arg3[%dma_wait3A_162, %dma_wait3A_163] : memref<50000x32xf32, #tpu.memory_space<hbm>> -> memref<50000x32xf32, #tpu.memory_space<hbm>>
          tpu.wait_indirect_dma semaphore(%arg22 : memref<!tpu.dma_semaphore, #tpu.memory_space<semaphore_mem>>) src(%dma_wait3A_164 : memref<50000x32xf32, #tpu.memory_space<hbm>>) dst(%dma_wait3A_158 : memref<128x32xf32, #tpu.memory_space<vmem>>)
          %dma_start3A_165 = arith.constant 0 : i32
          %dma_start3A_166 = arith.constant 0 : i32
          %dma_start3A_167 = tpu.memref_slice %arg18[%and3A_143, %dma_start3A_165, %dma_start3A_166] : memref<4x128x32xf32, #tpu.memory_space<vmem>> -> memref<1x128x32xf32, #tpu.memory_space<vmem>>
          %dma_start3A_168 = tpu.memref_squeeze %dma_start3A_167 : memref<1x128x32xf32, #tpu.memory_space<vmem>> -> memref<128x32xf32, #tpu.memory_space<vmem>>
          %dma_start3A_169 = arith.constant 0 : i32
          %dma_start3A_170 = tpu.memref_slice %arg17[%scan3A_142, %dma_start3A_169] : memref<32x128xi32, #tpu.memory_space<vmem>> -> memref<1x128xi32, #tpu.memory_space<vmem>>
          %dma_start3A_171 = tpu.memref_squeeze %dma_start3A_170 : memref<1x128xi32, #tpu.memory_space<vmem>> -> memref<128xi32, #tpu.memory_space<vmem>>
          %dma_start3A_172 = arith.constant 0 : i32
          %dma_start3A_173 = arith.constant 0 : i32
          %dma_start3A_174 = tpu.memref_slice %arg21[%dma_start3A_172, %dma_start3A_173] : memref<10048x32xf32, #tpu.memory_space<vmem_shared>> -> memref<10048x32xf32, #tpu.memory_space<vmem_shared>>
          tpu.enqueue_indirect_dma source(%dma_start3A_168 : memref<128x32xf32, #tpu.memory_space<vmem>>) target(%dma_start3A_174 : memref<10048x32xf32, #tpu.memory_space<vmem_shared>>) offsets(%dma_start3A_171 : memref<128xi32, #tpu.memory_space<vmem>>) semaphore(%arg23 : memref<!tpu.dma_semaphore, #tpu.memory_space<semaphore_mem>>) {add = true}
        }
        %scan3A_130 = arith.constant 32 : i32
        %dma_wait3A = arith.constant 3 : i32
        %dma_wait3A_131 = arith.constant 31 : i32
        %dma_wait3A_132 = arith.constant 0 : i32
        %dma_wait3A_133 = arith.constant 0 : i32
        %dma_wait3A_134 = tpu.memref_slice %arg18[%dma_wait3A, %dma_wait3A_132, %dma_wait3A_133] : memref<4x128x32xf32, #tpu.memory_space<vmem>> -> memref<1x128x32xf32, #tpu.memory_space<vmem>>
        %dma_wait3A_135 = tpu.memref_squeeze %dma_wait3A_134 : memref<1x128x32xf32, #tpu.memory_space<vmem>> -> memref<128x32xf32, #tpu.memory_space<vmem>>
        %dma_wait3A_136 = arith.constant 0 : i32
        %dma_wait3A_137 = tpu.memref_slice %arg17[%dma_wait3A_131, %dma_wait3A_136] : memref<32x128xi32, #tpu.memory_space<vmem>> -> memref<1x128xi32, #tpu.memory_space<vmem>>
        %dma_wait3A_138 = tpu.memref_squeeze %dma_wait3A_137 : memref<1x128xi32, #tpu.memory_space<vmem>> -> memref<128xi32, #tpu.memory_space<vmem>>
        %dma_wait3A_139 = arith.constant 0 : i32
        %dma_wait3A_140 = arith.constant 0 : i32
        %dma_wait3A_141 = tpu.memref_slice %arg21[%dma_wait3A_139, %dma_wait3A_140] : memref<10048x32xf32, #tpu.memory_space<vmem_shared>> -> memref<10048x32xf32, #tpu.memory_space<vmem_shared>>
        tpu.wait_indirect_dma semaphore(%arg23 : memref<!tpu.dma_semaphore, #tpu.memory_space<semaphore_mem>>) src(%dma_wait3A_135 : memref<128x32xf32, #tpu.memory_space<vmem>>) dst(%dma_wait3A_141 : memref<10048x32xf32, #tpu.memory_space<vmem_shared>>)
      }
      %scan3A_85 = arith.constant 8 : i32
    } else {
    }
    %barrier3A_19 = arith.constant 0 : index
    tpu.barrier barrier_id(%barrier3A_19)
    %convert_element_type3A_20 = arith.extui %eq3A_11 : i1 to i32
    %cond3A_21 = arith.constant 0 : i32
    %cond3A_22 = arith.cmpi ne, %convert_element_type3A_20, %cond3A_21 : i32
    scf.if %cond3A_22 {
      %scan3A_78 = arith.constant 0 : i32
      %scan3A_79 = arith.constant 0 : i32
      %scan3A_80 = arith.constant 20 : i32
      %scan3A_81 = arith.addi %scan3A_79, %scan3A_80 : i32
      %scan3A_82 = arith.constant 1 : i32
      scf.for %scan3A_84 = %scan3A_79 to %scan3A_81 step %scan3A_82  : i32 {
        %mul3A_85 = arith.constant 16 : i32
        %mul3A_86 = arith.muli %scan3A_84, %mul3A_85 : i32
        %add3A_87 = arith.addi %mul3A_86, %arg1 : i32
        %lt3A = arith.constant 314 : i32
        %lt3A_88 = arith.cmpi slt, %add3A_87, %lt3A : i32
        %convert_element_type3A_89 = arith.extui %lt3A_88 : i1 to i32
        %cond3A_90 = arith.constant 0 : i32
        %cond3A_91 = arith.cmpi ne, %convert_element_type3A_89, %cond3A_90 : i32
        scf.if %cond3A_91 {
          %mul3A_92 = arith.constant 32 : i32
          %mul3A_93 = arith.muli %add3A_87, %mul3A_92 : i32
          %mul3A_94 = arith.constant 32 : i32
          %mul3A_95 = arith.muli %add3A_87, %mul3A_94 : i32
          "tpu.region"() ({
            %run_scoped3A = tpu.sem_alloc : memref<!tpu.dma_semaphore, #tpu.memory_space<semaphore_mem>>
            %dma_start3A = arith.constant 0 : i32
            %dma_start3A_96 = tpu.memref_slice %arg11[%mul3A_95, %dma_start3A] : memref<10048x32xf32, #tpu.memory_space<hbm>> -> memref<32x32xf32, #tpu.memory_space<hbm>>
            %dma_start3A_97 = arith.constant 0 : i32
            %dma_start3A_98 = tpu.memref_slice %arg21[%mul3A_93, %dma_start3A_97] : memref<10048x32xf32, #tpu.memory_space<vmem_shared>> -> memref<32x32xf32, #tpu.memory_space<vmem_shared>>
            tpu.enqueue_dma source(%dma_start3A_98 : memref<32x32xf32, #tpu.memory_space<vmem_shared>>) target(%dma_start3A_96 : memref<32x32xf32, #tpu.memory_space<hbm>>) target_semaphore(%run_scoped3A : memref<!tpu.dma_semaphore, #tpu.memory_space<semaphore_mem>>)
            %dma_wait3A = arith.constant 0 : i32
            %dma_wait3A_99 = tpu.memref_slice %arg11[%mul3A_95, %dma_wait3A] : memref<10048x32xf32, #tpu.memory_space<hbm>> -> memref<32x32xf32, #tpu.memory_space<hbm>>
            %dma_wait3A_100 = arith.constant 0 : i32
            %dma_wait3A_101 = tpu.memref_slice %arg21[%mul3A_93, %dma_wait3A_100] : memref<10048x32xf32, #tpu.memory_space<vmem_shared>> -> memref<32x32xf32, #tpu.memory_space<vmem_shared>>
            tpu.wait_dma2 semaphore(%run_scoped3A : memref<!tpu.dma_semaphore, #tpu.memory_space<semaphore_mem>>) src(%dma_wait3A_101 : memref<32x32xf32, #tpu.memory_space<vmem_shared>>) dst(%dma_wait3A_99 : memref<32x32xf32, #tpu.memory_space<hbm>>)
            tpu.yield
          }) : () -> ()
        } else {
        }
      }
      %scan3A_83 = arith.constant 20 : i32
    } else {
    }
    %barrier3A_23 = arith.constant 0 : index
    tpu.barrier barrier_id(%barrier3A_23)
    %eq3A_24 = arith.constant 1 : i32
    %eq3A_25 = arith.cmpi eq, %arg0, %eq3A_24 : i32
    %convert_element_type3A_26 = arith.extui %eq3A_25 : i1 to i32
    %cond3A_27 = arith.constant 0 : i32
    %cond3A_28 = arith.cmpi ne, %convert_element_type3A_26, %cond3A_27 : i32
    scf.if %cond3A_28 {
      %scan3A_78 = arith.constant 0 : i32
      %scan3A_79 = arith.constant 0 : i32
      %scan3A_80 = arith.constant 20 : i32
      %scan3A_81 = arith.addi %scan3A_79, %scan3A_80 : i32
      %scan3A_82 = arith.constant 1 : i32
      scf.for %scan3A_84 = %scan3A_79 to %scan3A_81 step %scan3A_82  : i32 {
        %mul3A_85 = arith.constant 16 : i32
        %mul3A_86 = arith.muli %scan3A_84, %mul3A_85 : i32
        %add3A_87 = arith.addi %mul3A_86, %arg1 : i32
        %lt3A = arith.constant 314 : i32
        %lt3A_88 = arith.cmpi slt, %add3A_87, %lt3A : i32
        %convert_element_type3A_89 = arith.extui %lt3A_88 : i1 to i32
        %cond3A_90 = arith.constant 0 : i32
        %cond3A_91 = arith.cmpi ne, %convert_element_type3A_89, %cond3A_90 : i32
        scf.if %cond3A_91 {
          %mul3A_92 = arith.constant 32 : i32
          %mul3A_93 = arith.muli %add3A_87, %mul3A_92 : i32
          "tpu.region"() ({
            %run_scoped3A = tpu.sem_alloc : memref<!tpu.dma_semaphore, #tpu.memory_space<semaphore_mem>>
            %dma_start3A = arith.constant 0 : i32
            %dma_start3A_94 = tpu.memref_slice %arg21[%mul3A_93, %dma_start3A] : memref<10048x32xf32, #tpu.memory_space<vmem_shared>> -> memref<32x32xf32, #tpu.memory_space<vmem_shared>>
            %dma_start3A_95 = arith.constant 0 : i32
            %dma_start3A_96 = tpu.memref_slice %arg21[%mul3A_93, %dma_start3A_95] : memref<10048x32xf32, #tpu.memory_space<vmem_shared>> -> memref<32x32xf32, #tpu.memory_space<vmem_shared>>
            tpu.enqueue_dma source(%arg20 : memref<32x32xf32, #tpu.memory_space<vmem>>) target(%dma_start3A_96 : memref<32x32xf32, #tpu.memory_space<vmem_shared>>) target_semaphore(%run_scoped3A : memref<!tpu.dma_semaphore, #tpu.memory_space<semaphore_mem>>)
            %dma_wait3A = arith.constant 0 : i32
            %dma_wait3A_97 = tpu.memref_slice %arg21[%mul3A_93, %dma_wait3A] : memref<10048x32xf32, #tpu.memory_space<vmem_shared>> -> memref<32x32xf32, #tpu.memory_space<vmem_shared>>
            %dma_wait3A_98 = arith.constant 0 : i32
            %dma_wait3A_99 = tpu.memref_slice %arg21[%mul3A_93, %dma_wait3A_98] : memref<10048x32xf32, #tpu.memory_space<vmem_shared>> -> memref<32x32xf32, #tpu.memory_space<vmem_shared>>
            tpu.wait_dma2 semaphore(%run_scoped3A : memref<!tpu.dma_semaphore, #tpu.memory_space<semaphore_mem>>) src(%arg20 : memref<32x32xf32, #tpu.memory_space<vmem>>) dst(%dma_wait3A_99 : memref<32x32xf32, #tpu.memory_space<vmem_shared>>)
            tpu.yield
          }) : () -> ()
        } else {
        }
      }
      %scan3A_83 = arith.constant 20 : i32
    } else {
    }
    %barrier3A_29 = arith.constant 0 : index
    tpu.barrier barrier_id(%barrier3A_29)
    %convert_element_type3A_30 = arith.extui %eq3A_25 : i1 to i32
    %cond3A_31 = arith.constant 0 : i32
    %cond3A_32 = arith.cmpi ne, %convert_element_type3A_30, %cond3A_31 : i32
    scf.if %cond3A_32 {
      %mul3A_78 = arith.constant 256 : i32
      %mul3A_79 = arith.muli %arg1, %mul3A_78 : i32
      %scan3A_80 = arith.constant 0 : i32
      %scan3A_81 = arith.constant 0 : i32
      %scan3A_82 = arith.constant 8 : i32
      %scan3A_83 = arith.addi %scan3A_81, %scan3A_82 : i32
      %scan3A_84 = arith.constant 1 : i32
      scf.for %scan3A_86 = %scan3A_81 to %scan3A_83 step %scan3A_84  : i32 {
        %mul3A_87 = arith.constant 32 : i32
        %mul3A_88 = arith.muli %scan3A_86, %mul3A_87 : i32
        %add3A_89 = arith.addi %mul3A_79, %mul3A_88 : i32
        "tpu.region"() ({
          %run_scoped3A = tpu.sem_alloc : memref<!tpu.dma_semaphore, #tpu.memory_space<semaphore_mem>>
          %dma_start3A_142 = arith.constant 0 : i32
          %dma_start3A_143 = tpu.memref_slice %arg6[%add3A_89, %dma_start3A_142] : memref<4096x128xi32, #tpu.memory_space<hbm>> -> memref<32x128xi32, #tpu.memory_space<hbm>>
          %dma_start3A_144 = arith.constant 0 : i32
          %dma_start3A_145 = tpu.memref_slice %arg6[%add3A_89, %dma_start3A_144] : memref<4096x128xi32, #tpu.memory_space<hbm>> -> memref<32x128xi32, #tpu.memory_space<hbm>>
          tpu.enqueue_dma source(%dma_start3A_145 : memref<32x128xi32, #tpu.memory_space<hbm>>) target(%arg16 : memref<32x128xi32, #tpu.memory_space<vmem>>) target_semaphore(%run_scoped3A : memref<!tpu.dma_semaphore, #tpu.memory_space<semaphore_mem>>)
          %dma_wait3A_146 = arith.constant 0 : i32
          %dma_wait3A_147 = tpu.memref_slice %arg6[%add3A_89, %dma_wait3A_146] : memref<4096x128xi32, #tpu.memory_space<hbm>> -> memref<32x128xi32, #tpu.memory_space<hbm>>
          %dma_wait3A_148 = arith.constant 0 : i32
          %dma_wait3A_149 = tpu.memref_slice %arg6[%add3A_89, %dma_wait3A_148] : memref<4096x128xi32, #tpu.memory_space<hbm>> -> memref<32x128xi32, #tpu.memory_space<hbm>>
          tpu.wait_dma2 semaphore(%run_scoped3A : memref<!tpu.dma_semaphore, #tpu.memory_space<semaphore_mem>>) src(%dma_wait3A_149 : memref<32x128xi32, #tpu.memory_space<hbm>>) dst(%arg16 : memref<32x128xi32, #tpu.memory_space<vmem>>)
          tpu.yield
        }) : () -> ()
        "tpu.region"() ({
          %run_scoped3A = tpu.sem_alloc : memref<!tpu.dma_semaphore, #tpu.memory_space<semaphore_mem>>
          %dma_start3A_142 = arith.constant 0 : i32
          %dma_start3A_143 = tpu.memref_slice %arg7[%add3A_89, %dma_start3A_142] : memref<4096x128xi32, #tpu.memory_space<hbm>> -> memref<32x128xi32, #tpu.memory_space<hbm>>
          %dma_start3A_144 = arith.constant 0 : i32
          %dma_start3A_145 = tpu.memref_slice %arg7[%add3A_89, %dma_start3A_144] : memref<4096x128xi32, #tpu.memory_space<hbm>> -> memref<32x128xi32, #tpu.memory_space<hbm>>
          tpu.enqueue_dma source(%dma_start3A_145 : memref<32x128xi32, #tpu.memory_space<hbm>>) target(%arg17 : memref<32x128xi32, #tpu.memory_space<vmem>>) target_semaphore(%run_scoped3A : memref<!tpu.dma_semaphore, #tpu.memory_space<semaphore_mem>>)
          %dma_wait3A_146 = arith.constant 0 : i32
          %dma_wait3A_147 = tpu.memref_slice %arg7[%add3A_89, %dma_wait3A_146] : memref<4096x128xi32, #tpu.memory_space<hbm>> -> memref<32x128xi32, #tpu.memory_space<hbm>>
          %dma_wait3A_148 = arith.constant 0 : i32
          %dma_wait3A_149 = tpu.memref_slice %arg7[%add3A_89, %dma_wait3A_148] : memref<4096x128xi32, #tpu.memory_space<hbm>> -> memref<32x128xi32, #tpu.memory_space<hbm>>
          tpu.wait_dma2 semaphore(%run_scoped3A : memref<!tpu.dma_semaphore, #tpu.memory_space<semaphore_mem>>) src(%dma_wait3A_149 : memref<32x128xi32, #tpu.memory_space<hbm>>) dst(%arg17 : memref<32x128xi32, #tpu.memory_space<vmem>>)
          tpu.yield
        }) : () -> ()
        %dma_start3A = arith.constant 0 : i32
        %dma_start3A_90 = arith.constant 0 : i32
        %dma_start3A_91 = arith.constant 0 : i32
        %dma_start3A_92 = arith.constant 0 : i32
        %dma_start3A_93 = tpu.memref_slice %arg18[%dma_start3A_90, %dma_start3A_91, %dma_start3A_92] : memref<4x128x32xf32, #tpu.memory_space<vmem>> -> memref<1x128x32xf32, #tpu.memory_space<vmem>>
        %dma_start3A_94 = tpu.memref_squeeze %dma_start3A_93 : memref<1x128x32xf32, #tpu.memory_space<vmem>> -> memref<128x32xf32, #tpu.memory_space<vmem>>
        %dma_start3A_95 = arith.constant 0 : i32
        %dma_start3A_96 = tpu.memref_slice %arg16[%dma_start3A, %dma_start3A_95] : memref<32x128xi32, #tpu.memory_space<vmem>> -> memref<1x128xi32, #tpu.memory_space<vmem>>
        %dma_start3A_97 = tpu.memref_squeeze %dma_start3A_96 : memref<1x128xi32, #tpu.memory_space<vmem>> -> memref<128xi32, #tpu.memory_space<vmem>>
        %dma_start3A_98 = arith.constant 0 : i32
        %dma_start3A_99 = arith.constant 0 : i32
        %dma_start3A_100 = tpu.memref_slice %arg4[%dma_start3A_98, %dma_start3A_99] : memref<50000x32xf32, #tpu.memory_space<hbm>> -> memref<50000x32xf32, #tpu.memory_space<hbm>>
        tpu.enqueue_indirect_dma source(%dma_start3A_100 : memref<50000x32xf32, #tpu.memory_space<hbm>>) target(%dma_start3A_94 : memref<128x32xf32, #tpu.memory_space<vmem>>) offsets(%dma_start3A_97 : memref<128xi32, #tpu.memory_space<vmem>>) semaphore(%arg22 : memref<!tpu.dma_semaphore, #tpu.memory_space<semaphore_mem>>)
        %dma_start3A_101 = arith.constant 1 : i32
        %dma_start3A_102 = arith.constant 1 : i32
        %dma_start3A_103 = arith.constant 0 : i32
        %dma_start3A_104 = arith.constant 0 : i32
        %dma_start3A_105 = tpu.memref_slice %arg18[%dma_start3A_102, %dma_start3A_103, %dma_start3A_104] : memref<4x128x32xf32, #tpu.memory_space<vmem>> -> memref<1x128x32xf32, #tpu.memory_space<vmem>>
        %dma_start3A_106 = tpu.memref_squeeze %dma_start3A_105 : memref<1x128x32xf32, #tpu.memory_space<vmem>> -> memref<128x32xf32, #tpu.memory_space<vmem>>
        %dma_start3A_107 = arith.constant 0 : i32
        %dma_start3A_108 = tpu.memref_slice %arg16[%dma_start3A_101, %dma_start3A_107] : memref<32x128xi32, #tpu.memory_space<vmem>> -> memref<1x128xi32, #tpu.memory_space<vmem>>
        %dma_start3A_109 = tpu.memref_squeeze %dma_start3A_108 : memref<1x128xi32, #tpu.memory_space<vmem>> -> memref<128xi32, #tpu.memory_space<vmem>>
        %dma_start3A_110 = arith.constant 0 : i32
        %dma_start3A_111 = arith.constant 0 : i32
        %dma_start3A_112 = tpu.memref_slice %arg4[%dma_start3A_110, %dma_start3A_111] : memref<50000x32xf32, #tpu.memory_space<hbm>> -> memref<50000x32xf32, #tpu.memory_space<hbm>>
        tpu.enqueue_indirect_dma source(%dma_start3A_112 : memref<50000x32xf32, #tpu.memory_space<hbm>>) target(%dma_start3A_106 : memref<128x32xf32, #tpu.memory_space<vmem>>) offsets(%dma_start3A_109 : memref<128xi32, #tpu.memory_space<vmem>>) semaphore(%arg22 : memref<!tpu.dma_semaphore, #tpu.memory_space<semaphore_mem>>)
        %dma_start3A_113 = arith.constant 2 : i32
        %dma_start3A_114 = arith.constant 2 : i32
        %dma_start3A_115 = arith.constant 0 : i32
        %dma_start3A_116 = arith.constant 0 : i32
        %dma_start3A_117 = tpu.memref_slice %arg18[%dma_start3A_114, %dma_start3A_115, %dma_start3A_116] : memref<4x128x32xf32, #tpu.memory_space<vmem>> -> memref<1x128x32xf32, #tpu.memory_space<vmem>>
        %dma_start3A_118 = tpu.memref_squeeze %dma_start3A_117 : memref<1x128x32xf32, #tpu.memory_space<vmem>> -> memref<128x32xf32, #tpu.memory_space<vmem>>
        %dma_start3A_119 = arith.constant 0 : i32
        %dma_start3A_120 = tpu.memref_slice %arg16[%dma_start3A_113, %dma_start3A_119] : memref<32x128xi32, #tpu.memory_space<vmem>> -> memref<1x128xi32, #tpu.memory_space<vmem>>
        %dma_start3A_121 = tpu.memref_squeeze %dma_start3A_120 : memref<1x128xi32, #tpu.memory_space<vmem>> -> memref<128xi32, #tpu.memory_space<vmem>>
        %dma_start3A_122 = arith.constant 0 : i32
        %dma_start3A_123 = arith.constant 0 : i32
        %dma_start3A_124 = tpu.memref_slice %arg4[%dma_start3A_122, %dma_start3A_123] : memref<50000x32xf32, #tpu.memory_space<hbm>> -> memref<50000x32xf32, #tpu.memory_space<hbm>>
        tpu.enqueue_indirect_dma source(%dma_start3A_124 : memref<50000x32xf32, #tpu.memory_space<hbm>>) target(%dma_start3A_118 : memref<128x32xf32, #tpu.memory_space<vmem>>) offsets(%dma_start3A_121 : memref<128xi32, #tpu.memory_space<vmem>>) semaphore(%arg22 : memref<!tpu.dma_semaphore, #tpu.memory_space<semaphore_mem>>)
        %scan3A_125 = arith.constant 0 : i32
        %scan3A_126 = arith.constant 0 : i32
        %scan3A_127 = arith.constant 32 : i32
        %scan3A_128 = arith.addi %scan3A_126, %scan3A_127 : i32
        %scan3A_129 = arith.constant 1 : i32
        scf.for %scan3A_142 = %scan3A_126 to %scan3A_128 step %scan3A_129  : i32 {
          %and3A = arith.constant 3 : i32
          %and3A_143 = arith.andi %scan3A_142, %and3A : i32
          %gt3A = arith.constant 0 : i32
          %gt3A_144 = arith.cmpi sgt, %scan3A_142, %gt3A : i32
          %convert_element_type3A_145 = arith.extui %gt3A_144 : i1 to i32
          %cond3A_146 = arith.constant 0 : i32
          %cond3A_147 = arith.cmpi ne, %convert_element_type3A_145, %cond3A_146 : i32
          scf.if %cond3A_147 {
            %sub3A_175 = arith.constant 1 : i32
            %sub3A_176 = arith.subi %scan3A_142, %sub3A_175 : i32
            %sub3A_177 = arith.constant 1 : i32
            %sub3A_178 = arith.subi %scan3A_142, %sub3A_177 : i32
            %and3A_179 = arith.constant 3 : i32
            %and3A_180 = arith.andi %sub3A_178, %and3A_179 : i32
            %dma_wait3A_181 = arith.constant 0 : i32
            %dma_wait3A_182 = arith.constant 0 : i32
            %dma_wait3A_183 = tpu.memref_slice %arg18[%and3A_180, %dma_wait3A_181, %dma_wait3A_182] : memref<4x128x32xf32, #tpu.memory_space<vmem>> -> memref<1x128x32xf32, #tpu.memory_space<vmem>>
            %dma_wait3A_184 = tpu.memref_squeeze %dma_wait3A_183 : memref<1x128x32xf32, #tpu.memory_space<vmem>> -> memref<128x32xf32, #tpu.memory_space<vmem>>
            %dma_wait3A_185 = arith.constant 0 : i32
            %dma_wait3A_186 = tpu.memref_slice %arg17[%sub3A_176, %dma_wait3A_185] : memref<32x128xi32, #tpu.memory_space<vmem>> -> memref<1x128xi32, #tpu.memory_space<vmem>>
            %dma_wait3A_187 = tpu.memref_squeeze %dma_wait3A_186 : memref<1x128xi32, #tpu.memory_space<vmem>> -> memref<128xi32, #tpu.memory_space<vmem>>
            %dma_wait3A_188 = arith.constant 0 : i32
            %dma_wait3A_189 = arith.constant 0 : i32
            %dma_wait3A_190 = tpu.memref_slice %arg21[%dma_wait3A_188, %dma_wait3A_189] : memref<10048x32xf32, #tpu.memory_space<vmem_shared>> -> memref<10048x32xf32, #tpu.memory_space<vmem_shared>>
            tpu.wait_indirect_dma semaphore(%arg23 : memref<!tpu.dma_semaphore, #tpu.memory_space<semaphore_mem>>) src(%dma_wait3A_184 : memref<128x32xf32, #tpu.memory_space<vmem>>) dst(%dma_wait3A_190 : memref<10048x32xf32, #tpu.memory_space<vmem_shared>>)
          } else {
          }
          %add3A_148 = arith.constant 4 : i32
          %add3A_149 = arith.addi %scan3A_142, %add3A_148 : i32
          %sub3A = arith.constant 1 : i32
          %sub3A_150 = arith.subi %add3A_149, %sub3A : i32
          %lt3A = arith.constant 32 : i32
          %lt3A_151 = arith.cmpi slt, %sub3A_150, %lt3A : i32
          %convert_element_type3A_152 = arith.extui %lt3A_151 : i1 to i32
          %cond3A_153 = arith.constant 0 : i32
          %cond3A_154 = arith.cmpi ne, %convert_element_type3A_152, %cond3A_153 : i32
          scf.if %cond3A_154 {
            %add3A_175 = arith.constant 4 : i32
            %add3A_176 = arith.addi %scan3A_142, %add3A_175 : i32
            %sub3A_177 = arith.constant 1 : i32
            %sub3A_178 = arith.subi %add3A_176, %sub3A_177 : i32
            %add3A_179 = arith.constant 4 : i32
            %add3A_180 = arith.addi %scan3A_142, %add3A_179 : i32
            %sub3A_181 = arith.constant 1 : i32
            %sub3A_182 = arith.subi %add3A_180, %sub3A_181 : i32
            %and3A_183 = arith.constant 3 : i32
            %and3A_184 = arith.andi %sub3A_182, %and3A_183 : i32
            %dma_start3A_185 = arith.constant 0 : i32
            %dma_start3A_186 = arith.constant 0 : i32
            %dma_start3A_187 = tpu.memref_slice %arg18[%and3A_184, %dma_start3A_185, %dma_start3A_186] : memref<4x128x32xf32, #tpu.memory_space<vmem>> -> memref<1x128x32xf32, #tpu.memory_space<vmem>>
            %dma_start3A_188 = tpu.memref_squeeze %dma_start3A_187 : memref<1x128x32xf32, #tpu.memory_space<vmem>> -> memref<128x32xf32, #tpu.memory_space<vmem>>
            %dma_start3A_189 = arith.constant 0 : i32
            %dma_start3A_190 = tpu.memref_slice %arg16[%sub3A_178, %dma_start3A_189] : memref<32x128xi32, #tpu.memory_space<vmem>> -> memref<1x128xi32, #tpu.memory_space<vmem>>
            %dma_start3A_191 = tpu.memref_squeeze %dma_start3A_190 : memref<1x128xi32, #tpu.memory_space<vmem>> -> memref<128xi32, #tpu.memory_space<vmem>>
            %dma_start3A_192 = arith.constant 0 : i32
            %dma_start3A_193 = arith.constant 0 : i32
            %dma_start3A_194 = tpu.memref_slice %arg4[%dma_start3A_192, %dma_start3A_193] : memref<50000x32xf32, #tpu.memory_space<hbm>> -> memref<50000x32xf32, #tpu.memory_space<hbm>>
            tpu.enqueue_indirect_dma source(%dma_start3A_194 : memref<50000x32xf32, #tpu.memory_space<hbm>>) target(%dma_start3A_188 : memref<128x32xf32, #tpu.memory_space<vmem>>) offsets(%dma_start3A_191 : memref<128xi32, #tpu.memory_space<vmem>>) semaphore(%arg22 : memref<!tpu.dma_semaphore, #tpu.memory_space<semaphore_mem>>)
          } else {
          }
          %dma_wait3A_155 = arith.constant 0 : i32
          %dma_wait3A_156 = arith.constant 0 : i32
          %dma_wait3A_157 = tpu.memref_slice %arg18[%and3A_143, %dma_wait3A_155, %dma_wait3A_156] : memref<4x128x32xf32, #tpu.memory_space<vmem>> -> memref<1x128x32xf32, #tpu.memory_space<vmem>>
          %dma_wait3A_158 = tpu.memref_squeeze %dma_wait3A_157 : memref<1x128x32xf32, #tpu.memory_space<vmem>> -> memref<128x32xf32, #tpu.memory_space<vmem>>
          %dma_wait3A_159 = arith.constant 0 : i32
          %dma_wait3A_160 = tpu.memref_slice %arg16[%scan3A_142, %dma_wait3A_159] : memref<32x128xi32, #tpu.memory_space<vmem>> -> memref<1x128xi32, #tpu.memory_space<vmem>>
          %dma_wait3A_161 = tpu.memref_squeeze %dma_wait3A_160 : memref<1x128xi32, #tpu.memory_space<vmem>> -> memref<128xi32, #tpu.memory_space<vmem>>
          %dma_wait3A_162 = arith.constant 0 : i32
          %dma_wait3A_163 = arith.constant 0 : i32
          %dma_wait3A_164 = tpu.memref_slice %arg4[%dma_wait3A_162, %dma_wait3A_163] : memref<50000x32xf32, #tpu.memory_space<hbm>> -> memref<50000x32xf32, #tpu.memory_space<hbm>>
          tpu.wait_indirect_dma semaphore(%arg22 : memref<!tpu.dma_semaphore, #tpu.memory_space<semaphore_mem>>) src(%dma_wait3A_164 : memref<50000x32xf32, #tpu.memory_space<hbm>>) dst(%dma_wait3A_158 : memref<128x32xf32, #tpu.memory_space<vmem>>)
          %dma_start3A_165 = arith.constant 0 : i32
          %dma_start3A_166 = arith.constant 0 : i32
          %dma_start3A_167 = tpu.memref_slice %arg18[%and3A_143, %dma_start3A_165, %dma_start3A_166] : memref<4x128x32xf32, #tpu.memory_space<vmem>> -> memref<1x128x32xf32, #tpu.memory_space<vmem>>
          %dma_start3A_168 = tpu.memref_squeeze %dma_start3A_167 : memref<1x128x32xf32, #tpu.memory_space<vmem>> -> memref<128x32xf32, #tpu.memory_space<vmem>>
          %dma_start3A_169 = arith.constant 0 : i32
          %dma_start3A_170 = tpu.memref_slice %arg17[%scan3A_142, %dma_start3A_169] : memref<32x128xi32, #tpu.memory_space<vmem>> -> memref<1x128xi32, #tpu.memory_space<vmem>>
          %dma_start3A_171 = tpu.memref_squeeze %dma_start3A_170 : memref<1x128xi32, #tpu.memory_space<vmem>> -> memref<128xi32, #tpu.memory_space<vmem>>
          %dma_start3A_172 = arith.constant 0 : i32
          %dma_start3A_173 = arith.constant 0 : i32
          %dma_start3A_174 = tpu.memref_slice %arg21[%dma_start3A_172, %dma_start3A_173] : memref<10048x32xf32, #tpu.memory_space<vmem_shared>> -> memref<10048x32xf32, #tpu.memory_space<vmem_shared>>
          tpu.enqueue_indirect_dma source(%dma_start3A_168 : memref<128x32xf32, #tpu.memory_space<vmem>>) target(%dma_start3A_174 : memref<10048x32xf32, #tpu.memory_space<vmem_shared>>) offsets(%dma_start3A_171 : memref<128xi32, #tpu.memory_space<vmem>>) semaphore(%arg23 : memref<!tpu.dma_semaphore, #tpu.memory_space<semaphore_mem>>) {add = true}
        }
        %scan3A_130 = arith.constant 32 : i32
        %dma_wait3A = arith.constant 3 : i32
        %dma_wait3A_131 = arith.constant 31 : i32
        %dma_wait3A_132 = arith.constant 0 : i32
        %dma_wait3A_133 = arith.constant 0 : i32
        %dma_wait3A_134 = tpu.memref_slice %arg18[%dma_wait3A, %dma_wait3A_132, %dma_wait3A_133] : memref<4x128x32xf32, #tpu.memory_space<vmem>> -> memref<1x128x32xf32, #tpu.memory_space<vmem>>
        %dma_wait3A_135 = tpu.memref_squeeze %dma_wait3A_134 : memref<1x128x32xf32, #tpu.memory_space<vmem>> -> memref<128x32xf32, #tpu.memory_space<vmem>>
        %dma_wait3A_136 = arith.constant 0 : i32
        %dma_wait3A_137 = tpu.memref_slice %arg17[%dma_wait3A_131, %dma_wait3A_136] : memref<32x128xi32, #tpu.memory_space<vmem>> -> memref<1x128xi32, #tpu.memory_space<vmem>>
        %dma_wait3A_138 = tpu.memref_squeeze %dma_wait3A_137 : memref<1x128xi32, #tpu.memory_space<vmem>> -> memref<128xi32, #tpu.memory_space<vmem>>
        %dma_wait3A_139 = arith.constant 0 : i32
        %dma_wait3A_140 = arith.constant 0 : i32
        %dma_wait3A_141 = tpu.memref_slice %arg21[%dma_wait3A_139, %dma_wait3A_140] : memref<10048x32xf32, #tpu.memory_space<vmem_shared>> -> memref<10048x32xf32, #tpu.memory_space<vmem_shared>>
        tpu.wait_indirect_dma semaphore(%arg23 : memref<!tpu.dma_semaphore, #tpu.memory_space<semaphore_mem>>) src(%dma_wait3A_135 : memref<128x32xf32, #tpu.memory_space<vmem>>) dst(%dma_wait3A_141 : memref<10048x32xf32, #tpu.memory_space<vmem_shared>>)
      }
      %scan3A_85 = arith.constant 8 : i32
    } else {
    }
    %barrier3A_33 = arith.constant 0 : index
    tpu.barrier barrier_id(%barrier3A_33)
    %convert_element_type3A_34 = arith.extui %eq3A_25 : i1 to i32
    %cond3A_35 = arith.constant 0 : i32
    %cond3A_36 = arith.cmpi ne, %convert_element_type3A_34, %cond3A_35 : i32
    scf.if %cond3A_36 {
      %scan3A_78 = arith.constant 0 : i32
      %scan3A_79 = arith.constant 0 : i32
      %scan3A_80 = arith.constant 20 : i32
      %scan3A_81 = arith.addi %scan3A_79, %scan3A_80 : i32
      %scan3A_82 = arith.constant 1 : i32
      scf.for %scan3A_84 = %scan3A_79 to %scan3A_81 step %scan3A_82  : i32 {
        %mul3A_85 = arith.constant 16 : i32
        %mul3A_86 = arith.muli %scan3A_84, %mul3A_85 : i32
        %add3A_87 = arith.addi %mul3A_86, %arg1 : i32
        %lt3A = arith.constant 314 : i32
        %lt3A_88 = arith.cmpi slt, %add3A_87, %lt3A : i32
        %convert_element_type3A_89 = arith.extui %lt3A_88 : i1 to i32
        %cond3A_90 = arith.constant 0 : i32
        %cond3A_91 = arith.cmpi ne, %convert_element_type3A_89, %cond3A_90 : i32
        scf.if %cond3A_91 {
          %mul3A_92 = arith.constant 32 : i32
          %mul3A_93 = arith.muli %add3A_87, %mul3A_92 : i32
          %mul3A_94 = arith.constant 32 : i32
          %mul3A_95 = arith.muli %add3A_87, %mul3A_94 : i32
          "tpu.region"() ({
            %run_scoped3A = tpu.sem_alloc : memref<!tpu.dma_semaphore, #tpu.memory_space<semaphore_mem>>
            %dma_start3A = arith.constant 0 : i32
            %dma_start3A_96 = tpu.memref_slice %arg12[%mul3A_95, %dma_start3A] : memref<10048x32xf32, #tpu.memory_space<hbm>> -> memref<32x32xf32, #tpu.memory_space<hbm>>
            %dma_start3A_97 = arith.constant 0 : i32
            %dma_start3A_98 = tpu.memref_slice %arg21[%mul3A_93, %dma_start3A_97] : memref<10048x32xf32, #tpu.memory_space<vmem_shared>> -> memref<32x32xf32, #tpu.memory_space<vmem_shared>>
            tpu.enqueue_dma source(%dma_start3A_98 : memref<32x32xf32, #tpu.memory_space<vmem_shared>>) target(%dma_start3A_96 : memref<32x32xf32, #tpu.memory_space<hbm>>) target_semaphore(%run_scoped3A : memref<!tpu.dma_semaphore, #tpu.memory_space<semaphore_mem>>)
            %dma_wait3A = arith.constant 0 : i32
            %dma_wait3A_99 = tpu.memref_slice %arg12[%mul3A_95, %dma_wait3A] : memref<10048x32xf32, #tpu.memory_space<hbm>> -> memref<32x32xf32, #tpu.memory_space<hbm>>
            %dma_wait3A_100 = arith.constant 0 : i32
            %dma_wait3A_101 = tpu.memref_slice %arg21[%mul3A_93, %dma_wait3A_100] : memref<10048x32xf32, #tpu.memory_space<vmem_shared>> -> memref<32x32xf32, #tpu.memory_space<vmem_shared>>
            tpu.wait_dma2 semaphore(%run_scoped3A : memref<!tpu.dma_semaphore, #tpu.memory_space<semaphore_mem>>) src(%dma_wait3A_101 : memref<32x32xf32, #tpu.memory_space<vmem_shared>>) dst(%dma_wait3A_99 : memref<32x32xf32, #tpu.memory_space<hbm>>)
            tpu.yield
          }) : () -> ()
        } else {
        }
      }
      %scan3A_83 = arith.constant 20 : i32
    } else {
    }
    %barrier3A_37 = arith.constant 0 : index
    tpu.barrier barrier_id(%barrier3A_37)
    %eq3A_38 = arith.constant 1 : i32
    %eq3A_39 = arith.cmpi eq, %arg0, %eq3A_38 : i32
    %convert_element_type3A_40 = arith.extui %eq3A_39 : i1 to i32
    %cond3A_41 = arith.constant 0 : i32
    %cond3A_42 = arith.cmpi ne, %convert_element_type3A_40, %cond3A_41 : i32
    scf.if %cond3A_42 {
      %scan3A_78 = arith.constant 0 : i32
      %scan3A_79 = arith.constant 0 : i32
      %scan3A_80 = arith.constant 20 : i32
      %scan3A_81 = arith.addi %scan3A_79, %scan3A_80 : i32
      %scan3A_82 = arith.constant 1 : i32
      scf.for %scan3A_84 = %scan3A_79 to %scan3A_81 step %scan3A_82  : i32 {
        %mul3A_85 = arith.constant 16 : i32
        %mul3A_86 = arith.muli %scan3A_84, %mul3A_85 : i32
        %add3A_87 = arith.addi %mul3A_86, %arg1 : i32
        %lt3A = arith.constant 314 : i32
        %lt3A_88 = arith.cmpi slt, %add3A_87, %lt3A : i32
        %convert_element_type3A_89 = arith.extui %lt3A_88 : i1 to i32
        %cond3A_90 = arith.constant 0 : i32
        %cond3A_91 = arith.cmpi ne, %convert_element_type3A_89, %cond3A_90 : i32
        scf.if %cond3A_91 {
          %mul3A_92 = arith.constant 32 : i32
          %mul3A_93 = arith.muli %add3A_87, %mul3A_92 : i32
          "tpu.region"() ({
            %run_scoped3A = tpu.sem_alloc : memref<!tpu.dma_semaphore, #tpu.memory_space<semaphore_mem>>
            %dma_start3A = arith.constant 0 : i32
            %dma_start3A_94 = tpu.memref_slice %arg21[%mul3A_93, %dma_start3A] : memref<10048x32xf32, #tpu.memory_space<vmem_shared>> -> memref<32x32xf32, #tpu.memory_space<vmem_shared>>
            %dma_start3A_95 = arith.constant 0 : i32
            %dma_start3A_96 = tpu.memref_slice %arg21[%mul3A_93, %dma_start3A_95] : memref<10048x32xf32, #tpu.memory_space<vmem_shared>> -> memref<32x32xf32, #tpu.memory_space<vmem_shared>>
            tpu.enqueue_dma source(%arg20 : memref<32x32xf32, #tpu.memory_space<vmem>>) target(%dma_start3A_96 : memref<32x32xf32, #tpu.memory_space<vmem_shared>>) target_semaphore(%run_scoped3A : memref<!tpu.dma_semaphore, #tpu.memory_space<semaphore_mem>>)
            %dma_wait3A = arith.constant 0 : i32
            %dma_wait3A_97 = tpu.memref_slice %arg21[%mul3A_93, %dma_wait3A] : memref<10048x32xf32, #tpu.memory_space<vmem_shared>> -> memref<32x32xf32, #tpu.memory_space<vmem_shared>>
            %dma_wait3A_98 = arith.constant 0 : i32
            %dma_wait3A_99 = tpu.memref_slice %arg21[%mul3A_93, %dma_wait3A_98] : memref<10048x32xf32, #tpu.memory_space<vmem_shared>> -> memref<32x32xf32, #tpu.memory_space<vmem_shared>>
            tpu.wait_dma2 semaphore(%run_scoped3A : memref<!tpu.dma_semaphore, #tpu.memory_space<semaphore_mem>>) src(%arg20 : memref<32x32xf32, #tpu.memory_space<vmem>>) dst(%dma_wait3A_99 : memref<32x32xf32, #tpu.memory_space<vmem_shared>>)
            tpu.yield
          }) : () -> ()
        } else {
        }
      }
      %scan3A_83 = arith.constant 20 : i32
    } else {
    }
    %barrier3A_43 = arith.constant 0 : index
    tpu.barrier barrier_id(%barrier3A_43)
    %convert_element_type3A_44 = arith.extui %eq3A_39 : i1 to i32
    %cond3A_45 = arith.constant 0 : i32
    %cond3A_46 = arith.cmpi ne, %convert_element_type3A_44, %cond3A_45 : i32
    scf.if %cond3A_46 {
      %mul3A_78 = arith.constant 256 : i32
      %mul3A_79 = arith.muli %arg1, %mul3A_78 : i32
      %scan3A_80 = arith.constant 0 : i32
      %scan3A_81 = arith.constant 0 : i32
      %scan3A_82 = arith.constant 8 : i32
      %scan3A_83 = arith.addi %scan3A_81, %scan3A_82 : i32
      %scan3A_84 = arith.constant 1 : i32
      scf.for %scan3A_86 = %scan3A_81 to %scan3A_83 step %scan3A_84  : i32 {
        %mul3A_87 = arith.constant 32 : i32
        %mul3A_88 = arith.muli %scan3A_86, %mul3A_87 : i32
        %add3A_89 = arith.addi %mul3A_79, %mul3A_88 : i32
        "tpu.region"() ({
          %run_scoped3A = tpu.sem_alloc : memref<!tpu.dma_semaphore, #tpu.memory_space<semaphore_mem>>
          %dma_start3A_142 = arith.constant 0 : i32
          %dma_start3A_143 = tpu.memref_slice %arg6[%add3A_89, %dma_start3A_142] : memref<4096x128xi32, #tpu.memory_space<hbm>> -> memref<32x128xi32, #tpu.memory_space<hbm>>
          %dma_start3A_144 = arith.constant 0 : i32
          %dma_start3A_145 = tpu.memref_slice %arg6[%add3A_89, %dma_start3A_144] : memref<4096x128xi32, #tpu.memory_space<hbm>> -> memref<32x128xi32, #tpu.memory_space<hbm>>
          tpu.enqueue_dma source(%dma_start3A_145 : memref<32x128xi32, #tpu.memory_space<hbm>>) target(%arg16 : memref<32x128xi32, #tpu.memory_space<vmem>>) target_semaphore(%run_scoped3A : memref<!tpu.dma_semaphore, #tpu.memory_space<semaphore_mem>>)
          %dma_wait3A_146 = arith.constant 0 : i32
          %dma_wait3A_147 = tpu.memref_slice %arg6[%add3A_89, %dma_wait3A_146] : memref<4096x128xi32, #tpu.memory_space<hbm>> -> memref<32x128xi32, #tpu.memory_space<hbm>>
          %dma_wait3A_148 = arith.constant 0 : i32
          %dma_wait3A_149 = tpu.memref_slice %arg6[%add3A_89, %dma_wait3A_148] : memref<4096x128xi32, #tpu.memory_space<hbm>> -> memref<32x128xi32, #tpu.memory_space<hbm>>
          tpu.wait_dma2 semaphore(%run_scoped3A : memref<!tpu.dma_semaphore, #tpu.memory_space<semaphore_mem>>) src(%dma_wait3A_149 : memref<32x128xi32, #tpu.memory_space<hbm>>) dst(%arg16 : memref<32x128xi32, #tpu.memory_space<vmem>>)
          tpu.yield
        }) : () -> ()
        "tpu.region"() ({
          %run_scoped3A = tpu.sem_alloc : memref<!tpu.dma_semaphore, #tpu.memory_space<semaphore_mem>>
          %dma_start3A_142 = arith.constant 0 : i32
          %dma_start3A_143 = tpu.memref_slice %arg7[%add3A_89, %dma_start3A_142] : memref<4096x128xi32, #tpu.memory_space<hbm>> -> memref<32x128xi32, #tpu.memory_space<hbm>>
          %dma_start3A_144 = arith.constant 0 : i32
          %dma_start3A_145 = tpu.memref_slice %arg7[%add3A_89, %dma_start3A_144] : memref<4096x128xi32, #tpu.memory_space<hbm>> -> memref<32x128xi32, #tpu.memory_space<hbm>>
          tpu.enqueue_dma source(%dma_start3A_145 : memref<32x128xi32, #tpu.memory_space<hbm>>) target(%arg17 : memref<32x128xi32, #tpu.memory_space<vmem>>) target_semaphore(%run_scoped3A : memref<!tpu.dma_semaphore, #tpu.memory_space<semaphore_mem>>)
          %dma_wait3A_146 = arith.constant 0 : i32
          %dma_wait3A_147 = tpu.memref_slice %arg7[%add3A_89, %dma_wait3A_146] : memref<4096x128xi32, #tpu.memory_space<hbm>> -> memref<32x128xi32, #tpu.memory_space<hbm>>
          %dma_wait3A_148 = arith.constant 0 : i32
          %dma_wait3A_149 = tpu.memref_slice %arg7[%add3A_89, %dma_wait3A_148] : memref<4096x128xi32, #tpu.memory_space<hbm>> -> memref<32x128xi32, #tpu.memory_space<hbm>>
          tpu.wait_dma2 semaphore(%run_scoped3A : memref<!tpu.dma_semaphore, #tpu.memory_space<semaphore_mem>>) src(%dma_wait3A_149 : memref<32x128xi32, #tpu.memory_space<hbm>>) dst(%arg17 : memref<32x128xi32, #tpu.memory_space<vmem>>)
          tpu.yield
        }) : () -> ()
        %dma_start3A = arith.constant 0 : i32
        %dma_start3A_90 = arith.constant 0 : i32
        %dma_start3A_91 = arith.constant 0 : i32
        %dma_start3A_92 = arith.constant 0 : i32
        %dma_start3A_93 = tpu.memref_slice %arg18[%dma_start3A_90, %dma_start3A_91, %dma_start3A_92] : memref<4x128x32xf32, #tpu.memory_space<vmem>> -> memref<1x128x32xf32, #tpu.memory_space<vmem>>
        %dma_start3A_94 = tpu.memref_squeeze %dma_start3A_93 : memref<1x128x32xf32, #tpu.memory_space<vmem>> -> memref<128x32xf32, #tpu.memory_space<vmem>>
        %dma_start3A_95 = arith.constant 0 : i32
        %dma_start3A_96 = tpu.memref_slice %arg16[%dma_start3A, %dma_start3A_95] : memref<32x128xi32, #tpu.memory_space<vmem>> -> memref<1x128xi32, #tpu.memory_space<vmem>>
        %dma_start3A_97 = tpu.memref_squeeze %dma_start3A_96 : memref<1x128xi32, #tpu.memory_space<vmem>> -> memref<128xi32, #tpu.memory_space<vmem>>
        %dma_start3A_98 = arith.constant 0 : i32
        %dma_start3A_99 = arith.constant 0 : i32
        %dma_start3A_100 = tpu.memref_slice %arg5[%dma_start3A_98, %dma_start3A_99] : memref<50000x32xf32, #tpu.memory_space<hbm>> -> memref<50000x32xf32, #tpu.memory_space<hbm>>
        tpu.enqueue_indirect_dma source(%dma_start3A_100 : memref<50000x32xf32, #tpu.memory_space<hbm>>) target(%dma_start3A_94 : memref<128x32xf32, #tpu.memory_space<vmem>>) offsets(%dma_start3A_97 : memref<128xi32, #tpu.memory_space<vmem>>) semaphore(%arg22 : memref<!tpu.dma_semaphore, #tpu.memory_space<semaphore_mem>>)
        %dma_start3A_101 = arith.constant 1 : i32
        %dma_start3A_102 = arith.constant 1 : i32
        %dma_start3A_103 = arith.constant 0 : i32
        %dma_start3A_104 = arith.constant 0 : i32
        %dma_start3A_105 = tpu.memref_slice %arg18[%dma_start3A_102, %dma_start3A_103, %dma_start3A_104] : memref<4x128x32xf32, #tpu.memory_space<vmem>> -> memref<1x128x32xf32, #tpu.memory_space<vmem>>
        %dma_start3A_106 = tpu.memref_squeeze %dma_start3A_105 : memref<1x128x32xf32, #tpu.memory_space<vmem>> -> memref<128x32xf32, #tpu.memory_space<vmem>>
        %dma_start3A_107 = arith.constant 0 : i32
        %dma_start3A_108 = tpu.memref_slice %arg16[%dma_start3A_101, %dma_start3A_107] : memref<32x128xi32, #tpu.memory_space<vmem>> -> memref<1x128xi32, #tpu.memory_space<vmem>>
        %dma_start3A_109 = tpu.memref_squeeze %dma_start3A_108 : memref<1x128xi32, #tpu.memory_space<vmem>> -> memref<128xi32, #tpu.memory_space<vmem>>
        %dma_start3A_110 = arith.constant 0 : i32
        %dma_start3A_111 = arith.constant 0 : i32
        %dma_start3A_112 = tpu.memref_slice %arg5[%dma_start3A_110, %dma_start3A_111] : memref<50000x32xf32, #tpu.memory_space<hbm>> -> memref<50000x32xf32, #tpu.memory_space<hbm>>
        tpu.enqueue_indirect_dma source(%dma_start3A_112 : memref<50000x32xf32, #tpu.memory_space<hbm>>) target(%dma_start3A_106 : memref<128x32xf32, #tpu.memory_space<vmem>>) offsets(%dma_start3A_109 : memref<128xi32, #tpu.memory_space<vmem>>) semaphore(%arg22 : memref<!tpu.dma_semaphore, #tpu.memory_space<semaphore_mem>>)
        %dma_start3A_113 = arith.constant 2 : i32
        %dma_start3A_114 = arith.constant 2 : i32
        %dma_start3A_115 = arith.constant 0 : i32
        %dma_start3A_116 = arith.constant 0 : i32
        %dma_start3A_117 = tpu.memref_slice %arg18[%dma_start3A_114, %dma_start3A_115, %dma_start3A_116] : memref<4x128x32xf32, #tpu.memory_space<vmem>> -> memref<1x128x32xf32, #tpu.memory_space<vmem>>
        %dma_start3A_118 = tpu.memref_squeeze %dma_start3A_117 : memref<1x128x32xf32, #tpu.memory_space<vmem>> -> memref<128x32xf32, #tpu.memory_space<vmem>>
        %dma_start3A_119 = arith.constant 0 : i32
        %dma_start3A_120 = tpu.memref_slice %arg16[%dma_start3A_113, %dma_start3A_119] : memref<32x128xi32, #tpu.memory_space<vmem>> -> memref<1x128xi32, #tpu.memory_space<vmem>>
        %dma_start3A_121 = tpu.memref_squeeze %dma_start3A_120 : memref<1x128xi32, #tpu.memory_space<vmem>> -> memref<128xi32, #tpu.memory_space<vmem>>
        %dma_start3A_122 = arith.constant 0 : i32
        %dma_start3A_123 = arith.constant 0 : i32
        %dma_start3A_124 = tpu.memref_slice %arg5[%dma_start3A_122, %dma_start3A_123] : memref<50000x32xf32, #tpu.memory_space<hbm>> -> memref<50000x32xf32, #tpu.memory_space<hbm>>
        tpu.enqueue_indirect_dma source(%dma_start3A_124 : memref<50000x32xf32, #tpu.memory_space<hbm>>) target(%dma_start3A_118 : memref<128x32xf32, #tpu.memory_space<vmem>>) offsets(%dma_start3A_121 : memref<128xi32, #tpu.memory_space<vmem>>) semaphore(%arg22 : memref<!tpu.dma_semaphore, #tpu.memory_space<semaphore_mem>>)
        %scan3A_125 = arith.constant 0 : i32
        %scan3A_126 = arith.constant 0 : i32
        %scan3A_127 = arith.constant 32 : i32
        %scan3A_128 = arith.addi %scan3A_126, %scan3A_127 : i32
        %scan3A_129 = arith.constant 1 : i32
        scf.for %scan3A_142 = %scan3A_126 to %scan3A_128 step %scan3A_129  : i32 {
          %and3A = arith.constant 3 : i32
          %and3A_143 = arith.andi %scan3A_142, %and3A : i32
          %gt3A = arith.constant 0 : i32
          %gt3A_144 = arith.cmpi sgt, %scan3A_142, %gt3A : i32
          %convert_element_type3A_145 = arith.extui %gt3A_144 : i1 to i32
          %cond3A_146 = arith.constant 0 : i32
          %cond3A_147 = arith.cmpi ne, %convert_element_type3A_145, %cond3A_146 : i32
          scf.if %cond3A_147 {
            %sub3A_175 = arith.constant 1 : i32
            %sub3A_176 = arith.subi %scan3A_142, %sub3A_175 : i32
            %sub3A_177 = arith.constant 1 : i32
            %sub3A_178 = arith.subi %scan3A_142, %sub3A_177 : i32
            %and3A_179 = arith.constant 3 : i32
            %and3A_180 = arith.andi %sub3A_178, %and3A_179 : i32
            %dma_wait3A_181 = arith.constant 0 : i32
            %dma_wait3A_182 = arith.constant 0 : i32
            %dma_wait3A_183 = tpu.memref_slice %arg18[%and3A_180, %dma_wait3A_181, %dma_wait3A_182] : memref<4x128x32xf32, #tpu.memory_space<vmem>> -> memref<1x128x32xf32, #tpu.memory_space<vmem>>
            %dma_wait3A_184 = tpu.memref_squeeze %dma_wait3A_183 : memref<1x128x32xf32, #tpu.memory_space<vmem>> -> memref<128x32xf32, #tpu.memory_space<vmem>>
            %dma_wait3A_185 = arith.constant 0 : i32
            %dma_wait3A_186 = tpu.memref_slice %arg17[%sub3A_176, %dma_wait3A_185] : memref<32x128xi32, #tpu.memory_space<vmem>> -> memref<1x128xi32, #tpu.memory_space<vmem>>
            %dma_wait3A_187 = tpu.memref_squeeze %dma_wait3A_186 : memref<1x128xi32, #tpu.memory_space<vmem>> -> memref<128xi32, #tpu.memory_space<vmem>>
            %dma_wait3A_188 = arith.constant 0 : i32
            %dma_wait3A_189 = arith.constant 0 : i32
            %dma_wait3A_190 = tpu.memref_slice %arg21[%dma_wait3A_188, %dma_wait3A_189] : memref<10048x32xf32, #tpu.memory_space<vmem_shared>> -> memref<10048x32xf32, #tpu.memory_space<vmem_shared>>
            tpu.wait_indirect_dma semaphore(%arg23 : memref<!tpu.dma_semaphore, #tpu.memory_space<semaphore_mem>>) src(%dma_wait3A_184 : memref<128x32xf32, #tpu.memory_space<vmem>>) dst(%dma_wait3A_190 : memref<10048x32xf32, #tpu.memory_space<vmem_shared>>)
          } else {
          }
          %add3A_148 = arith.constant 4 : i32
          %add3A_149 = arith.addi %scan3A_142, %add3A_148 : i32
          %sub3A = arith.constant 1 : i32
          %sub3A_150 = arith.subi %add3A_149, %sub3A : i32
          %lt3A = arith.constant 32 : i32
          %lt3A_151 = arith.cmpi slt, %sub3A_150, %lt3A : i32
          %convert_element_type3A_152 = arith.extui %lt3A_151 : i1 to i32
          %cond3A_153 = arith.constant 0 : i32
          %cond3A_154 = arith.cmpi ne, %convert_element_type3A_152, %cond3A_153 : i32
          scf.if %cond3A_154 {
            %add3A_175 = arith.constant 4 : i32
            %add3A_176 = arith.addi %scan3A_142, %add3A_175 : i32
            %sub3A_177 = arith.constant 1 : i32
            %sub3A_178 = arith.subi %add3A_176, %sub3A_177 : i32
            %add3A_179 = arith.constant 4 : i32
            %add3A_180 = arith.addi %scan3A_142, %add3A_179 : i32
            %sub3A_181 = arith.constant 1 : i32
            %sub3A_182 = arith.subi %add3A_180, %sub3A_181 : i32
            %and3A_183 = arith.constant 3 : i32
            %and3A_184 = arith.andi %sub3A_182, %and3A_183 : i32
            %dma_start3A_185 = arith.constant 0 : i32
            %dma_start3A_186 = arith.constant 0 : i32
            %dma_start3A_187 = tpu.memref_slice %arg18[%and3A_184, %dma_start3A_185, %dma_start3A_186] : memref<4x128x32xf32, #tpu.memory_space<vmem>> -> memref<1x128x32xf32, #tpu.memory_space<vmem>>
            %dma_start3A_188 = tpu.memref_squeeze %dma_start3A_187 : memref<1x128x32xf32, #tpu.memory_space<vmem>> -> memref<128x32xf32, #tpu.memory_space<vmem>>
            %dma_start3A_189 = arith.constant 0 : i32
            %dma_start3A_190 = tpu.memref_slice %arg16[%sub3A_178, %dma_start3A_189] : memref<32x128xi32, #tpu.memory_space<vmem>> -> memref<1x128xi32, #tpu.memory_space<vmem>>
            %dma_start3A_191 = tpu.memref_squeeze %dma_start3A_190 : memref<1x128xi32, #tpu.memory_space<vmem>> -> memref<128xi32, #tpu.memory_space<vmem>>
            %dma_start3A_192 = arith.constant 0 : i32
            %dma_start3A_193 = arith.constant 0 : i32
            %dma_start3A_194 = tpu.memref_slice %arg5[%dma_start3A_192, %dma_start3A_193] : memref<50000x32xf32, #tpu.memory_space<hbm>> -> memref<50000x32xf32, #tpu.memory_space<hbm>>
            tpu.enqueue_indirect_dma source(%dma_start3A_194 : memref<50000x32xf32, #tpu.memory_space<hbm>>) target(%dma_start3A_188 : memref<128x32xf32, #tpu.memory_space<vmem>>) offsets(%dma_start3A_191 : memref<128xi32, #tpu.memory_space<vmem>>) semaphore(%arg22 : memref<!tpu.dma_semaphore, #tpu.memory_space<semaphore_mem>>)
          } else {
          }
          %dma_wait3A_155 = arith.constant 0 : i32
          %dma_wait3A_156 = arith.constant 0 : i32
          %dma_wait3A_157 = tpu.memref_slice %arg18[%and3A_143, %dma_wait3A_155, %dma_wait3A_156] : memref<4x128x32xf32, #tpu.memory_space<vmem>> -> memref<1x128x32xf32, #tpu.memory_space<vmem>>
          %dma_wait3A_158 = tpu.memref_squeeze %dma_wait3A_157 : memref<1x128x32xf32, #tpu.memory_space<vmem>> -> memref<128x32xf32, #tpu.memory_space<vmem>>
          %dma_wait3A_159 = arith.constant 0 : i32
          %dma_wait3A_160 = tpu.memref_slice %arg16[%scan3A_142, %dma_wait3A_159] : memref<32x128xi32, #tpu.memory_space<vmem>> -> memref<1x128xi32, #tpu.memory_space<vmem>>
          %dma_wait3A_161 = tpu.memref_squeeze %dma_wait3A_160 : memref<1x128xi32, #tpu.memory_space<vmem>> -> memref<128xi32, #tpu.memory_space<vmem>>
          %dma_wait3A_162 = arith.constant 0 : i32
          %dma_wait3A_163 = arith.constant 0 : i32
          %dma_wait3A_164 = tpu.memref_slice %arg5[%dma_wait3A_162, %dma_wait3A_163] : memref<50000x32xf32, #tpu.memory_space<hbm>> -> memref<50000x32xf32, #tpu.memory_space<hbm>>
          tpu.wait_indirect_dma semaphore(%arg22 : memref<!tpu.dma_semaphore, #tpu.memory_space<semaphore_mem>>) src(%dma_wait3A_164 : memref<50000x32xf32, #tpu.memory_space<hbm>>) dst(%dma_wait3A_158 : memref<128x32xf32, #tpu.memory_space<vmem>>)
          %dma_start3A_165 = arith.constant 0 : i32
          %dma_start3A_166 = arith.constant 0 : i32
          %dma_start3A_167 = tpu.memref_slice %arg18[%and3A_143, %dma_start3A_165, %dma_start3A_166] : memref<4x128x32xf32, #tpu.memory_space<vmem>> -> memref<1x128x32xf32, #tpu.memory_space<vmem>>
          %dma_start3A_168 = tpu.memref_squeeze %dma_start3A_167 : memref<1x128x32xf32, #tpu.memory_space<vmem>> -> memref<128x32xf32, #tpu.memory_space<vmem>>
          %dma_start3A_169 = arith.constant 0 : i32
          %dma_start3A_170 = tpu.memref_slice %arg17[%scan3A_142, %dma_start3A_169] : memref<32x128xi32, #tpu.memory_space<vmem>> -> memref<1x128xi32, #tpu.memory_space<vmem>>
          %dma_start3A_171 = tpu.memref_squeeze %dma_start3A_170 : memref<1x128xi32, #tpu.memory_space<vmem>> -> memref<128xi32, #tpu.memory_space<vmem>>
          %dma_start3A_172 = arith.constant 0 : i32
          %dma_start3A_173 = arith.constant 0 : i32
          %dma_start3A_174 = tpu.memref_slice %arg21[%dma_start3A_172, %dma_start3A_173] : memref<10048x32xf32, #tpu.memory_space<vmem_shared>> -> memref<10048x32xf32, #tpu.memory_space<vmem_shared>>
          tpu.enqueue_indirect_dma source(%dma_start3A_168 : memref<128x32xf32, #tpu.memory_space<vmem>>) target(%dma_start3A_174 : memref<10048x32xf32, #tpu.memory_space<vmem_shared>>) offsets(%dma_start3A_171 : memref<128xi32, #tpu.memory_space<vmem>>) semaphore(%arg23 : memref<!tpu.dma_semaphore, #tpu.memory_space<semaphore_mem>>) {add = true}
        }
        %scan3A_130 = arith.constant 32 : i32
        %dma_wait3A = arith.constant 3 : i32
        %dma_wait3A_131 = arith.constant 31 : i32
        %dma_wait3A_132 = arith.constant 0 : i32
        %dma_wait3A_133 = arith.constant 0 : i32
        %dma_wait3A_134 = tpu.memref_slice %arg18[%dma_wait3A, %dma_wait3A_132, %dma_wait3A_133] : memref<4x128x32xf32, #tpu.memory_space<vmem>> -> memref<1x128x32xf32, #tpu.memory_space<vmem>>
        %dma_wait3A_135 = tpu.memref_squeeze %dma_wait3A_134 : memref<1x128x32xf32, #tpu.memory_space<vmem>> -> memref<128x32xf32, #tpu.memory_space<vmem>>
        %dma_wait3A_136 = arith.constant 0 : i32
        %dma_wait3A_137 = tpu.memref_slice %arg17[%dma_wait3A_131, %dma_wait3A_136] : memref<32x128xi32, #tpu.memory_space<vmem>> -> memref<1x128xi32, #tpu.memory_space<vmem>>
        %dma_wait3A_138 = tpu.memref_squeeze %dma_wait3A_137 : memref<1x128xi32, #tpu.memory_space<vmem>> -> memref<128xi32, #tpu.memory_space<vmem>>
        %dma_wait3A_139 = arith.constant 0 : i32
        %dma_wait3A_140 = arith.constant 0 : i32
        %dma_wait3A_141 = tpu.memref_slice %arg21[%dma_wait3A_139, %dma_wait3A_140] : memref<10048x32xf32, #tpu.memory_space<vmem_shared>> -> memref<10048x32xf32, #tpu.memory_space<vmem_shared>>
        tpu.wait_indirect_dma semaphore(%arg23 : memref<!tpu.dma_semaphore, #tpu.memory_space<semaphore_mem>>) src(%dma_wait3A_135 : memref<128x32xf32, #tpu.memory_space<vmem>>) dst(%dma_wait3A_141 : memref<10048x32xf32, #tpu.memory_space<vmem_shared>>)
      }
      %scan3A_85 = arith.constant 8 : i32
    } else {
    }
    %barrier3A_47 = arith.constant 0 : index
    tpu.barrier barrier_id(%barrier3A_47)
    %convert_element_type3A_48 = arith.extui %eq3A_39 : i1 to i32
    %cond3A_49 = arith.constant 0 : i32
    %cond3A_50 = arith.cmpi ne, %convert_element_type3A_48, %cond3A_49 : i32
    scf.if %cond3A_50 {
      %scan3A_78 = arith.constant 0 : i32
      %scan3A_79 = arith.constant 0 : i32
      %scan3A_80 = arith.constant 20 : i32
      %scan3A_81 = arith.addi %scan3A_79, %scan3A_80 : i32
      %scan3A_82 = arith.constant 1 : i32
      scf.for %scan3A_84 = %scan3A_79 to %scan3A_81 step %scan3A_82  : i32 {
        %mul3A_85 = arith.constant 16 : i32
        %mul3A_86 = arith.muli %scan3A_84, %mul3A_85 : i32
        %add3A_87 = arith.addi %mul3A_86, %arg1 : i32
        %lt3A = arith.constant 314 : i32
        %lt3A_88 = arith.cmpi slt, %add3A_87, %lt3A : i32
        %convert_element_type3A_89 = arith.extui %lt3A_88 : i1 to i32
        %cond3A_90 = arith.constant 0 : i32
        %cond3A_91 = arith.cmpi ne, %convert_element_type3A_89, %cond3A_90 : i32
        scf.if %cond3A_91 {
          %mul3A_92 = arith.constant 32 : i32
          %mul3A_93 = arith.muli %add3A_87, %mul3A_92 : i32
          %mul3A_94 = arith.constant 32 : i32
          %mul3A_95 = arith.muli %add3A_87, %mul3A_94 : i32
          "tpu.region"() ({
            %run_scoped3A = tpu.sem_alloc : memref<!tpu.dma_semaphore, #tpu.memory_space<semaphore_mem>>
            %dma_start3A = arith.constant 0 : i32
            %dma_start3A_96 = tpu.memref_slice %arg13[%mul3A_95, %dma_start3A] : memref<10048x32xf32, #tpu.memory_space<hbm>> -> memref<32x32xf32, #tpu.memory_space<hbm>>
            %dma_start3A_97 = arith.constant 0 : i32
            %dma_start3A_98 = tpu.memref_slice %arg21[%mul3A_93, %dma_start3A_97] : memref<10048x32xf32, #tpu.memory_space<vmem_shared>> -> memref<32x32xf32, #tpu.memory_space<vmem_shared>>
            tpu.enqueue_dma source(%dma_start3A_98 : memref<32x32xf32, #tpu.memory_space<vmem_shared>>) target(%dma_start3A_96 : memref<32x32xf32, #tpu.memory_space<hbm>>) target_semaphore(%run_scoped3A : memref<!tpu.dma_semaphore, #tpu.memory_space<semaphore_mem>>)
            %dma_wait3A = arith.constant 0 : i32
            %dma_wait3A_99 = tpu.memref_slice %arg13[%mul3A_95, %dma_wait3A] : memref<10048x32xf32, #tpu.memory_space<hbm>> -> memref<32x32xf32, #tpu.memory_space<hbm>>
            %dma_wait3A_100 = arith.constant 0 : i32
            %dma_wait3A_101 = tpu.memref_slice %arg21[%mul3A_93, %dma_wait3A_100] : memref<10048x32xf32, #tpu.memory_space<vmem_shared>> -> memref<32x32xf32, #tpu.memory_space<vmem_shared>>
            tpu.wait_dma2 semaphore(%run_scoped3A : memref<!tpu.dma_semaphore, #tpu.memory_space<semaphore_mem>>) src(%dma_wait3A_101 : memref<32x32xf32, #tpu.memory_space<vmem_shared>>) dst(%dma_wait3A_99 : memref<32x32xf32, #tpu.memory_space<hbm>>)
            tpu.yield
          }) : () -> ()
        } else {
        }
      }
      %scan3A_83 = arith.constant 20 : i32
    } else {
    }
    %barrier3A_51 = arith.constant 0 : index
    tpu.barrier barrier_id(%barrier3A_51)
    %scan3A = arith.constant 0 : i32
    %scan3A_52 = arith.constant 0 : i32
    %scan3A_53 = arith.constant 20 : i32
    %scan3A_54 = arith.addi %scan3A_52, %scan3A_53 : i32
    %scan3A_55 = arith.constant 1 : i32
    scf.for %scan3A_78 = %scan3A_52 to %scan3A_54 step %scan3A_55  : i32 {
      %mul3A_79 = arith.constant 16 : i32
      %mul3A_80 = arith.muli %scan3A_78, %mul3A_79 : i32
      %add3A_81 = arith.addi %mul3A_80, %arg1 : i32
      %lt3A = arith.constant 314 : i32
      %lt3A_82 = arith.cmpi slt, %add3A_81, %lt3A : i32
      %convert_element_type3A_83 = arith.extui %lt3A_82 : i1 to i32
      %cond3A_84 = arith.constant 0 : i32
      %cond3A_85 = arith.cmpi ne, %convert_element_type3A_83, %cond3A_84 : i32
      scf.if %cond3A_85 {
        %mul3A_86 = arith.constant 32 : i32
        %mul3A_87 = arith.muli %add3A_81, %mul3A_86 : i32
        "tpu.region"() ({
          %run_scoped3A = tpu.sem_alloc : memref<!tpu.dma_semaphore, #tpu.memory_space<semaphore_mem>>
          %dma_start3A = arith.constant 0 : i32
          %dma_start3A_88 = tpu.memref_slice %arg21[%mul3A_87, %dma_start3A] : memref<10048x32xf32, #tpu.memory_space<vmem_shared>> -> memref<32x32xf32, #tpu.memory_space<vmem_shared>>
          %dma_start3A_89 = arith.constant 0 : i32
          %dma_start3A_90 = tpu.memref_slice %arg21[%mul3A_87, %dma_start3A_89] : memref<10048x32xf32, #tpu.memory_space<vmem_shared>> -> memref<32x32xf32, #tpu.memory_space<vmem_shared>>
          tpu.enqueue_dma source(%arg20 : memref<32x32xf32, #tpu.memory_space<vmem>>) target(%dma_start3A_90 : memref<32x32xf32, #tpu.memory_space<vmem_shared>>) target_semaphore(%run_scoped3A : memref<!tpu.dma_semaphore, #tpu.memory_space<semaphore_mem>>)
          %dma_wait3A = arith.constant 0 : i32
          %dma_wait3A_91 = tpu.memref_slice %arg21[%mul3A_87, %dma_wait3A] : memref<10048x32xf32, #tpu.memory_space<vmem_shared>> -> memref<32x32xf32, #tpu.memory_space<vmem_shared>>
          %dma_wait3A_92 = arith.constant 0 : i32
          %dma_wait3A_93 = tpu.memref_slice %arg21[%mul3A_87, %dma_wait3A_92] : memref<10048x32xf32, #tpu.memory_space<vmem_shared>> -> memref<32x32xf32, #tpu.memory_space<vmem_shared>>
          tpu.wait_dma2 semaphore(%run_scoped3A : memref<!tpu.dma_semaphore, #tpu.memory_space<semaphore_mem>>) src(%arg20 : memref<32x32xf32, #tpu.memory_space<vmem>>) dst(%dma_wait3A_93 : memref<32x32xf32, #tpu.memory_space<vmem_shared>>)
          tpu.yield
        }) : () -> ()
      } else {
      }
    }
    %scan3A_56 = arith.constant 20 : i32
    %barrier3A_57 = arith.constant 0 : index
    tpu.barrier barrier_id(%barrier3A_57)
    %mul3A = arith.constant 2048 : i32
    %mul3A_58 = arith.muli %arg0, %mul3A : i32
    %mul3A_59 = arith.constant 128 : i32
    %mul3A_60 = arith.muli %arg1, %mul3A_59 : i32
    %add3A = arith.addi %mul3A_58, %mul3A_60 : i32
    %scan3A_61 = arith.constant 0 : i32
    %scan3A_62 = arith.constant 0 : i32
    %scan3A_63 = arith.constant 4 : i32
    %scan3A_64 = arith.addi %scan3A_62, %scan3A_63 : i32
    %scan3A_65 = arith.constant 1 : i32
    scf.for %scan3A_78 = %scan3A_62 to %scan3A_64 step %scan3A_65  : i32 {
      %mul3A_79 = arith.constant 32 : i32
      %mul3A_80 = arith.muli %scan3A_78, %mul3A_79 : i32
      %add3A_81 = arith.addi %add3A, %mul3A_80 : i32
      "tpu.region"() ({
        %run_scoped3A = tpu.sem_alloc : memref<!tpu.dma_semaphore, #tpu.memory_space<semaphore_mem>>
        %dma_start3A = arith.constant 0 : i32
        %dma_start3A_94 = tpu.memref_slice %arg7[%add3A_81, %dma_start3A] : memref<4096x128xi32, #tpu.memory_space<hbm>> -> memref<32x128xi32, #tpu.memory_space<hbm>>
        %dma_start3A_95 = arith.constant 0 : i32
        %dma_start3A_96 = tpu.memref_slice %arg7[%add3A_81, %dma_start3A_95] : memref<4096x128xi32, #tpu.memory_space<hbm>> -> memref<32x128xi32, #tpu.memory_space<hbm>>
        tpu.enqueue_dma source(%dma_start3A_96 : memref<32x128xi32, #tpu.memory_space<hbm>>) target(%arg17 : memref<32x128xi32, #tpu.memory_space<vmem>>) target_semaphore(%run_scoped3A : memref<!tpu.dma_semaphore, #tpu.memory_space<semaphore_mem>>)
        %dma_wait3A = arith.constant 0 : i32
        %dma_wait3A_97 = tpu.memref_slice %arg7[%add3A_81, %dma_wait3A] : memref<4096x128xi32, #tpu.memory_space<hbm>> -> memref<32x128xi32, #tpu.memory_space<hbm>>
        %dma_wait3A_98 = arith.constant 0 : i32
        %dma_wait3A_99 = tpu.memref_slice %arg7[%add3A_81, %dma_wait3A_98] : memref<4096x128xi32, #tpu.memory_space<hbm>> -> memref<32x128xi32, #tpu.memory_space<hbm>>
        tpu.wait_dma2 semaphore(%run_scoped3A : memref<!tpu.dma_semaphore, #tpu.memory_space<semaphore_mem>>) src(%dma_wait3A_99 : memref<32x128xi32, #tpu.memory_space<hbm>>) dst(%arg17 : memref<32x128xi32, #tpu.memory_space<vmem>>)
        tpu.yield
      }) : () -> ()
      %scan3A_82 = arith.constant 0 : i32
      %scan3A_83 = arith.constant 0 : i32
      %scan3A_84 = arith.constant 32 : i32
      %scan3A_85 = arith.addi %scan3A_83, %scan3A_84 : i32
      %scan3A_86 = arith.constant 1 : i32
      scf.for %scan3A_94 = %scan3A_83 to %scan3A_85 step %scan3A_86  : i32 {
        %dma_start3A = arith.constant 0 : i32
        %dma_start3A_95 = tpu.memref_slice %arg17[%scan3A_94, %dma_start3A] : memref<32x128xi32, #tpu.memory_space<vmem>> -> memref<1x128xi32, #tpu.memory_space<vmem>>
        %dma_start3A_96 = tpu.memref_squeeze %dma_start3A_95 : memref<1x128xi32, #tpu.memory_space<vmem>> -> memref<128xi32, #tpu.memory_space<vmem>>
        %dma_start3A_97 = arith.constant 0 : i32
        %dma_start3A_98 = arith.constant 0 : i32
        %dma_start3A_99 = tpu.memref_slice %arg21[%dma_start3A_97, %dma_start3A_98] : memref<10048x32xf32, #tpu.memory_space<vmem_shared>> -> memref<10048x32xf32, #tpu.memory_space<vmem_shared>>
        tpu.enqueue_indirect_dma source(%arg19 : memref<128x32xf32, #tpu.memory_space<vmem>>) target(%dma_start3A_99 : memref<10048x32xf32, #tpu.memory_space<vmem_shared>>) offsets(%dma_start3A_96 : memref<128xi32, #tpu.memory_space<vmem>>) semaphore(%arg23 : memref<!tpu.dma_semaphore, #tpu.memory_space<semaphore_mem>>) {add = true}
      }
      %scan3A_87 = arith.constant 32 : i32
      %scan3A_88 = arith.constant 0 : i32
      %scan3A_89 = arith.constant 0 : i32
      %scan3A_90 = arith.constant 32 : i32
      %scan3A_91 = arith.addi %scan3A_89, %scan3A_90 : i32
      %scan3A_92 = arith.constant 1 : i32
      scf.for %scan3A_94 = %scan3A_89 to %scan3A_91 step %scan3A_92  : i32 {
        %dma_wait3A = arith.constant 0 : i32
        %dma_wait3A_95 = tpu.memref_slice %arg17[%scan3A_94, %dma_wait3A] : memref<32x128xi32, #tpu.memory_space<vmem>> -> memref<1x128xi32, #tpu.memory_space<vmem>>
        %dma_wait3A_96 = tpu.memref_squeeze %dma_wait3A_95 : memref<1x128xi32, #tpu.memory_space<vmem>> -> memref<128xi32, #tpu.memory_space<vmem>>
        %dma_wait3A_97 = arith.constant 0 : i32
        %dma_wait3A_98 = arith.constant 0 : i32
        %dma_wait3A_99 = tpu.memref_slice %arg21[%dma_wait3A_97, %dma_wait3A_98] : memref<10048x32xf32, #tpu.memory_space<vmem_shared>> -> memref<10048x32xf32, #tpu.memory_space<vmem_shared>>
        tpu.wait_indirect_dma semaphore(%arg23 : memref<!tpu.dma_semaphore, #tpu.memory_space<semaphore_mem>>) src(%arg19 : memref<128x32xf32, #tpu.memory_space<vmem>>) dst(%dma_wait3A_99 : memref<10048x32xf32, #tpu.memory_space<vmem_shared>>)
      }
      %scan3A_93 = arith.constant 32 : i32
    }
    %scan3A_66 = arith.constant 4 : i32
    %barrier3A_67 = arith.constant 0 : index
    tpu.barrier barrier_id(%barrier3A_67)
    %eq3A_68 = arith.constant 0 : i32
    %eq3A_69 = arith.cmpi eq, %arg0, %eq3A_68 : i32
    %convert_element_type3A_70 = arith.extui %eq3A_69 : i1 to i32
    %cond3A_71 = arith.constant 0 : i32
    %cond3A_72 = arith.cmpi ne, %convert_element_type3A_70, %cond3A_71 : i32
    scf.if %cond3A_72 {
      %scan3A_78 = arith.constant 0 : i32
      %scan3A_79 = arith.constant 0 : i32
      %scan3A_80 = arith.constant 20 : i32
      %scan3A_81 = arith.addi %scan3A_79, %scan3A_80 : i32
      %scan3A_82 = arith.constant 1 : i32
      scf.for %scan3A_84 = %scan3A_79 to %scan3A_81 step %scan3A_82  : i32 {
        %mul3A_85 = arith.constant 16 : i32
        %mul3A_86 = arith.muli %scan3A_84, %mul3A_85 : i32
        %add3A_87 = arith.addi %mul3A_86, %arg1 : i32
        %lt3A = arith.constant 314 : i32
        %lt3A_88 = arith.cmpi slt, %add3A_87, %lt3A : i32
        %convert_element_type3A_89 = arith.extui %lt3A_88 : i1 to i32
        %cond3A_90 = arith.constant 0 : i32
        %cond3A_91 = arith.cmpi ne, %convert_element_type3A_89, %cond3A_90 : i32
        scf.if %cond3A_91 {
          %mul3A_92 = arith.constant 32 : i32
          %mul3A_93 = arith.muli %add3A_87, %mul3A_92 : i32
          %mul3A_94 = arith.constant 32 : i32
          %mul3A_95 = arith.muli %add3A_87, %mul3A_94 : i32
          "tpu.region"() ({
            %run_scoped3A = tpu.sem_alloc : memref<!tpu.dma_semaphore, #tpu.memory_space<semaphore_mem>>
            %dma_start3A = arith.constant 0 : i32
            %dma_start3A_96 = tpu.memref_slice %arg14[%mul3A_95, %dma_start3A] : memref<10048x32xf32, #tpu.memory_space<hbm>> -> memref<32x32xf32, #tpu.memory_space<hbm>>
            %dma_start3A_97 = arith.constant 0 : i32
            %dma_start3A_98 = tpu.memref_slice %arg21[%mul3A_93, %dma_start3A_97] : memref<10048x32xf32, #tpu.memory_space<vmem_shared>> -> memref<32x32xf32, #tpu.memory_space<vmem_shared>>
            tpu.enqueue_dma source(%dma_start3A_98 : memref<32x32xf32, #tpu.memory_space<vmem_shared>>) target(%dma_start3A_96 : memref<32x32xf32, #tpu.memory_space<hbm>>) target_semaphore(%run_scoped3A : memref<!tpu.dma_semaphore, #tpu.memory_space<semaphore_mem>>)
            %dma_wait3A = arith.constant 0 : i32
            %dma_wait3A_99 = tpu.memref_slice %arg14[%mul3A_95, %dma_wait3A] : memref<10048x32xf32, #tpu.memory_space<hbm>> -> memref<32x32xf32, #tpu.memory_space<hbm>>
            %dma_wait3A_100 = arith.constant 0 : i32
            %dma_wait3A_101 = tpu.memref_slice %arg21[%mul3A_93, %dma_wait3A_100] : memref<10048x32xf32, #tpu.memory_space<vmem_shared>> -> memref<32x32xf32, #tpu.memory_space<vmem_shared>>
            tpu.wait_dma2 semaphore(%run_scoped3A : memref<!tpu.dma_semaphore, #tpu.memory_space<semaphore_mem>>) src(%dma_wait3A_101 : memref<32x32xf32, #tpu.memory_space<vmem_shared>>) dst(%dma_wait3A_99 : memref<32x32xf32, #tpu.memory_space<hbm>>)
            tpu.yield
          }) : () -> ()
        } else {
        }
      }
      %scan3A_83 = arith.constant 20 : i32
    } else {
    }
    %eq3A_73 = arith.constant 1 : i32
    %eq3A_74 = arith.cmpi eq, %arg0, %eq3A_73 : i32
    %convert_element_type3A_75 = arith.extui %eq3A_74 : i1 to i32
    %cond3A_76 = arith.constant 0 : i32
    %cond3A_77 = arith.cmpi ne, %convert_element_type3A_75, %cond3A_76 : i32
    scf.if %cond3A_77 {
      %scan3A_78 = arith.constant 0 : i32
      %scan3A_79 = arith.constant 0 : i32
      %scan3A_80 = arith.constant 20 : i32
      %scan3A_81 = arith.addi %scan3A_79, %scan3A_80 : i32
      %scan3A_82 = arith.constant 1 : i32
      scf.for %scan3A_84 = %scan3A_79 to %scan3A_81 step %scan3A_82  : i32 {
        %mul3A_85 = arith.constant 16 : i32
        %mul3A_86 = arith.muli %scan3A_84, %mul3A_85 : i32
        %add3A_87 = arith.addi %mul3A_86, %arg1 : i32
        %lt3A = arith.constant 314 : i32
        %lt3A_88 = arith.cmpi slt, %add3A_87, %lt3A : i32
        %convert_element_type3A_89 = arith.extui %lt3A_88 : i1 to i32
        %cond3A_90 = arith.constant 0 : i32
        %cond3A_91 = arith.cmpi ne, %convert_element_type3A_89, %cond3A_90 : i32
        scf.if %cond3A_91 {
          %mul3A_92 = arith.constant 32 : i32
          %mul3A_93 = arith.muli %add3A_87, %mul3A_92 : i32
          %mul3A_94 = arith.constant 32 : i32
          %mul3A_95 = arith.muli %add3A_87, %mul3A_94 : i32
          "tpu.region"() ({
            %run_scoped3A = tpu.sem_alloc : memref<!tpu.dma_semaphore, #tpu.memory_space<semaphore_mem>>
            %dma_start3A = arith.constant 0 : i32
            %dma_start3A_96 = tpu.memref_slice %arg15[%mul3A_95, %dma_start3A] : memref<10048x32xf32, #tpu.memory_space<hbm>> -> memref<32x32xf32, #tpu.memory_space<hbm>>
            %dma_start3A_97 = arith.constant 0 : i32
            %dma_start3A_98 = tpu.memref_slice %arg21[%mul3A_93, %dma_start3A_97] : memref<10048x32xf32, #tpu.memory_space<vmem_shared>> -> memref<32x32xf32, #tpu.memory_space<vmem_shared>>
            tpu.enqueue_dma source(%dma_start3A_98 : memref<32x32xf32, #tpu.memory_space<vmem_shared>>) target(%dma_start3A_96 : memref<32x32xf32, #tpu.memory_space<hbm>>) target_semaphore(%run_scoped3A : memref<!tpu.dma_semaphore, #tpu.memory_space<semaphore_mem>>)
            %dma_wait3A = arith.constant 0 : i32
            %dma_wait3A_99 = tpu.memref_slice %arg15[%mul3A_95, %dma_wait3A] : memref<10048x32xf32, #tpu.memory_space<hbm>> -> memref<32x32xf32, #tpu.memory_space<hbm>>
            %dma_wait3A_100 = arith.constant 0 : i32
            %dma_wait3A_101 = tpu.memref_slice %arg21[%mul3A_93, %dma_wait3A_100] : memref<10048x32xf32, #tpu.memory_space<vmem_shared>> -> memref<32x32xf32, #tpu.memory_space<vmem_shared>>
            tpu.wait_dma2 semaphore(%run_scoped3A : memref<!tpu.dma_semaphore, #tpu.memory_space<semaphore_mem>>) src(%dma_wait3A_101 : memref<32x32xf32, #tpu.memory_space<vmem_shared>>) dst(%dma_wait3A_99 : memref<32x32xf32, #tpu.memory_space<hbm>>)
            tpu.yield
          }) : () -> ()
        } else {
        }
      }
      %scan3A_83 = arith.constant 20 : i32
    } else {
    }
    return
  }
}

#map = affine_map<(d0, d1) -> (0, 0)>
module attributes {stable_mosaic.version = 14 : i64} {
  func.func @body(%arg0: i32, %arg1: i32, %arg2: memref<50000x32xbf16, #tpu.memory_space<hbm>>, %arg3: memref<50000x32xbf16, #tpu.memory_space<hbm>>, %arg4: memref<50000x32xbf16, #tpu.memory_space<hbm>>, %arg5: memref<50000x32xbf16, #tpu.memory_space<hbm>>, %arg6: memref<4096x128xi32, #tpu.memory_space<hbm>>, %arg7: memref<4096x128xi32, #tpu.memory_space<hbm>>, %arg8: memref<32x32xbf16, #tpu.memory_space<hbm>>, %arg9: memref<128x32xbf16, #tpu.memory_space<hbm>>, %arg10: memref<50048x32xbf16, #tpu.memory_space<hbm>>, %arg11: memref<50048x32xbf16, #tpu.memory_space<hbm>>, %arg12: memref<50048x32xbf16, #tpu.memory_space<hbm>>, %arg13: memref<50048x32xbf16, #tpu.memory_space<hbm>>, %arg14: memref<50048x32xbf16, #tpu.memory_space<hbm>>, %arg15: memref<50048x32xbf16, #tpu.memory_space<hbm>>, %arg16: memref<32x128xi32, #tpu.memory_space<vmem>>, %arg17: memref<32x128xi32, #tpu.memory_space<vmem>>, %arg18: memref<4x128x32xbf16, #tpu.memory_space<vmem>>, %arg19: memref<128x32xbf16, #tpu.memory_space<vmem>>, %arg20: memref<32x32xbf16, #tpu.memory_space<vmem>>, %arg21: memref<50048x32xbf16, #tpu.memory_space<vmem_shared>>, %arg22: memref<!tpu.dma_semaphore, #tpu.memory_space<semaphore_mem>>, %arg23: memref<!tpu.dma_semaphore, #tpu.memory_space<semaphore_mem>>) attributes {dimension_semantics = [#tpu.dimension_semantics<core_parallel>, #tpu.dimension_semantics<subcore_parallel>], iteration_bounds = array<i64: 2, 16>, scalar_prefetch = 0 : i64, scratch_operands = 8 : i64, tpu.core_type = #tpu.core_type<sc_vector_subcore>, window_params = [{transform_indices = #map}, {transform_indices = #map}, {transform_indices = #map}, {transform_indices = #map}, {transform_indices = #map}, {transform_indices = #map}, {transform_indices = #map}, {transform_indices = #map}, {transform_indices = #map}, {transform_indices = #map}, {transform_indices = #map}, {transform_indices = #map}, {transform_indices = #map}, {transform_indices = #map}]} {
    "tpu.region"() ({
      %run_scoped3A = tpu.sem_alloc : memref<!tpu.dma_semaphore, #tpu.memory_space<semaphore_mem>>
      tpu.enqueue_dma source(%arg8 : memref<32x32xbf16, #tpu.memory_space<hbm>>) target(%arg20 : memref<32x32xbf16, #tpu.memory_space<vmem>>) target_semaphore(%run_scoped3A : memref<!tpu.dma_semaphore, #tpu.memory_space<semaphore_mem>>)
      tpu.wait_dma2 semaphore(%run_scoped3A : memref<!tpu.dma_semaphore, #tpu.memory_space<semaphore_mem>>) src(%arg8 : memref<32x32xbf16, #tpu.memory_space<hbm>>) dst(%arg20 : memref<32x32xbf16, #tpu.memory_space<vmem>>)
      tpu.yield
    }) : () -> ()
    "tpu.region"() ({
      %run_scoped3A = tpu.sem_alloc : memref<!tpu.dma_semaphore, #tpu.memory_space<semaphore_mem>>
      tpu.enqueue_dma source(%arg9 : memref<128x32xbf16, #tpu.memory_space<hbm>>) target(%arg19 : memref<128x32xbf16, #tpu.memory_space<vmem>>) target_semaphore(%run_scoped3A : memref<!tpu.dma_semaphore, #tpu.memory_space<semaphore_mem>>)
      tpu.wait_dma2 semaphore(%run_scoped3A : memref<!tpu.dma_semaphore, #tpu.memory_space<semaphore_mem>>) src(%arg9 : memref<128x32xbf16, #tpu.memory_space<hbm>>) dst(%arg19 : memref<128x32xbf16, #tpu.memory_space<vmem>>)
      tpu.yield
    }) : () -> ()
    %eq3A = arith.constant 0 : i32
    %eq3A_0 = arith.cmpi eq, %arg0, %eq3A : i32
    %convert_element_type3A = arith.extui %eq3A_0 : i1 to i32
    %cond3A = arith.constant 0 : i32
    %cond3A_1 = arith.cmpi ne, %convert_element_type3A, %cond3A : i32
    scf.if %cond3A_1 {
      %scan3A_78 = arith.constant 0 : i32
      %scan3A_79 = arith.constant 0 : i32
      %scan3A_80 = arith.constant 98 : i32
      %scan3A_81 = arith.addi %scan3A_79, %scan3A_80 : i32
      %scan3A_82 = arith.constant 1 : i32
      scf.for %scan3A_84 = %scan3A_79 to %scan3A_81 step %scan3A_82  : i32 {
        %mul3A_85 = arith.constant 16 : i32
        %mul3A_86 = arith.muli %scan3A_84, %mul3A_85 : i32
        %add3A_87 = arith.addi %mul3A_86, %arg1 : i32
        %lt3A = arith.constant 1564 : i32
        %lt3A_88 = arith.cmpi slt, %add3A_87, %lt3A : i32
        %convert_element_type3A_89 = arith.extui %lt3A_88 : i1 to i32
        %cond3A_90 = arith.constant 0 : i32
        %cond3A_91 = arith.cmpi ne, %convert_element_type3A_89, %cond3A_90 : i32
        scf.if %cond3A_91 {
          %mul3A_92 = arith.constant 32 : i32
          %mul3A_93 = arith.muli %add3A_87, %mul3A_92 : i32
          "tpu.region"() ({
            %run_scoped3A = tpu.sem_alloc : memref<!tpu.dma_semaphore, #tpu.memory_space<semaphore_mem>>
            %dma_start3A = arith.constant 0 : i32
            %dma_start3A_94 = tpu.memref_slice %arg21[%mul3A_93, %dma_start3A] : memref<50048x32xbf16, #tpu.memory_space<vmem_shared>> -> memref<32x32xbf16, #tpu.memory_space<vmem_shared>>
            %dma_start3A_95 = arith.constant 0 : i32
            %dma_start3A_96 = tpu.memref_slice %arg21[%mul3A_93, %dma_start3A_95] : memref<50048x32xbf16, #tpu.memory_space<vmem_shared>> -> memref<32x32xbf16, #tpu.memory_space<vmem_shared>>
            tpu.enqueue_dma source(%arg20 : memref<32x32xbf16, #tpu.memory_space<vmem>>) target(%dma_start3A_96 : memref<32x32xbf16, #tpu.memory_space<vmem_shared>>) target_semaphore(%run_scoped3A : memref<!tpu.dma_semaphore, #tpu.memory_space<semaphore_mem>>)
            %dma_wait3A = arith.constant 0 : i32
            %dma_wait3A_97 = tpu.memref_slice %arg21[%mul3A_93, %dma_wait3A] : memref<50048x32xbf16, #tpu.memory_space<vmem_shared>> -> memref<32x32xbf16, #tpu.memory_space<vmem_shared>>
            %dma_wait3A_98 = arith.constant 0 : i32
            %dma_wait3A_99 = tpu.memref_slice %arg21[%mul3A_93, %dma_wait3A_98] : memref<50048x32xbf16, #tpu.memory_space<vmem_shared>> -> memref<32x32xbf16, #tpu.memory_space<vmem_shared>>
            tpu.wait_dma2 semaphore(%run_scoped3A : memref<!tpu.dma_semaphore, #tpu.memory_space<semaphore_mem>>) src(%arg20 : memref<32x32xbf16, #tpu.memory_space<vmem>>) dst(%dma_wait3A_99 : memref<32x32xbf16, #tpu.memory_space<vmem_shared>>)
            tpu.yield
          }) : () -> ()
        } else {
        }
      }
      %scan3A_83 = arith.constant 98 : i32
    } else {
    }
    %barrier3A = arith.constant 0 : index
    tpu.barrier barrier_id(%barrier3A)
    %convert_element_type3A_2 = arith.extui %eq3A_0 : i1 to i32
    %cond3A_3 = arith.constant 0 : i32
    %cond3A_4 = arith.cmpi ne, %convert_element_type3A_2, %cond3A_3 : i32
    scf.if %cond3A_4 {
      %mul3A_78 = arith.constant 256 : i32
      %mul3A_79 = arith.muli %arg1, %mul3A_78 : i32
      %scan3A_80 = arith.constant 0 : i32
      %scan3A_81 = arith.constant 0 : i32
      %scan3A_82 = arith.constant 8 : i32
      %scan3A_83 = arith.addi %scan3A_81, %scan3A_82 : i32
      %scan3A_84 = arith.constant 1 : i32
      scf.for %scan3A_86 = %scan3A_81 to %scan3A_83 step %scan3A_84  : i32 {
        %mul3A_87 = arith.constant 32 : i32
        %mul3A_88 = arith.muli %scan3A_86, %mul3A_87 : i32
        %add3A_89 = arith.addi %mul3A_79, %mul3A_88 : i32
        "tpu.region"() ({
          %run_scoped3A = tpu.sem_alloc : memref<!tpu.dma_semaphore, #tpu.memory_space<semaphore_mem>>
          %dma_start3A_142 = arith.constant 0 : i32
          %dma_start3A_143 = tpu.memref_slice %arg6[%add3A_89, %dma_start3A_142] : memref<4096x128xi32, #tpu.memory_space<hbm>> -> memref<32x128xi32, #tpu.memory_space<hbm>>
          %dma_start3A_144 = arith.constant 0 : i32
          %dma_start3A_145 = tpu.memref_slice %arg6[%add3A_89, %dma_start3A_144] : memref<4096x128xi32, #tpu.memory_space<hbm>> -> memref<32x128xi32, #tpu.memory_space<hbm>>
          tpu.enqueue_dma source(%dma_start3A_145 : memref<32x128xi32, #tpu.memory_space<hbm>>) target(%arg16 : memref<32x128xi32, #tpu.memory_space<vmem>>) target_semaphore(%run_scoped3A : memref<!tpu.dma_semaphore, #tpu.memory_space<semaphore_mem>>)
          %dma_wait3A_146 = arith.constant 0 : i32
          %dma_wait3A_147 = tpu.memref_slice %arg6[%add3A_89, %dma_wait3A_146] : memref<4096x128xi32, #tpu.memory_space<hbm>> -> memref<32x128xi32, #tpu.memory_space<hbm>>
          %dma_wait3A_148 = arith.constant 0 : i32
          %dma_wait3A_149 = tpu.memref_slice %arg6[%add3A_89, %dma_wait3A_148] : memref<4096x128xi32, #tpu.memory_space<hbm>> -> memref<32x128xi32, #tpu.memory_space<hbm>>
          tpu.wait_dma2 semaphore(%run_scoped3A : memref<!tpu.dma_semaphore, #tpu.memory_space<semaphore_mem>>) src(%dma_wait3A_149 : memref<32x128xi32, #tpu.memory_space<hbm>>) dst(%arg16 : memref<32x128xi32, #tpu.memory_space<vmem>>)
          tpu.yield
        }) : () -> ()
        "tpu.region"() ({
          %run_scoped3A = tpu.sem_alloc : memref<!tpu.dma_semaphore, #tpu.memory_space<semaphore_mem>>
          %dma_start3A_142 = arith.constant 0 : i32
          %dma_start3A_143 = tpu.memref_slice %arg7[%add3A_89, %dma_start3A_142] : memref<4096x128xi32, #tpu.memory_space<hbm>> -> memref<32x128xi32, #tpu.memory_space<hbm>>
          %dma_start3A_144 = arith.constant 0 : i32
          %dma_start3A_145 = tpu.memref_slice %arg7[%add3A_89, %dma_start3A_144] : memref<4096x128xi32, #tpu.memory_space<hbm>> -> memref<32x128xi32, #tpu.memory_space<hbm>>
          tpu.enqueue_dma source(%dma_start3A_145 : memref<32x128xi32, #tpu.memory_space<hbm>>) target(%arg17 : memref<32x128xi32, #tpu.memory_space<vmem>>) target_semaphore(%run_scoped3A : memref<!tpu.dma_semaphore, #tpu.memory_space<semaphore_mem>>)
          %dma_wait3A_146 = arith.constant 0 : i32
          %dma_wait3A_147 = tpu.memref_slice %arg7[%add3A_89, %dma_wait3A_146] : memref<4096x128xi32, #tpu.memory_space<hbm>> -> memref<32x128xi32, #tpu.memory_space<hbm>>
          %dma_wait3A_148 = arith.constant 0 : i32
          %dma_wait3A_149 = tpu.memref_slice %arg7[%add3A_89, %dma_wait3A_148] : memref<4096x128xi32, #tpu.memory_space<hbm>> -> memref<32x128xi32, #tpu.memory_space<hbm>>
          tpu.wait_dma2 semaphore(%run_scoped3A : memref<!tpu.dma_semaphore, #tpu.memory_space<semaphore_mem>>) src(%dma_wait3A_149 : memref<32x128xi32, #tpu.memory_space<hbm>>) dst(%arg17 : memref<32x128xi32, #tpu.memory_space<vmem>>)
          tpu.yield
        }) : () -> ()
        %dma_start3A = arith.constant 0 : i32
        %dma_start3A_90 = arith.constant 0 : i32
        %dma_start3A_91 = arith.constant 0 : i32
        %dma_start3A_92 = arith.constant 0 : i32
        %dma_start3A_93 = tpu.memref_slice %arg18[%dma_start3A_90, %dma_start3A_91, %dma_start3A_92] : memref<4x128x32xbf16, #tpu.memory_space<vmem>> -> memref<1x128x32xbf16, #tpu.memory_space<vmem>>
        %dma_start3A_94 = tpu.memref_squeeze %dma_start3A_93 : memref<1x128x32xbf16, #tpu.memory_space<vmem>> -> memref<128x32xbf16, #tpu.memory_space<vmem>>
        %dma_start3A_95 = arith.constant 0 : i32
        %dma_start3A_96 = tpu.memref_slice %arg16[%dma_start3A, %dma_start3A_95] : memref<32x128xi32, #tpu.memory_space<vmem>> -> memref<1x128xi32, #tpu.memory_space<vmem>>
        %dma_start3A_97 = tpu.memref_squeeze %dma_start3A_96 : memref<1x128xi32, #tpu.memory_space<vmem>> -> memref<128xi32, #tpu.memory_space<vmem>>
        %dma_start3A_98 = arith.constant 0 : i32
        %dma_start3A_99 = arith.constant 0 : i32
        %dma_start3A_100 = tpu.memref_slice %arg2[%dma_start3A_98, %dma_start3A_99] : memref<50000x32xbf16, #tpu.memory_space<hbm>> -> memref<50000x32xbf16, #tpu.memory_space<hbm>>
        tpu.enqueue_indirect_dma source(%dma_start3A_100 : memref<50000x32xbf16, #tpu.memory_space<hbm>>) target(%dma_start3A_94 : memref<128x32xbf16, #tpu.memory_space<vmem>>) offsets(%dma_start3A_97 : memref<128xi32, #tpu.memory_space<vmem>>) semaphore(%arg22 : memref<!tpu.dma_semaphore, #tpu.memory_space<semaphore_mem>>)
        %dma_start3A_101 = arith.constant 1 : i32
        %dma_start3A_102 = arith.constant 1 : i32
        %dma_start3A_103 = arith.constant 0 : i32
        %dma_start3A_104 = arith.constant 0 : i32
        %dma_start3A_105 = tpu.memref_slice %arg18[%dma_start3A_102, %dma_start3A_103, %dma_start3A_104] : memref<4x128x32xbf16, #tpu.memory_space<vmem>> -> memref<1x128x32xbf16, #tpu.memory_space<vmem>>
        %dma_start3A_106 = tpu.memref_squeeze %dma_start3A_105 : memref<1x128x32xbf16, #tpu.memory_space<vmem>> -> memref<128x32xbf16, #tpu.memory_space<vmem>>
        %dma_start3A_107 = arith.constant 0 : i32
        %dma_start3A_108 = tpu.memref_slice %arg16[%dma_start3A_101, %dma_start3A_107] : memref<32x128xi32, #tpu.memory_space<vmem>> -> memref<1x128xi32, #tpu.memory_space<vmem>>
        %dma_start3A_109 = tpu.memref_squeeze %dma_start3A_108 : memref<1x128xi32, #tpu.memory_space<vmem>> -> memref<128xi32, #tpu.memory_space<vmem>>
        %dma_start3A_110 = arith.constant 0 : i32
        %dma_start3A_111 = arith.constant 0 : i32
        %dma_start3A_112 = tpu.memref_slice %arg2[%dma_start3A_110, %dma_start3A_111] : memref<50000x32xbf16, #tpu.memory_space<hbm>> -> memref<50000x32xbf16, #tpu.memory_space<hbm>>
        tpu.enqueue_indirect_dma source(%dma_start3A_112 : memref<50000x32xbf16, #tpu.memory_space<hbm>>) target(%dma_start3A_106 : memref<128x32xbf16, #tpu.memory_space<vmem>>) offsets(%dma_start3A_109 : memref<128xi32, #tpu.memory_space<vmem>>) semaphore(%arg22 : memref<!tpu.dma_semaphore, #tpu.memory_space<semaphore_mem>>)
        %dma_start3A_113 = arith.constant 2 : i32
        %dma_start3A_114 = arith.constant 2 : i32
        %dma_start3A_115 = arith.constant 0 : i32
        %dma_start3A_116 = arith.constant 0 : i32
        %dma_start3A_117 = tpu.memref_slice %arg18[%dma_start3A_114, %dma_start3A_115, %dma_start3A_116] : memref<4x128x32xbf16, #tpu.memory_space<vmem>> -> memref<1x128x32xbf16, #tpu.memory_space<vmem>>
        %dma_start3A_118 = tpu.memref_squeeze %dma_start3A_117 : memref<1x128x32xbf16, #tpu.memory_space<vmem>> -> memref<128x32xbf16, #tpu.memory_space<vmem>>
        %dma_start3A_119 = arith.constant 0 : i32
        %dma_start3A_120 = tpu.memref_slice %arg16[%dma_start3A_113, %dma_start3A_119] : memref<32x128xi32, #tpu.memory_space<vmem>> -> memref<1x128xi32, #tpu.memory_space<vmem>>
        %dma_start3A_121 = tpu.memref_squeeze %dma_start3A_120 : memref<1x128xi32, #tpu.memory_space<vmem>> -> memref<128xi32, #tpu.memory_space<vmem>>
        %dma_start3A_122 = arith.constant 0 : i32
        %dma_start3A_123 = arith.constant 0 : i32
        %dma_start3A_124 = tpu.memref_slice %arg2[%dma_start3A_122, %dma_start3A_123] : memref<50000x32xbf16, #tpu.memory_space<hbm>> -> memref<50000x32xbf16, #tpu.memory_space<hbm>>
        tpu.enqueue_indirect_dma source(%dma_start3A_124 : memref<50000x32xbf16, #tpu.memory_space<hbm>>) target(%dma_start3A_118 : memref<128x32xbf16, #tpu.memory_space<vmem>>) offsets(%dma_start3A_121 : memref<128xi32, #tpu.memory_space<vmem>>) semaphore(%arg22 : memref<!tpu.dma_semaphore, #tpu.memory_space<semaphore_mem>>)
        %scan3A_125 = arith.constant 0 : i32
        %scan3A_126 = arith.constant 0 : i32
        %scan3A_127 = arith.constant 32 : i32
        %scan3A_128 = arith.addi %scan3A_126, %scan3A_127 : i32
        %scan3A_129 = arith.constant 1 : i32
        scf.for %scan3A_142 = %scan3A_126 to %scan3A_128 step %scan3A_129  : i32 {
          %and3A = arith.constant 3 : i32
          %and3A_143 = arith.andi %scan3A_142, %and3A : i32
          %gt3A = arith.constant 0 : i32
          %gt3A_144 = arith.cmpi sgt, %scan3A_142, %gt3A : i32
          %convert_element_type3A_145 = arith.extui %gt3A_144 : i1 to i32
          %cond3A_146 = arith.constant 0 : i32
          %cond3A_147 = arith.cmpi ne, %convert_element_type3A_145, %cond3A_146 : i32
          scf.if %cond3A_147 {
            %sub3A_175 = arith.constant 1 : i32
            %sub3A_176 = arith.subi %scan3A_142, %sub3A_175 : i32
            %sub3A_177 = arith.constant 1 : i32
            %sub3A_178 = arith.subi %scan3A_142, %sub3A_177 : i32
            %and3A_179 = arith.constant 3 : i32
            %and3A_180 = arith.andi %sub3A_178, %and3A_179 : i32
            %dma_wait3A_181 = arith.constant 0 : i32
            %dma_wait3A_182 = arith.constant 0 : i32
            %dma_wait3A_183 = tpu.memref_slice %arg18[%and3A_180, %dma_wait3A_181, %dma_wait3A_182] : memref<4x128x32xbf16, #tpu.memory_space<vmem>> -> memref<1x128x32xbf16, #tpu.memory_space<vmem>>
            %dma_wait3A_184 = tpu.memref_squeeze %dma_wait3A_183 : memref<1x128x32xbf16, #tpu.memory_space<vmem>> -> memref<128x32xbf16, #tpu.memory_space<vmem>>
            %dma_wait3A_185 = arith.constant 0 : i32
            %dma_wait3A_186 = tpu.memref_slice %arg17[%sub3A_176, %dma_wait3A_185] : memref<32x128xi32, #tpu.memory_space<vmem>> -> memref<1x128xi32, #tpu.memory_space<vmem>>
            %dma_wait3A_187 = tpu.memref_squeeze %dma_wait3A_186 : memref<1x128xi32, #tpu.memory_space<vmem>> -> memref<128xi32, #tpu.memory_space<vmem>>
            %dma_wait3A_188 = arith.constant 0 : i32
            %dma_wait3A_189 = arith.constant 0 : i32
            %dma_wait3A_190 = tpu.memref_slice %arg21[%dma_wait3A_188, %dma_wait3A_189] : memref<50048x32xbf16, #tpu.memory_space<vmem_shared>> -> memref<50048x32xbf16, #tpu.memory_space<vmem_shared>>
            tpu.wait_indirect_dma semaphore(%arg23 : memref<!tpu.dma_semaphore, #tpu.memory_space<semaphore_mem>>) src(%dma_wait3A_184 : memref<128x32xbf16, #tpu.memory_space<vmem>>) dst(%dma_wait3A_190 : memref<50048x32xbf16, #tpu.memory_space<vmem_shared>>)
          } else {
          }
          %add3A_148 = arith.constant 4 : i32
          %add3A_149 = arith.addi %scan3A_142, %add3A_148 : i32
          %sub3A = arith.constant 1 : i32
          %sub3A_150 = arith.subi %add3A_149, %sub3A : i32
          %lt3A = arith.constant 32 : i32
          %lt3A_151 = arith.cmpi slt, %sub3A_150, %lt3A : i32
          %convert_element_type3A_152 = arith.extui %lt3A_151 : i1 to i32
          %cond3A_153 = arith.constant 0 : i32
          %cond3A_154 = arith.cmpi ne, %convert_element_type3A_152, %cond3A_153 : i32
          scf.if %cond3A_154 {
            %add3A_175 = arith.constant 4 : i32
            %add3A_176 = arith.addi %scan3A_142, %add3A_175 : i32
            %sub3A_177 = arith.constant 1 : i32
            %sub3A_178 = arith.subi %add3A_176, %sub3A_177 : i32
            %add3A_179 = arith.constant 4 : i32
            %add3A_180 = arith.addi %scan3A_142, %add3A_179 : i32
            %sub3A_181 = arith.constant 1 : i32
            %sub3A_182 = arith.subi %add3A_180, %sub3A_181 : i32
            %and3A_183 = arith.constant 3 : i32
            %and3A_184 = arith.andi %sub3A_182, %and3A_183 : i32
            %dma_start3A_185 = arith.constant 0 : i32
            %dma_start3A_186 = arith.constant 0 : i32
            %dma_start3A_187 = tpu.memref_slice %arg18[%and3A_184, %dma_start3A_185, %dma_start3A_186] : memref<4x128x32xbf16, #tpu.memory_space<vmem>> -> memref<1x128x32xbf16, #tpu.memory_space<vmem>>
            %dma_start3A_188 = tpu.memref_squeeze %dma_start3A_187 : memref<1x128x32xbf16, #tpu.memory_space<vmem>> -> memref<128x32xbf16, #tpu.memory_space<vmem>>
            %dma_start3A_189 = arith.constant 0 : i32
            %dma_start3A_190 = tpu.memref_slice %arg16[%sub3A_178, %dma_start3A_189] : memref<32x128xi32, #tpu.memory_space<vmem>> -> memref<1x128xi32, #tpu.memory_space<vmem>>
            %dma_start3A_191 = tpu.memref_squeeze %dma_start3A_190 : memref<1x128xi32, #tpu.memory_space<vmem>> -> memref<128xi32, #tpu.memory_space<vmem>>
            %dma_start3A_192 = arith.constant 0 : i32
            %dma_start3A_193 = arith.constant 0 : i32
            %dma_start3A_194 = tpu.memref_slice %arg2[%dma_start3A_192, %dma_start3A_193] : memref<50000x32xbf16, #tpu.memory_space<hbm>> -> memref<50000x32xbf16, #tpu.memory_space<hbm>>
            tpu.enqueue_indirect_dma source(%dma_start3A_194 : memref<50000x32xbf16, #tpu.memory_space<hbm>>) target(%dma_start3A_188 : memref<128x32xbf16, #tpu.memory_space<vmem>>) offsets(%dma_start3A_191 : memref<128xi32, #tpu.memory_space<vmem>>) semaphore(%arg22 : memref<!tpu.dma_semaphore, #tpu.memory_space<semaphore_mem>>)
          } else {
          }
          %dma_wait3A_155 = arith.constant 0 : i32
          %dma_wait3A_156 = arith.constant 0 : i32
          %dma_wait3A_157 = tpu.memref_slice %arg18[%and3A_143, %dma_wait3A_155, %dma_wait3A_156] : memref<4x128x32xbf16, #tpu.memory_space<vmem>> -> memref<1x128x32xbf16, #tpu.memory_space<vmem>>
          %dma_wait3A_158 = tpu.memref_squeeze %dma_wait3A_157 : memref<1x128x32xbf16, #tpu.memory_space<vmem>> -> memref<128x32xbf16, #tpu.memory_space<vmem>>
          %dma_wait3A_159 = arith.constant 0 : i32
          %dma_wait3A_160 = tpu.memref_slice %arg16[%scan3A_142, %dma_wait3A_159] : memref<32x128xi32, #tpu.memory_space<vmem>> -> memref<1x128xi32, #tpu.memory_space<vmem>>
          %dma_wait3A_161 = tpu.memref_squeeze %dma_wait3A_160 : memref<1x128xi32, #tpu.memory_space<vmem>> -> memref<128xi32, #tpu.memory_space<vmem>>
          %dma_wait3A_162 = arith.constant 0 : i32
          %dma_wait3A_163 = arith.constant 0 : i32
          %dma_wait3A_164 = tpu.memref_slice %arg2[%dma_wait3A_162, %dma_wait3A_163] : memref<50000x32xbf16, #tpu.memory_space<hbm>> -> memref<50000x32xbf16, #tpu.memory_space<hbm>>
          tpu.wait_indirect_dma semaphore(%arg22 : memref<!tpu.dma_semaphore, #tpu.memory_space<semaphore_mem>>) src(%dma_wait3A_164 : memref<50000x32xbf16, #tpu.memory_space<hbm>>) dst(%dma_wait3A_158 : memref<128x32xbf16, #tpu.memory_space<vmem>>)
          %dma_start3A_165 = arith.constant 0 : i32
          %dma_start3A_166 = arith.constant 0 : i32
          %dma_start3A_167 = tpu.memref_slice %arg18[%and3A_143, %dma_start3A_165, %dma_start3A_166] : memref<4x128x32xbf16, #tpu.memory_space<vmem>> -> memref<1x128x32xbf16, #tpu.memory_space<vmem>>
          %dma_start3A_168 = tpu.memref_squeeze %dma_start3A_167 : memref<1x128x32xbf16, #tpu.memory_space<vmem>> -> memref<128x32xbf16, #tpu.memory_space<vmem>>
          %dma_start3A_169 = arith.constant 0 : i32
          %dma_start3A_170 = tpu.memref_slice %arg17[%scan3A_142, %dma_start3A_169] : memref<32x128xi32, #tpu.memory_space<vmem>> -> memref<1x128xi32, #tpu.memory_space<vmem>>
          %dma_start3A_171 = tpu.memref_squeeze %dma_start3A_170 : memref<1x128xi32, #tpu.memory_space<vmem>> -> memref<128xi32, #tpu.memory_space<vmem>>
          %dma_start3A_172 = arith.constant 0 : i32
          %dma_start3A_173 = arith.constant 0 : i32
          %dma_start3A_174 = tpu.memref_slice %arg21[%dma_start3A_172, %dma_start3A_173] : memref<50048x32xbf16, #tpu.memory_space<vmem_shared>> -> memref<50048x32xbf16, #tpu.memory_space<vmem_shared>>
          tpu.enqueue_indirect_dma source(%dma_start3A_168 : memref<128x32xbf16, #tpu.memory_space<vmem>>) target(%dma_start3A_174 : memref<50048x32xbf16, #tpu.memory_space<vmem_shared>>) offsets(%dma_start3A_171 : memref<128xi32, #tpu.memory_space<vmem>>) semaphore(%arg23 : memref<!tpu.dma_semaphore, #tpu.memory_space<semaphore_mem>>) {add = true}
        }
        %scan3A_130 = arith.constant 32 : i32
        %dma_wait3A = arith.constant 3 : i32
        %dma_wait3A_131 = arith.constant 31 : i32
        %dma_wait3A_132 = arith.constant 0 : i32
        %dma_wait3A_133 = arith.constant 0 : i32
        %dma_wait3A_134 = tpu.memref_slice %arg18[%dma_wait3A, %dma_wait3A_132, %dma_wait3A_133] : memref<4x128x32xbf16, #tpu.memory_space<vmem>> -> memref<1x128x32xbf16, #tpu.memory_space<vmem>>
        %dma_wait3A_135 = tpu.memref_squeeze %dma_wait3A_134 : memref<1x128x32xbf16, #tpu.memory_space<vmem>> -> memref<128x32xbf16, #tpu.memory_space<vmem>>
        %dma_wait3A_136 = arith.constant 0 : i32
        %dma_wait3A_137 = tpu.memref_slice %arg17[%dma_wait3A_131, %dma_wait3A_136] : memref<32x128xi32, #tpu.memory_space<vmem>> -> memref<1x128xi32, #tpu.memory_space<vmem>>
        %dma_wait3A_138 = tpu.memref_squeeze %dma_wait3A_137 : memref<1x128xi32, #tpu.memory_space<vmem>> -> memref<128xi32, #tpu.memory_space<vmem>>
        %dma_wait3A_139 = arith.constant 0 : i32
        %dma_wait3A_140 = arith.constant 0 : i32
        %dma_wait3A_141 = tpu.memref_slice %arg21[%dma_wait3A_139, %dma_wait3A_140] : memref<50048x32xbf16, #tpu.memory_space<vmem_shared>> -> memref<50048x32xbf16, #tpu.memory_space<vmem_shared>>
        tpu.wait_indirect_dma semaphore(%arg23 : memref<!tpu.dma_semaphore, #tpu.memory_space<semaphore_mem>>) src(%dma_wait3A_135 : memref<128x32xbf16, #tpu.memory_space<vmem>>) dst(%dma_wait3A_141 : memref<50048x32xbf16, #tpu.memory_space<vmem_shared>>)
      }
      %scan3A_85 = arith.constant 8 : i32
    } else {
    }
    %barrier3A_5 = arith.constant 0 : index
    tpu.barrier barrier_id(%barrier3A_5)
    %convert_element_type3A_6 = arith.extui %eq3A_0 : i1 to i32
    %cond3A_7 = arith.constant 0 : i32
    %cond3A_8 = arith.cmpi ne, %convert_element_type3A_6, %cond3A_7 : i32
    scf.if %cond3A_8 {
      %scan3A_78 = arith.constant 0 : i32
      %scan3A_79 = arith.constant 0 : i32
      %scan3A_80 = arith.constant 98 : i32
      %scan3A_81 = arith.addi %scan3A_79, %scan3A_80 : i32
      %scan3A_82 = arith.constant 1 : i32
      scf.for %scan3A_84 = %scan3A_79 to %scan3A_81 step %scan3A_82  : i32 {
        %mul3A_85 = arith.constant 16 : i32
        %mul3A_86 = arith.muli %scan3A_84, %mul3A_85 : i32
        %add3A_87 = arith.addi %mul3A_86, %arg1 : i32
        %lt3A = arith.constant 1564 : i32
        %lt3A_88 = arith.cmpi slt, %add3A_87, %lt3A : i32
        %convert_element_type3A_89 = arith.extui %lt3A_88 : i1 to i32
        %cond3A_90 = arith.constant 0 : i32
        %cond3A_91 = arith.cmpi ne, %convert_element_type3A_89, %cond3A_90 : i32
        scf.if %cond3A_91 {
          %mul3A_92 = arith.constant 32 : i32
          %mul3A_93 = arith.muli %add3A_87, %mul3A_92 : i32
          %mul3A_94 = arith.constant 32 : i32
          %mul3A_95 = arith.muli %add3A_87, %mul3A_94 : i32
          "tpu.region"() ({
            %run_scoped3A = tpu.sem_alloc : memref<!tpu.dma_semaphore, #tpu.memory_space<semaphore_mem>>
            %dma_start3A = arith.constant 0 : i32
            %dma_start3A_96 = tpu.memref_slice %arg10[%mul3A_95, %dma_start3A] : memref<50048x32xbf16, #tpu.memory_space<hbm>> -> memref<32x32xbf16, #tpu.memory_space<hbm>>
            %dma_start3A_97 = arith.constant 0 : i32
            %dma_start3A_98 = tpu.memref_slice %arg21[%mul3A_93, %dma_start3A_97] : memref<50048x32xbf16, #tpu.memory_space<vmem_shared>> -> memref<32x32xbf16, #tpu.memory_space<vmem_shared>>
            tpu.enqueue_dma source(%dma_start3A_98 : memref<32x32xbf16, #tpu.memory_space<vmem_shared>>) target(%dma_start3A_96 : memref<32x32xbf16, #tpu.memory_space<hbm>>) target_semaphore(%run_scoped3A : memref<!tpu.dma_semaphore, #tpu.memory_space<semaphore_mem>>)
            %dma_wait3A = arith.constant 0 : i32
            %dma_wait3A_99 = tpu.memref_slice %arg10[%mul3A_95, %dma_wait3A] : memref<50048x32xbf16, #tpu.memory_space<hbm>> -> memref<32x32xbf16, #tpu.memory_space<hbm>>
            %dma_wait3A_100 = arith.constant 0 : i32
            %dma_wait3A_101 = tpu.memref_slice %arg21[%mul3A_93, %dma_wait3A_100] : memref<50048x32xbf16, #tpu.memory_space<vmem_shared>> -> memref<32x32xbf16, #tpu.memory_space<vmem_shared>>
            tpu.wait_dma2 semaphore(%run_scoped3A : memref<!tpu.dma_semaphore, #tpu.memory_space<semaphore_mem>>) src(%dma_wait3A_101 : memref<32x32xbf16, #tpu.memory_space<vmem_shared>>) dst(%dma_wait3A_99 : memref<32x32xbf16, #tpu.memory_space<hbm>>)
            tpu.yield
          }) : () -> ()
        } else {
        }
      }
      %scan3A_83 = arith.constant 98 : i32
    } else {
    }
    %barrier3A_9 = arith.constant 0 : index
    tpu.barrier barrier_id(%barrier3A_9)
    %eq3A_10 = arith.constant 0 : i32
    %eq3A_11 = arith.cmpi eq, %arg0, %eq3A_10 : i32
    %convert_element_type3A_12 = arith.extui %eq3A_11 : i1 to i32
    %cond3A_13 = arith.constant 0 : i32
    %cond3A_14 = arith.cmpi ne, %convert_element_type3A_12, %cond3A_13 : i32
    scf.if %cond3A_14 {
      %scan3A_78 = arith.constant 0 : i32
      %scan3A_79 = arith.constant 0 : i32
      %scan3A_80 = arith.constant 98 : i32
      %scan3A_81 = arith.addi %scan3A_79, %scan3A_80 : i32
      %scan3A_82 = arith.constant 1 : i32
      scf.for %scan3A_84 = %scan3A_79 to %scan3A_81 step %scan3A_82  : i32 {
        %mul3A_85 = arith.constant 16 : i32
        %mul3A_86 = arith.muli %scan3A_84, %mul3A_85 : i32
        %add3A_87 = arith.addi %mul3A_86, %arg1 : i32
        %lt3A = arith.constant 1564 : i32
        %lt3A_88 = arith.cmpi slt, %add3A_87, %lt3A : i32
        %convert_element_type3A_89 = arith.extui %lt3A_88 : i1 to i32
        %cond3A_90 = arith.constant 0 : i32
        %cond3A_91 = arith.cmpi ne, %convert_element_type3A_89, %cond3A_90 : i32
        scf.if %cond3A_91 {
          %mul3A_92 = arith.constant 32 : i32
          %mul3A_93 = arith.muli %add3A_87, %mul3A_92 : i32
          "tpu.region"() ({
            %run_scoped3A = tpu.sem_alloc : memref<!tpu.dma_semaphore, #tpu.memory_space<semaphore_mem>>
            %dma_start3A = arith.constant 0 : i32
            %dma_start3A_94 = tpu.memref_slice %arg21[%mul3A_93, %dma_start3A] : memref<50048x32xbf16, #tpu.memory_space<vmem_shared>> -> memref<32x32xbf16, #tpu.memory_space<vmem_shared>>
            %dma_start3A_95 = arith.constant 0 : i32
            %dma_start3A_96 = tpu.memref_slice %arg21[%mul3A_93, %dma_start3A_95] : memref<50048x32xbf16, #tpu.memory_space<vmem_shared>> -> memref<32x32xbf16, #tpu.memory_space<vmem_shared>>
            tpu.enqueue_dma source(%arg20 : memref<32x32xbf16, #tpu.memory_space<vmem>>) target(%dma_start3A_96 : memref<32x32xbf16, #tpu.memory_space<vmem_shared>>) target_semaphore(%run_scoped3A : memref<!tpu.dma_semaphore, #tpu.memory_space<semaphore_mem>>)
            %dma_wait3A = arith.constant 0 : i32
            %dma_wait3A_97 = tpu.memref_slice %arg21[%mul3A_93, %dma_wait3A] : memref<50048x32xbf16, #tpu.memory_space<vmem_shared>> -> memref<32x32xbf16, #tpu.memory_space<vmem_shared>>
            %dma_wait3A_98 = arith.constant 0 : i32
            %dma_wait3A_99 = tpu.memref_slice %arg21[%mul3A_93, %dma_wait3A_98] : memref<50048x32xbf16, #tpu.memory_space<vmem_shared>> -> memref<32x32xbf16, #tpu.memory_space<vmem_shared>>
            tpu.wait_dma2 semaphore(%run_scoped3A : memref<!tpu.dma_semaphore, #tpu.memory_space<semaphore_mem>>) src(%arg20 : memref<32x32xbf16, #tpu.memory_space<vmem>>) dst(%dma_wait3A_99 : memref<32x32xbf16, #tpu.memory_space<vmem_shared>>)
            tpu.yield
          }) : () -> ()
        } else {
        }
      }
      %scan3A_83 = arith.constant 98 : i32
    } else {
    }
    %barrier3A_15 = arith.constant 0 : index
    tpu.barrier barrier_id(%barrier3A_15)
    %convert_element_type3A_16 = arith.extui %eq3A_11 : i1 to i32
    %cond3A_17 = arith.constant 0 : i32
    %cond3A_18 = arith.cmpi ne, %convert_element_type3A_16, %cond3A_17 : i32
    scf.if %cond3A_18 {
      %mul3A_78 = arith.constant 256 : i32
      %mul3A_79 = arith.muli %arg1, %mul3A_78 : i32
      %scan3A_80 = arith.constant 0 : i32
      %scan3A_81 = arith.constant 0 : i32
      %scan3A_82 = arith.constant 8 : i32
      %scan3A_83 = arith.addi %scan3A_81, %scan3A_82 : i32
      %scan3A_84 = arith.constant 1 : i32
      scf.for %scan3A_86 = %scan3A_81 to %scan3A_83 step %scan3A_84  : i32 {
        %mul3A_87 = arith.constant 32 : i32
        %mul3A_88 = arith.muli %scan3A_86, %mul3A_87 : i32
        %add3A_89 = arith.addi %mul3A_79, %mul3A_88 : i32
        "tpu.region"() ({
          %run_scoped3A = tpu.sem_alloc : memref<!tpu.dma_semaphore, #tpu.memory_space<semaphore_mem>>
          %dma_start3A_142 = arith.constant 0 : i32
          %dma_start3A_143 = tpu.memref_slice %arg6[%add3A_89, %dma_start3A_142] : memref<4096x128xi32, #tpu.memory_space<hbm>> -> memref<32x128xi32, #tpu.memory_space<hbm>>
          %dma_start3A_144 = arith.constant 0 : i32
          %dma_start3A_145 = tpu.memref_slice %arg6[%add3A_89, %dma_start3A_144] : memref<4096x128xi32, #tpu.memory_space<hbm>> -> memref<32x128xi32, #tpu.memory_space<hbm>>
          tpu.enqueue_dma source(%dma_start3A_145 : memref<32x128xi32, #tpu.memory_space<hbm>>) target(%arg16 : memref<32x128xi32, #tpu.memory_space<vmem>>) target_semaphore(%run_scoped3A : memref<!tpu.dma_semaphore, #tpu.memory_space<semaphore_mem>>)
          %dma_wait3A_146 = arith.constant 0 : i32
          %dma_wait3A_147 = tpu.memref_slice %arg6[%add3A_89, %dma_wait3A_146] : memref<4096x128xi32, #tpu.memory_space<hbm>> -> memref<32x128xi32, #tpu.memory_space<hbm>>
          %dma_wait3A_148 = arith.constant 0 : i32
          %dma_wait3A_149 = tpu.memref_slice %arg6[%add3A_89, %dma_wait3A_148] : memref<4096x128xi32, #tpu.memory_space<hbm>> -> memref<32x128xi32, #tpu.memory_space<hbm>>
          tpu.wait_dma2 semaphore(%run_scoped3A : memref<!tpu.dma_semaphore, #tpu.memory_space<semaphore_mem>>) src(%dma_wait3A_149 : memref<32x128xi32, #tpu.memory_space<hbm>>) dst(%arg16 : memref<32x128xi32, #tpu.memory_space<vmem>>)
          tpu.yield
        }) : () -> ()
        "tpu.region"() ({
          %run_scoped3A = tpu.sem_alloc : memref<!tpu.dma_semaphore, #tpu.memory_space<semaphore_mem>>
          %dma_start3A_142 = arith.constant 0 : i32
          %dma_start3A_143 = tpu.memref_slice %arg7[%add3A_89, %dma_start3A_142] : memref<4096x128xi32, #tpu.memory_space<hbm>> -> memref<32x128xi32, #tpu.memory_space<hbm>>
          %dma_start3A_144 = arith.constant 0 : i32
          %dma_start3A_145 = tpu.memref_slice %arg7[%add3A_89, %dma_start3A_144] : memref<4096x128xi32, #tpu.memory_space<hbm>> -> memref<32x128xi32, #tpu.memory_space<hbm>>
          tpu.enqueue_dma source(%dma_start3A_145 : memref<32x128xi32, #tpu.memory_space<hbm>>) target(%arg17 : memref<32x128xi32, #tpu.memory_space<vmem>>) target_semaphore(%run_scoped3A : memref<!tpu.dma_semaphore, #tpu.memory_space<semaphore_mem>>)
          %dma_wait3A_146 = arith.constant 0 : i32
          %dma_wait3A_147 = tpu.memref_slice %arg7[%add3A_89, %dma_wait3A_146] : memref<4096x128xi32, #tpu.memory_space<hbm>> -> memref<32x128xi32, #tpu.memory_space<hbm>>
          %dma_wait3A_148 = arith.constant 0 : i32
          %dma_wait3A_149 = tpu.memref_slice %arg7[%add3A_89, %dma_wait3A_148] : memref<4096x128xi32, #tpu.memory_space<hbm>> -> memref<32x128xi32, #tpu.memory_space<hbm>>
          tpu.wait_dma2 semaphore(%run_scoped3A : memref<!tpu.dma_semaphore, #tpu.memory_space<semaphore_mem>>) src(%dma_wait3A_149 : memref<32x128xi32, #tpu.memory_space<hbm>>) dst(%arg17 : memref<32x128xi32, #tpu.memory_space<vmem>>)
          tpu.yield
        }) : () -> ()
        %dma_start3A = arith.constant 0 : i32
        %dma_start3A_90 = arith.constant 0 : i32
        %dma_start3A_91 = arith.constant 0 : i32
        %dma_start3A_92 = arith.constant 0 : i32
        %dma_start3A_93 = tpu.memref_slice %arg18[%dma_start3A_90, %dma_start3A_91, %dma_start3A_92] : memref<4x128x32xbf16, #tpu.memory_space<vmem>> -> memref<1x128x32xbf16, #tpu.memory_space<vmem>>
        %dma_start3A_94 = tpu.memref_squeeze %dma_start3A_93 : memref<1x128x32xbf16, #tpu.memory_space<vmem>> -> memref<128x32xbf16, #tpu.memory_space<vmem>>
        %dma_start3A_95 = arith.constant 0 : i32
        %dma_start3A_96 = tpu.memref_slice %arg16[%dma_start3A, %dma_start3A_95] : memref<32x128xi32, #tpu.memory_space<vmem>> -> memref<1x128xi32, #tpu.memory_space<vmem>>
        %dma_start3A_97 = tpu.memref_squeeze %dma_start3A_96 : memref<1x128xi32, #tpu.memory_space<vmem>> -> memref<128xi32, #tpu.memory_space<vmem>>
        %dma_start3A_98 = arith.constant 0 : i32
        %dma_start3A_99 = arith.constant 0 : i32
        %dma_start3A_100 = tpu.memref_slice %arg3[%dma_start3A_98, %dma_start3A_99] : memref<50000x32xbf16, #tpu.memory_space<hbm>> -> memref<50000x32xbf16, #tpu.memory_space<hbm>>
        tpu.enqueue_indirect_dma source(%dma_start3A_100 : memref<50000x32xbf16, #tpu.memory_space<hbm>>) target(%dma_start3A_94 : memref<128x32xbf16, #tpu.memory_space<vmem>>) offsets(%dma_start3A_97 : memref<128xi32, #tpu.memory_space<vmem>>) semaphore(%arg22 : memref<!tpu.dma_semaphore, #tpu.memory_space<semaphore_mem>>)
        %dma_start3A_101 = arith.constant 1 : i32
        %dma_start3A_102 = arith.constant 1 : i32
        %dma_start3A_103 = arith.constant 0 : i32
        %dma_start3A_104 = arith.constant 0 : i32
        %dma_start3A_105 = tpu.memref_slice %arg18[%dma_start3A_102, %dma_start3A_103, %dma_start3A_104] : memref<4x128x32xbf16, #tpu.memory_space<vmem>> -> memref<1x128x32xbf16, #tpu.memory_space<vmem>>
        %dma_start3A_106 = tpu.memref_squeeze %dma_start3A_105 : memref<1x128x32xbf16, #tpu.memory_space<vmem>> -> memref<128x32xbf16, #tpu.memory_space<vmem>>
        %dma_start3A_107 = arith.constant 0 : i32
        %dma_start3A_108 = tpu.memref_slice %arg16[%dma_start3A_101, %dma_start3A_107] : memref<32x128xi32, #tpu.memory_space<vmem>> -> memref<1x128xi32, #tpu.memory_space<vmem>>
        %dma_start3A_109 = tpu.memref_squeeze %dma_start3A_108 : memref<1x128xi32, #tpu.memory_space<vmem>> -> memref<128xi32, #tpu.memory_space<vmem>>
        %dma_start3A_110 = arith.constant 0 : i32
        %dma_start3A_111 = arith.constant 0 : i32
        %dma_start3A_112 = tpu.memref_slice %arg3[%dma_start3A_110, %dma_start3A_111] : memref<50000x32xbf16, #tpu.memory_space<hbm>> -> memref<50000x32xbf16, #tpu.memory_space<hbm>>
        tpu.enqueue_indirect_dma source(%dma_start3A_112 : memref<50000x32xbf16, #tpu.memory_space<hbm>>) target(%dma_start3A_106 : memref<128x32xbf16, #tpu.memory_space<vmem>>) offsets(%dma_start3A_109 : memref<128xi32, #tpu.memory_space<vmem>>) semaphore(%arg22 : memref<!tpu.dma_semaphore, #tpu.memory_space<semaphore_mem>>)
        %dma_start3A_113 = arith.constant 2 : i32
        %dma_start3A_114 = arith.constant 2 : i32
        %dma_start3A_115 = arith.constant 0 : i32
        %dma_start3A_116 = arith.constant 0 : i32
        %dma_start3A_117 = tpu.memref_slice %arg18[%dma_start3A_114, %dma_start3A_115, %dma_start3A_116] : memref<4x128x32xbf16, #tpu.memory_space<vmem>> -> memref<1x128x32xbf16, #tpu.memory_space<vmem>>
        %dma_start3A_118 = tpu.memref_squeeze %dma_start3A_117 : memref<1x128x32xbf16, #tpu.memory_space<vmem>> -> memref<128x32xbf16, #tpu.memory_space<vmem>>
        %dma_start3A_119 = arith.constant 0 : i32
        %dma_start3A_120 = tpu.memref_slice %arg16[%dma_start3A_113, %dma_start3A_119] : memref<32x128xi32, #tpu.memory_space<vmem>> -> memref<1x128xi32, #tpu.memory_space<vmem>>
        %dma_start3A_121 = tpu.memref_squeeze %dma_start3A_120 : memref<1x128xi32, #tpu.memory_space<vmem>> -> memref<128xi32, #tpu.memory_space<vmem>>
        %dma_start3A_122 = arith.constant 0 : i32
        %dma_start3A_123 = arith.constant 0 : i32
        %dma_start3A_124 = tpu.memref_slice %arg3[%dma_start3A_122, %dma_start3A_123] : memref<50000x32xbf16, #tpu.memory_space<hbm>> -> memref<50000x32xbf16, #tpu.memory_space<hbm>>
        tpu.enqueue_indirect_dma source(%dma_start3A_124 : memref<50000x32xbf16, #tpu.memory_space<hbm>>) target(%dma_start3A_118 : memref<128x32xbf16, #tpu.memory_space<vmem>>) offsets(%dma_start3A_121 : memref<128xi32, #tpu.memory_space<vmem>>) semaphore(%arg22 : memref<!tpu.dma_semaphore, #tpu.memory_space<semaphore_mem>>)
        %scan3A_125 = arith.constant 0 : i32
        %scan3A_126 = arith.constant 0 : i32
        %scan3A_127 = arith.constant 32 : i32
        %scan3A_128 = arith.addi %scan3A_126, %scan3A_127 : i32
        %scan3A_129 = arith.constant 1 : i32
        scf.for %scan3A_142 = %scan3A_126 to %scan3A_128 step %scan3A_129  : i32 {
          %and3A = arith.constant 3 : i32
          %and3A_143 = arith.andi %scan3A_142, %and3A : i32
          %gt3A = arith.constant 0 : i32
          %gt3A_144 = arith.cmpi sgt, %scan3A_142, %gt3A : i32
          %convert_element_type3A_145 = arith.extui %gt3A_144 : i1 to i32
          %cond3A_146 = arith.constant 0 : i32
          %cond3A_147 = arith.cmpi ne, %convert_element_type3A_145, %cond3A_146 : i32
          scf.if %cond3A_147 {
            %sub3A_175 = arith.constant 1 : i32
            %sub3A_176 = arith.subi %scan3A_142, %sub3A_175 : i32
            %sub3A_177 = arith.constant 1 : i32
            %sub3A_178 = arith.subi %scan3A_142, %sub3A_177 : i32
            %and3A_179 = arith.constant 3 : i32
            %and3A_180 = arith.andi %sub3A_178, %and3A_179 : i32
            %dma_wait3A_181 = arith.constant 0 : i32
            %dma_wait3A_182 = arith.constant 0 : i32
            %dma_wait3A_183 = tpu.memref_slice %arg18[%and3A_180, %dma_wait3A_181, %dma_wait3A_182] : memref<4x128x32xbf16, #tpu.memory_space<vmem>> -> memref<1x128x32xbf16, #tpu.memory_space<vmem>>
            %dma_wait3A_184 = tpu.memref_squeeze %dma_wait3A_183 : memref<1x128x32xbf16, #tpu.memory_space<vmem>> -> memref<128x32xbf16, #tpu.memory_space<vmem>>
            %dma_wait3A_185 = arith.constant 0 : i32
            %dma_wait3A_186 = tpu.memref_slice %arg17[%sub3A_176, %dma_wait3A_185] : memref<32x128xi32, #tpu.memory_space<vmem>> -> memref<1x128xi32, #tpu.memory_space<vmem>>
            %dma_wait3A_187 = tpu.memref_squeeze %dma_wait3A_186 : memref<1x128xi32, #tpu.memory_space<vmem>> -> memref<128xi32, #tpu.memory_space<vmem>>
            %dma_wait3A_188 = arith.constant 0 : i32
            %dma_wait3A_189 = arith.constant 0 : i32
            %dma_wait3A_190 = tpu.memref_slice %arg21[%dma_wait3A_188, %dma_wait3A_189] : memref<50048x32xbf16, #tpu.memory_space<vmem_shared>> -> memref<50048x32xbf16, #tpu.memory_space<vmem_shared>>
            tpu.wait_indirect_dma semaphore(%arg23 : memref<!tpu.dma_semaphore, #tpu.memory_space<semaphore_mem>>) src(%dma_wait3A_184 : memref<128x32xbf16, #tpu.memory_space<vmem>>) dst(%dma_wait3A_190 : memref<50048x32xbf16, #tpu.memory_space<vmem_shared>>)
          } else {
          }
          %add3A_148 = arith.constant 4 : i32
          %add3A_149 = arith.addi %scan3A_142, %add3A_148 : i32
          %sub3A = arith.constant 1 : i32
          %sub3A_150 = arith.subi %add3A_149, %sub3A : i32
          %lt3A = arith.constant 32 : i32
          %lt3A_151 = arith.cmpi slt, %sub3A_150, %lt3A : i32
          %convert_element_type3A_152 = arith.extui %lt3A_151 : i1 to i32
          %cond3A_153 = arith.constant 0 : i32
          %cond3A_154 = arith.cmpi ne, %convert_element_type3A_152, %cond3A_153 : i32
          scf.if %cond3A_154 {
            %add3A_175 = arith.constant 4 : i32
            %add3A_176 = arith.addi %scan3A_142, %add3A_175 : i32
            %sub3A_177 = arith.constant 1 : i32
            %sub3A_178 = arith.subi %add3A_176, %sub3A_177 : i32
            %add3A_179 = arith.constant 4 : i32
            %add3A_180 = arith.addi %scan3A_142, %add3A_179 : i32
            %sub3A_181 = arith.constant 1 : i32
            %sub3A_182 = arith.subi %add3A_180, %sub3A_181 : i32
            %and3A_183 = arith.constant 3 : i32
            %and3A_184 = arith.andi %sub3A_182, %and3A_183 : i32
            %dma_start3A_185 = arith.constant 0 : i32
            %dma_start3A_186 = arith.constant 0 : i32
            %dma_start3A_187 = tpu.memref_slice %arg18[%and3A_184, %dma_start3A_185, %dma_start3A_186] : memref<4x128x32xbf16, #tpu.memory_space<vmem>> -> memref<1x128x32xbf16, #tpu.memory_space<vmem>>
            %dma_start3A_188 = tpu.memref_squeeze %dma_start3A_187 : memref<1x128x32xbf16, #tpu.memory_space<vmem>> -> memref<128x32xbf16, #tpu.memory_space<vmem>>
            %dma_start3A_189 = arith.constant 0 : i32
            %dma_start3A_190 = tpu.memref_slice %arg16[%sub3A_178, %dma_start3A_189] : memref<32x128xi32, #tpu.memory_space<vmem>> -> memref<1x128xi32, #tpu.memory_space<vmem>>
            %dma_start3A_191 = tpu.memref_squeeze %dma_start3A_190 : memref<1x128xi32, #tpu.memory_space<vmem>> -> memref<128xi32, #tpu.memory_space<vmem>>
            %dma_start3A_192 = arith.constant 0 : i32
            %dma_start3A_193 = arith.constant 0 : i32
            %dma_start3A_194 = tpu.memref_slice %arg3[%dma_start3A_192, %dma_start3A_193] : memref<50000x32xbf16, #tpu.memory_space<hbm>> -> memref<50000x32xbf16, #tpu.memory_space<hbm>>
            tpu.enqueue_indirect_dma source(%dma_start3A_194 : memref<50000x32xbf16, #tpu.memory_space<hbm>>) target(%dma_start3A_188 : memref<128x32xbf16, #tpu.memory_space<vmem>>) offsets(%dma_start3A_191 : memref<128xi32, #tpu.memory_space<vmem>>) semaphore(%arg22 : memref<!tpu.dma_semaphore, #tpu.memory_space<semaphore_mem>>)
          } else {
          }
          %dma_wait3A_155 = arith.constant 0 : i32
          %dma_wait3A_156 = arith.constant 0 : i32
          %dma_wait3A_157 = tpu.memref_slice %arg18[%and3A_143, %dma_wait3A_155, %dma_wait3A_156] : memref<4x128x32xbf16, #tpu.memory_space<vmem>> -> memref<1x128x32xbf16, #tpu.memory_space<vmem>>
          %dma_wait3A_158 = tpu.memref_squeeze %dma_wait3A_157 : memref<1x128x32xbf16, #tpu.memory_space<vmem>> -> memref<128x32xbf16, #tpu.memory_space<vmem>>
          %dma_wait3A_159 = arith.constant 0 : i32
          %dma_wait3A_160 = tpu.memref_slice %arg16[%scan3A_142, %dma_wait3A_159] : memref<32x128xi32, #tpu.memory_space<vmem>> -> memref<1x128xi32, #tpu.memory_space<vmem>>
          %dma_wait3A_161 = tpu.memref_squeeze %dma_wait3A_160 : memref<1x128xi32, #tpu.memory_space<vmem>> -> memref<128xi32, #tpu.memory_space<vmem>>
          %dma_wait3A_162 = arith.constant 0 : i32
          %dma_wait3A_163 = arith.constant 0 : i32
          %dma_wait3A_164 = tpu.memref_slice %arg3[%dma_wait3A_162, %dma_wait3A_163] : memref<50000x32xbf16, #tpu.memory_space<hbm>> -> memref<50000x32xbf16, #tpu.memory_space<hbm>>
          tpu.wait_indirect_dma semaphore(%arg22 : memref<!tpu.dma_semaphore, #tpu.memory_space<semaphore_mem>>) src(%dma_wait3A_164 : memref<50000x32xbf16, #tpu.memory_space<hbm>>) dst(%dma_wait3A_158 : memref<128x32xbf16, #tpu.memory_space<vmem>>)
          %dma_start3A_165 = arith.constant 0 : i32
          %dma_start3A_166 = arith.constant 0 : i32
          %dma_start3A_167 = tpu.memref_slice %arg18[%and3A_143, %dma_start3A_165, %dma_start3A_166] : memref<4x128x32xbf16, #tpu.memory_space<vmem>> -> memref<1x128x32xbf16, #tpu.memory_space<vmem>>
          %dma_start3A_168 = tpu.memref_squeeze %dma_start3A_167 : memref<1x128x32xbf16, #tpu.memory_space<vmem>> -> memref<128x32xbf16, #tpu.memory_space<vmem>>
          %dma_start3A_169 = arith.constant 0 : i32
          %dma_start3A_170 = tpu.memref_slice %arg17[%scan3A_142, %dma_start3A_169] : memref<32x128xi32, #tpu.memory_space<vmem>> -> memref<1x128xi32, #tpu.memory_space<vmem>>
          %dma_start3A_171 = tpu.memref_squeeze %dma_start3A_170 : memref<1x128xi32, #tpu.memory_space<vmem>> -> memref<128xi32, #tpu.memory_space<vmem>>
          %dma_start3A_172 = arith.constant 0 : i32
          %dma_start3A_173 = arith.constant 0 : i32
          %dma_start3A_174 = tpu.memref_slice %arg21[%dma_start3A_172, %dma_start3A_173] : memref<50048x32xbf16, #tpu.memory_space<vmem_shared>> -> memref<50048x32xbf16, #tpu.memory_space<vmem_shared>>
          tpu.enqueue_indirect_dma source(%dma_start3A_168 : memref<128x32xbf16, #tpu.memory_space<vmem>>) target(%dma_start3A_174 : memref<50048x32xbf16, #tpu.memory_space<vmem_shared>>) offsets(%dma_start3A_171 : memref<128xi32, #tpu.memory_space<vmem>>) semaphore(%arg23 : memref<!tpu.dma_semaphore, #tpu.memory_space<semaphore_mem>>) {add = true}
        }
        %scan3A_130 = arith.constant 32 : i32
        %dma_wait3A = arith.constant 3 : i32
        %dma_wait3A_131 = arith.constant 31 : i32
        %dma_wait3A_132 = arith.constant 0 : i32
        %dma_wait3A_133 = arith.constant 0 : i32
        %dma_wait3A_134 = tpu.memref_slice %arg18[%dma_wait3A, %dma_wait3A_132, %dma_wait3A_133] : memref<4x128x32xbf16, #tpu.memory_space<vmem>> -> memref<1x128x32xbf16, #tpu.memory_space<vmem>>
        %dma_wait3A_135 = tpu.memref_squeeze %dma_wait3A_134 : memref<1x128x32xbf16, #tpu.memory_space<vmem>> -> memref<128x32xbf16, #tpu.memory_space<vmem>>
        %dma_wait3A_136 = arith.constant 0 : i32
        %dma_wait3A_137 = tpu.memref_slice %arg17[%dma_wait3A_131, %dma_wait3A_136] : memref<32x128xi32, #tpu.memory_space<vmem>> -> memref<1x128xi32, #tpu.memory_space<vmem>>
        %dma_wait3A_138 = tpu.memref_squeeze %dma_wait3A_137 : memref<1x128xi32, #tpu.memory_space<vmem>> -> memref<128xi32, #tpu.memory_space<vmem>>
        %dma_wait3A_139 = arith.constant 0 : i32
        %dma_wait3A_140 = arith.constant 0 : i32
        %dma_wait3A_141 = tpu.memref_slice %arg21[%dma_wait3A_139, %dma_wait3A_140] : memref<50048x32xbf16, #tpu.memory_space<vmem_shared>> -> memref<50048x32xbf16, #tpu.memory_space<vmem_shared>>
        tpu.wait_indirect_dma semaphore(%arg23 : memref<!tpu.dma_semaphore, #tpu.memory_space<semaphore_mem>>) src(%dma_wait3A_135 : memref<128x32xbf16, #tpu.memory_space<vmem>>) dst(%dma_wait3A_141 : memref<50048x32xbf16, #tpu.memory_space<vmem_shared>>)
      }
      %scan3A_85 = arith.constant 8 : i32
    } else {
    }
    %barrier3A_19 = arith.constant 0 : index
    tpu.barrier barrier_id(%barrier3A_19)
    %convert_element_type3A_20 = arith.extui %eq3A_11 : i1 to i32
    %cond3A_21 = arith.constant 0 : i32
    %cond3A_22 = arith.cmpi ne, %convert_element_type3A_20, %cond3A_21 : i32
    scf.if %cond3A_22 {
      %scan3A_78 = arith.constant 0 : i32
      %scan3A_79 = arith.constant 0 : i32
      %scan3A_80 = arith.constant 98 : i32
      %scan3A_81 = arith.addi %scan3A_79, %scan3A_80 : i32
      %scan3A_82 = arith.constant 1 : i32
      scf.for %scan3A_84 = %scan3A_79 to %scan3A_81 step %scan3A_82  : i32 {
        %mul3A_85 = arith.constant 16 : i32
        %mul3A_86 = arith.muli %scan3A_84, %mul3A_85 : i32
        %add3A_87 = arith.addi %mul3A_86, %arg1 : i32
        %lt3A = arith.constant 1564 : i32
        %lt3A_88 = arith.cmpi slt, %add3A_87, %lt3A : i32
        %convert_element_type3A_89 = arith.extui %lt3A_88 : i1 to i32
        %cond3A_90 = arith.constant 0 : i32
        %cond3A_91 = arith.cmpi ne, %convert_element_type3A_89, %cond3A_90 : i32
        scf.if %cond3A_91 {
          %mul3A_92 = arith.constant 32 : i32
          %mul3A_93 = arith.muli %add3A_87, %mul3A_92 : i32
          %mul3A_94 = arith.constant 32 : i32
          %mul3A_95 = arith.muli %add3A_87, %mul3A_94 : i32
          "tpu.region"() ({
            %run_scoped3A = tpu.sem_alloc : memref<!tpu.dma_semaphore, #tpu.memory_space<semaphore_mem>>
            %dma_start3A = arith.constant 0 : i32
            %dma_start3A_96 = tpu.memref_slice %arg11[%mul3A_95, %dma_start3A] : memref<50048x32xbf16, #tpu.memory_space<hbm>> -> memref<32x32xbf16, #tpu.memory_space<hbm>>
            %dma_start3A_97 = arith.constant 0 : i32
            %dma_start3A_98 = tpu.memref_slice %arg21[%mul3A_93, %dma_start3A_97] : memref<50048x32xbf16, #tpu.memory_space<vmem_shared>> -> memref<32x32xbf16, #tpu.memory_space<vmem_shared>>
            tpu.enqueue_dma source(%dma_start3A_98 : memref<32x32xbf16, #tpu.memory_space<vmem_shared>>) target(%dma_start3A_96 : memref<32x32xbf16, #tpu.memory_space<hbm>>) target_semaphore(%run_scoped3A : memref<!tpu.dma_semaphore, #tpu.memory_space<semaphore_mem>>)
            %dma_wait3A = arith.constant 0 : i32
            %dma_wait3A_99 = tpu.memref_slice %arg11[%mul3A_95, %dma_wait3A] : memref<50048x32xbf16, #tpu.memory_space<hbm>> -> memref<32x32xbf16, #tpu.memory_space<hbm>>
            %dma_wait3A_100 = arith.constant 0 : i32
            %dma_wait3A_101 = tpu.memref_slice %arg21[%mul3A_93, %dma_wait3A_100] : memref<50048x32xbf16, #tpu.memory_space<vmem_shared>> -> memref<32x32xbf16, #tpu.memory_space<vmem_shared>>
            tpu.wait_dma2 semaphore(%run_scoped3A : memref<!tpu.dma_semaphore, #tpu.memory_space<semaphore_mem>>) src(%dma_wait3A_101 : memref<32x32xbf16, #tpu.memory_space<vmem_shared>>) dst(%dma_wait3A_99 : memref<32x32xbf16, #tpu.memory_space<hbm>>)
            tpu.yield
          }) : () -> ()
        } else {
        }
      }
      %scan3A_83 = arith.constant 98 : i32
    } else {
    }
    %barrier3A_23 = arith.constant 0 : index
    tpu.barrier barrier_id(%barrier3A_23)
    %eq3A_24 = arith.constant 1 : i32
    %eq3A_25 = arith.cmpi eq, %arg0, %eq3A_24 : i32
    %convert_element_type3A_26 = arith.extui %eq3A_25 : i1 to i32
    %cond3A_27 = arith.constant 0 : i32
    %cond3A_28 = arith.cmpi ne, %convert_element_type3A_26, %cond3A_27 : i32
    scf.if %cond3A_28 {
      %scan3A_78 = arith.constant 0 : i32
      %scan3A_79 = arith.constant 0 : i32
      %scan3A_80 = arith.constant 98 : i32
      %scan3A_81 = arith.addi %scan3A_79, %scan3A_80 : i32
      %scan3A_82 = arith.constant 1 : i32
      scf.for %scan3A_84 = %scan3A_79 to %scan3A_81 step %scan3A_82  : i32 {
        %mul3A_85 = arith.constant 16 : i32
        %mul3A_86 = arith.muli %scan3A_84, %mul3A_85 : i32
        %add3A_87 = arith.addi %mul3A_86, %arg1 : i32
        %lt3A = arith.constant 1564 : i32
        %lt3A_88 = arith.cmpi slt, %add3A_87, %lt3A : i32
        %convert_element_type3A_89 = arith.extui %lt3A_88 : i1 to i32
        %cond3A_90 = arith.constant 0 : i32
        %cond3A_91 = arith.cmpi ne, %convert_element_type3A_89, %cond3A_90 : i32
        scf.if %cond3A_91 {
          %mul3A_92 = arith.constant 32 : i32
          %mul3A_93 = arith.muli %add3A_87, %mul3A_92 : i32
          "tpu.region"() ({
            %run_scoped3A = tpu.sem_alloc : memref<!tpu.dma_semaphore, #tpu.memory_space<semaphore_mem>>
            %dma_start3A = arith.constant 0 : i32
            %dma_start3A_94 = tpu.memref_slice %arg21[%mul3A_93, %dma_start3A] : memref<50048x32xbf16, #tpu.memory_space<vmem_shared>> -> memref<32x32xbf16, #tpu.memory_space<vmem_shared>>
            %dma_start3A_95 = arith.constant 0 : i32
            %dma_start3A_96 = tpu.memref_slice %arg21[%mul3A_93, %dma_start3A_95] : memref<50048x32xbf16, #tpu.memory_space<vmem_shared>> -> memref<32x32xbf16, #tpu.memory_space<vmem_shared>>
            tpu.enqueue_dma source(%arg20 : memref<32x32xbf16, #tpu.memory_space<vmem>>) target(%dma_start3A_96 : memref<32x32xbf16, #tpu.memory_space<vmem_shared>>) target_semaphore(%run_scoped3A : memref<!tpu.dma_semaphore, #tpu.memory_space<semaphore_mem>>)
            %dma_wait3A = arith.constant 0 : i32
            %dma_wait3A_97 = tpu.memref_slice %arg21[%mul3A_93, %dma_wait3A] : memref<50048x32xbf16, #tpu.memory_space<vmem_shared>> -> memref<32x32xbf16, #tpu.memory_space<vmem_shared>>
            %dma_wait3A_98 = arith.constant 0 : i32
            %dma_wait3A_99 = tpu.memref_slice %arg21[%mul3A_93, %dma_wait3A_98] : memref<50048x32xbf16, #tpu.memory_space<vmem_shared>> -> memref<32x32xbf16, #tpu.memory_space<vmem_shared>>
            tpu.wait_dma2 semaphore(%run_scoped3A : memref<!tpu.dma_semaphore, #tpu.memory_space<semaphore_mem>>) src(%arg20 : memref<32x32xbf16, #tpu.memory_space<vmem>>) dst(%dma_wait3A_99 : memref<32x32xbf16, #tpu.memory_space<vmem_shared>>)
            tpu.yield
          }) : () -> ()
        } else {
        }
      }
      %scan3A_83 = arith.constant 98 : i32
    } else {
    }
    %barrier3A_29 = arith.constant 0 : index
    tpu.barrier barrier_id(%barrier3A_29)
    %convert_element_type3A_30 = arith.extui %eq3A_25 : i1 to i32
    %cond3A_31 = arith.constant 0 : i32
    %cond3A_32 = arith.cmpi ne, %convert_element_type3A_30, %cond3A_31 : i32
    scf.if %cond3A_32 {
      %mul3A_78 = arith.constant 256 : i32
      %mul3A_79 = arith.muli %arg1, %mul3A_78 : i32
      %scan3A_80 = arith.constant 0 : i32
      %scan3A_81 = arith.constant 0 : i32
      %scan3A_82 = arith.constant 8 : i32
      %scan3A_83 = arith.addi %scan3A_81, %scan3A_82 : i32
      %scan3A_84 = arith.constant 1 : i32
      scf.for %scan3A_86 = %scan3A_81 to %scan3A_83 step %scan3A_84  : i32 {
        %mul3A_87 = arith.constant 32 : i32
        %mul3A_88 = arith.muli %scan3A_86, %mul3A_87 : i32
        %add3A_89 = arith.addi %mul3A_79, %mul3A_88 : i32
        "tpu.region"() ({
          %run_scoped3A = tpu.sem_alloc : memref<!tpu.dma_semaphore, #tpu.memory_space<semaphore_mem>>
          %dma_start3A_142 = arith.constant 0 : i32
          %dma_start3A_143 = tpu.memref_slice %arg6[%add3A_89, %dma_start3A_142] : memref<4096x128xi32, #tpu.memory_space<hbm>> -> memref<32x128xi32, #tpu.memory_space<hbm>>
          %dma_start3A_144 = arith.constant 0 : i32
          %dma_start3A_145 = tpu.memref_slice %arg6[%add3A_89, %dma_start3A_144] : memref<4096x128xi32, #tpu.memory_space<hbm>> -> memref<32x128xi32, #tpu.memory_space<hbm>>
          tpu.enqueue_dma source(%dma_start3A_145 : memref<32x128xi32, #tpu.memory_space<hbm>>) target(%arg16 : memref<32x128xi32, #tpu.memory_space<vmem>>) target_semaphore(%run_scoped3A : memref<!tpu.dma_semaphore, #tpu.memory_space<semaphore_mem>>)
          %dma_wait3A_146 = arith.constant 0 : i32
          %dma_wait3A_147 = tpu.memref_slice %arg6[%add3A_89, %dma_wait3A_146] : memref<4096x128xi32, #tpu.memory_space<hbm>> -> memref<32x128xi32, #tpu.memory_space<hbm>>
          %dma_wait3A_148 = arith.constant 0 : i32
          %dma_wait3A_149 = tpu.memref_slice %arg6[%add3A_89, %dma_wait3A_148] : memref<4096x128xi32, #tpu.memory_space<hbm>> -> memref<32x128xi32, #tpu.memory_space<hbm>>
          tpu.wait_dma2 semaphore(%run_scoped3A : memref<!tpu.dma_semaphore, #tpu.memory_space<semaphore_mem>>) src(%dma_wait3A_149 : memref<32x128xi32, #tpu.memory_space<hbm>>) dst(%arg16 : memref<32x128xi32, #tpu.memory_space<vmem>>)
          tpu.yield
        }) : () -> ()
        "tpu.region"() ({
          %run_scoped3A = tpu.sem_alloc : memref<!tpu.dma_semaphore, #tpu.memory_space<semaphore_mem>>
          %dma_start3A_142 = arith.constant 0 : i32
          %dma_start3A_143 = tpu.memref_slice %arg7[%add3A_89, %dma_start3A_142] : memref<4096x128xi32, #tpu.memory_space<hbm>> -> memref<32x128xi32, #tpu.memory_space<hbm>>
          %dma_start3A_144 = arith.constant 0 : i32
          %dma_start3A_145 = tpu.memref_slice %arg7[%add3A_89, %dma_start3A_144] : memref<4096x128xi32, #tpu.memory_space<hbm>> -> memref<32x128xi32, #tpu.memory_space<hbm>>
          tpu.enqueue_dma source(%dma_start3A_145 : memref<32x128xi32, #tpu.memory_space<hbm>>) target(%arg17 : memref<32x128xi32, #tpu.memory_space<vmem>>) target_semaphore(%run_scoped3A : memref<!tpu.dma_semaphore, #tpu.memory_space<semaphore_mem>>)
          %dma_wait3A_146 = arith.constant 0 : i32
          %dma_wait3A_147 = tpu.memref_slice %arg7[%add3A_89, %dma_wait3A_146] : memref<4096x128xi32, #tpu.memory_space<hbm>> -> memref<32x128xi32, #tpu.memory_space<hbm>>
          %dma_wait3A_148 = arith.constant 0 : i32
          %dma_wait3A_149 = tpu.memref_slice %arg7[%add3A_89, %dma_wait3A_148] : memref<4096x128xi32, #tpu.memory_space<hbm>> -> memref<32x128xi32, #tpu.memory_space<hbm>>
          tpu.wait_dma2 semaphore(%run_scoped3A : memref<!tpu.dma_semaphore, #tpu.memory_space<semaphore_mem>>) src(%dma_wait3A_149 : memref<32x128xi32, #tpu.memory_space<hbm>>) dst(%arg17 : memref<32x128xi32, #tpu.memory_space<vmem>>)
          tpu.yield
        }) : () -> ()
        %dma_start3A = arith.constant 0 : i32
        %dma_start3A_90 = arith.constant 0 : i32
        %dma_start3A_91 = arith.constant 0 : i32
        %dma_start3A_92 = arith.constant 0 : i32
        %dma_start3A_93 = tpu.memref_slice %arg18[%dma_start3A_90, %dma_start3A_91, %dma_start3A_92] : memref<4x128x32xbf16, #tpu.memory_space<vmem>> -> memref<1x128x32xbf16, #tpu.memory_space<vmem>>
        %dma_start3A_94 = tpu.memref_squeeze %dma_start3A_93 : memref<1x128x32xbf16, #tpu.memory_space<vmem>> -> memref<128x32xbf16, #tpu.memory_space<vmem>>
        %dma_start3A_95 = arith.constant 0 : i32
        %dma_start3A_96 = tpu.memref_slice %arg16[%dma_start3A, %dma_start3A_95] : memref<32x128xi32, #tpu.memory_space<vmem>> -> memref<1x128xi32, #tpu.memory_space<vmem>>
        %dma_start3A_97 = tpu.memref_squeeze %dma_start3A_96 : memref<1x128xi32, #tpu.memory_space<vmem>> -> memref<128xi32, #tpu.memory_space<vmem>>
        %dma_start3A_98 = arith.constant 0 : i32
        %dma_start3A_99 = arith.constant 0 : i32
        %dma_start3A_100 = tpu.memref_slice %arg4[%dma_start3A_98, %dma_start3A_99] : memref<50000x32xbf16, #tpu.memory_space<hbm>> -> memref<50000x32xbf16, #tpu.memory_space<hbm>>
        tpu.enqueue_indirect_dma source(%dma_start3A_100 : memref<50000x32xbf16, #tpu.memory_space<hbm>>) target(%dma_start3A_94 : memref<128x32xbf16, #tpu.memory_space<vmem>>) offsets(%dma_start3A_97 : memref<128xi32, #tpu.memory_space<vmem>>) semaphore(%arg22 : memref<!tpu.dma_semaphore, #tpu.memory_space<semaphore_mem>>)
        %dma_start3A_101 = arith.constant 1 : i32
        %dma_start3A_102 = arith.constant 1 : i32
        %dma_start3A_103 = arith.constant 0 : i32
        %dma_start3A_104 = arith.constant 0 : i32
        %dma_start3A_105 = tpu.memref_slice %arg18[%dma_start3A_102, %dma_start3A_103, %dma_start3A_104] : memref<4x128x32xbf16, #tpu.memory_space<vmem>> -> memref<1x128x32xbf16, #tpu.memory_space<vmem>>
        %dma_start3A_106 = tpu.memref_squeeze %dma_start3A_105 : memref<1x128x32xbf16, #tpu.memory_space<vmem>> -> memref<128x32xbf16, #tpu.memory_space<vmem>>
        %dma_start3A_107 = arith.constant 0 : i32
        %dma_start3A_108 = tpu.memref_slice %arg16[%dma_start3A_101, %dma_start3A_107] : memref<32x128xi32, #tpu.memory_space<vmem>> -> memref<1x128xi32, #tpu.memory_space<vmem>>
        %dma_start3A_109 = tpu.memref_squeeze %dma_start3A_108 : memref<1x128xi32, #tpu.memory_space<vmem>> -> memref<128xi32, #tpu.memory_space<vmem>>
        %dma_start3A_110 = arith.constant 0 : i32
        %dma_start3A_111 = arith.constant 0 : i32
        %dma_start3A_112 = tpu.memref_slice %arg4[%dma_start3A_110, %dma_start3A_111] : memref<50000x32xbf16, #tpu.memory_space<hbm>> -> memref<50000x32xbf16, #tpu.memory_space<hbm>>
        tpu.enqueue_indirect_dma source(%dma_start3A_112 : memref<50000x32xbf16, #tpu.memory_space<hbm>>) target(%dma_start3A_106 : memref<128x32xbf16, #tpu.memory_space<vmem>>) offsets(%dma_start3A_109 : memref<128xi32, #tpu.memory_space<vmem>>) semaphore(%arg22 : memref<!tpu.dma_semaphore, #tpu.memory_space<semaphore_mem>>)
        %dma_start3A_113 = arith.constant 2 : i32
        %dma_start3A_114 = arith.constant 2 : i32
        %dma_start3A_115 = arith.constant 0 : i32
        %dma_start3A_116 = arith.constant 0 : i32
        %dma_start3A_117 = tpu.memref_slice %arg18[%dma_start3A_114, %dma_start3A_115, %dma_start3A_116] : memref<4x128x32xbf16, #tpu.memory_space<vmem>> -> memref<1x128x32xbf16, #tpu.memory_space<vmem>>
        %dma_start3A_118 = tpu.memref_squeeze %dma_start3A_117 : memref<1x128x32xbf16, #tpu.memory_space<vmem>> -> memref<128x32xbf16, #tpu.memory_space<vmem>>
        %dma_start3A_119 = arith.constant 0 : i32
        %dma_start3A_120 = tpu.memref_slice %arg16[%dma_start3A_113, %dma_start3A_119] : memref<32x128xi32, #tpu.memory_space<vmem>> -> memref<1x128xi32, #tpu.memory_space<vmem>>
        %dma_start3A_121 = tpu.memref_squeeze %dma_start3A_120 : memref<1x128xi32, #tpu.memory_space<vmem>> -> memref<128xi32, #tpu.memory_space<vmem>>
        %dma_start3A_122 = arith.constant 0 : i32
        %dma_start3A_123 = arith.constant 0 : i32
        %dma_start3A_124 = tpu.memref_slice %arg4[%dma_start3A_122, %dma_start3A_123] : memref<50000x32xbf16, #tpu.memory_space<hbm>> -> memref<50000x32xbf16, #tpu.memory_space<hbm>>
        tpu.enqueue_indirect_dma source(%dma_start3A_124 : memref<50000x32xbf16, #tpu.memory_space<hbm>>) target(%dma_start3A_118 : memref<128x32xbf16, #tpu.memory_space<vmem>>) offsets(%dma_start3A_121 : memref<128xi32, #tpu.memory_space<vmem>>) semaphore(%arg22 : memref<!tpu.dma_semaphore, #tpu.memory_space<semaphore_mem>>)
        %scan3A_125 = arith.constant 0 : i32
        %scan3A_126 = arith.constant 0 : i32
        %scan3A_127 = arith.constant 32 : i32
        %scan3A_128 = arith.addi %scan3A_126, %scan3A_127 : i32
        %scan3A_129 = arith.constant 1 : i32
        scf.for %scan3A_142 = %scan3A_126 to %scan3A_128 step %scan3A_129  : i32 {
          %and3A = arith.constant 3 : i32
          %and3A_143 = arith.andi %scan3A_142, %and3A : i32
          %gt3A = arith.constant 0 : i32
          %gt3A_144 = arith.cmpi sgt, %scan3A_142, %gt3A : i32
          %convert_element_type3A_145 = arith.extui %gt3A_144 : i1 to i32
          %cond3A_146 = arith.constant 0 : i32
          %cond3A_147 = arith.cmpi ne, %convert_element_type3A_145, %cond3A_146 : i32
          scf.if %cond3A_147 {
            %sub3A_175 = arith.constant 1 : i32
            %sub3A_176 = arith.subi %scan3A_142, %sub3A_175 : i32
            %sub3A_177 = arith.constant 1 : i32
            %sub3A_178 = arith.subi %scan3A_142, %sub3A_177 : i32
            %and3A_179 = arith.constant 3 : i32
            %and3A_180 = arith.andi %sub3A_178, %and3A_179 : i32
            %dma_wait3A_181 = arith.constant 0 : i32
            %dma_wait3A_182 = arith.constant 0 : i32
            %dma_wait3A_183 = tpu.memref_slice %arg18[%and3A_180, %dma_wait3A_181, %dma_wait3A_182] : memref<4x128x32xbf16, #tpu.memory_space<vmem>> -> memref<1x128x32xbf16, #tpu.memory_space<vmem>>
            %dma_wait3A_184 = tpu.memref_squeeze %dma_wait3A_183 : memref<1x128x32xbf16, #tpu.memory_space<vmem>> -> memref<128x32xbf16, #tpu.memory_space<vmem>>
            %dma_wait3A_185 = arith.constant 0 : i32
            %dma_wait3A_186 = tpu.memref_slice %arg17[%sub3A_176, %dma_wait3A_185] : memref<32x128xi32, #tpu.memory_space<vmem>> -> memref<1x128xi32, #tpu.memory_space<vmem>>
            %dma_wait3A_187 = tpu.memref_squeeze %dma_wait3A_186 : memref<1x128xi32, #tpu.memory_space<vmem>> -> memref<128xi32, #tpu.memory_space<vmem>>
            %dma_wait3A_188 = arith.constant 0 : i32
            %dma_wait3A_189 = arith.constant 0 : i32
            %dma_wait3A_190 = tpu.memref_slice %arg21[%dma_wait3A_188, %dma_wait3A_189] : memref<50048x32xbf16, #tpu.memory_space<vmem_shared>> -> memref<50048x32xbf16, #tpu.memory_space<vmem_shared>>
            tpu.wait_indirect_dma semaphore(%arg23 : memref<!tpu.dma_semaphore, #tpu.memory_space<semaphore_mem>>) src(%dma_wait3A_184 : memref<128x32xbf16, #tpu.memory_space<vmem>>) dst(%dma_wait3A_190 : memref<50048x32xbf16, #tpu.memory_space<vmem_shared>>)
          } else {
          }
          %add3A_148 = arith.constant 4 : i32
          %add3A_149 = arith.addi %scan3A_142, %add3A_148 : i32
          %sub3A = arith.constant 1 : i32
          %sub3A_150 = arith.subi %add3A_149, %sub3A : i32
          %lt3A = arith.constant 32 : i32
          %lt3A_151 = arith.cmpi slt, %sub3A_150, %lt3A : i32
          %convert_element_type3A_152 = arith.extui %lt3A_151 : i1 to i32
          %cond3A_153 = arith.constant 0 : i32
          %cond3A_154 = arith.cmpi ne, %convert_element_type3A_152, %cond3A_153 : i32
          scf.if %cond3A_154 {
            %add3A_175 = arith.constant 4 : i32
            %add3A_176 = arith.addi %scan3A_142, %add3A_175 : i32
            %sub3A_177 = arith.constant 1 : i32
            %sub3A_178 = arith.subi %add3A_176, %sub3A_177 : i32
            %add3A_179 = arith.constant 4 : i32
            %add3A_180 = arith.addi %scan3A_142, %add3A_179 : i32
            %sub3A_181 = arith.constant 1 : i32
            %sub3A_182 = arith.subi %add3A_180, %sub3A_181 : i32
            %and3A_183 = arith.constant 3 : i32
            %and3A_184 = arith.andi %sub3A_182, %and3A_183 : i32
            %dma_start3A_185 = arith.constant 0 : i32
            %dma_start3A_186 = arith.constant 0 : i32
            %dma_start3A_187 = tpu.memref_slice %arg18[%and3A_184, %dma_start3A_185, %dma_start3A_186] : memref<4x128x32xbf16, #tpu.memory_space<vmem>> -> memref<1x128x32xbf16, #tpu.memory_space<vmem>>
            %dma_start3A_188 = tpu.memref_squeeze %dma_start3A_187 : memref<1x128x32xbf16, #tpu.memory_space<vmem>> -> memref<128x32xbf16, #tpu.memory_space<vmem>>
            %dma_start3A_189 = arith.constant 0 : i32
            %dma_start3A_190 = tpu.memref_slice %arg16[%sub3A_178, %dma_start3A_189] : memref<32x128xi32, #tpu.memory_space<vmem>> -> memref<1x128xi32, #tpu.memory_space<vmem>>
            %dma_start3A_191 = tpu.memref_squeeze %dma_start3A_190 : memref<1x128xi32, #tpu.memory_space<vmem>> -> memref<128xi32, #tpu.memory_space<vmem>>
            %dma_start3A_192 = arith.constant 0 : i32
            %dma_start3A_193 = arith.constant 0 : i32
            %dma_start3A_194 = tpu.memref_slice %arg4[%dma_start3A_192, %dma_start3A_193] : memref<50000x32xbf16, #tpu.memory_space<hbm>> -> memref<50000x32xbf16, #tpu.memory_space<hbm>>
            tpu.enqueue_indirect_dma source(%dma_start3A_194 : memref<50000x32xbf16, #tpu.memory_space<hbm>>) target(%dma_start3A_188 : memref<128x32xbf16, #tpu.memory_space<vmem>>) offsets(%dma_start3A_191 : memref<128xi32, #tpu.memory_space<vmem>>) semaphore(%arg22 : memref<!tpu.dma_semaphore, #tpu.memory_space<semaphore_mem>>)
          } else {
          }
          %dma_wait3A_155 = arith.constant 0 : i32
          %dma_wait3A_156 = arith.constant 0 : i32
          %dma_wait3A_157 = tpu.memref_slice %arg18[%and3A_143, %dma_wait3A_155, %dma_wait3A_156] : memref<4x128x32xbf16, #tpu.memory_space<vmem>> -> memref<1x128x32xbf16, #tpu.memory_space<vmem>>
          %dma_wait3A_158 = tpu.memref_squeeze %dma_wait3A_157 : memref<1x128x32xbf16, #tpu.memory_space<vmem>> -> memref<128x32xbf16, #tpu.memory_space<vmem>>
          %dma_wait3A_159 = arith.constant 0 : i32
          %dma_wait3A_160 = tpu.memref_slice %arg16[%scan3A_142, %dma_wait3A_159] : memref<32x128xi32, #tpu.memory_space<vmem>> -> memref<1x128xi32, #tpu.memory_space<vmem>>
          %dma_wait3A_161 = tpu.memref_squeeze %dma_wait3A_160 : memref<1x128xi32, #tpu.memory_space<vmem>> -> memref<128xi32, #tpu.memory_space<vmem>>
          %dma_wait3A_162 = arith.constant 0 : i32
          %dma_wait3A_163 = arith.constant 0 : i32
          %dma_wait3A_164 = tpu.memref_slice %arg4[%dma_wait3A_162, %dma_wait3A_163] : memref<50000x32xbf16, #tpu.memory_space<hbm>> -> memref<50000x32xbf16, #tpu.memory_space<hbm>>
          tpu.wait_indirect_dma semaphore(%arg22 : memref<!tpu.dma_semaphore, #tpu.memory_space<semaphore_mem>>) src(%dma_wait3A_164 : memref<50000x32xbf16, #tpu.memory_space<hbm>>) dst(%dma_wait3A_158 : memref<128x32xbf16, #tpu.memory_space<vmem>>)
          %dma_start3A_165 = arith.constant 0 : i32
          %dma_start3A_166 = arith.constant 0 : i32
          %dma_start3A_167 = tpu.memref_slice %arg18[%and3A_143, %dma_start3A_165, %dma_start3A_166] : memref<4x128x32xbf16, #tpu.memory_space<vmem>> -> memref<1x128x32xbf16, #tpu.memory_space<vmem>>
          %dma_start3A_168 = tpu.memref_squeeze %dma_start3A_167 : memref<1x128x32xbf16, #tpu.memory_space<vmem>> -> memref<128x32xbf16, #tpu.memory_space<vmem>>
          %dma_start3A_169 = arith.constant 0 : i32
          %dma_start3A_170 = tpu.memref_slice %arg17[%scan3A_142, %dma_start3A_169] : memref<32x128xi32, #tpu.memory_space<vmem>> -> memref<1x128xi32, #tpu.memory_space<vmem>>
          %dma_start3A_171 = tpu.memref_squeeze %dma_start3A_170 : memref<1x128xi32, #tpu.memory_space<vmem>> -> memref<128xi32, #tpu.memory_space<vmem>>
          %dma_start3A_172 = arith.constant 0 : i32
          %dma_start3A_173 = arith.constant 0 : i32
          %dma_start3A_174 = tpu.memref_slice %arg21[%dma_start3A_172, %dma_start3A_173] : memref<50048x32xbf16, #tpu.memory_space<vmem_shared>> -> memref<50048x32xbf16, #tpu.memory_space<vmem_shared>>
          tpu.enqueue_indirect_dma source(%dma_start3A_168 : memref<128x32xbf16, #tpu.memory_space<vmem>>) target(%dma_start3A_174 : memref<50048x32xbf16, #tpu.memory_space<vmem_shared>>) offsets(%dma_start3A_171 : memref<128xi32, #tpu.memory_space<vmem>>) semaphore(%arg23 : memref<!tpu.dma_semaphore, #tpu.memory_space<semaphore_mem>>) {add = true}
        }
        %scan3A_130 = arith.constant 32 : i32
        %dma_wait3A = arith.constant 3 : i32
        %dma_wait3A_131 = arith.constant 31 : i32
        %dma_wait3A_132 = arith.constant 0 : i32
        %dma_wait3A_133 = arith.constant 0 : i32
        %dma_wait3A_134 = tpu.memref_slice %arg18[%dma_wait3A, %dma_wait3A_132, %dma_wait3A_133] : memref<4x128x32xbf16, #tpu.memory_space<vmem>> -> memref<1x128x32xbf16, #tpu.memory_space<vmem>>
        %dma_wait3A_135 = tpu.memref_squeeze %dma_wait3A_134 : memref<1x128x32xbf16, #tpu.memory_space<vmem>> -> memref<128x32xbf16, #tpu.memory_space<vmem>>
        %dma_wait3A_136 = arith.constant 0 : i32
        %dma_wait3A_137 = tpu.memref_slice %arg17[%dma_wait3A_131, %dma_wait3A_136] : memref<32x128xi32, #tpu.memory_space<vmem>> -> memref<1x128xi32, #tpu.memory_space<vmem>>
        %dma_wait3A_138 = tpu.memref_squeeze %dma_wait3A_137 : memref<1x128xi32, #tpu.memory_space<vmem>> -> memref<128xi32, #tpu.memory_space<vmem>>
        %dma_wait3A_139 = arith.constant 0 : i32
        %dma_wait3A_140 = arith.constant 0 : i32
        %dma_wait3A_141 = tpu.memref_slice %arg21[%dma_wait3A_139, %dma_wait3A_140] : memref<50048x32xbf16, #tpu.memory_space<vmem_shared>> -> memref<50048x32xbf16, #tpu.memory_space<vmem_shared>>
        tpu.wait_indirect_dma semaphore(%arg23 : memref<!tpu.dma_semaphore, #tpu.memory_space<semaphore_mem>>) src(%dma_wait3A_135 : memref<128x32xbf16, #tpu.memory_space<vmem>>) dst(%dma_wait3A_141 : memref<50048x32xbf16, #tpu.memory_space<vmem_shared>>)
      }
      %scan3A_85 = arith.constant 8 : i32
    } else {
    }
    %barrier3A_33 = arith.constant 0 : index
    tpu.barrier barrier_id(%barrier3A_33)
    %convert_element_type3A_34 = arith.extui %eq3A_25 : i1 to i32
    %cond3A_35 = arith.constant 0 : i32
    %cond3A_36 = arith.cmpi ne, %convert_element_type3A_34, %cond3A_35 : i32
    scf.if %cond3A_36 {
      %scan3A_78 = arith.constant 0 : i32
      %scan3A_79 = arith.constant 0 : i32
      %scan3A_80 = arith.constant 98 : i32
      %scan3A_81 = arith.addi %scan3A_79, %scan3A_80 : i32
      %scan3A_82 = arith.constant 1 : i32
      scf.for %scan3A_84 = %scan3A_79 to %scan3A_81 step %scan3A_82  : i32 {
        %mul3A_85 = arith.constant 16 : i32
        %mul3A_86 = arith.muli %scan3A_84, %mul3A_85 : i32
        %add3A_87 = arith.addi %mul3A_86, %arg1 : i32
        %lt3A = arith.constant 1564 : i32
        %lt3A_88 = arith.cmpi slt, %add3A_87, %lt3A : i32
        %convert_element_type3A_89 = arith.extui %lt3A_88 : i1 to i32
        %cond3A_90 = arith.constant 0 : i32
        %cond3A_91 = arith.cmpi ne, %convert_element_type3A_89, %cond3A_90 : i32
        scf.if %cond3A_91 {
          %mul3A_92 = arith.constant 32 : i32
          %mul3A_93 = arith.muli %add3A_87, %mul3A_92 : i32
          %mul3A_94 = arith.constant 32 : i32
          %mul3A_95 = arith.muli %add3A_87, %mul3A_94 : i32
          "tpu.region"() ({
            %run_scoped3A = tpu.sem_alloc : memref<!tpu.dma_semaphore, #tpu.memory_space<semaphore_mem>>
            %dma_start3A = arith.constant 0 : i32
            %dma_start3A_96 = tpu.memref_slice %arg12[%mul3A_95, %dma_start3A] : memref<50048x32xbf16, #tpu.memory_space<hbm>> -> memref<32x32xbf16, #tpu.memory_space<hbm>>
            %dma_start3A_97 = arith.constant 0 : i32
            %dma_start3A_98 = tpu.memref_slice %arg21[%mul3A_93, %dma_start3A_97] : memref<50048x32xbf16, #tpu.memory_space<vmem_shared>> -> memref<32x32xbf16, #tpu.memory_space<vmem_shared>>
            tpu.enqueue_dma source(%dma_start3A_98 : memref<32x32xbf16, #tpu.memory_space<vmem_shared>>) target(%dma_start3A_96 : memref<32x32xbf16, #tpu.memory_space<hbm>>) target_semaphore(%run_scoped3A : memref<!tpu.dma_semaphore, #tpu.memory_space<semaphore_mem>>)
            %dma_wait3A = arith.constant 0 : i32
            %dma_wait3A_99 = tpu.memref_slice %arg12[%mul3A_95, %dma_wait3A] : memref<50048x32xbf16, #tpu.memory_space<hbm>> -> memref<32x32xbf16, #tpu.memory_space<hbm>>
            %dma_wait3A_100 = arith.constant 0 : i32
            %dma_wait3A_101 = tpu.memref_slice %arg21[%mul3A_93, %dma_wait3A_100] : memref<50048x32xbf16, #tpu.memory_space<vmem_shared>> -> memref<32x32xbf16, #tpu.memory_space<vmem_shared>>
            tpu.wait_dma2 semaphore(%run_scoped3A : memref<!tpu.dma_semaphore, #tpu.memory_space<semaphore_mem>>) src(%dma_wait3A_101 : memref<32x32xbf16, #tpu.memory_space<vmem_shared>>) dst(%dma_wait3A_99 : memref<32x32xbf16, #tpu.memory_space<hbm>>)
            tpu.yield
          }) : () -> ()
        } else {
        }
      }
      %scan3A_83 = arith.constant 98 : i32
    } else {
    }
    %barrier3A_37 = arith.constant 0 : index
    tpu.barrier barrier_id(%barrier3A_37)
    %eq3A_38 = arith.constant 1 : i32
    %eq3A_39 = arith.cmpi eq, %arg0, %eq3A_38 : i32
    %convert_element_type3A_40 = arith.extui %eq3A_39 : i1 to i32
    %cond3A_41 = arith.constant 0 : i32
    %cond3A_42 = arith.cmpi ne, %convert_element_type3A_40, %cond3A_41 : i32
    scf.if %cond3A_42 {
      %scan3A_78 = arith.constant 0 : i32
      %scan3A_79 = arith.constant 0 : i32
      %scan3A_80 = arith.constant 98 : i32
      %scan3A_81 = arith.addi %scan3A_79, %scan3A_80 : i32
      %scan3A_82 = arith.constant 1 : i32
      scf.for %scan3A_84 = %scan3A_79 to %scan3A_81 step %scan3A_82  : i32 {
        %mul3A_85 = arith.constant 16 : i32
        %mul3A_86 = arith.muli %scan3A_84, %mul3A_85 : i32
        %add3A_87 = arith.addi %mul3A_86, %arg1 : i32
        %lt3A = arith.constant 1564 : i32
        %lt3A_88 = arith.cmpi slt, %add3A_87, %lt3A : i32
        %convert_element_type3A_89 = arith.extui %lt3A_88 : i1 to i32
        %cond3A_90 = arith.constant 0 : i32
        %cond3A_91 = arith.cmpi ne, %convert_element_type3A_89, %cond3A_90 : i32
        scf.if %cond3A_91 {
          %mul3A_92 = arith.constant 32 : i32
          %mul3A_93 = arith.muli %add3A_87, %mul3A_92 : i32
          "tpu.region"() ({
            %run_scoped3A = tpu.sem_alloc : memref<!tpu.dma_semaphore, #tpu.memory_space<semaphore_mem>>
            %dma_start3A = arith.constant 0 : i32
            %dma_start3A_94 = tpu.memref_slice %arg21[%mul3A_93, %dma_start3A] : memref<50048x32xbf16, #tpu.memory_space<vmem_shared>> -> memref<32x32xbf16, #tpu.memory_space<vmem_shared>>
            %dma_start3A_95 = arith.constant 0 : i32
            %dma_start3A_96 = tpu.memref_slice %arg21[%mul3A_93, %dma_start3A_95] : memref<50048x32xbf16, #tpu.memory_space<vmem_shared>> -> memref<32x32xbf16, #tpu.memory_space<vmem_shared>>
            tpu.enqueue_dma source(%arg20 : memref<32x32xbf16, #tpu.memory_space<vmem>>) target(%dma_start3A_96 : memref<32x32xbf16, #tpu.memory_space<vmem_shared>>) target_semaphore(%run_scoped3A : memref<!tpu.dma_semaphore, #tpu.memory_space<semaphore_mem>>)
            %dma_wait3A = arith.constant 0 : i32
            %dma_wait3A_97 = tpu.memref_slice %arg21[%mul3A_93, %dma_wait3A] : memref<50048x32xbf16, #tpu.memory_space<vmem_shared>> -> memref<32x32xbf16, #tpu.memory_space<vmem_shared>>
            %dma_wait3A_98 = arith.constant 0 : i32
            %dma_wait3A_99 = tpu.memref_slice %arg21[%mul3A_93, %dma_wait3A_98] : memref<50048x32xbf16, #tpu.memory_space<vmem_shared>> -> memref<32x32xbf16, #tpu.memory_space<vmem_shared>>
            tpu.wait_dma2 semaphore(%run_scoped3A : memref<!tpu.dma_semaphore, #tpu.memory_space<semaphore_mem>>) src(%arg20 : memref<32x32xbf16, #tpu.memory_space<vmem>>) dst(%dma_wait3A_99 : memref<32x32xbf16, #tpu.memory_space<vmem_shared>>)
            tpu.yield
          }) : () -> ()
        } else {
        }
      }
      %scan3A_83 = arith.constant 98 : i32
    } else {
    }
    %barrier3A_43 = arith.constant 0 : index
    tpu.barrier barrier_id(%barrier3A_43)
    %convert_element_type3A_44 = arith.extui %eq3A_39 : i1 to i32
    %cond3A_45 = arith.constant 0 : i32
    %cond3A_46 = arith.cmpi ne, %convert_element_type3A_44, %cond3A_45 : i32
    scf.if %cond3A_46 {
      %mul3A_78 = arith.constant 256 : i32
      %mul3A_79 = arith.muli %arg1, %mul3A_78 : i32
      %scan3A_80 = arith.constant 0 : i32
      %scan3A_81 = arith.constant 0 : i32
      %scan3A_82 = arith.constant 8 : i32
      %scan3A_83 = arith.addi %scan3A_81, %scan3A_82 : i32
      %scan3A_84 = arith.constant 1 : i32
      scf.for %scan3A_86 = %scan3A_81 to %scan3A_83 step %scan3A_84  : i32 {
        %mul3A_87 = arith.constant 32 : i32
        %mul3A_88 = arith.muli %scan3A_86, %mul3A_87 : i32
        %add3A_89 = arith.addi %mul3A_79, %mul3A_88 : i32
        "tpu.region"() ({
          %run_scoped3A = tpu.sem_alloc : memref<!tpu.dma_semaphore, #tpu.memory_space<semaphore_mem>>
          %dma_start3A_142 = arith.constant 0 : i32
          %dma_start3A_143 = tpu.memref_slice %arg6[%add3A_89, %dma_start3A_142] : memref<4096x128xi32, #tpu.memory_space<hbm>> -> memref<32x128xi32, #tpu.memory_space<hbm>>
          %dma_start3A_144 = arith.constant 0 : i32
          %dma_start3A_145 = tpu.memref_slice %arg6[%add3A_89, %dma_start3A_144] : memref<4096x128xi32, #tpu.memory_space<hbm>> -> memref<32x128xi32, #tpu.memory_space<hbm>>
          tpu.enqueue_dma source(%dma_start3A_145 : memref<32x128xi32, #tpu.memory_space<hbm>>) target(%arg16 : memref<32x128xi32, #tpu.memory_space<vmem>>) target_semaphore(%run_scoped3A : memref<!tpu.dma_semaphore, #tpu.memory_space<semaphore_mem>>)
          %dma_wait3A_146 = arith.constant 0 : i32
          %dma_wait3A_147 = tpu.memref_slice %arg6[%add3A_89, %dma_wait3A_146] : memref<4096x128xi32, #tpu.memory_space<hbm>> -> memref<32x128xi32, #tpu.memory_space<hbm>>
          %dma_wait3A_148 = arith.constant 0 : i32
          %dma_wait3A_149 = tpu.memref_slice %arg6[%add3A_89, %dma_wait3A_148] : memref<4096x128xi32, #tpu.memory_space<hbm>> -> memref<32x128xi32, #tpu.memory_space<hbm>>
          tpu.wait_dma2 semaphore(%run_scoped3A : memref<!tpu.dma_semaphore, #tpu.memory_space<semaphore_mem>>) src(%dma_wait3A_149 : memref<32x128xi32, #tpu.memory_space<hbm>>) dst(%arg16 : memref<32x128xi32, #tpu.memory_space<vmem>>)
          tpu.yield
        }) : () -> ()
        "tpu.region"() ({
          %run_scoped3A = tpu.sem_alloc : memref<!tpu.dma_semaphore, #tpu.memory_space<semaphore_mem>>
          %dma_start3A_142 = arith.constant 0 : i32
          %dma_start3A_143 = tpu.memref_slice %arg7[%add3A_89, %dma_start3A_142] : memref<4096x128xi32, #tpu.memory_space<hbm>> -> memref<32x128xi32, #tpu.memory_space<hbm>>
          %dma_start3A_144 = arith.constant 0 : i32
          %dma_start3A_145 = tpu.memref_slice %arg7[%add3A_89, %dma_start3A_144] : memref<4096x128xi32, #tpu.memory_space<hbm>> -> memref<32x128xi32, #tpu.memory_space<hbm>>
          tpu.enqueue_dma source(%dma_start3A_145 : memref<32x128xi32, #tpu.memory_space<hbm>>) target(%arg17 : memref<32x128xi32, #tpu.memory_space<vmem>>) target_semaphore(%run_scoped3A : memref<!tpu.dma_semaphore, #tpu.memory_space<semaphore_mem>>)
          %dma_wait3A_146 = arith.constant 0 : i32
          %dma_wait3A_147 = tpu.memref_slice %arg7[%add3A_89, %dma_wait3A_146] : memref<4096x128xi32, #tpu.memory_space<hbm>> -> memref<32x128xi32, #tpu.memory_space<hbm>>
          %dma_wait3A_148 = arith.constant 0 : i32
          %dma_wait3A_149 = tpu.memref_slice %arg7[%add3A_89, %dma_wait3A_148] : memref<4096x128xi32, #tpu.memory_space<hbm>> -> memref<32x128xi32, #tpu.memory_space<hbm>>
          tpu.wait_dma2 semaphore(%run_scoped3A : memref<!tpu.dma_semaphore, #tpu.memory_space<semaphore_mem>>) src(%dma_wait3A_149 : memref<32x128xi32, #tpu.memory_space<hbm>>) dst(%arg17 : memref<32x128xi32, #tpu.memory_space<vmem>>)
          tpu.yield
        }) : () -> ()
        %dma_start3A = arith.constant 0 : i32
        %dma_start3A_90 = arith.constant 0 : i32
        %dma_start3A_91 = arith.constant 0 : i32
        %dma_start3A_92 = arith.constant 0 : i32
        %dma_start3A_93 = tpu.memref_slice %arg18[%dma_start3A_90, %dma_start3A_91, %dma_start3A_92] : memref<4x128x32xbf16, #tpu.memory_space<vmem>> -> memref<1x128x32xbf16, #tpu.memory_space<vmem>>
        %dma_start3A_94 = tpu.memref_squeeze %dma_start3A_93 : memref<1x128x32xbf16, #tpu.memory_space<vmem>> -> memref<128x32xbf16, #tpu.memory_space<vmem>>
        %dma_start3A_95 = arith.constant 0 : i32
        %dma_start3A_96 = tpu.memref_slice %arg16[%dma_start3A, %dma_start3A_95] : memref<32x128xi32, #tpu.memory_space<vmem>> -> memref<1x128xi32, #tpu.memory_space<vmem>>
        %dma_start3A_97 = tpu.memref_squeeze %dma_start3A_96 : memref<1x128xi32, #tpu.memory_space<vmem>> -> memref<128xi32, #tpu.memory_space<vmem>>
        %dma_start3A_98 = arith.constant 0 : i32
        %dma_start3A_99 = arith.constant 0 : i32
        %dma_start3A_100 = tpu.memref_slice %arg5[%dma_start3A_98, %dma_start3A_99] : memref<50000x32xbf16, #tpu.memory_space<hbm>> -> memref<50000x32xbf16, #tpu.memory_space<hbm>>
        tpu.enqueue_indirect_dma source(%dma_start3A_100 : memref<50000x32xbf16, #tpu.memory_space<hbm>>) target(%dma_start3A_94 : memref<128x32xbf16, #tpu.memory_space<vmem>>) offsets(%dma_start3A_97 : memref<128xi32, #tpu.memory_space<vmem>>) semaphore(%arg22 : memref<!tpu.dma_semaphore, #tpu.memory_space<semaphore_mem>>)
        %dma_start3A_101 = arith.constant 1 : i32
        %dma_start3A_102 = arith.constant 1 : i32
        %dma_start3A_103 = arith.constant 0 : i32
        %dma_start3A_104 = arith.constant 0 : i32
        %dma_start3A_105 = tpu.memref_slice %arg18[%dma_start3A_102, %dma_start3A_103, %dma_start3A_104] : memref<4x128x32xbf16, #tpu.memory_space<vmem>> -> memref<1x128x32xbf16, #tpu.memory_space<vmem>>
        %dma_start3A_106 = tpu.memref_squeeze %dma_start3A_105 : memref<1x128x32xbf16, #tpu.memory_space<vmem>> -> memref<128x32xbf16, #tpu.memory_space<vmem>>
        %dma_start3A_107 = arith.constant 0 : i32
        %dma_start3A_108 = tpu.memref_slice %arg16[%dma_start3A_101, %dma_start3A_107] : memref<32x128xi32, #tpu.memory_space<vmem>> -> memref<1x128xi32, #tpu.memory_space<vmem>>
        %dma_start3A_109 = tpu.memref_squeeze %dma_start3A_108 : memref<1x128xi32, #tpu.memory_space<vmem>> -> memref<128xi32, #tpu.memory_space<vmem>>
        %dma_start3A_110 = arith.constant 0 : i32
        %dma_start3A_111 = arith.constant 0 : i32
        %dma_start3A_112 = tpu.memref_slice %arg5[%dma_start3A_110, %dma_start3A_111] : memref<50000x32xbf16, #tpu.memory_space<hbm>> -> memref<50000x32xbf16, #tpu.memory_space<hbm>>
        tpu.enqueue_indirect_dma source(%dma_start3A_112 : memref<50000x32xbf16, #tpu.memory_space<hbm>>) target(%dma_start3A_106 : memref<128x32xbf16, #tpu.memory_space<vmem>>) offsets(%dma_start3A_109 : memref<128xi32, #tpu.memory_space<vmem>>) semaphore(%arg22 : memref<!tpu.dma_semaphore, #tpu.memory_space<semaphore_mem>>)
        %dma_start3A_113 = arith.constant 2 : i32
        %dma_start3A_114 = arith.constant 2 : i32
        %dma_start3A_115 = arith.constant 0 : i32
        %dma_start3A_116 = arith.constant 0 : i32
        %dma_start3A_117 = tpu.memref_slice %arg18[%dma_start3A_114, %dma_start3A_115, %dma_start3A_116] : memref<4x128x32xbf16, #tpu.memory_space<vmem>> -> memref<1x128x32xbf16, #tpu.memory_space<vmem>>
        %dma_start3A_118 = tpu.memref_squeeze %dma_start3A_117 : memref<1x128x32xbf16, #tpu.memory_space<vmem>> -> memref<128x32xbf16, #tpu.memory_space<vmem>>
        %dma_start3A_119 = arith.constant 0 : i32
        %dma_start3A_120 = tpu.memref_slice %arg16[%dma_start3A_113, %dma_start3A_119] : memref<32x128xi32, #tpu.memory_space<vmem>> -> memref<1x128xi32, #tpu.memory_space<vmem>>
        %dma_start3A_121 = tpu.memref_squeeze %dma_start3A_120 : memref<1x128xi32, #tpu.memory_space<vmem>> -> memref<128xi32, #tpu.memory_space<vmem>>
        %dma_start3A_122 = arith.constant 0 : i32
        %dma_start3A_123 = arith.constant 0 : i32
        %dma_start3A_124 = tpu.memref_slice %arg5[%dma_start3A_122, %dma_start3A_123] : memref<50000x32xbf16, #tpu.memory_space<hbm>> -> memref<50000x32xbf16, #tpu.memory_space<hbm>>
        tpu.enqueue_indirect_dma source(%dma_start3A_124 : memref<50000x32xbf16, #tpu.memory_space<hbm>>) target(%dma_start3A_118 : memref<128x32xbf16, #tpu.memory_space<vmem>>) offsets(%dma_start3A_121 : memref<128xi32, #tpu.memory_space<vmem>>) semaphore(%arg22 : memref<!tpu.dma_semaphore, #tpu.memory_space<semaphore_mem>>)
        %scan3A_125 = arith.constant 0 : i32
        %scan3A_126 = arith.constant 0 : i32
        %scan3A_127 = arith.constant 32 : i32
        %scan3A_128 = arith.addi %scan3A_126, %scan3A_127 : i32
        %scan3A_129 = arith.constant 1 : i32
        scf.for %scan3A_142 = %scan3A_126 to %scan3A_128 step %scan3A_129  : i32 {
          %and3A = arith.constant 3 : i32
          %and3A_143 = arith.andi %scan3A_142, %and3A : i32
          %gt3A = arith.constant 0 : i32
          %gt3A_144 = arith.cmpi sgt, %scan3A_142, %gt3A : i32
          %convert_element_type3A_145 = arith.extui %gt3A_144 : i1 to i32
          %cond3A_146 = arith.constant 0 : i32
          %cond3A_147 = arith.cmpi ne, %convert_element_type3A_145, %cond3A_146 : i32
          scf.if %cond3A_147 {
            %sub3A_175 = arith.constant 1 : i32
            %sub3A_176 = arith.subi %scan3A_142, %sub3A_175 : i32
            %sub3A_177 = arith.constant 1 : i32
            %sub3A_178 = arith.subi %scan3A_142, %sub3A_177 : i32
            %and3A_179 = arith.constant 3 : i32
            %and3A_180 = arith.andi %sub3A_178, %and3A_179 : i32
            %dma_wait3A_181 = arith.constant 0 : i32
            %dma_wait3A_182 = arith.constant 0 : i32
            %dma_wait3A_183 = tpu.memref_slice %arg18[%and3A_180, %dma_wait3A_181, %dma_wait3A_182] : memref<4x128x32xbf16, #tpu.memory_space<vmem>> -> memref<1x128x32xbf16, #tpu.memory_space<vmem>>
            %dma_wait3A_184 = tpu.memref_squeeze %dma_wait3A_183 : memref<1x128x32xbf16, #tpu.memory_space<vmem>> -> memref<128x32xbf16, #tpu.memory_space<vmem>>
            %dma_wait3A_185 = arith.constant 0 : i32
            %dma_wait3A_186 = tpu.memref_slice %arg17[%sub3A_176, %dma_wait3A_185] : memref<32x128xi32, #tpu.memory_space<vmem>> -> memref<1x128xi32, #tpu.memory_space<vmem>>
            %dma_wait3A_187 = tpu.memref_squeeze %dma_wait3A_186 : memref<1x128xi32, #tpu.memory_space<vmem>> -> memref<128xi32, #tpu.memory_space<vmem>>
            %dma_wait3A_188 = arith.constant 0 : i32
            %dma_wait3A_189 = arith.constant 0 : i32
            %dma_wait3A_190 = tpu.memref_slice %arg21[%dma_wait3A_188, %dma_wait3A_189] : memref<50048x32xbf16, #tpu.memory_space<vmem_shared>> -> memref<50048x32xbf16, #tpu.memory_space<vmem_shared>>
            tpu.wait_indirect_dma semaphore(%arg23 : memref<!tpu.dma_semaphore, #tpu.memory_space<semaphore_mem>>) src(%dma_wait3A_184 : memref<128x32xbf16, #tpu.memory_space<vmem>>) dst(%dma_wait3A_190 : memref<50048x32xbf16, #tpu.memory_space<vmem_shared>>)
          } else {
          }
          %add3A_148 = arith.constant 4 : i32
          %add3A_149 = arith.addi %scan3A_142, %add3A_148 : i32
          %sub3A = arith.constant 1 : i32
          %sub3A_150 = arith.subi %add3A_149, %sub3A : i32
          %lt3A = arith.constant 32 : i32
          %lt3A_151 = arith.cmpi slt, %sub3A_150, %lt3A : i32
          %convert_element_type3A_152 = arith.extui %lt3A_151 : i1 to i32
          %cond3A_153 = arith.constant 0 : i32
          %cond3A_154 = arith.cmpi ne, %convert_element_type3A_152, %cond3A_153 : i32
          scf.if %cond3A_154 {
            %add3A_175 = arith.constant 4 : i32
            %add3A_176 = arith.addi %scan3A_142, %add3A_175 : i32
            %sub3A_177 = arith.constant 1 : i32
            %sub3A_178 = arith.subi %add3A_176, %sub3A_177 : i32
            %add3A_179 = arith.constant 4 : i32
            %add3A_180 = arith.addi %scan3A_142, %add3A_179 : i32
            %sub3A_181 = arith.constant 1 : i32
            %sub3A_182 = arith.subi %add3A_180, %sub3A_181 : i32
            %and3A_183 = arith.constant 3 : i32
            %and3A_184 = arith.andi %sub3A_182, %and3A_183 : i32
            %dma_start3A_185 = arith.constant 0 : i32
            %dma_start3A_186 = arith.constant 0 : i32
            %dma_start3A_187 = tpu.memref_slice %arg18[%and3A_184, %dma_start3A_185, %dma_start3A_186] : memref<4x128x32xbf16, #tpu.memory_space<vmem>> -> memref<1x128x32xbf16, #tpu.memory_space<vmem>>
            %dma_start3A_188 = tpu.memref_squeeze %dma_start3A_187 : memref<1x128x32xbf16, #tpu.memory_space<vmem>> -> memref<128x32xbf16, #tpu.memory_space<vmem>>
            %dma_start3A_189 = arith.constant 0 : i32
            %dma_start3A_190 = tpu.memref_slice %arg16[%sub3A_178, %dma_start3A_189] : memref<32x128xi32, #tpu.memory_space<vmem>> -> memref<1x128xi32, #tpu.memory_space<vmem>>
            %dma_start3A_191 = tpu.memref_squeeze %dma_start3A_190 : memref<1x128xi32, #tpu.memory_space<vmem>> -> memref<128xi32, #tpu.memory_space<vmem>>
            %dma_start3A_192 = arith.constant 0 : i32
            %dma_start3A_193 = arith.constant 0 : i32
            %dma_start3A_194 = tpu.memref_slice %arg5[%dma_start3A_192, %dma_start3A_193] : memref<50000x32xbf16, #tpu.memory_space<hbm>> -> memref<50000x32xbf16, #tpu.memory_space<hbm>>
            tpu.enqueue_indirect_dma source(%dma_start3A_194 : memref<50000x32xbf16, #tpu.memory_space<hbm>>) target(%dma_start3A_188 : memref<128x32xbf16, #tpu.memory_space<vmem>>) offsets(%dma_start3A_191 : memref<128xi32, #tpu.memory_space<vmem>>) semaphore(%arg22 : memref<!tpu.dma_semaphore, #tpu.memory_space<semaphore_mem>>)
          } else {
          }
          %dma_wait3A_155 = arith.constant 0 : i32
          %dma_wait3A_156 = arith.constant 0 : i32
          %dma_wait3A_157 = tpu.memref_slice %arg18[%and3A_143, %dma_wait3A_155, %dma_wait3A_156] : memref<4x128x32xbf16, #tpu.memory_space<vmem>> -> memref<1x128x32xbf16, #tpu.memory_space<vmem>>
          %dma_wait3A_158 = tpu.memref_squeeze %dma_wait3A_157 : memref<1x128x32xbf16, #tpu.memory_space<vmem>> -> memref<128x32xbf16, #tpu.memory_space<vmem>>
          %dma_wait3A_159 = arith.constant 0 : i32
          %dma_wait3A_160 = tpu.memref_slice %arg16[%scan3A_142, %dma_wait3A_159] : memref<32x128xi32, #tpu.memory_space<vmem>> -> memref<1x128xi32, #tpu.memory_space<vmem>>
          %dma_wait3A_161 = tpu.memref_squeeze %dma_wait3A_160 : memref<1x128xi32, #tpu.memory_space<vmem>> -> memref<128xi32, #tpu.memory_space<vmem>>
          %dma_wait3A_162 = arith.constant 0 : i32
          %dma_wait3A_163 = arith.constant 0 : i32
          %dma_wait3A_164 = tpu.memref_slice %arg5[%dma_wait3A_162, %dma_wait3A_163] : memref<50000x32xbf16, #tpu.memory_space<hbm>> -> memref<50000x32xbf16, #tpu.memory_space<hbm>>
          tpu.wait_indirect_dma semaphore(%arg22 : memref<!tpu.dma_semaphore, #tpu.memory_space<semaphore_mem>>) src(%dma_wait3A_164 : memref<50000x32xbf16, #tpu.memory_space<hbm>>) dst(%dma_wait3A_158 : memref<128x32xbf16, #tpu.memory_space<vmem>>)
          %dma_start3A_165 = arith.constant 0 : i32
          %dma_start3A_166 = arith.constant 0 : i32
          %dma_start3A_167 = tpu.memref_slice %arg18[%and3A_143, %dma_start3A_165, %dma_start3A_166] : memref<4x128x32xbf16, #tpu.memory_space<vmem>> -> memref<1x128x32xbf16, #tpu.memory_space<vmem>>
          %dma_start3A_168 = tpu.memref_squeeze %dma_start3A_167 : memref<1x128x32xbf16, #tpu.memory_space<vmem>> -> memref<128x32xbf16, #tpu.memory_space<vmem>>
          %dma_start3A_169 = arith.constant 0 : i32
          %dma_start3A_170 = tpu.memref_slice %arg17[%scan3A_142, %dma_start3A_169] : memref<32x128xi32, #tpu.memory_space<vmem>> -> memref<1x128xi32, #tpu.memory_space<vmem>>
          %dma_start3A_171 = tpu.memref_squeeze %dma_start3A_170 : memref<1x128xi32, #tpu.memory_space<vmem>> -> memref<128xi32, #tpu.memory_space<vmem>>
          %dma_start3A_172 = arith.constant 0 : i32
          %dma_start3A_173 = arith.constant 0 : i32
          %dma_start3A_174 = tpu.memref_slice %arg21[%dma_start3A_172, %dma_start3A_173] : memref<50048x32xbf16, #tpu.memory_space<vmem_shared>> -> memref<50048x32xbf16, #tpu.memory_space<vmem_shared>>
          tpu.enqueue_indirect_dma source(%dma_start3A_168 : memref<128x32xbf16, #tpu.memory_space<vmem>>) target(%dma_start3A_174 : memref<50048x32xbf16, #tpu.memory_space<vmem_shared>>) offsets(%dma_start3A_171 : memref<128xi32, #tpu.memory_space<vmem>>) semaphore(%arg23 : memref<!tpu.dma_semaphore, #tpu.memory_space<semaphore_mem>>) {add = true}
        }
        %scan3A_130 = arith.constant 32 : i32
        %dma_wait3A = arith.constant 3 : i32
        %dma_wait3A_131 = arith.constant 31 : i32
        %dma_wait3A_132 = arith.constant 0 : i32
        %dma_wait3A_133 = arith.constant 0 : i32
        %dma_wait3A_134 = tpu.memref_slice %arg18[%dma_wait3A, %dma_wait3A_132, %dma_wait3A_133] : memref<4x128x32xbf16, #tpu.memory_space<vmem>> -> memref<1x128x32xbf16, #tpu.memory_space<vmem>>
        %dma_wait3A_135 = tpu.memref_squeeze %dma_wait3A_134 : memref<1x128x32xbf16, #tpu.memory_space<vmem>> -> memref<128x32xbf16, #tpu.memory_space<vmem>>
        %dma_wait3A_136 = arith.constant 0 : i32
        %dma_wait3A_137 = tpu.memref_slice %arg17[%dma_wait3A_131, %dma_wait3A_136] : memref<32x128xi32, #tpu.memory_space<vmem>> -> memref<1x128xi32, #tpu.memory_space<vmem>>
        %dma_wait3A_138 = tpu.memref_squeeze %dma_wait3A_137 : memref<1x128xi32, #tpu.memory_space<vmem>> -> memref<128xi32, #tpu.memory_space<vmem>>
        %dma_wait3A_139 = arith.constant 0 : i32
        %dma_wait3A_140 = arith.constant 0 : i32
        %dma_wait3A_141 = tpu.memref_slice %arg21[%dma_wait3A_139, %dma_wait3A_140] : memref<50048x32xbf16, #tpu.memory_space<vmem_shared>> -> memref<50048x32xbf16, #tpu.memory_space<vmem_shared>>
        tpu.wait_indirect_dma semaphore(%arg23 : memref<!tpu.dma_semaphore, #tpu.memory_space<semaphore_mem>>) src(%dma_wait3A_135 : memref<128x32xbf16, #tpu.memory_space<vmem>>) dst(%dma_wait3A_141 : memref<50048x32xbf16, #tpu.memory_space<vmem_shared>>)
      }
      %scan3A_85 = arith.constant 8 : i32
    } else {
    }
    %barrier3A_47 = arith.constant 0 : index
    tpu.barrier barrier_id(%barrier3A_47)
    %convert_element_type3A_48 = arith.extui %eq3A_39 : i1 to i32
    %cond3A_49 = arith.constant 0 : i32
    %cond3A_50 = arith.cmpi ne, %convert_element_type3A_48, %cond3A_49 : i32
    scf.if %cond3A_50 {
      %scan3A_78 = arith.constant 0 : i32
      %scan3A_79 = arith.constant 0 : i32
      %scan3A_80 = arith.constant 98 : i32
      %scan3A_81 = arith.addi %scan3A_79, %scan3A_80 : i32
      %scan3A_82 = arith.constant 1 : i32
      scf.for %scan3A_84 = %scan3A_79 to %scan3A_81 step %scan3A_82  : i32 {
        %mul3A_85 = arith.constant 16 : i32
        %mul3A_86 = arith.muli %scan3A_84, %mul3A_85 : i32
        %add3A_87 = arith.addi %mul3A_86, %arg1 : i32
        %lt3A = arith.constant 1564 : i32
        %lt3A_88 = arith.cmpi slt, %add3A_87, %lt3A : i32
        %convert_element_type3A_89 = arith.extui %lt3A_88 : i1 to i32
        %cond3A_90 = arith.constant 0 : i32
        %cond3A_91 = arith.cmpi ne, %convert_element_type3A_89, %cond3A_90 : i32
        scf.if %cond3A_91 {
          %mul3A_92 = arith.constant 32 : i32
          %mul3A_93 = arith.muli %add3A_87, %mul3A_92 : i32
          %mul3A_94 = arith.constant 32 : i32
          %mul3A_95 = arith.muli %add3A_87, %mul3A_94 : i32
          "tpu.region"() ({
            %run_scoped3A = tpu.sem_alloc : memref<!tpu.dma_semaphore, #tpu.memory_space<semaphore_mem>>
            %dma_start3A = arith.constant 0 : i32
            %dma_start3A_96 = tpu.memref_slice %arg13[%mul3A_95, %dma_start3A] : memref<50048x32xbf16, #tpu.memory_space<hbm>> -> memref<32x32xbf16, #tpu.memory_space<hbm>>
            %dma_start3A_97 = arith.constant 0 : i32
            %dma_start3A_98 = tpu.memref_slice %arg21[%mul3A_93, %dma_start3A_97] : memref<50048x32xbf16, #tpu.memory_space<vmem_shared>> -> memref<32x32xbf16, #tpu.memory_space<vmem_shared>>
            tpu.enqueue_dma source(%dma_start3A_98 : memref<32x32xbf16, #tpu.memory_space<vmem_shared>>) target(%dma_start3A_96 : memref<32x32xbf16, #tpu.memory_space<hbm>>) target_semaphore(%run_scoped3A : memref<!tpu.dma_semaphore, #tpu.memory_space<semaphore_mem>>)
            %dma_wait3A = arith.constant 0 : i32
            %dma_wait3A_99 = tpu.memref_slice %arg13[%mul3A_95, %dma_wait3A] : memref<50048x32xbf16, #tpu.memory_space<hbm>> -> memref<32x32xbf16, #tpu.memory_space<hbm>>
            %dma_wait3A_100 = arith.constant 0 : i32
            %dma_wait3A_101 = tpu.memref_slice %arg21[%mul3A_93, %dma_wait3A_100] : memref<50048x32xbf16, #tpu.memory_space<vmem_shared>> -> memref<32x32xbf16, #tpu.memory_space<vmem_shared>>
            tpu.wait_dma2 semaphore(%run_scoped3A : memref<!tpu.dma_semaphore, #tpu.memory_space<semaphore_mem>>) src(%dma_wait3A_101 : memref<32x32xbf16, #tpu.memory_space<vmem_shared>>) dst(%dma_wait3A_99 : memref<32x32xbf16, #tpu.memory_space<hbm>>)
            tpu.yield
          }) : () -> ()
        } else {
        }
      }
      %scan3A_83 = arith.constant 98 : i32
    } else {
    }
    %barrier3A_51 = arith.constant 0 : index
    tpu.barrier barrier_id(%barrier3A_51)
    %scan3A = arith.constant 0 : i32
    %scan3A_52 = arith.constant 0 : i32
    %scan3A_53 = arith.constant 98 : i32
    %scan3A_54 = arith.addi %scan3A_52, %scan3A_53 : i32
    %scan3A_55 = arith.constant 1 : i32
    scf.for %scan3A_78 = %scan3A_52 to %scan3A_54 step %scan3A_55  : i32 {
      %mul3A_79 = arith.constant 16 : i32
      %mul3A_80 = arith.muli %scan3A_78, %mul3A_79 : i32
      %add3A_81 = arith.addi %mul3A_80, %arg1 : i32
      %lt3A = arith.constant 1564 : i32
      %lt3A_82 = arith.cmpi slt, %add3A_81, %lt3A : i32
      %convert_element_type3A_83 = arith.extui %lt3A_82 : i1 to i32
      %cond3A_84 = arith.constant 0 : i32
      %cond3A_85 = arith.cmpi ne, %convert_element_type3A_83, %cond3A_84 : i32
      scf.if %cond3A_85 {
        %mul3A_86 = arith.constant 32 : i32
        %mul3A_87 = arith.muli %add3A_81, %mul3A_86 : i32
        "tpu.region"() ({
          %run_scoped3A = tpu.sem_alloc : memref<!tpu.dma_semaphore, #tpu.memory_space<semaphore_mem>>
          %dma_start3A = arith.constant 0 : i32
          %dma_start3A_88 = tpu.memref_slice %arg21[%mul3A_87, %dma_start3A] : memref<50048x32xbf16, #tpu.memory_space<vmem_shared>> -> memref<32x32xbf16, #tpu.memory_space<vmem_shared>>
          %dma_start3A_89 = arith.constant 0 : i32
          %dma_start3A_90 = tpu.memref_slice %arg21[%mul3A_87, %dma_start3A_89] : memref<50048x32xbf16, #tpu.memory_space<vmem_shared>> -> memref<32x32xbf16, #tpu.memory_space<vmem_shared>>
          tpu.enqueue_dma source(%arg20 : memref<32x32xbf16, #tpu.memory_space<vmem>>) target(%dma_start3A_90 : memref<32x32xbf16, #tpu.memory_space<vmem_shared>>) target_semaphore(%run_scoped3A : memref<!tpu.dma_semaphore, #tpu.memory_space<semaphore_mem>>)
          %dma_wait3A = arith.constant 0 : i32
          %dma_wait3A_91 = tpu.memref_slice %arg21[%mul3A_87, %dma_wait3A] : memref<50048x32xbf16, #tpu.memory_space<vmem_shared>> -> memref<32x32xbf16, #tpu.memory_space<vmem_shared>>
          %dma_wait3A_92 = arith.constant 0 : i32
          %dma_wait3A_93 = tpu.memref_slice %arg21[%mul3A_87, %dma_wait3A_92] : memref<50048x32xbf16, #tpu.memory_space<vmem_shared>> -> memref<32x32xbf16, #tpu.memory_space<vmem_shared>>
          tpu.wait_dma2 semaphore(%run_scoped3A : memref<!tpu.dma_semaphore, #tpu.memory_space<semaphore_mem>>) src(%arg20 : memref<32x32xbf16, #tpu.memory_space<vmem>>) dst(%dma_wait3A_93 : memref<32x32xbf16, #tpu.memory_space<vmem_shared>>)
          tpu.yield
        }) : () -> ()
      } else {
      }
    }
    %scan3A_56 = arith.constant 98 : i32
    %barrier3A_57 = arith.constant 0 : index
    tpu.barrier barrier_id(%barrier3A_57)
    %mul3A = arith.constant 2048 : i32
    %mul3A_58 = arith.muli %arg0, %mul3A : i32
    %mul3A_59 = arith.constant 128 : i32
    %mul3A_60 = arith.muli %arg1, %mul3A_59 : i32
    %add3A = arith.addi %mul3A_58, %mul3A_60 : i32
    %scan3A_61 = arith.constant 0 : i32
    %scan3A_62 = arith.constant 0 : i32
    %scan3A_63 = arith.constant 4 : i32
    %scan3A_64 = arith.addi %scan3A_62, %scan3A_63 : i32
    %scan3A_65 = arith.constant 1 : i32
    scf.for %scan3A_78 = %scan3A_62 to %scan3A_64 step %scan3A_65  : i32 {
      %mul3A_79 = arith.constant 32 : i32
      %mul3A_80 = arith.muli %scan3A_78, %mul3A_79 : i32
      %add3A_81 = arith.addi %add3A, %mul3A_80 : i32
      "tpu.region"() ({
        %run_scoped3A = tpu.sem_alloc : memref<!tpu.dma_semaphore, #tpu.memory_space<semaphore_mem>>
        %dma_start3A = arith.constant 0 : i32
        %dma_start3A_94 = tpu.memref_slice %arg7[%add3A_81, %dma_start3A] : memref<4096x128xi32, #tpu.memory_space<hbm>> -> memref<32x128xi32, #tpu.memory_space<hbm>>
        %dma_start3A_95 = arith.constant 0 : i32
        %dma_start3A_96 = tpu.memref_slice %arg7[%add3A_81, %dma_start3A_95] : memref<4096x128xi32, #tpu.memory_space<hbm>> -> memref<32x128xi32, #tpu.memory_space<hbm>>
        tpu.enqueue_dma source(%dma_start3A_96 : memref<32x128xi32, #tpu.memory_space<hbm>>) target(%arg17 : memref<32x128xi32, #tpu.memory_space<vmem>>) target_semaphore(%run_scoped3A : memref<!tpu.dma_semaphore, #tpu.memory_space<semaphore_mem>>)
        %dma_wait3A = arith.constant 0 : i32
        %dma_wait3A_97 = tpu.memref_slice %arg7[%add3A_81, %dma_wait3A] : memref<4096x128xi32, #tpu.memory_space<hbm>> -> memref<32x128xi32, #tpu.memory_space<hbm>>
        %dma_wait3A_98 = arith.constant 0 : i32
        %dma_wait3A_99 = tpu.memref_slice %arg7[%add3A_81, %dma_wait3A_98] : memref<4096x128xi32, #tpu.memory_space<hbm>> -> memref<32x128xi32, #tpu.memory_space<hbm>>
        tpu.wait_dma2 semaphore(%run_scoped3A : memref<!tpu.dma_semaphore, #tpu.memory_space<semaphore_mem>>) src(%dma_wait3A_99 : memref<32x128xi32, #tpu.memory_space<hbm>>) dst(%arg17 : memref<32x128xi32, #tpu.memory_space<vmem>>)
        tpu.yield
      }) : () -> ()
      %scan3A_82 = arith.constant 0 : i32
      %scan3A_83 = arith.constant 0 : i32
      %scan3A_84 = arith.constant 32 : i32
      %scan3A_85 = arith.addi %scan3A_83, %scan3A_84 : i32
      %scan3A_86 = arith.constant 1 : i32
      scf.for %scan3A_94 = %scan3A_83 to %scan3A_85 step %scan3A_86  : i32 {
        %dma_start3A = arith.constant 0 : i32
        %dma_start3A_95 = tpu.memref_slice %arg17[%scan3A_94, %dma_start3A] : memref<32x128xi32, #tpu.memory_space<vmem>> -> memref<1x128xi32, #tpu.memory_space<vmem>>
        %dma_start3A_96 = tpu.memref_squeeze %dma_start3A_95 : memref<1x128xi32, #tpu.memory_space<vmem>> -> memref<128xi32, #tpu.memory_space<vmem>>
        %dma_start3A_97 = arith.constant 0 : i32
        %dma_start3A_98 = arith.constant 0 : i32
        %dma_start3A_99 = tpu.memref_slice %arg21[%dma_start3A_97, %dma_start3A_98] : memref<50048x32xbf16, #tpu.memory_space<vmem_shared>> -> memref<50048x32xbf16, #tpu.memory_space<vmem_shared>>
        tpu.enqueue_indirect_dma source(%arg19 : memref<128x32xbf16, #tpu.memory_space<vmem>>) target(%dma_start3A_99 : memref<50048x32xbf16, #tpu.memory_space<vmem_shared>>) offsets(%dma_start3A_96 : memref<128xi32, #tpu.memory_space<vmem>>) semaphore(%arg23 : memref<!tpu.dma_semaphore, #tpu.memory_space<semaphore_mem>>) {add = true}
      }
      %scan3A_87 = arith.constant 32 : i32
      %scan3A_88 = arith.constant 0 : i32
      %scan3A_89 = arith.constant 0 : i32
      %scan3A_90 = arith.constant 32 : i32
      %scan3A_91 = arith.addi %scan3A_89, %scan3A_90 : i32
      %scan3A_92 = arith.constant 1 : i32
      scf.for %scan3A_94 = %scan3A_89 to %scan3A_91 step %scan3A_92  : i32 {
        %dma_wait3A = arith.constant 0 : i32
        %dma_wait3A_95 = tpu.memref_slice %arg17[%scan3A_94, %dma_wait3A] : memref<32x128xi32, #tpu.memory_space<vmem>> -> memref<1x128xi32, #tpu.memory_space<vmem>>
        %dma_wait3A_96 = tpu.memref_squeeze %dma_wait3A_95 : memref<1x128xi32, #tpu.memory_space<vmem>> -> memref<128xi32, #tpu.memory_space<vmem>>
        %dma_wait3A_97 = arith.constant 0 : i32
        %dma_wait3A_98 = arith.constant 0 : i32
        %dma_wait3A_99 = tpu.memref_slice %arg21[%dma_wait3A_97, %dma_wait3A_98] : memref<50048x32xbf16, #tpu.memory_space<vmem_shared>> -> memref<50048x32xbf16, #tpu.memory_space<vmem_shared>>
        tpu.wait_indirect_dma semaphore(%arg23 : memref<!tpu.dma_semaphore, #tpu.memory_space<semaphore_mem>>) src(%arg19 : memref<128x32xbf16, #tpu.memory_space<vmem>>) dst(%dma_wait3A_99 : memref<50048x32xbf16, #tpu.memory_space<vmem_shared>>)
      }
      %scan3A_93 = arith.constant 32 : i32
    }
    %scan3A_66 = arith.constant 4 : i32
    %barrier3A_67 = arith.constant 0 : index
    tpu.barrier barrier_id(%barrier3A_67)
    %eq3A_68 = arith.constant 0 : i32
    %eq3A_69 = arith.cmpi eq, %arg0, %eq3A_68 : i32
    %convert_element_type3A_70 = arith.extui %eq3A_69 : i1 to i32
    %cond3A_71 = arith.constant 0 : i32
    %cond3A_72 = arith.cmpi ne, %convert_element_type3A_70, %cond3A_71 : i32
    scf.if %cond3A_72 {
      %scan3A_78 = arith.constant 0 : i32
      %scan3A_79 = arith.constant 0 : i32
      %scan3A_80 = arith.constant 98 : i32
      %scan3A_81 = arith.addi %scan3A_79, %scan3A_80 : i32
      %scan3A_82 = arith.constant 1 : i32
      scf.for %scan3A_84 = %scan3A_79 to %scan3A_81 step %scan3A_82  : i32 {
        %mul3A_85 = arith.constant 16 : i32
        %mul3A_86 = arith.muli %scan3A_84, %mul3A_85 : i32
        %add3A_87 = arith.addi %mul3A_86, %arg1 : i32
        %lt3A = arith.constant 1564 : i32
        %lt3A_88 = arith.cmpi slt, %add3A_87, %lt3A : i32
        %convert_element_type3A_89 = arith.extui %lt3A_88 : i1 to i32
        %cond3A_90 = arith.constant 0 : i32
        %cond3A_91 = arith.cmpi ne, %convert_element_type3A_89, %cond3A_90 : i32
        scf.if %cond3A_91 {
          %mul3A_92 = arith.constant 32 : i32
          %mul3A_93 = arith.muli %add3A_87, %mul3A_92 : i32
          %mul3A_94 = arith.constant 32 : i32
          %mul3A_95 = arith.muli %add3A_87, %mul3A_94 : i32
          "tpu.region"() ({
            %run_scoped3A = tpu.sem_alloc : memref<!tpu.dma_semaphore, #tpu.memory_space<semaphore_mem>>
            %dma_start3A = arith.constant 0 : i32
            %dma_start3A_96 = tpu.memref_slice %arg14[%mul3A_95, %dma_start3A] : memref<50048x32xbf16, #tpu.memory_space<hbm>> -> memref<32x32xbf16, #tpu.memory_space<hbm>>
            %dma_start3A_97 = arith.constant 0 : i32
            %dma_start3A_98 = tpu.memref_slice %arg21[%mul3A_93, %dma_start3A_97] : memref<50048x32xbf16, #tpu.memory_space<vmem_shared>> -> memref<32x32xbf16, #tpu.memory_space<vmem_shared>>
            tpu.enqueue_dma source(%dma_start3A_98 : memref<32x32xbf16, #tpu.memory_space<vmem_shared>>) target(%dma_start3A_96 : memref<32x32xbf16, #tpu.memory_space<hbm>>) target_semaphore(%run_scoped3A : memref<!tpu.dma_semaphore, #tpu.memory_space<semaphore_mem>>)
            %dma_wait3A = arith.constant 0 : i32
            %dma_wait3A_99 = tpu.memref_slice %arg14[%mul3A_95, %dma_wait3A] : memref<50048x32xbf16, #tpu.memory_space<hbm>> -> memref<32x32xbf16, #tpu.memory_space<hbm>>
            %dma_wait3A_100 = arith.constant 0 : i32
            %dma_wait3A_101 = tpu.memref_slice %arg21[%mul3A_93, %dma_wait3A_100] : memref<50048x32xbf16, #tpu.memory_space<vmem_shared>> -> memref<32x32xbf16, #tpu.memory_space<vmem_shared>>
            tpu.wait_dma2 semaphore(%run_scoped3A : memref<!tpu.dma_semaphore, #tpu.memory_space<semaphore_mem>>) src(%dma_wait3A_101 : memref<32x32xbf16, #tpu.memory_space<vmem_shared>>) dst(%dma_wait3A_99 : memref<32x32xbf16, #tpu.memory_space<hbm>>)
            tpu.yield
          }) : () -> ()
        } else {
        }
      }
      %scan3A_83 = arith.constant 98 : i32
    } else {
    }
    %eq3A_73 = arith.constant 1 : i32
    %eq3A_74 = arith.cmpi eq, %arg0, %eq3A_73 : i32
    %convert_element_type3A_75 = arith.extui %eq3A_74 : i1 to i32
    %cond3A_76 = arith.constant 0 : i32
    %cond3A_77 = arith.cmpi ne, %convert_element_type3A_75, %cond3A_76 : i32
    scf.if %cond3A_77 {
      %scan3A_78 = arith.constant 0 : i32
      %scan3A_79 = arith.constant 0 : i32
      %scan3A_80 = arith.constant 98 : i32
      %scan3A_81 = arith.addi %scan3A_79, %scan3A_80 : i32
      %scan3A_82 = arith.constant 1 : i32
      scf.for %scan3A_84 = %scan3A_79 to %scan3A_81 step %scan3A_82  : i32 {
        %mul3A_85 = arith.constant 16 : i32
        %mul3A_86 = arith.muli %scan3A_84, %mul3A_85 : i32
        %add3A_87 = arith.addi %mul3A_86, %arg1 : i32
        %lt3A = arith.constant 1564 : i32
        %lt3A_88 = arith.cmpi slt, %add3A_87, %lt3A : i32
        %convert_element_type3A_89 = arith.extui %lt3A_88 : i1 to i32
        %cond3A_90 = arith.constant 0 : i32
        %cond3A_91 = arith.cmpi ne, %convert_element_type3A_89, %cond3A_90 : i32
        scf.if %cond3A_91 {
          %mul3A_92 = arith.constant 32 : i32
          %mul3A_93 = arith.muli %add3A_87, %mul3A_92 : i32
          %mul3A_94 = arith.constant 32 : i32
          %mul3A_95 = arith.muli %add3A_87, %mul3A_94 : i32
          "tpu.region"() ({
            %run_scoped3A = tpu.sem_alloc : memref<!tpu.dma_semaphore, #tpu.memory_space<semaphore_mem>>
            %dma_start3A = arith.constant 0 : i32
            %dma_start3A_96 = tpu.memref_slice %arg15[%mul3A_95, %dma_start3A] : memref<50048x32xbf16, #tpu.memory_space<hbm>> -> memref<32x32xbf16, #tpu.memory_space<hbm>>
            %dma_start3A_97 = arith.constant 0 : i32
            %dma_start3A_98 = tpu.memref_slice %arg21[%mul3A_93, %dma_start3A_97] : memref<50048x32xbf16, #tpu.memory_space<vmem_shared>> -> memref<32x32xbf16, #tpu.memory_space<vmem_shared>>
            tpu.enqueue_dma source(%dma_start3A_98 : memref<32x32xbf16, #tpu.memory_space<vmem_shared>>) target(%dma_start3A_96 : memref<32x32xbf16, #tpu.memory_space<hbm>>) target_semaphore(%run_scoped3A : memref<!tpu.dma_semaphore, #tpu.memory_space<semaphore_mem>>)
            %dma_wait3A = arith.constant 0 : i32
            %dma_wait3A_99 = tpu.memref_slice %arg15[%mul3A_95, %dma_wait3A] : memref<50048x32xbf16, #tpu.memory_space<hbm>> -> memref<32x32xbf16, #tpu.memory_space<hbm>>
            %dma_wait3A_100 = arith.constant 0 : i32
            %dma_wait3A_101 = tpu.memref_slice %arg21[%mul3A_93, %dma_wait3A_100] : memref<50048x32xbf16, #tpu.memory_space<vmem_shared>> -> memref<32x32xbf16, #tpu.memory_space<vmem_shared>>
            tpu.wait_dma2 semaphore(%run_scoped3A : memref<!tpu.dma_semaphore, #tpu.memory_space<semaphore_mem>>) src(%dma_wait3A_101 : memref<32x32xbf16, #tpu.memory_space<vmem_shared>>) dst(%dma_wait3A_99 : memref<32x32xbf16, #tpu.memory_space<hbm>>)
            tpu.yield
          }) : () -> ()
        } else {
        }
      }
      %scan3A_83 = arith.constant 98 : i32
    } else {
    }
    return
  }
}

module attributes {stable_mosaic.version = 14 : i64} {
  func.func @body(%arg0: i32, %arg1: memref<2000x128xf32, #tpu.memory_space<vmem>>, %arg2: memref<128x128xf32, #tpu.memory_space<vmem>>, %arg3: memref<1x128xf32, #tpu.memory_space<vmem>>, %arg4: memref<128x128xf32, #tpu.memory_space<vmem>>, %arg5: memref<2000x32xbf16, #tpu.memory_space<vmem>>, %arg6: memref<2000x32xbf16, #tpu.memory_space<vmem>>, %arg7: memref<2000x32xbf16, #tpu.memory_space<vmem>>, %arg8: memref<2000x32xbf16, #tpu.memory_space<vmem>>) attributes {dimension_semantics = [#tpu.dimension_semantics<arbitrary>], iteration_bounds = array<i64: 25>, scalar_prefetch = 0 : i64, scratch_operands = 0 : i64, tpu.core_type = #tpu.core_type<tc>, window_params = [{transform_indices = @transform_0, window_bounds = array<i64: 2000, 128>}, {pipeline_mode = #tpu.pipeline_mode<synchronous>, transform_indices = @transform_1, window_bounds = array<i64: 128, 128>}, {pipeline_mode = #tpu.pipeline_mode<synchronous>, transform_indices = @transform_2, window_bounds = array<i64: 1, 128>}, {pipeline_mode = #tpu.pipeline_mode<synchronous>, transform_indices = @transform_3, window_bounds = array<i64: 128, 128>}, {transform_indices = @transform_4, window_bounds = array<i64: 2000, 32>}, {transform_indices = @transform_5, window_bounds = array<i64: 2000, 32>}, {transform_indices = @transform_6, window_bounds = array<i64: 2000, 32>}, {transform_indices = @transform_7, window_bounds = array<i64: 2000, 32>}]} {
    %get3A = arith.constant 0 : index
    %get3A_0 = arith.constant 0 : index
    %get3A_1 = vector.load %arg1[%get3A, %get3A_0] : memref<2000x128xf32, #tpu.memory_space<vmem>>, vector<2000x128xf32>
    %get3A_2 = arith.constant 0 : index
    %get3A_3 = arith.constant 0 : index
    %get3A_4 = vector.load %arg2[%get3A_2, %get3A_3] : memref<128x128xf32, #tpu.memory_space<vmem>>, vector<128x128xf32>
    %dot_general3A = arith.constant dense<0.000000e+00> : vector<2000x128xf32>
    %dot_general3A_5 = tpu.matmul %get3A_1, %get3A_4, %dot_general3A {dimension_numbers = #tpu.dot_dimension_numbers<[1], [0], [0], [1], [0, 0, 1, 1], [], []>, transpose_lhs_hint = false} : vector<2000x128xf32>, vector<128x128xf32>, vector<2000x128xf32> -> vector<2000x128xf32>
    %get3A_6 = arith.constant 0 : index
    %get3A_7 = arith.constant 0 : index
    %get3A_8 = vector.load %arg3[%get3A_6, %get3A_7] : memref<1x128xf32, #tpu.memory_space<vmem>>, vector<1x128xf32>
    %add3A = vector.broadcast %get3A_8 : vector<1x128xf32> to vector<2000x128xf32>
    %add3A_9 = arith.addf %dot_general3A_5, %add3A : vector<2000x128xf32>
    %max3A = arith.constant 0.000000e+00 : f32
    %max3A_10 = vector.broadcast %max3A : f32 to vector<2000x128xf32>
    %max3A_11 = arith.maximumf %add3A_9, %max3A_10 : vector<2000x128xf32>
    %get3A_12 = arith.constant 0 : index
    %get3A_13 = arith.constant 0 : index
    %get3A_14 = vector.load %arg4[%get3A_12, %get3A_13] : memref<128x128xf32, #tpu.memory_space<vmem>>, vector<128x128xf32>
    %dot_general3A_15 = arith.constant dense<0.000000e+00> : vector<2000x128xf32>
    %dot_general3A_16 = tpu.matmul %max3A_11, %get3A_14, %dot_general3A_15 {dimension_numbers = #tpu.dot_dimension_numbers<[1], [0], [0], [1], [0, 0, 1, 1], [], []>, transpose_lhs_hint = false} : vector<2000x128xf32>, vector<128x128xf32>, vector<2000x128xf32> -> vector<2000x128xf32>
    %convert_element_type3A = arith.truncf %dot_general3A_16 : vector<2000x128xf32> to vector<2000x128xbf16>
    %slice3A = vector.extract_strided_slice %convert_element_type3A {offsets = [0, 0], sizes = [2000, 32], strides = [1, 1]} : vector<2000x128xbf16> to vector<2000x32xbf16>
    %swap3A = arith.constant 0 : index
    %swap3A_17 = arith.constant 0 : index
    %swap3A_18 = vector.load %arg5[%swap3A, %swap3A_17] : memref<2000x32xbf16, #tpu.memory_space<vmem>>, vector<2000x32xbf16>
    tpu.vector_store %arg5[%swap3A, %swap3A_17], %slice3A {strides = array<i32>} : memref<2000x32xbf16, #tpu.memory_space<vmem>>, vector<2000x32xbf16>,
    %slice3A_19 = vector.extract_strided_slice %convert_element_type3A {offsets = [0, 32], sizes = [2000, 32], strides = [1, 1]} : vector<2000x128xbf16> to vector<2000x32xbf16>
    %swap3A_20 = arith.constant 0 : index
    %swap3A_21 = arith.constant 0 : index
    %swap3A_22 = vector.load %arg6[%swap3A_20, %swap3A_21] : memref<2000x32xbf16, #tpu.memory_space<vmem>>, vector<2000x32xbf16>
    tpu.vector_store %arg6[%swap3A_20, %swap3A_21], %slice3A_19 {strides = array<i32>} : memref<2000x32xbf16, #tpu.memory_space<vmem>>, vector<2000x32xbf16>,
    %slice3A_23 = vector.extract_strided_slice %convert_element_type3A {offsets = [0, 64], sizes = [2000, 32], strides = [1, 1]} : vector<2000x128xbf16> to vector<2000x32xbf16>
    %swap3A_24 = arith.constant 0 : index
    %swap3A_25 = arith.constant 0 : index
    %swap3A_26 = vector.load %arg7[%swap3A_24, %swap3A_25] : memref<2000x32xbf16, #tpu.memory_space<vmem>>, vector<2000x32xbf16>
    tpu.vector_store %arg7[%swap3A_24, %swap3A_25], %slice3A_23 {strides = array<i32>} : memref<2000x32xbf16, #tpu.memory_space<vmem>>, vector<2000x32xbf16>,
    %slice3A_27 = vector.extract_strided_slice %convert_element_type3A {offsets = [0, 96], sizes = [2000, 32], strides = [1, 1]} : vector<2000x128xbf16> to vector<2000x32xbf16>
    %swap3A_28 = arith.constant 0 : index
    %swap3A_29 = arith.constant 0 : index
    %swap3A_30 = vector.load %arg8[%swap3A_28, %swap3A_29] : memref<2000x32xbf16, #tpu.memory_space<vmem>>, vector<2000x32xbf16>
    tpu.vector_store %arg8[%swap3A_28, %swap3A_29], %slice3A_27 {strides = array<i32>} : memref<2000x32xbf16, #tpu.memory_space<vmem>>, vector<2000x32xbf16>,
    return
  }
  func.func @transform_0(%arg0: i32) -> (i32, i32) {
    %c0_i32 = arith.constant 0 : i32
    %c0_i32_0 = arith.constant 0 : i32
    return %arg0, %c0_i32 : i32, i32
  }
  func.func @transform_1(%arg0: i32) -> (i32, i32) {
    %c0_i32 = arith.constant 0 : i32
    %c0_i32_0 = arith.constant 0 : i32
    %c0_i32_1 = arith.constant 0 : i32
    return %c0_i32, %c0_i32_0 : i32, i32
  }
  func.func @transform_2(%arg0: i32) -> (i32, i32) {
    %c0_i32 = arith.constant 0 : i32
    %c0_i32_0 = arith.constant 0 : i32
    %c0_i32_1 = arith.constant 0 : i32
    return %c0_i32, %c0_i32_0 : i32, i32
  }
  func.func @transform_3(%arg0: i32) -> (i32, i32) {
    %c0_i32 = arith.constant 0 : i32
    %c0_i32_0 = arith.constant 0 : i32
    %c0_i32_1 = arith.constant 0 : i32
    return %c0_i32, %c0_i32_0 : i32, i32
  }
  func.func @transform_4(%arg0: i32) -> (i32, i32) {
    %c0_i32 = arith.constant 0 : i32
    %c0_i32_0 = arith.constant 0 : i32
    return %arg0, %c0_i32 : i32, i32
  }
  func.func @transform_5(%arg0: i32) -> (i32, i32) {
    %c0_i32 = arith.constant 0 : i32
    %c0_i32_0 = arith.constant 0 : i32
    return %arg0, %c0_i32 : i32, i32
  }
  func.func @transform_6(%arg0: i32) -> (i32, i32) {
    %c0_i32 = arith.constant 0 : i32
    %c0_i32_0 = arith.constant 0 : i32
    return %arg0, %c0_i32 : i32, i32
  }
  func.func @transform_7(%arg0: i32) -> (i32, i32) {
    %c0_i32 = arith.constant 0 : i32
    %c0_i32_0 = arith.constant 0 : i32
    return %arg0, %c0_i32 : i32, i32
  }
}

module attributes {stable_mosaic.version = 14 : i64} {
  func.func @body(%arg0: i32, %arg1: memref<2000x128xf32, #tpu.memory_space<vmem>>, %arg2: memref<128x128xf32, #tpu.memory_space<vmem>>, %arg3: memref<1x128xf32, #tpu.memory_space<vmem>>, %arg4: memref<2000x128xf32, #tpu.memory_space<vmem>>) attributes {dimension_semantics = [#tpu.dimension_semantics<arbitrary>], iteration_bounds = array<i64: 25>, scalar_prefetch = 0 : i64, scratch_operands = 0 : i64, tpu.core_type = #tpu.core_type<tc>, window_params = [{transform_indices = @transform_0, window_bounds = array<i64: 2000, 128>}, {pipeline_mode = #tpu.pipeline_mode<synchronous>, transform_indices = @transform_1, window_bounds = array<i64: 128, 128>}, {pipeline_mode = #tpu.pipeline_mode<synchronous>, transform_indices = @transform_2, window_bounds = array<i64: 1, 128>}, {transform_indices = @transform_3, window_bounds = array<i64: 2000, 128>}]} {
    %get3A = arith.constant 0 : index
    %get3A_0 = arith.constant 0 : index
    %get3A_1 = vector.load %arg1[%get3A, %get3A_0] : memref<2000x128xf32, #tpu.memory_space<vmem>>, vector<2000x128xf32>
    %get3A_2 = arith.constant 0 : index
    %get3A_3 = arith.constant 0 : index
    %get3A_4 = vector.load %arg2[%get3A_2, %get3A_3] : memref<128x128xf32, #tpu.memory_space<vmem>>, vector<128x128xf32>
    %dot_general3A = arith.constant dense<0.000000e+00> : vector<2000x128xf32>
    %dot_general3A_5 = tpu.matmul %get3A_1, %get3A_4, %dot_general3A {dimension_numbers = #tpu.dot_dimension_numbers<[1], [0], [0], [1], [0, 0, 1, 1], [], []>, transpose_lhs_hint = false} : vector<2000x128xf32>, vector<128x128xf32>, vector<2000x128xf32> -> vector<2000x128xf32>
    %get3A_6 = arith.constant 0 : index
    %get3A_7 = arith.constant 0 : index
    %get3A_8 = vector.load %arg3[%get3A_6, %get3A_7] : memref<1x128xf32, #tpu.memory_space<vmem>>, vector<1x128xf32>
    %add3A = vector.broadcast %get3A_8 : vector<1x128xf32> to vector<2000x128xf32>
    %add3A_9 = arith.addf %dot_general3A_5, %add3A : vector<2000x128xf32>
    %max3A = arith.constant 0.000000e+00 : f32
    %max3A_10 = vector.broadcast %max3A : f32 to vector<2000x128xf32>
    %max3A_11 = arith.maximumf %add3A_9, %max3A_10 : vector<2000x128xf32>
    %swap3A = arith.constant 0 : index
    %swap3A_12 = arith.constant 0 : index
    %swap3A_13 = vector.load %arg4[%swap3A, %swap3A_12] : memref<2000x128xf32, #tpu.memory_space<vmem>>, vector<2000x128xf32>
    tpu.vector_store %arg4[%swap3A, %swap3A_12], %max3A_11 {strides = array<i32>} : memref<2000x128xf32, #tpu.memory_space<vmem>>, vector<2000x128xf32>,
    return
  }
  func.func @transform_0(%arg0: i32) -> (i32, i32) {
    %c0_i32 = arith.constant 0 : i32
    %c0_i32_0 = arith.constant 0 : i32
    return %arg0, %c0_i32 : i32, i32
  }
  func.func @transform_1(%arg0: i32) -> (i32, i32) {
    %c0_i32 = arith.constant 0 : i32
    %c0_i32_0 = arith.constant 0 : i32
    %c0_i32_1 = arith.constant 0 : i32
    return %c0_i32, %c0_i32_0 : i32, i32
  }
  func.func @transform_2(%arg0: i32) -> (i32, i32) {
    %c0_i32 = arith.constant 0 : i32
    %c0_i32_0 = arith.constant 0 : i32
    %c0_i32_1 = arith.constant 0 : i32
    return %c0_i32, %c0_i32_0 : i32, i32
  }
  func.func @transform_3(%arg0: i32) -> (i32, i32) {
    %c0_i32 = arith.constant 0 : i32
    %c0_i32_0 = arith.constant 0 : i32
    return %arg0, %c0_i32 : i32, i32
  }
}

module attributes {stable_mosaic.version = 14 : i64} {
  func.func @body(%arg0: i32, %arg1: memref<2000x128xf32, #tpu.memory_space<vmem>>, %arg2: memref<2000x32xbf16, #tpu.memory_space<vmem>>, %arg3: memref<2000x32xbf16, #tpu.memory_space<vmem>>, %arg4: memref<2000x32xbf16, #tpu.memory_space<vmem>>, %arg5: memref<2000x32xbf16, #tpu.memory_space<vmem>>, %arg6: memref<2000x32xbf16, #tpu.memory_space<vmem>>, %arg7: memref<2000x32xbf16, #tpu.memory_space<vmem>>, %arg8: memref<128x128xf32, #tpu.memory_space<vmem>>, %arg9: memref<1x128xf32, #tpu.memory_space<vmem>>, %arg10: memref<128x128xf32, #tpu.memory_space<vmem>>, %arg11: memref<2000x32xf32, #tpu.memory_space<vmem>>, %arg12: memref<2000x32xf32, #tpu.memory_space<vmem>>, %arg13: memref<2000x32xf32, #tpu.memory_space<vmem>>, %arg14: memref<2000x32xf32, #tpu.memory_space<vmem>>) attributes {dimension_semantics = [#tpu.dimension_semantics<arbitrary>], iteration_bounds = array<i64: 25>, scalar_prefetch = 0 : i64, scratch_operands = 0 : i64, tpu.core_type = #tpu.core_type<tc>, window_params = [{transform_indices = @transform_0, window_bounds = array<i64: 2000, 128>}, {transform_indices = @transform_1, window_bounds = array<i64: 2000, 32>}, {transform_indices = @transform_2, window_bounds = array<i64: 2000, 32>}, {transform_indices = @transform_3, window_bounds = array<i64: 2000, 32>}, {transform_indices = @transform_4, window_bounds = array<i64: 2000, 32>}, {transform_indices = @transform_5, window_bounds = array<i64: 2000, 32>}, {transform_indices = @transform_6, window_bounds = array<i64: 2000, 32>}, {pipeline_mode = #tpu.pipeline_mode<synchronous>, transform_indices = @transform_7, window_bounds = array<i64: 128, 128>}, {pipeline_mode = #tpu.pipeline_mode<synchronous>, transform_indices = @transform_8, window_bounds = array<i64: 1, 128>}, {pipeline_mode = #tpu.pipeline_mode<synchronous>, transform_indices = @transform_9, window_bounds = array<i64: 128, 128>}, {transform_indices = @transform_10, window_bounds = array<i64: 2000, 32>}, {transform_indices = @transform_11, window_bounds = array<i64: 2000, 32>}, {transform_indices = @transform_12, window_bounds = array<i64: 2000, 32>}, {transform_indices = @transform_13, window_bounds = array<i64: 2000, 32>}]} {
    %get3A = arith.constant 0 : index
    %get3A_0 = arith.constant 0 : index
    %get3A_1 = vector.load %arg1[%get3A, %get3A_0] : memref<2000x128xf32, #tpu.memory_space<vmem>>, vector<2000x128xf32>
    %get3A_2 = arith.constant 0 : index
    %get3A_3 = arith.constant 0 : index
    %get3A_4 = vector.load %arg2[%get3A_2, %get3A_3] : memref<2000x32xbf16, #tpu.memory_space<vmem>>, vector<2000x32xbf16>
    %get3A_5 = arith.constant 0 : index
    %get3A_6 = arith.constant 0 : index
    %get3A_7 = vector.load %arg3[%get3A_5, %get3A_6] : memref<2000x32xbf16, #tpu.memory_space<vmem>>, vector<2000x32xbf16>
    %get3A_8 = arith.constant 0 : index
    %get3A_9 = arith.constant 0 : index
    %get3A_10 = vector.load %arg4[%get3A_8, %get3A_9] : memref<2000x32xbf16, #tpu.memory_space<vmem>>, vector<2000x32xbf16>
    %get3A_11 = arith.constant 0 : index
    %get3A_12 = arith.constant 0 : index
    %get3A_13 = vector.load %arg5[%get3A_11, %get3A_12] : memref<2000x32xbf16, #tpu.memory_space<vmem>>, vector<2000x32xbf16>
    %concatenate3A = tpu.concatenate %get3A_4, %get3A_7, %get3A_10, %get3A_13 in 1 : vector<2000x32xbf16>, vector<2000x32xbf16>, vector<2000x32xbf16>, vector<2000x32xbf16> -> vector<2000x128xbf16>
    %convert_element_type3A = arith.extf %concatenate3A : vector<2000x128xbf16> to vector<2000x128xf32>
    %get3A_14 = arith.constant 0 : index
    %get3A_15 = arith.constant 0 : index
    %get3A_16 = vector.load %arg6[%get3A_14, %get3A_15] : memref<2000x32xbf16, #tpu.memory_space<vmem>>, vector<2000x32xbf16>
    %slice3A = vector.extract_strided_slice %get3A_16 {offsets = [0, 0], sizes = [2000, 1], strides = [1, 1]} : vector<2000x32xbf16> to vector<2000x1xbf16>
    %convert_element_type3A_17 = arith.extf %slice3A : vector<2000x1xbf16> to vector<2000x1xf32>
    %get3A_18 = arith.constant 0 : index
    %get3A_19 = arith.constant 0 : index
    %get3A_20 = vector.load %arg7[%get3A_18, %get3A_19] : memref<2000x32xbf16, #tpu.memory_space<vmem>>, vector<2000x32xbf16>
    %slice3A_21 = vector.extract_strided_slice %get3A_20 {offsets = [0, 0], sizes = [2000, 1], strides = [1, 1]} : vector<2000x32xbf16> to vector<2000x1xbf16>
    %convert_element_type3A_22 = arith.extf %slice3A_21 : vector<2000x1xbf16> to vector<2000x1xf32>
    %add3A = arith.addf %convert_element_type3A_17, %convert_element_type3A_22 : vector<2000x1xf32>
    %max3A = arith.constant 1.000000e+00 : f32
    %max3A_23 = vector.broadcast %max3A : f32 to vector<2000x1xf32>
    %max3A_24 = arith.maximumf %add3A, %max3A_23 : vector<2000x1xf32>
    %div3A = vector.broadcast %max3A_24 : vector<2000x1xf32> to vector<2000x128xf32>
    %div3A_25 = arith.divf %convert_element_type3A, %div3A : vector<2000x128xf32>
    %add3A_26 = arith.addf %get3A_1, %div3A_25 : vector<2000x128xf32>
    %get3A_27 = arith.constant 0 : index
    %get3A_28 = arith.constant 0 : index
    %get3A_29 = vector.load %arg9[%get3A_27, %get3A_28] : memref<1x128xf32, #tpu.memory_space<vmem>>, vector<1x128xf32>
    %add3A_30 = vector.broadcast %get3A_29 : vector<1x128xf32> to vector<2000x128xf32>
    %add3A_31 = arith.addf %add3A_26, %add3A_30 : vector<2000x128xf32>
    %get3A_32 = arith.constant 0 : index
    %get3A_33 = arith.constant 0 : index
    %get3A_34 = vector.load %arg8[%get3A_32, %get3A_33] : memref<128x128xf32, #tpu.memory_space<vmem>>, vector<128x128xf32>
    %dot_general3A = arith.constant dense<0.000000e+00> : vector<2000x128xf32>
    %dot_general3A_35 = tpu.matmul %get3A_1, %get3A_34, %dot_general3A {dimension_numbers = #tpu.dot_dimension_numbers<[1], [0], [0], [1], [0, 0, 1, 1], [], []>, transpose_lhs_hint = false} : vector<2000x128xf32>, vector<128x128xf32>, vector<2000x128xf32> -> vector<2000x128xf32>
    %add3A_36 = arith.addf %add3A_31, %dot_general3A_35 : vector<2000x128xf32>
    %max3A_37 = arith.constant 0.000000e+00 : f32
    %max3A_38 = vector.broadcast %max3A_37 : f32 to vector<2000x128xf32>
    %max3A_39 = arith.maximumf %add3A_36, %max3A_38 : vector<2000x128xf32>
    %get3A_40 = arith.constant 0 : index
    %get3A_41 = arith.constant 0 : index
    %get3A_42 = vector.load %arg10[%get3A_40, %get3A_41] : memref<128x128xf32, #tpu.memory_space<vmem>>, vector<128x128xf32>
    %dot_general3A_43 = arith.constant dense<0.000000e+00> : vector<2000x128xf32>
    %dot_general3A_44 = tpu.matmul %max3A_39, %get3A_42, %dot_general3A_43 {dimension_numbers = #tpu.dot_dimension_numbers<[1], [0], [0], [1], [0, 0, 1, 1], [], []>, transpose_lhs_hint = false} : vector<2000x128xf32>, vector<128x128xf32>, vector<2000x128xf32> -> vector<2000x128xf32>
    %slice3A_45 = vector.extract_strided_slice %dot_general3A_44 {offsets = [0, 0], sizes = [2000, 32], strides = [1, 1]} : vector<2000x128xf32> to vector<2000x32xf32>
    %swap3A = arith.constant 0 : index
    %swap3A_46 = arith.constant 0 : index
    %swap3A_47 = vector.load %arg11[%swap3A, %swap3A_46] : memref<2000x32xf32, #tpu.memory_space<vmem>>, vector<2000x32xf32>
    tpu.vector_store %arg11[%swap3A, %swap3A_46], %slice3A_45 {strides = array<i32>} : memref<2000x32xf32, #tpu.memory_space<vmem>>, vector<2000x32xf32>,
    %slice3A_48 = vector.extract_strided_slice %dot_general3A_44 {offsets = [0, 32], sizes = [2000, 32], strides = [1, 1]} : vector<2000x128xf32> to vector<2000x32xf32>
    %swap3A_49 = arith.constant 0 : index
    %swap3A_50 = arith.constant 0 : index
    %swap3A_51 = vector.load %arg12[%swap3A_49, %swap3A_50] : memref<2000x32xf32, #tpu.memory_space<vmem>>, vector<2000x32xf32>
    tpu.vector_store %arg12[%swap3A_49, %swap3A_50], %slice3A_48 {strides = array<i32>} : memref<2000x32xf32, #tpu.memory_space<vmem>>, vector<2000x32xf32>,
    %slice3A_52 = vector.extract_strided_slice %dot_general3A_44 {offsets = [0, 64], sizes = [2000, 32], strides = [1, 1]} : vector<2000x128xf32> to vector<2000x32xf32>
    %swap3A_53 = arith.constant 0 : index
    %swap3A_54 = arith.constant 0 : index
    %swap3A_55 = vector.load %arg13[%swap3A_53, %swap3A_54] : memref<2000x32xf32, #tpu.memory_space<vmem>>, vector<2000x32xf32>
    tpu.vector_store %arg13[%swap3A_53, %swap3A_54], %slice3A_52 {strides = array<i32>} : memref<2000x32xf32, #tpu.memory_space<vmem>>, vector<2000x32xf32>,
    %slice3A_56 = vector.extract_strided_slice %dot_general3A_44 {offsets = [0, 96], sizes = [2000, 32], strides = [1, 1]} : vector<2000x128xf32> to vector<2000x32xf32>
    %swap3A_57 = arith.constant 0 : index
    %swap3A_58 = arith.constant 0 : index
    %swap3A_59 = vector.load %arg14[%swap3A_57, %swap3A_58] : memref<2000x32xf32, #tpu.memory_space<vmem>>, vector<2000x32xf32>
    tpu.vector_store %arg14[%swap3A_57, %swap3A_58], %slice3A_56 {strides = array<i32>} : memref<2000x32xf32, #tpu.memory_space<vmem>>, vector<2000x32xf32>,
    return
  }
  func.func @transform_0(%arg0: i32) -> (i32, i32) {
    %c0_i32 = arith.constant 0 : i32
    %c0_i32_0 = arith.constant 0 : i32
    return %arg0, %c0_i32 : i32, i32
  }
  func.func @transform_1(%arg0: i32) -> (i32, i32) {
    %c0_i32 = arith.constant 0 : i32
    %c0_i32_0 = arith.constant 0 : i32
    return %arg0, %c0_i32 : i32, i32
  }
  func.func @transform_2(%arg0: i32) -> (i32, i32) {
    %c0_i32 = arith.constant 0 : i32
    %c0_i32_0 = arith.constant 0 : i32
    return %arg0, %c0_i32 : i32, i32
  }
  func.func @transform_3(%arg0: i32) -> (i32, i32) {
    %c0_i32 = arith.constant 0 : i32
    %c0_i32_0 = arith.constant 0 : i32
    return %arg0, %c0_i32 : i32, i32
  }
  func.func @transform_4(%arg0: i32) -> (i32, i32) {
    %c0_i32 = arith.constant 0 : i32
    %c0_i32_0 = arith.constant 0 : i32
    return %arg0, %c0_i32 : i32, i32
  }
  func.func @transform_5(%arg0: i32) -> (i32, i32) {
    %c0_i32 = arith.constant 0 : i32
    %c0_i32_0 = arith.constant 0 : i32
    return %arg0, %c0_i32 : i32, i32
  }
  func.func @transform_6(%arg0: i32) -> (i32, i32) {
    %c0_i32 = arith.constant 0 : i32
    %c0_i32_0 = arith.constant 0 : i32
    return %arg0, %c0_i32 : i32, i32
  }
  func.func @transform_7(%arg0: i32) -> (i32, i32) {
    %c0_i32 = arith.constant 0 : i32
    %c0_i32_0 = arith.constant 0 : i32
    %c0_i32_1 = arith.constant 0 : i32
    return %c0_i32, %c0_i32_0 : i32, i32
  }
  func.func @transform_8(%arg0: i32) -> (i32, i32) {
    %c0_i32 = arith.constant 0 : i32
    %c0_i32_0 = arith.constant 0 : i32
    %c0_i32_1 = arith.constant 0 : i32
    return %c0_i32, %c0_i32_0 : i32, i32
  }
  func.func @transform_9(%arg0: i32) -> (i32, i32) {
    %c0_i32 = arith.constant 0 : i32
    %c0_i32_0 = arith.constant 0 : i32
    %c0_i32_1 = arith.constant 0 : i32
    return %c0_i32, %c0_i32_0 : i32, i32
  }
  func.func @transform_10(%arg0: i32) -> (i32, i32) {
    %c0_i32 = arith.constant 0 : i32
    %c0_i32_0 = arith.constant 0 : i32
    return %arg0, %c0_i32 : i32, i32
  }
  func.func @transform_11(%arg0: i32) -> (i32, i32) {
    %c0_i32 = arith.constant 0 : i32
    %c0_i32_0 = arith.constant 0 : i32
    return %arg0, %c0_i32 : i32, i32
  }
  func.func @transform_12(%arg0: i32) -> (i32, i32) {
    %c0_i32 = arith.constant 0 : i32
    %c0_i32_0 = arith.constant 0 : i32
    return %arg0, %c0_i32 : i32, i32
  }
  func.func @transform_13(%arg0: i32) -> (i32, i32) {
    %c0_i32 = arith.constant 0 : i32
    %c0_i32_0 = arith.constant 0 : i32
    return %arg0, %c0_i32 : i32, i32
  }
}

module attributes {stable_mosaic.version = 14 : i64} {
  func.func @body(%arg0: i32, %arg1: memref<2000x128xf32, #tpu.memory_space<vmem>>, %arg2: memref<2000x32xf32, #tpu.memory_space<vmem>>, %arg3: memref<2000x32xf32, #tpu.memory_space<vmem>>, %arg4: memref<2000x32xf32, #tpu.memory_space<vmem>>, %arg5: memref<2000x32xf32, #tpu.memory_space<vmem>>, %arg6: memref<2000x32xf32, #tpu.memory_space<vmem>>, %arg7: memref<2000x32xf32, #tpu.memory_space<vmem>>, %arg8: memref<128x128xf32, #tpu.memory_space<vmem>>, %arg9: memref<1x128xf32, #tpu.memory_space<vmem>>, %arg10: memref<128x128xf32, #tpu.memory_space<vmem>>, %arg11: memref<1x128xf32, #tpu.memory_space<vmem>>, %arg12: memref<128x64xf32, #tpu.memory_space<vmem>>, %arg13: memref<1x64xf32, #tpu.memory_space<vmem>>, %arg14: memref<64x1xf32, #tpu.memory_space<vmem>>, %arg15: memref<1x1xf32, #tpu.memory_space<vmem>>, %arg16: memref<2000x1xf32, #tpu.memory_space<vmem>>) attributes {dimension_semantics = [#tpu.dimension_semantics<arbitrary>], iteration_bounds = array<i64: 5>, scalar_prefetch = 0 : i64, scratch_operands = 0 : i64, tpu.core_type = #tpu.core_type<tc>, window_params = [{transform_indices = @transform_0, window_bounds = array<i64: 2000, 128>}, {transform_indices = @transform_1, window_bounds = array<i64: 2000, 32>}, {transform_indices = @transform_2, window_bounds = array<i64: 2000, 32>}, {transform_indices = @transform_3, window_bounds = array<i64: 2000, 32>}, {transform_indices = @transform_4, window_bounds = array<i64: 2000, 32>}, {transform_indices = @transform_5, window_bounds = array<i64: 2000, 32>}, {transform_indices = @transform_6, window_bounds = array<i64: 2000, 32>}, {pipeline_mode = #tpu.pipeline_mode<synchronous>, transform_indices = @transform_7, window_bounds = array<i64: 128, 128>}, {pipeline_mode = #tpu.pipeline_mode<synchronous>, transform_indices = @transform_8, window_bounds = array<i64: 1, 128>}, {pipeline_mode = #tpu.pipeline_mode<synchronous>, transform_indices = @transform_9, window_bounds = array<i64: 128, 128>}, {pipeline_mode = #tpu.pipeline_mode<synchronous>, transform_indices = @transform_10, window_bounds = array<i64: 1, 128>}, {pipeline_mode = #tpu.pipeline_mode<synchronous>, transform_indices = @transform_11, window_bounds = array<i64: 128, 64>}, {pipeline_mode = #tpu.pipeline_mode<synchronous>, transform_indices = @transform_12, window_bounds = array<i64: 1, 64>}, {pipeline_mode = #tpu.pipeline_mode<synchronous>, transform_indices = @transform_13, window_bounds = array<i64: 64, 1>}, {pipeline_mode = #tpu.pipeline_mode<synchronous>, transform_indices = @transform_14, window_bounds = array<i64: 1, 1>}, {transform_indices = @transform_15, window_bounds = array<i64: 2000, 1>}]} {
    %get3A = arith.constant 0 : index
    %get3A_0 = arith.constant 0 : index
    %get3A_1 = vector.load %arg1[%get3A, %get3A_0] : memref<2000x128xf32, #tpu.memory_space<vmem>>, vector<2000x128xf32>
    %get3A_2 = arith.constant 0 : index
    %get3A_3 = arith.constant 0 : index
    %get3A_4 = vector.load %arg8[%get3A_2, %get3A_3] : memref<128x128xf32, #tpu.memory_space<vmem>>, vector<128x128xf32>
    %dot_general3A = arith.constant dense<0.000000e+00> : vector<2000x128xf32>
    %dot_general3A_5 = tpu.matmul %get3A_1, %get3A_4, %dot_general3A {dimension_numbers = #tpu.dot_dimension_numbers<[1], [0], [0], [1], [0, 0, 1, 1], [], []>, transpose_lhs_hint = false} : vector<2000x128xf32>, vector<128x128xf32>, vector<2000x128xf32> -> vector<2000x128xf32>
    %get3A_6 = arith.constant 0 : index
    %get3A_7 = arith.constant 0 : index
    %get3A_8 = vector.load %arg9[%get3A_6, %get3A_7] : memref<1x128xf32, #tpu.memory_space<vmem>>, vector<1x128xf32>
    %add3A = vector.broadcast %get3A_8 : vector<1x128xf32> to vector<2000x128xf32>
    %add3A_9 = arith.addf %dot_general3A_5, %add3A : vector<2000x128xf32>
    %max3A = arith.constant 0.000000e+00 : f32
    %max3A_10 = vector.broadcast %max3A : f32 to vector<2000x128xf32>
    %max3A_11 = arith.maximumf %add3A_9, %max3A_10 : vector<2000x128xf32>
    %get3A_12 = arith.constant 0 : index
    %get3A_13 = arith.constant 0 : index
    %get3A_14 = vector.load %arg2[%get3A_12, %get3A_13] : memref<2000x32xf32, #tpu.memory_space<vmem>>, vector<2000x32xf32>
    %get3A_15 = arith.constant 0 : index
    %get3A_16 = arith.constant 0 : index
    %get3A_17 = vector.load %arg3[%get3A_15, %get3A_16] : memref<2000x32xf32, #tpu.memory_space<vmem>>, vector<2000x32xf32>
    %get3A_18 = arith.constant 0 : index
    %get3A_19 = arith.constant 0 : index
    %get3A_20 = vector.load %arg4[%get3A_18, %get3A_19] : memref<2000x32xf32, #tpu.memory_space<vmem>>, vector<2000x32xf32>
    %get3A_21 = arith.constant 0 : index
    %get3A_22 = arith.constant 0 : index
    %get3A_23 = vector.load %arg5[%get3A_21, %get3A_22] : memref<2000x32xf32, #tpu.memory_space<vmem>>, vector<2000x32xf32>
    %concatenate3A = tpu.concatenate %get3A_14, %get3A_17, %get3A_20, %get3A_23 in 1 : vector<2000x32xf32>, vector<2000x32xf32>, vector<2000x32xf32>, vector<2000x32xf32> -> vector<2000x128xf32>
    %get3A_24 = arith.constant 0 : index
    %get3A_25 = arith.constant 0 : index
    %get3A_26 = vector.load %arg6[%get3A_24, %get3A_25] : memref<2000x32xf32, #tpu.memory_space<vmem>>, vector<2000x32xf32>
    %slice3A = vector.extract_strided_slice %get3A_26 {offsets = [0, 0], sizes = [2000, 1], strides = [1, 1]} : vector<2000x32xf32> to vector<2000x1xf32>
    %get3A_27 = arith.constant 0 : index
    %get3A_28 = arith.constant 0 : index
    %get3A_29 = vector.load %arg7[%get3A_27, %get3A_28] : memref<2000x32xf32, #tpu.memory_space<vmem>>, vector<2000x32xf32>
    %slice3A_30 = vector.extract_strided_slice %get3A_29 {offsets = [0, 0], sizes = [2000, 1], strides = [1, 1]} : vector<2000x32xf32> to vector<2000x1xf32>
    %add3A_31 = arith.addf %slice3A, %slice3A_30 : vector<2000x1xf32>
    %max3A_32 = arith.constant 1.000000e+00 : f32
    %max3A_33 = vector.broadcast %max3A_32 : f32 to vector<2000x1xf32>
    %max3A_34 = arith.maximumf %add3A_31, %max3A_33 : vector<2000x1xf32>
    %div3A = vector.broadcast %max3A_34 : vector<2000x1xf32> to vector<2000x128xf32>
    %div3A_35 = arith.divf %concatenate3A, %div3A : vector<2000x128xf32>
    %get3A_36 = arith.constant 0 : index
    %get3A_37 = arith.constant 0 : index
    %get3A_38 = vector.load %arg11[%get3A_36, %get3A_37] : memref<1x128xf32, #tpu.memory_space<vmem>>, vector<1x128xf32>
    %add3A_39 = vector.broadcast %get3A_38 : vector<1x128xf32> to vector<2000x128xf32>
    %add3A_40 = arith.addf %div3A_35, %add3A_39 : vector<2000x128xf32>
    %get3A_41 = arith.constant 0 : index
    %get3A_42 = arith.constant 0 : index
    %get3A_43 = vector.load %arg10[%get3A_41, %get3A_42] : memref<128x128xf32, #tpu.memory_space<vmem>>, vector<128x128xf32>
    %dot_general3A_44 = arith.constant dense<0.000000e+00> : vector<2000x128xf32>
    %dot_general3A_45 = tpu.matmul %max3A_11, %get3A_43, %dot_general3A_44 {dimension_numbers = #tpu.dot_dimension_numbers<[1], [0], [0], [1], [0, 0, 1, 1], [], []>, transpose_lhs_hint = false} : vector<2000x128xf32>, vector<128x128xf32>, vector<2000x128xf32> -> vector<2000x128xf32>
    %add3A_46 = arith.addf %add3A_40, %dot_general3A_45 : vector<2000x128xf32>
    %max3A_47 = arith.constant 0.000000e+00 : f32
    %max3A_48 = vector.broadcast %max3A_47 : f32 to vector<2000x128xf32>
    %max3A_49 = arith.maximumf %add3A_46, %max3A_48 : vector<2000x128xf32>
    %get3A_50 = arith.constant 0 : index
    %get3A_51 = arith.constant 0 : index
    %get3A_52 = vector.load %arg12[%get3A_50, %get3A_51] : memref<128x64xf32, #tpu.memory_space<vmem>>, vector<128x64xf32>
    %dot_general3A_53 = arith.constant dense<0.000000e+00> : vector<2000x64xf32>
    %dot_general3A_54 = tpu.matmul %max3A_49, %get3A_52, %dot_general3A_53 {dimension_numbers = #tpu.dot_dimension_numbers<[1], [0], [0], [1], [0, 0, 1, 1], [], []>, transpose_lhs_hint = false} : vector<2000x128xf32>, vector<128x64xf32>, vector<2000x64xf32> -> vector<2000x64xf32>
    %get3A_55 = arith.constant 0 : index
    %get3A_56 = arith.constant 0 : index
    %get3A_57 = vector.load %arg13[%get3A_55, %get3A_56] : memref<1x64xf32, #tpu.memory_space<vmem>>, vector<1x64xf32>
    %add3A_58 = vector.broadcast %get3A_57 : vector<1x64xf32> to vector<2000x64xf32>
    %add3A_59 = arith.addf %dot_general3A_54, %add3A_58 : vector<2000x64xf32>
    %max3A_60 = arith.constant 0.000000e+00 : f32
    %max3A_61 = vector.broadcast %max3A_60 : f32 to vector<2000x64xf32>
    %max3A_62 = arith.maximumf %add3A_59, %max3A_61 : vector<2000x64xf32>
    %get3A_63 = arith.constant 0 : index
    %get3A_64 = arith.constant 0 : index
    %get3A_65 = vector.load %arg14[%get3A_63, %get3A_64] : memref<64x1xf32, #tpu.memory_space<vmem>>, vector<64x1xf32>
    %dot_general3A_66 = arith.constant dense<0.000000e+00> : vector<2000x1xf32>
    %dot_general3A_67 = tpu.matmul %max3A_62, %get3A_65, %dot_general3A_66 {dimension_numbers = #tpu.dot_dimension_numbers<[1], [0], [0], [1], [0, 0, 1, 1], [], []>, transpose_lhs_hint = false} : vector<2000x64xf32>, vector<64x1xf32>, vector<2000x1xf32> -> vector<2000x1xf32>
    %get3A_68 = arith.constant 0 : index
    %get3A_69 = arith.constant 0 : index
    %get3A_70 = vector.load %arg15[%get3A_68, %get3A_69] : memref<1x1xf32, #tpu.memory_space<vmem>>, vector<1x1xf32>
    %add3A_71 = vector.broadcast %get3A_70 : vector<1x1xf32> to vector<2000x1xf32>
    %add3A_72 = arith.addf %dot_general3A_67, %add3A_71 : vector<2000x1xf32>
    %swap3A = arith.constant 0 : index
    %swap3A_73 = arith.constant 0 : index
    %swap3A_74 = vector.load %arg16[%swap3A, %swap3A_73] : memref<2000x1xf32, #tpu.memory_space<vmem>>, vector<2000x1xf32>
    tpu.vector_store %arg16[%swap3A, %swap3A_73], %add3A_72 {strides = array<i32>} : memref<2000x1xf32, #tpu.memory_space<vmem>>, vector<2000x1xf32>,
    return
  }
  func.func @transform_0(%arg0: i32) -> (i32, i32) {
    %c0_i32 = arith.constant 0 : i32
    %c0_i32_0 = arith.constant 0 : i32
    return %arg0, %c0_i32 : i32, i32
  }
  func.func @transform_1(%arg0: i32) -> (i32, i32) {
    %c0_i32 = arith.constant 0 : i32
    %c0_i32_0 = arith.constant 0 : i32
    return %arg0, %c0_i32 : i32, i32
  }
  func.func @transform_2(%arg0: i32) -> (i32, i32) {
    %c0_i32 = arith.constant 0 : i32
    %c0_i32_0 = arith.constant 0 : i32
    return %arg0, %c0_i32 : i32, i32
  }
  func.func @transform_3(%arg0: i32) -> (i32, i32) {
    %c0_i32 = arith.constant 0 : i32
    %c0_i32_0 = arith.constant 0 : i32
    return %arg0, %c0_i32 : i32, i32
  }
  func.func @transform_4(%arg0: i32) -> (i32, i32) {
    %c0_i32 = arith.constant 0 : i32
    %c0_i32_0 = arith.constant 0 : i32
    return %arg0, %c0_i32 : i32, i32
  }
  func.func @transform_5(%arg0: i32) -> (i32, i32) {
    %c0_i32 = arith.constant 0 : i32
    %c0_i32_0 = arith.constant 0 : i32
    return %arg0, %c0_i32 : i32, i32
  }
  func.func @transform_6(%arg0: i32) -> (i32, i32) {
    %c0_i32 = arith.constant 0 : i32
    %c0_i32_0 = arith.constant 0 : i32
    return %arg0, %c0_i32 : i32, i32
  }
  func.func @transform_7(%arg0: i32) -> (i32, i32) {
    %c0_i32 = arith.constant 0 : i32
    %c0_i32_0 = arith.constant 0 : i32
    %c0_i32_1 = arith.constant 0 : i32
    return %c0_i32, %c0_i32_0 : i32, i32
  }
  func.func @transform_8(%arg0: i32) -> (i32, i32) {
    %c0_i32 = arith.constant 0 : i32
    %c0_i32_0 = arith.constant 0 : i32
    %c0_i32_1 = arith.constant 0 : i32
    return %c0_i32, %c0_i32_0 : i32, i32
  }
  func.func @transform_9(%arg0: i32) -> (i32, i32) {
    %c0_i32 = arith.constant 0 : i32
    %c0_i32_0 = arith.constant 0 : i32
    %c0_i32_1 = arith.constant 0 : i32
    return %c0_i32, %c0_i32_0 : i32, i32
  }
  func.func @transform_10(%arg0: i32) -> (i32, i32) {
    %c0_i32 = arith.constant 0 : i32
    %c0_i32_0 = arith.constant 0 : i32
    %c0_i32_1 = arith.constant 0 : i32
    return %c0_i32, %c0_i32_0 : i32, i32
  }
  func.func @transform_11(%arg0: i32) -> (i32, i32) {
    %c0_i32 = arith.constant 0 : i32
    %c0_i32_0 = arith.constant 0 : i32
    %c0_i32_1 = arith.constant 0 : i32
    return %c0_i32, %c0_i32_0 : i32, i32
  }
  func.func @transform_12(%arg0: i32) -> (i32, i32) {
    %c0_i32 = arith.constant 0 : i32
    %c0_i32_0 = arith.constant 0 : i32
    %c0_i32_1 = arith.constant 0 : i32
    return %c0_i32, %c0_i32_0 : i32, i32
  }
  func.func @transform_13(%arg0: i32) -> (i32, i32) {
    %c0_i32 = arith.constant 0 : i32
    %c0_i32_0 = arith.constant 0 : i32
    %c0_i32_1 = arith.constant 0 : i32
    return %c0_i32, %c0_i32_0 : i32, i32
  }
  func.func @transform_14(%arg0: i32) -> (i32, i32) {
    %c0_i32 = arith.constant 0 : i32
    %c0_i32_0 = arith.constant 0 : i32
    %c0_i32_1 = arith.constant 0 : i32
    return %c0_i32, %c0_i32_0 : i32, i32
  }
  func.func @transform_15(%arg0: i32) -> (i32, i32) {
    %c0_i32 = arith.constant 0 : i32
    %c0_i32_0 = arith.constant 0 : i32
    return %arg0, %c0_i32 : i32, i32
  }
}

</mosaic_0001>

<sc_bundles>
// kernel: kernel.11.cloned.1.call-start
scs
__scs_entry_jumppad:
0x0: {  	(pc) =	sbr.rel $0x88, $3  }
0x1: {  	(tag) =	ssettag $0x0;
	lr =	simm.s32 $0x1  }
0x2: {  	[smem:$0x3F8C] =	sst lr;
	_ =	strace $0xD0000000  }
0x3: {  	_ = 	snop  }
0x4: {  	_ = 	snop  }
0x5: {  	_ = 	snop  }
0x6: {  	_ = 	snop  }
0x7: {  	_ = 	snop  }
__scs_overlays_trampoline_lowered:
0x8: {  	[smem:$0x3F9B] =	sst s0  }
0x9: {  	[smem:$0x3F9C] =	sst s1  }
0xa: {  	[smem:$0x3F9D] =	sst s2  }
0xb: {  	[smem:$0x3F9E] =	sst s3  }
0xc: {  	[smem:$0x3F9F] =	sst s4  }
0xd: {  	[smem:$0x3FA0] =	sst s5  }
0xe: {  	[smem:$0x3FA1] =	sst s6  }
0xf: {  	[smem:$0x3FA2] =	sst s7  }
0x10: {  	[smem:$0x3FA3] =	sst s8  }
0x11: {  	[smem:$0x3FA4] =	sst s9;
	s0 =	simm.s32 @!p0 $0x0  }
0x12: {  	s1 =	sld [smem:$0x3F8A];
	s0 =	simm.s32 @p0 $0x1  }
0x13: {  	[smem:$0x3FA5] =	sst s0;
	s0 =	simm.s32 @!p1 $0x0  }
0x14: {  	s2 =	sld [smem:$0x3F89];
	s0 =	simm.s32 @p1 $0x1  }
0x15: {  	[smem:$0x3FA6] =	sst s0;
	s0 =	simm.s32 @!p2 $0x0  }
0x16: {  	s3 =	sld [smem:$0x3FDB];
	s0 =	simm.s32 @p2 $0x1  }
0x17: {  	s4 =	simm.s32 $0x1BF5;
	[smem:$0x3FA8] =	sst s0  }
0x18: {  	s0 =	sld [smem:$0x3F8B];
	_ =	swait.ge [sflag:s4], $0x0  }
0x19: {  	s7 =	sld [smem:$0x3F8C]  }
0x1a: {  	s8 =	sadd.s32 $0xFFFFE003, lr  }
0x1b: {  	s9 =	sadd.s32 $0xFFFFFEF7, lr;
	s5 =	simm.s32 $0xFFFFFFFF;
	p2 =	slt.u32 s8, $0xFFFFF086  }
0x1c: {  	p1 =	slt.u32 s9, $0xF7A;
	s5 =	simm.s32 @!p2 $0x0  }
0x1d: {  	s5 =	simm.s32 @p1 $0x1;
	p0 =	seq.s32 s7, s2  }
0x1e: {  	s7 =	smul.u32 @!p0 $0xF7A, s2;
	p2 =	seq.s32 @!p0 s5, $0x0  }
0x1f: {  	s9 =	smul.u32 $0xF7A, s1;
	s8 =	simm.s32 @!p0 $0x1BF5;
	p2 =	por !p2, p0  }
0x20: {  	[sflag:s8] =	ssyncset.s32 @!p0 $0xFFFFF086;
	s6 =	sadd.s32 @!p0 s3, s7;
	s7 =	simm.s32 @!p0 $0x108  }
0x21: {  	s3 =	sadd.s32 s3, s9;
	s6 =	sadd.s32 @!p0 $0x88, s6;
	s7 =	simm.s32 @p2 $0x1082  }
0x22: {  	[simem:s7], [sflag:s8] =	dma.local @!p0 [hbm:s6], $0xF7A  }
0x23: {  	s9 =	sor.u32 $0xD0000000, s2;
	s6 =	simm.s32 $0x108;
	_ =	swait.ge @!p0 [sflag:s8], $0x0  }
0x24: {  	s3 =	sadd.s32 $0x88, s3;
	s6 =	simm.s32 @!p1 $0x1082;
	[sflag:s4] =	ssyncset.s32 $0xFFFFF086  }
0x25: {  	[simem:s6], [sflag:s4] =	dma.local [hbm:s3], $0xF7A  }
0x26: {  	[smem:$0x3F8C] =	sst s1;
	(tag) =	ssettag s2;
	_ =	strace s9  }
0x27: {  	s1 =	sld [smem:$0x3F9C]  }
0x28: {  	s2 =	sld [smem:$0x3F9D]  }
0x29: {  	s4 =	sld [smem:$0x3F9F]  }
0x2a: {  	p0 =	seq.s32 s5, $0x0;
	s5 =	sld [smem:$0x3FA0]  }
0x2b: {  	s6 =	sld [smem:$0x3FA1]  }
0x2c: {  	s7 =	sld [smem:$0x3FA2]  }
0x2d: {  	s3 =	simm.s32 $0x108;
	s8 =	sld [smem:$0x3FA3]  }
0x2e: {  	s3 =	simm.s32 @!p0 $0x1082;
	s9 =	sld [smem:$0x3FA4]  }
0x2f: {  	lr =	sadd.s32 s0, s3;
	s0 =	sld [smem:$0x3F9B]  }
0x30: {  	s3 =	sld [smem:$0x3F9E]  }
0x31: {  	[smem:$0x3FA7] =	sst s10  }
0x32: {  	s10 =	sld [smem:$0x3FA5];
	_ =	sdelay $0x3  }
0x33: {  	p0 =	seq.s32 s10, $0x1;
	s10 =	sld [smem:$0x3FA7];
	_ =	sdelay $0x3  }
0x34: {  	[smem:$0x3FA7] =	sst s10  }
0x35: {  	s10 =	sld [smem:$0x3FA6];
	_ =	sdelay $0x3  }
0x36: {  	p1 =	seq.s32 s10, $0x1;
	s10 =	sld [smem:$0x3FA7];
	_ =	sdelay $0x3  }
0x37: {  	[smem:$0x3FA7] =	sst s10  }
0x38: {  	s10 =	sld [smem:$0x3FA8]  }
0x39: {  	_ = 	snop;
	(pc) =	sbr.ind lr, $3  }
0x3a: {  	_ = 	snop  }
0x3b: {  	_ = 	snop  }
0x3c: {  	p2 =	seq.s32 s10, $0x1;
	s10 =	sld [smem:$0x3FA7]  }
0x3d: {  	_ =	shalt  }
0x3e: {  	_ =	shalt  }
0x3f: {  	_ =	shalt  }
0x40: {  	_ =	shalt  }
0x41: {  	_ =	shalt  }
0x42: {  	_ =	shalt  }
0x43: {  	_ =	shalt  }
0x44: {  	_ =	shalt  }
0x45: {  	_ =	shalt  }
0x46: {  	_ =	shalt  }
0x47: {  	_ =	shalt  }
0x48: {  	_ =	shalt  }
0x49: {  	_ =	shalt  }
0x4a: {  	_ =	shalt  }
0x4b: {  	_ =	shalt  }
0x4c: {  	_ =	shalt  }
0x4d: {  	_ =	shalt  }
0x4e: {  	_ =	shalt  }
0x4f: {  	_ =	shalt  }
0x50: {  	_ =	shalt  }
0x51: {  	_ =	shalt  }
0x52: {  	_ =	shalt  }
0x53: {  	_ =	shalt  }
0x54: {  	_ =	shalt  }
0x55: {  	_ =	shalt  }
0x56: {  	_ =	shalt  }
0x57: {  	_ =	shalt  }
0x58: {  	_ =	shalt  }
0x59: {  	_ =	shalt  }
0x5a: {  	_ =	shalt  }
0x5b: {  	_ =	shalt  }
0x5c: {  	_ =	shalt  }
0x5d: {  	_ =	shalt  }
0x5e: {  	_ =	shalt  }
0x5f: {  	_ =	shalt  }
0x60: {  	_ =	shalt  }
0x61: {  	_ =	shalt  }
0x62: {  	_ =	shalt  }
0x63: {  	_ =	shalt  }
0x64: {  	_ =	shalt  }
0x65: {  	_ =	shalt  }
0x66: {  	_ =	shalt  }
0x67: {  	_ =	shalt  }
0x68: {  	_ =	shalt  }
0x69: {  	_ =	shalt  }
0x6a: {  	_ =	shalt  }
0x6b: {  	_ =	shalt  }
0x6c: {  	_ =	shalt  }
0x6d: {  	_ =	shalt  }
0x6e: {  	_ =	shalt  }
0x6f: {  	_ =	shalt  }
0x70: {  	_ =	shalt  }
0x71: {  	_ =	shalt  }
0x72: {  	_ =	shalt  }
0x73: {  	_ =	shalt  }
0x74: {  	_ =	shalt  }
0x75: {  	_ =	shalt  }
0x76: {  	_ =	shalt  }
0x77: {  	_ =	shalt  }
0x78: {  	_ =	shalt  }
0x79: {  	_ =	shalt  }
0x7a: {  	_ =	shalt  }
0x7b: {  	_ =	shalt  }
0x7c: {  	_ =	shalt  }
0x7d: {  	_ =	shalt  }
0x7e: {  	_ =	shalt  }
0x7f: {  	_ =	shalt  }
0x80: {  	_ =	shalt  }
0x81: {  	_ =	shalt  }
0x82: {  	_ =	shalt  }
0x83: {  	_ =	shalt  }
0x84: {  	_ =	shalt  }
0x85: {  	_ =	shalt  }
0x86: {  	_ =	shalt  }
0x87: {  	_ =	shalt  }
.Lfunc_end0:
.L_simem_size_0:
called_computation.1_lowered:
.L_overlay_start_0:
0x88: {  	s2 =	sld [smem:$0x3FD9]  }
0x89: {  	s3 =	sld [smem:$0x3FFE];
	_ =	sdelay $0x1  }
0x8a: {  	s1 =	srdreg.scid  }
0x8b: {  	s0 =	sand.u32 $0x1, s1  }
0x8c: {  	s17 =	sshll.u32 s0, $0xA;
	s2 =	sadd.s32 s3, s2  }
0x8d: {  	s2 =	sadd.s32 s2, s17  }
0x8e: {  	[smem:$0x3FB3] =	sst s2  }
0x8f: {  	_ = 	snop  }
0x90: {  	s2 =	sld [smem:$0x3FD0];
	(tm) =	ssettm $0x1  }
0x91: {  	s18 =	sld [smem:$0x3FFB];
	_ =	sdelay $0x3  }
0x92: {  	_ =	strace s18  }
0x93: {  	s3 =	sld [smem:$0x3FFC];
	_ =	sdelay $0x3  }
0x94: {  	_ =	strace s3  }
0x95: {  	s3 =	sld [smem:$0x3FFD];
	_ =	sdelay $0x3  }
0x96: {  	_ =	strace s3  }
0x97: {  	_ =	strace $0x8FFFFFFF  }
0x98: {  	s19 =	sld [smem:$0x3FDB];
	_ =	sdelay $0x1  }
0x99: {  	s4 =	simm.s32 $_scs_section_size  }
0x9a: {  	s5 =	simm.s32 $_size__tile_overlayer_lowered;
	s6 =	simm.s32 $_tile_overlayer_lowered  }
0x9b: {  	s22 =	simm.s32 $0x1BFF;
	s21 =	sshll.u32 s6, $0x1;
	s3 =	sadd.s32 s4, s19  }
0x9c: {  	s7 =	simm.s32 $0x0;
	s20 =	sshll.u32 s5, $0x1;
	s5 =	sadd.s32 s21, s3  }
0x9d: {  	[timem:s7], [sflag:s22] =	dma.local [hbm:s5], s20  }
0x9e: {  	_ =	swait.ge [sflag:s22], s20  }
0x9f: {  	s4 =	ssub.s32 $0x0, s20;
	[sflag:s22] =	ssyncset.done $0x0  }
0xa0: {  	[sflag:s22] =	ssyncadd.s32 s4;
	_ =	sdelay $0x1  }
0xa1: {  	s23 =	simm.s32 $0x1B8B  }
0xa2: {  	_ =	swait.ge [sflag:s23], $0x1  }
0xa3: {  	[sflag:s23] =	ssyncset.done $0x0  }
0xa4: {  	s25 =	simm.s32 $0x1B8E;
	s24 =	sld [smem:$0x3FFE];
	[sflag:s23] =	ssyncadd.s32 $0xFFFFFFFF  }
0xa5: {  	s26 =	simm.s32 $execute0_lowered;
	[smem:$0x3FD2] =	sst s25  }
0xa6: {  	s5 =	sshll.u32 s26, $0x1;
	_ =	strace $0x80000049;
	[dreg:$0x1] =	wrdreg $0xFFFFFFFF  }
0xa7: {  	s28 =	simm.s32 $_size_execute0_lowered;
	s3 =	sadd.s32 s3, s5;
	[dreg:$0x0] =	wrdreg $0x0  }
0xa8: {  	s5 =	sshll.u32 s28, $0x1;
	[dreg:$0x2] =	wrdreg s3  }
0xa9: {  	[dreg:$0x3] =	wrdreg s5  }
0xaa: {  	[dreg:$0x4] =	wrdreg $0xC0  }
0xab: {  	_ =	task [dreg:s7], $0x5FFFF  }
0xac: {  	[dreg:$0x1] =	wrdreg $0xFFFFFFFF  }
0xad: {  	[dreg:$0x0] =	wrdreg $0x60  }
0xae: {  	[dreg:$0x2] =	wrdreg s24  }
0xaf: {  	[dreg:$0x3] =	wrdreg s2  }
0xb0: {  	[dreg:$0x4] =	wrdreg $0x74000  }
0xb1: {  	[dreg:$0x5] =	wrdreg $0x9  }
0xb2: {  	_ =	task.clear_ibuf [dreg:s7], $0x6FFFF;
	_ =	strace $0x90000049  }
0xb3: {  	s29 =	simm.s32 $0x9;
	_ =	strace $0x8000004B  }
0xb4: {  	_ =	swait.ge [sflag:s29], $0x1  }
0xb5: {  	[sflag:s29] =	ssyncadd.s32 $0xFFFFFFFF  }
0xb6: {  	_ =	strace $0x9000004B  }
0xb7: {  	_ =	sfence  }
0xb8: {  	s30 =	sld [smem:$0x0];
	_ =	sdelay $0x2  }
0xb9: {  	s31 =	sshll.u32 s1, $0xD;
	s1 =	sshrl.u32 s1, $0x2  }
0xba: {  	s3 =	sand.u32 $0x4000, s31;
	s1 =	sadd.s32 s1, s30  }
0xbb: {  	s0 =	sor.u32 s3, s0;
	s1 =	sshll.u32 s1, $0x11  }
0xbc: {  	s0 =	sor.u32 s1, s0  }
0xbd: {  	s0 =	sadd.s32 $0x8F2B, s0  }
0xbe: {  	[sflag:s0] =	ssyncadd.remote.s32 $0x1  }
0xbf: {  	_ =	sfence.sel $0xFFFF  }
0xc0: {  	[dreg:$0x0] =	wrdreg $0xFFFFFFFF;
	(pc) =	sbr.abs _section_cstart, $3  }
0xc1: {  	[dreg:$0x1] =	wrdreg $0xFFFFFFFF  }
0xc2: {  	_ =	task.clear_ibuf [dreg:s7], $0x2FFFF;
	_ =	strace $0x9FFFFFFF  }
0xc3: {  	(tm) =	ssettm $0x7FFFFFFF  }
tec
execute0_lowered:
.L_overlay_start_1:
0x0: {  	(tag) =	ssettag $0x1  }
0x1: {  	s0 =	rddreg [dreg:$0x0]  }
0x2: {  	s2 =	rddreg [dreg:$0x2];
	s3 =	simm.s32 $0x0  }
0x3: {  	s1 =	srdreg.scid;
	s15 =	simm.s32 $0x1100;
	s17 =	simm.s32 $0x1180  }
0x4: {  	s19 =	simm.s32 $0x1200;
	[smem:$0x7FF] =	sst s3;
	s7 =	sadd.s32 $0x11BE00, s0  }
0x5: {  	s10 =	sadd.s32 $0xCA200, s0;
	_ =	strace $0x8000004A;
	[dreg:$0xf] =	wrdreg s7  }
0x6: {  	s21 =	simm.s32 $0x1280;
	s12 =	sadd.s32 $0x12BE00, s0;
	[dreg:$0x11] =	wrdreg s10  }
0x7: {  	s23 =	simm.s32 $0x1300;
	s24 =	simm.s32 $0x1380;
	[dreg:$0x10] =	wrdreg s12  }
0x8: {  	s29 =	simm.s32 $0x1780;
	s30 =	simm.s32 $0x1800;
	[dreg:$0x6] =	wrdreg s15  }
0x9: {  	s31 =	simm.s32 $0x1880;
	s4 =	sadd.s32 $0x99400, s0;
	[dreg:$0x7] =	wrdreg s17  }
0xa: {  	s5 =	sadd.s32 $0x68600, s0;
	s6 =	sadd.s32 $0x37800, s0;
	[dreg:$0x8] =	wrdreg s19  }
0xb: {  	s8 =	sadd.s32 $0x6A00, s0;
	s1 =	sand.u32 $0x1, s1;
	[dreg:$0x9] =	wrdreg s21  }
0xc: {  	s7 =	stileid.u32;
	s9 =	ssub.s32 $0x2, s1;
	[dreg:$0xa] =	wrdreg s23  }
0xd: {  	s26 =	sshll.u32 s1, $0xF;
	p0 =	sne.s32 s1, $0x0;
	[dreg:$0xb] =	wrdreg s24  }
0xe: {  	s23 =	simm.s32 $0x6000;
	s1 =	simm.s32 $0x1;
	s21 =	simm.s32 $0x1B00  }
0xf: {  	s25 =	sshll.u32 s7, $0x7;
	s13 =	sshll.u32 s7, $0xC;
	s28 =	sshll.u32 s7, $0xB  }
0x10: {  	s10 =	sadd.s32 s26, s12;
	s26 =	simm.s32 $0x1480;
	[dreg:$0x12] =	wrdreg s13  }
0x11: {  	s11 =	sshrl.u32 s9, $0x1;
	s10 =	sadd.s32 s28, s10;
	[dreg:$0xd] =	wrdreg s26  }
0x12: {  	s12 =	sshrl.u32 s13, $0x2;
	s13 =	simm.s32 $0x1080;
	[dreg:$0x4] =	wrdreg s10  }
0x13: {  	s0 =	sadd.s32 s25, s0;
	s25 =	simm.s32 $0x1400;
	[dreg:$0x5] =	wrdreg s13  }
0x14: {  	s9 =	ssub.s32 s9, s11;
	s28 =	simm.s32 $0x1500;
	[dreg:$0xc] =	wrdreg s25  }
0x15: {  	s24 =	simm.s32 $0x0;
	s9 =	smax.u32 s9, $0x1;
	[dreg:$0xe] =	wrdreg s28  }
0x16: {  	s26 =	simm.s32 $0x1A80;
	s14 =	sadd.s32 $0xE7E00, s0;
	[dreg:$0x13] =	wrdreg s9  }
0x17: {  	s11 =	sadd.s32 s12, s2;
	s16 =	sadd.s32 $0xDE000, s0;
	[dreg:$0x15] =	wrdreg s14  }
0x18: {  	s18 =	sadd.s32 $0xFBA00, s0;
	s20 =	sadd.s32 $0xF1C00, s0;
	[dreg:$0x16] =	wrdreg s16  }
.Ltmp0:
0x19: {  	s22 =	sadd.s32 $0xCA400, s0;
	[dreg:$0x17] =	wrdreg s18;
	(pc) =	sbr.rel .LBB2_1-.Ltmp0, $4  }
0x1a: {  	s0 =	sadd.s32 $0xD4200, s0;
	s25 =	simm.s32 $0x80;
	[dreg:$0x18] =	wrdreg s20  }
0x1b: {  	s10 =	simm.s32 $0x0;
	s12 =	simm.s32 $0x1A00;
	[dreg:$0x19] =	wrdreg s22  }
0x1c: {  	s13 =	simm.s32 $0x1C00;
	[dreg:$0x1a] =	wrdreg s0;
	s22 =	simm.s32 $0x3  }
0x1d: {  	s9 =	simm.s32 $0x1000;
	s0 =	simm.s32 $0x2;
	[dreg:$0x14] =	wrdreg s11  }
.LBB2_47:
0x1e: {  	s10 =	sadd.s32 $0x1, s10;
	s14 =	rddreg [dreg:$0x13]  }
0x1f: {  	p1 =	sne.s32 s10, s14  }
.Ltmp1:
0x20: {  	_ = 	snop;
	(pc) =	sbr.rel @!p1 .LBB2_48-.Ltmp1, $1  }
0x21: {  	_ =	sdelay $0x3  }
.LBB2_1:
0x22: {  	s14 =	rddreg [dreg:$0x11];
	s15 =	simm.s32 $0x7000  }
0x23: {  	[tilespmem:s15], [sflag:$0x3] =	stream.linear.gather [hbm4b:s14+s3], $0x400, $0x38;
	[tilespmem:$0xC280] =	vst v63  }
0x24: {  	_ =	swait.ge [sflag:s22], $0x400  }
0x25: {  	[sflag:s22] =	ssyncset.done $0x0  }
0x26: {  	[sflag:s22] =	ssyncadd.s32 $0xFFFFFC00  }
.Ltmp2:
0x27: {  	s28 =	rddreg [dreg:$0x1];
	(pc) =	sbr.rel @p0 .LBB2_19-.Ltmp2, $4  }
0x28: {  	[tilespmem:s23], [sflag:$0x3] =	stream.linear.gather [hbm4b:s28+s3], $0x1000, $0x38;
	[tilespmem:$0xC280] =	vst v63  }
0x29: {  	_ =	swait.ge [sflag:s22], $0x1000  }
0x2a: {  	[sflag:s22] =	ssyncset.done $0x0  }
0x2b: {  	[sflag:s22] =	ssyncadd.s32 $0xFFFFF000  }
0x2c: {  	s14 =	sadd.s32 $0x0, s7  }
0x2d: {  	p1 =	sgt.u32 s14, $0x139  }
0x2e: {  	s14 =	simm.s32 @!p1 $0x7000;
	s18 =	simm.s32 @!p1 $0x3  }
0x2f: {  	[spmem:s11] =	stream.linear.scatter @!p1 [tilespmem:s14], [sflag:$0x3], $0x400, $0x38;
	[tilespmem:$0xC280] =	vst v63  }
0x30: {  	s16 =	simm.s32 $0x10;
	_ =	swait.ge @!p1 [sflag:s18], $0x400  }
0x31: {  	s17 =	simm.s32 $0x20;
	s15 =	sadd.s32 $0x4000, s11;
	[sflag:s18] =	ssyncset.done @!p1 $0x0  }
.LBB2_3:
0x32: {  	s14 =	sadd.s32 s16, s7;
	s16 =	smov.u32 s17;
	s17 =	sadd.s32 $0x10, s17  }
0x33: {  	[sflag:s18] =	ssyncadd.s32 @!p1 $0xFFFFFC00;
	p2 =	sne.s32 s17, $0x140  }
.Ltmp3:
0x34: {  	p1 =	sgt.u32 s14, $0x139;
	(pc) =	sbr.rel @p2 .LBB2_3-.Ltmp3, $4  }
0x35: {  	s14 =	simm.s32 @!p1 $0x7000;
	s18 =	simm.s32 @!p1 $0x3  }
0x36: {  	[spmem:s15] =	stream.linear.scatter @!p1 [tilespmem:s14], [sflag:$0x3], $0x400, $0x38;
	[tilespmem:$0xC280] =	vst v63  }
0x37: {  	_ =	swait.ge @!p1 [sflag:s18], $0x400  }
0x38: {  	s15 =	sadd.s32 $0x4000, s15;
	[sflag:s18] =	ssyncset.done @!p1 $0x0  }
0x39: {  	s14 =	sadd.s32 s16, s7  }
0x3a: {  	p2 =	sgt.u32 s14, $0x139  }
0x3b: {  	[sflag:s18] =	ssyncadd.s32 @!p1 $0xFFFFFC00;
	s14 =	simm.s32 @!p2 $0x7000;
	s16 =	simm.s32 @!p2 $0x3  }
0x3c: {  	[spmem:s15] =	stream.linear.scatter @!p2 [tilespmem:s14], [sflag:$0x3], $0x400, $0x38;
	[tilespmem:$0xC280] =	vst v63  }
0x3d: {  	_ =	swait.ge @!p2 [sflag:s16], $0x400  }
0x3e: {  	[sflag:s16] =	ssyncset.done @!p2 $0x0  }
0x3f: {  	[sflag:s16] =	ssyncadd.s32 @!p2 $0xFFFFFC00  }
0x40: {  	s15 =	simm.s32 $0x0;
	[bflag:$0x0] =	sbarrier.arrive $0xFFFF  }
.LBB2_5:
0x41: {  	s14 =	sshll.u32 s15, $0x9;
	s16 =	rddreg [dreg:$0x12]  }
0x42: {  	s28 =	rddreg [dreg:$0xf];
	s14 =	sadd.s32 s16, s14  }
0x43: {  	s16 =	sadd.s32 s28, s14  }
0x44: {  	[tilespmem:s3], [sflag:$0x3] =	stream.linear.gather [hbm4b:s16+s3], $0x1000, $0x38;
	[tilespmem:$0xC280] =	vst v63  }
0x45: {  	_ =	swait.ge [sflag:s22], $0x1000  }
0x46: {  	[sflag:s22] =	ssyncset.done $0x0;
	s11 =	rddreg [dreg:$0x10]  }
0x47: {  	[sflag:s22] =	ssyncadd.s32 $0xFFFFF000;
	s14 =	sadd.s32 s11, s14  }
0x48: {  	[tilespmem:s9], [sflag:$0x3] =	stream.linear.gather [hbm4b:s14+s3], $0x1000, $0x38;
	[tilespmem:$0xC280] =	vst v63  }
0x49: {  	_ =	swait.ge [sflag:s22], $0x1000  }
0x4a: {  	[sflag:s22] =	ssyncset.done $0x0  }
0x4b: {  	s17 =	simm.s32 $0x2000;
	[sflag:s22] =	ssyncadd.s32 $0xFFFFF000  }
0x4c: {  	[tilespmem:s17], [sflag:$0x1] =	stream.indirect.gather [hbm4b:s4+s25], $0x20, s3, s25, $0xb8;
	[tilespmem:$0xC280] =	vst v63  }
0x4d: {  	s16 =	simm.s32 $0x3000  }
0x4e: {  	[tilespmem:s16], [sflag:$0x1] =	stream.indirect.gather [hbm4b:s4+s25], $0x20, s25, s25, $0xb8;
	[tilespmem:$0xC280] =	vst v63  }
0x4f: {  	s18 =	simm.s32 $0x100;
	s14 =	simm.s32 $0x4000  }
0x50: {  	[tilespmem:s14], [sflag:$0x1] =	stream.indirect.gather [hbm4b:s4+s25], $0x20, s18, s25, $0xb8;
	[tilespmem:$0xC280] =	vst v63  }
0x51: {  	s19 =	simm.s32 $0x180;
	s20 =	simm.s32 $0x1;
	s18 =	simm.s32 $0x5000  }
0x52: {  	[tilespmem:s18], [sflag:$0x1] =	stream.indirect.gather [hbm4b:s4+s25], $0x20, s19, s25, $0xb8;
	[tilespmem:$0xC280] =	vst v63  }
0x53: {  	_ =	swait.ge [sflag:s20], $0x1000  }
0x54: {  	[sflag:s20] =	ssyncset.done $0x0  }
0x55: {  	p1 =	por $0x0, $0x0;
	[sflag:s20] =	ssyncadd.s32 $0xFFFFF000  }
0x56: {  	[spmem:s2] =	stream.indirect.scatter.add.f32 [tilespmem:s17], [sflag:$0x2], $0x20, s9, s25, $0xb8;
	[tilespmem:$0xC280] =	vst v63  }
0x57: {  	s28 =	simm.s32 $0x1000;
	s14 =	sand.u32 @!p1 $0x3000, s14;
	_ =	swait.ge [sflag:s0], $0x1000  }
0x58: {  	s16 =	simm.s32 $0x1080;
	s14 =	sadd.s32 @!p1 $0x2000, s14;
	[sflag:s0] =	ssyncset.done $0x0  }
0x59: {  	s18 =	simm.s32 $0x200;
	s19 =	simm.s32 @!p1 $0x80;
	[sflag:s0] =	ssyncadd.s32 $0xFFFFF000  }
0x5a: {  	[tilespmem:s14], [sflag:$0x1] =	stream.indirect.gather @!p1 [hbm4b:s4+s19], $0x20, s18, s19, $0xb8;
	[tilespmem:$0xC280] =	vst v63  }
0x5b: {  	s20 =	simm.s32 $0x1100;
	s17 =	simm.s32 $0x2;
	_ =	swait.ge [sflag:s1], $0x1000  }
0x5c: {  	s18 =	simm.s32 $0x280;
	s14 =	sand.u32 $0x3000, s28;
	[sflag:s1] =	ssyncset.done $0x0  }
0x5d: {  	s19 =	simm.s32 $0x5000;
	s14 =	sadd.s32 $0x2000, s14;
	[sflag:s1] =	ssyncadd.s32 $0xFFFFF000  }
.LBB2_6:
0x5e: {  	[spmem:s2] =	stream.indirect.scatter.add.f32 [tilespmem:s14], [sflag:$0x2], $0x20, s16, s25, $0xb8;
	[tilespmem:$0xC280] =	vst v63  }
0x5f: {  	s14 =	smov.u32 s17;
	s17 =	sadd.s32 $0x1, s17;
	s16 =	smov.u32 s20  }
0x60: {  	p2 =	sgt.u32 s14, $0x1C;
	p1 =	sne.s32 s17, $0x20;
	_ =	swait.ge [sflag:s0], $0x1000  }
0x61: {  	s14 =	sand.u32 @!p2 $0x3000, s19;
	s28 =	simm.s32 @!p2 $0x80;
	[sflag:s0] =	ssyncset.done $0x0  }
.Ltmp4:
0x62: {  	s14 =	sadd.s32 @!p2 $0x2000, s14;
	[sflag:s0] =	ssyncadd.s32 $0xFFFFF000;
	(pc) =	sbr.rel @p1 .LBB2_6-.Ltmp4, $4  }
0x63: {  	[tilespmem:s14], [sflag:$0x1] =	stream.indirect.gather @!p2 [hbm4b:s4+s28], $0x20, s18, s28, $0xb8;
	[tilespmem:$0xC280] =	vst v63  }
0x64: {  	s14 =	sadd.s32 $0xFFFFD000, s19;
	s18 =	sadd.s32 $0x80, s18;
	_ =	swait.ge [sflag:s1], $0x1000  }
0x65: {  	s19 =	sadd.s32 $0x1000, s19;
	s14 =	sand.u32 $0x3000, s14;
	[sflag:s1] =	ssyncset.done $0x0  }
0x66: {  	s20 =	sadd.s32 $0x80, s20;
	s14 =	sadd.s32 $0x2000, s14;
	[sflag:s1] =	ssyncadd.s32 $0xFFFFF000  }
0x67: {  	s15 =	sadd.s32 $0x1, s15  }
0x68: {  	p1 =	seq.s32 s15, $0x8  }
.Ltmp5:
0x69: {  	_ = 	snop;
	(pc) =	sbr.rel @!p1 .LBB2_5-.Ltmp5, $4  }
0x6a: {  	[spmem:s2] =	stream.indirect.scatter.add.f32 [tilespmem:s14], [sflag:$0x2], $0x20, s16, s25, $0xb8;
	[tilespmem:$0xC280] =	vst v63  }
0x6b: {  	_ =	swait.ge [sflag:s0], $0x1000  }
0x6c: {  	[sflag:s0] =	ssyncset.done $0x0  }
0x6d: {  	[sflag:s0] =	ssyncadd.s32 $0xFFFFF000  }
0x6e: {  	s14 =	sadd.s32 $0x0, s7;
	[bflag:$0x0] =	sbarrier.arrive $0xFFFF  }
0x6f: {  	p1 =	sgt.u32 s14, $0x139;
	s28 =	rddreg [dreg:$0x14]  }
0x70: {  	s16 =	rddreg [dreg:$0x17];
	s14 =	sshll.u32 @!p1 s7, $0x6  }
0x71: {  	s15 =	sshrl.u32 @!p1 s28, $0x3;
	s18 =	simm.s32 @!p1 $0x3;
	s14 =	sor.u32 @!p1 $0x1C03, s14  }
0x72: {  	[hbm:s16], [sflag:s14] =	dma.local @!p1 [spmem:s15], $0x80  }
0x73: {  	s17 =	simm.s32 $0x20;
	s19 =	sadd.s32 $0x10, s7;
	_ =	swait.ge @!p1 [sflag:s18], $0x80  }
0x74: {  	s15 =	sadd.s32 $0x4000, s28;
	s16 =	sadd.s32 $0x800, s16;
	[sflag:s18] =	ssyncset.done @!p1 $0x0  }
.LBB2_9:
0x75: {  	s14 =	smov.u32 s17;
	s17 =	sadd.s32 $0x10, s17  }
0x76: {  	[sflag:s18] =	ssyncadd.s32 @!p1 $0xFFFFFF80;
	p1 =	sgt.u32 s19, $0x139;
	p2 =	sne.s32 s17, $0x140  }
.Ltmp6:
0x77: {  	s18 =	sshll.u32 @!p1 s7, $0x6;
	s19 =	sshrl.u32 @!p1 s15, $0x3;
	(pc) =	sbr.rel @p2 .LBB2_9-.Ltmp6, $4  }
0x78: {  	s20 =	sor.u32 @!p1 $0x1C03, s18;
	s18 =	simm.s32 @!p1 $0x3  }
0x79: {  	[hbm:s16], [sflag:s20] =	dma.local @!p1 [spmem:s19], $0x80  }
0x7a: {  	s15 =	sadd.s32 $0x4000, s15;
	_ =	swait.ge @!p1 [sflag:s18], $0x80  }
0x7b: {  	s19 =	sadd.s32 s14, s7;
	s16 =	sadd.s32 $0x800, s16;
	[sflag:s18] =	ssyncset.done @!p1 $0x0  }
0x7c: {  	p2 =	sgt.u32 s19, $0x139  }
0x7d: {  	[sflag:s18] =	ssyncadd.s32 @!p1 $0xFFFFFF80;
	s14 =	sshll.u32 @!p2 s7, $0x6  }
0x7e: {  	s15 =	sshrl.u32 @!p2 s15, $0x3;
	s17 =	simm.s32 @!p2 $0x3;
	s14 =	sor.u32 @!p2 $0x1C03, s14  }
0x7f: {  	[hbm:s16], [sflag:s14] =	dma.local @!p2 [spmem:s15], $0x80  }
0x80: {  	_ =	swait.ge @!p2 [sflag:s17], $0x80  }
0x81: {  	s20 =	sadd.s32 $0x0, s7;
	[sflag:s17] =	ssyncset.done @!p2 $0x0  }
0x82: {  	p1 =	sgt.u32 s20, $0x139;
	[sflag:s17] =	ssyncadd.s32 @!p2 $0xFFFFFF80  }
0x83: {  	s18 =	simm.s32 @!p1 $0x3;
	s14 =	simm.s32 @!p1 $0x7000;
	[bflag:$0x0] =	sbarrier.arrive $0xFFFF  }
0x84: {  	[spmem:s28] =	stream.linear.scatter @!p1 [tilespmem:s14], [sflag:$0x3], $0x400, $0x38;
	[tilespmem:$0xC280] =	vst v63  }
0x85: {  	s16 =	simm.s32 $0x10;
	_ =	swait.ge @!p1 [sflag:s18], $0x400  }
0x86: {  	s15 =	sadd.s32 $0x4000, s28;
	s17 =	simm.s32 $0x20;
	[sflag:s18] =	ssyncset.done @!p1 $0x0  }
.LBB2_11:
0x87: {  	s14 =	sadd.s32 s16, s7;
	s16 =	smov.u32 s17;
	s17 =	sadd.s32 $0x10, s17  }
0x88: {  	[sflag:s18] =	ssyncadd.s32 @!p1 $0xFFFFFC00;
	p2 =	sne.s32 s17, $0x140  }
.Ltmp7:
0x89: {  	p1 =	sgt.u32 s14, $0x139;
	(pc) =	sbr.rel @p2 .LBB2_11-.Ltmp7, $4  }
0x8a: {  	s14 =	simm.s32 @!p1 $0x7000;
	s18 =	simm.s32 @!p1 $0x3  }
0x8b: {  	[spmem:s15] =	stream.linear.scatter @!p1 [tilespmem:s14], [sflag:$0x3], $0x400, $0x38;
	[tilespmem:$0xC280] =	vst v63  }
0x8c: {  	_ =	swait.ge @!p1 [sflag:s18], $0x400  }
0x8d: {  	s15 =	sadd.s32 $0x4000, s15;
	[sflag:s18] =	ssyncset.done @!p1 $0x0  }
0x8e: {  	s14 =	sadd.s32 s16, s7  }
0x8f: {  	p2 =	sgt.u32 s14, $0x139  }
0x90: {  	[sflag:s18] =	ssyncadd.s32 @!p1 $0xFFFFFC00;
	s14 =	simm.s32 @!p2 $0x7000;
	s16 =	simm.s32 @!p2 $0x3  }
0x91: {  	[spmem:s15] =	stream.linear.scatter @!p2 [tilespmem:s14], [sflag:$0x3], $0x400, $0x38;
	[tilespmem:$0xC280] =	vst v63  }
0x92: {  	_ =	swait.ge @!p2 [sflag:s16], $0x400  }
0x93: {  	[sflag:s16] =	ssyncset.done @!p2 $0x0  }
0x94: {  	[sflag:s16] =	ssyncadd.s32 @!p2 $0xFFFFFC00  }
0x95: {  	s15 =	simm.s32 $0x0;
	[bflag:$0x0] =	sbarrier.arrive $0xFFFF  }
.LBB2_13:
0x96: {  	s14 =	sshll.u32 s15, $0x9;
	s16 =	rddreg [dreg:$0x12]  }
0x97: {  	s28 =	rddreg [dreg:$0xf];
	s14 =	sadd.s32 s16, s14  }
0x98: {  	s16 =	sadd.s32 s28, s14  }
0x99: {  	[tilespmem:s3], [sflag:$0x3] =	stream.linear.gather [hbm4b:s16+s3], $0x1000, $0x38;
	[tilespmem:$0xC280] =	vst v63  }
0x9a: {  	_ =	swait.ge [sflag:s22], $0x1000  }
0x9b: {  	[sflag:s22] =	ssyncset.done $0x0;
	s11 =	rddreg [dreg:$0x10]  }
0x9c: {  	[sflag:s22] =	ssyncadd.s32 $0xFFFFF000;
	s14 =	sadd.s32 s11, s14  }
0x9d: {  	[tilespmem:s9], [sflag:$0x3] =	stream.linear.gather [hbm4b:s14+s3], $0x1000, $0x38;
	[tilespmem:$0xC280] =	vst v63  }
0x9e: {  	_ =	swait.ge [sflag:s22], $0x1000  }
0x9f: {  	[sflag:s22] =	ssyncset.done $0x0  }
0xa0: {  	s17 =	simm.s32 $0x2000;
	[sflag:s22] =	ssyncadd.s32 $0xFFFFF000  }
0xa1: {  	[tilespmem:s17], [sflag:$0x1] =	stream.indirect.gather [hbm4b:s5+s25], $0x20, s3, s25, $0xb8;
	[tilespmem:$0xC280] =	vst v63  }
0xa2: {  	s16 =	simm.s32 $0x3000  }
0xa3: {  	[tilespmem:s16], [sflag:$0x1] =	stream.indirect.gather [hbm4b:s5+s25], $0x20, s25, s25, $0xb8;
	[tilespmem:$0xC280] =	vst v63  }
0xa4: {  	s18 =	simm.s32 $0x100;
	s14 =	simm.s32 $0x4000  }
0xa5: {  	[tilespmem:s14], [sflag:$0x1] =	stream.indirect.gather [hbm4b:s5+s25], $0x20, s18, s25, $0xb8;
	[tilespmem:$0xC280] =	vst v63  }
0xa6: {  	s19 =	simm.s32 $0x180;
	s20 =	simm.s32 $0x1;
	s18 =	simm.s32 $0x5000  }
0xa7: {  	[tilespmem:s18], [sflag:$0x1] =	stream.indirect.gather [hbm4b:s5+s25], $0x20, s19, s25, $0xb8;
	[tilespmem:$0xC280] =	vst v63  }
0xa8: {  	_ =	swait.ge [sflag:s20], $0x1000  }
0xa9: {  	[sflag:s20] =	ssyncset.done $0x0  }
0xaa: {  	p1 =	por $0x0, $0x0;
	[sflag:s20] =	ssyncadd.s32 $0xFFFFF000  }
0xab: {  	[spmem:s2] =	stream.indirect.scatter.add.f32 [tilespmem:s17], [sflag:$0x2], $0x20, s9, s25, $0xb8;
	[tilespmem:$0xC280] =	vst v63  }
0xac: {  	s28 =	simm.s32 $0x1000;
	s14 =	sand.u32 @!p1 $0x3000, s14;
	_ =	swait.ge [sflag:s0], $0x1000  }
0xad: {  	s16 =	simm.s32 $0x1080;
	s14 =	sadd.s32 @!p1 $0x2000, s14;
	[sflag:s0] =	ssyncset.done $0x0  }
0xae: {  	s18 =	simm.s32 $0x200;
	s19 =	simm.s32 @!p1 $0x80;
	[sflag:s0] =	ssyncadd.s32 $0xFFFFF000  }
0xaf: {  	[tilespmem:s14], [sflag:$0x1] =	stream.indirect.gather @!p1 [hbm4b:s5+s19], $0x20, s18, s19, $0xb8;
	[tilespmem:$0xC280] =	vst v63  }
0xb0: {  	s20 =	simm.s32 $0x1100;
	s17 =	simm.s32 $0x2;
	_ =	swait.ge [sflag:s1], $0x1000  }
0xb1: {  	s18 =	simm.s32 $0x280;
	s14 =	sand.u32 $0x3000, s28;
	[sflag:s1] =	ssyncset.done $0x0  }
0xb2: {  	s19 =	simm.s32 $0x5000;
	s14 =	sadd.s32 $0x2000, s14;
	[sflag:s1] =	ssyncadd.s32 $0xFFFFF000  }
.LBB2_14:
0xb3: {  	[spmem:s2] =	stream.indirect.scatter.add.f32 [tilespmem:s14], [sflag:$0x2], $0x20, s16, s25, $0xb8;
	[tilespmem:$0xC280] =	vst v63  }
0xb4: {  	s14 =	smov.u32 s17;
	s17 =	sadd.s32 $0x1, s17;
	s16 =	smov.u32 s20  }
0xb5: {  	p2 =	sgt.u32 s14, $0x1C;
	p1 =	sne.s32 s17, $0x20;
	_ =	swait.ge [sflag:s0], $0x1000  }
0xb6: {  	s14 =	sand.u32 @!p2 $0x3000, s19;
	s28 =	simm.s32 @!p2 $0x80;
	[sflag:s0] =	ssyncset.done $0x0  }
.Ltmp8:
0xb7: {  	s14 =	sadd.s32 @!p2 $0x2000, s14;
	[sflag:s0] =	ssyncadd.s32 $0xFFFFF000;
	(pc) =	sbr.rel @p1 .LBB2_14-.Ltmp8, $4  }
0xb8: {  	[tilespmem:s14], [sflag:$0x1] =	stream.indirect.gather @!p2 [hbm4b:s5+s28], $0x20, s18, s28, $0xb8;
	[tilespmem:$0xC280] =	vst v63  }
0xb9: {  	s14 =	sadd.s32 $0xFFFFD000, s19;
	s18 =	sadd.s32 $0x80, s18;
	_ =	swait.ge [sflag:s1], $0x1000  }
0xba: {  	s19 =	sadd.s32 $0x1000, s19;
	s14 =	sand.u32 $0x3000, s14;
	[sflag:s1] =	ssyncset.done $0x0  }
0xbb: {  	s20 =	sadd.s32 $0x80, s20;
	s14 =	sadd.s32 $0x2000, s14;
	[sflag:s1] =	ssyncadd.s32 $0xFFFFF000  }
0xbc: {  	s15 =	sadd.s32 $0x1, s15  }
0xbd: {  	p1 =	sne.s32 s15, $0x8  }
.Ltmp9:
0xbe: {  	_ = 	snop;
	(pc) =	sbr.rel @p1 .LBB2_13-.Ltmp9, $4  }
0xbf: {  	[spmem:s2] =	stream.indirect.scatter.add.f32 [tilespmem:s14], [sflag:$0x2], $0x20, s16, s25, $0xb8;
	[tilespmem:$0xC280] =	vst v63  }
0xc0: {  	_ =	swait.ge [sflag:s0], $0x1000  }
0xc1: {  	[sflag:s0] =	ssyncset.done $0x0  }
0xc2: {  	[sflag:s0] =	ssyncadd.s32 $0xFFFFF000  }
0xc3: {  	s14 =	sadd.s32 $0x0, s7;
	[bflag:$0x0] =	sbarrier.arrive $0xFFFF  }
0xc4: {  	p1 =	sgt.u32 s14, $0x139;
	s11 =	rddreg [dreg:$0x14]  }
0xc5: {  	s16 =	rddreg [dreg:$0x18];
	s14 =	sshll.u32 @!p1 s7, $0x6  }
0xc6: {  	s15 =	sshrl.u32 @!p1 s11, $0x3;
	s18 =	simm.s32 @!p1 $0x3;
	s14 =	sor.u32 @!p1 $0x1C03, s14  }
0xc7: {  	[hbm:s16], [sflag:s14] =	dma.local @!p1 [spmem:s15], $0x80  }
0xc8: {  	s17 =	simm.s32 $0x20;
	s19 =	sadd.s32 $0x10, s7;
	_ =	swait.ge @!p1 [sflag:s18], $0x80  }
0xc9: {  	s15 =	sadd.s32 $0x4000, s11;
	s16 =	sadd.s32 $0x800, s16;
	[sflag:s18] =	ssyncset.done @!p1 $0x0  }
.LBB2_17:
0xca: {  	s14 =	smov.u32 s17;
	s17 =	sadd.s32 $0x10, s17  }
0xcb: {  	[sflag:s18] =	ssyncadd.s32 @!p1 $0xFFFFFF80;
	p1 =	sgt.u32 s19, $0x139;
	p2 =	sne.s32 s17, $0x140  }
.Ltmp10:
0xcc: {  	s18 =	sshll.u32 @!p1 s7, $0x6;
	s19 =	sshrl.u32 @!p1 s15, $0x3;
	(pc) =	sbr.rel @p2 .LBB2_17-.Ltmp10, $4  }
0xcd: {  	s20 =	sor.u32 @!p1 $0x1C03, s18;
	s18 =	simm.s32 @!p1 $0x3  }
0xce: {  	[hbm:s16], [sflag:s20] =	dma.local @!p1 [spmem:s19], $0x80  }
0xcf: {  	s15 =	sadd.s32 $0x4000, s15;
	_ =	swait.ge @!p1 [sflag:s18], $0x80  }
0xd0: {  	s19 =	sadd.s32 s14, s7;
	s16 =	sadd.s32 $0x800, s16;
	[sflag:s18] =	ssyncset.done @!p1 $0x0  }
0xd1: {  	p2 =	sgt.u32 s19, $0x139  }
0xd2: {  	[sflag:s18] =	ssyncadd.s32 @!p1 $0xFFFFFF80;
	s14 =	sshll.u32 @!p2 s7, $0x6  }
0xd3: {  	s15 =	sshrl.u32 @!p2 s15, $0x3;
	s17 =	simm.s32 @!p2 $0x3;
	s14 =	sor.u32 @!p2 $0x1C03, s14  }
0xd4: {  	[hbm:s16], [sflag:s14] =	dma.local @!p2 [spmem:s15], $0x80  }
0xd5: {  	_ =	swait.ge @!p2 [sflag:s17], $0x80  }
0xd6: {  	[sflag:s17] =	ssyncset.done @!p2 $0x0  }
0xd7: {  	[sflag:s17] =	ssyncadd.s32 @!p2 $0xFFFFFF80  }
0xd8: {  	[bflag:$0x0] =	sbarrier.arrive $0xFFFF  }
0xd9: {  	[bflag:$0x0] =	sbarrier.arrive $0xFFFF  }
.Ltmp11:
0xda: {  	[bflag:$0x0] =	sbarrier.arrive $0xFFFF;
	(pc) =	sbr.rel .LBB2_36-.Ltmp11, $3  }
0xdb: {  	[bflag:$0x0] =	sbarrier.arrive $0xFFFF  }
0xdc: {  	[bflag:$0x0] =	sbarrier.arrive $0xFFFF  }
0xdd: {  	[bflag:$0x0] =	sbarrier.arrive $0xFFFF;
	_ =	sdelay $0x1  }
.LBB2_19:
0xde: {  	[bflag:$0x0] =	sbarrier.arrive $0xFFFF  }
0xdf: {  	[bflag:$0x0] =	sbarrier.arrive $0xFFFF  }
0xe0: {  	[bflag:$0x0] =	sbarrier.arrive $0xFFFF  }
0xe1: {  	s14 =	sadd.s32 $0x0, s7;
	[bflag:$0x0] =	sbarrier.arrive $0xFFFF  }
0xe2: {  	p1 =	sgt.u32 s14, $0x139;
	[bflag:$0x0] =	sbarrier.arrive $0xFFFF  }
0xe3: {  	s14 =	simm.s32 @!p1 $0x7000;
	s18 =	simm.s32 @!p1 $0x3;
	[bflag:$0x0] =	sbarrier.arrive $0xFFFF  }
0xe4: {  	[spmem:s11] =	stream.linear.scatter @!p1 [tilespmem:s14], [sflag:$0x3], $0x400, $0x38;
	[tilespmem:$0xC280] =	vst v63  }
0xe5: {  	s16 =	simm.s32 $0x10;
	_ =	swait.ge @!p1 [sflag:s18], $0x400  }
0xe6: {  	s17 =	simm.s32 $0x20;
	s15 =	sadd.s32 $0x4000, s11;
	[sflag:s18] =	ssyncset.done @!p1 $0x0  }
.LBB2_20:
0xe7: {  	s14 =	sadd.s32 s16, s7;
	s16 =	smov.u32 s17;
	s17 =	sadd.s32 $0x10, s17  }
0xe8: {  	[sflag:s18] =	ssyncadd.s32 @!p1 $0xFFFFFC00;
	p2 =	sne.s32 s17, $0x140  }
.Ltmp12:
0xe9: {  	p1 =	sgt.u32 s14, $0x139;
	(pc) =	sbr.rel @p2 .LBB2_20-.Ltmp12, $4  }
0xea: {  	s14 =	simm.s32 @!p1 $0x7000;
	s18 =	simm.s32 @!p1 $0x3  }
0xeb: {  	[spmem:s15] =	stream.linear.scatter @!p1 [tilespmem:s14], [sflag:$0x3], $0x400, $0x38;
	[tilespmem:$0xC280] =	vst v63  }
0xec: {  	_ =	swait.ge @!p1 [sflag:s18], $0x400  }
0xed: {  	s15 =	sadd.s32 $0x4000, s15;
	[sflag:s18] =	ssyncset.done @!p1 $0x0  }
0xee: {  	s14 =	sadd.s32 s16, s7  }
0xef: {  	p2 =	sgt.u32 s14, $0x139  }
0xf0: {  	[sflag:s18] =	ssyncadd.s32 @!p1 $0xFFFFFC00;
	s14 =	simm.s32 @!p2 $0x7000;
	s16 =	simm.s32 @!p2 $0x3  }
0xf1: {  	[spmem:s15] =	stream.linear.scatter @!p2 [tilespmem:s14], [sflag:$0x3], $0x400, $0x38;
	[tilespmem:$0xC280] =	vst v63  }
0xf2: {  	_ =	swait.ge @!p2 [sflag:s16], $0x400  }
0xf3: {  	[sflag:s16] =	ssyncset.done @!p2 $0x0  }
0xf4: {  	[sflag:s16] =	ssyncadd.s32 @!p2 $0xFFFFFC00  }
0xf5: {  	s15 =	simm.s32 $0x0;
	[bflag:$0x0] =	sbarrier.arrive $0xFFFF  }
.LBB2_22:
0xf6: {  	s14 =	sshll.u32 s15, $0x9;
	s16 =	rddreg [dreg:$0x12]  }
0xf7: {  	s28 =	rddreg [dreg:$0xf];
	s14 =	sadd.s32 s16, s14  }
0xf8: {  	s16 =	sadd.s32 s28, s14  }
0xf9: {  	[tilespmem:s3], [sflag:$0x3] =	stream.linear.gather [hbm4b:s16+s3], $0x1000, $0x38;
	[tilespmem:$0xC280] =	vst v63  }
0xfa: {  	_ =	swait.ge [sflag:s22], $0x1000  }
0xfb: {  	[sflag:s22] =	ssyncset.done $0x0;
	s11 =	rddreg [dreg:$0x10]  }
0xfc: {  	[sflag:s22] =	ssyncadd.s32 $0xFFFFF000;
	s14 =	sadd.s32 s11, s14  }
0xfd: {  	[tilespmem:s9], [sflag:$0x3] =	stream.linear.gather [hbm4b:s14+s3], $0x1000, $0x38;
	[tilespmem:$0xC280] =	vst v63  }
0xfe: {  	_ =	swait.ge [sflag:s22], $0x1000  }
0xff: {  	[sflag:s22] =	ssyncset.done $0x0  }
0x100: {  	s17 =	simm.s32 $0x2000;
	[sflag:s22] =	ssyncadd.s32 $0xFFFFF000  }
0x101: {  	[tilespmem:s17], [sflag:$0x1] =	stream.indirect.gather [hbm4b:s6+s25], $0x20, s3, s25, $0xb8;
	[tilespmem:$0xC280] =	vst v63  }
0x102: {  	s16 =	simm.s32 $0x3000  }
0x103: {  	[tilespmem:s16], [sflag:$0x1] =	stream.indirect.gather [hbm4b:s6+s25], $0x20, s25, s25, $0xb8;
	[tilespmem:$0xC280] =	vst v63  }
0x104: {  	s18 =	simm.s32 $0x100;
	s14 =	simm.s32 $0x4000  }
0x105: {  	[tilespmem:s14], [sflag:$0x1] =	stream.indirect.gather [hbm4b:s6+s25], $0x20, s18, s25, $0xb8;
	[tilespmem:$0xC280] =	vst v63  }
0x106: {  	s19 =	simm.s32 $0x180;
	s20 =	simm.s32 $0x1;
	s18 =	simm.s32 $0x5000  }
0x107: {  	[tilespmem:s18], [sflag:$0x1] =	stream.indirect.gather [hbm4b:s6+s25], $0x20, s19, s25, $0xb8;
	[tilespmem:$0xC280] =	vst v63  }
0x108: {  	_ =	swait.ge [sflag:s20], $0x1000  }
0x109: {  	[sflag:s20] =	ssyncset.done $0x0  }
0x10a: {  	p1 =	por $0x0, $0x0;
	[sflag:s20] =	ssyncadd.s32 $0xFFFFF000  }
0x10b: {  	[spmem:s2] =	stream.indirect.scatter.add.f32 [tilespmem:s17], [sflag:$0x2], $0x20, s9, s25, $0xb8;
	[tilespmem:$0xC280] =	vst v63  }
0x10c: {  	s28 =	simm.s32 $0x1000;
	s14 =	sand.u32 @!p1 $0x3000, s14;
	_ =	swait.ge [sflag:s0], $0x1000  }
0x10d: {  	s16 =	simm.s32 $0x1080;
	s14 =	sadd.s32 @!p1 $0x2000, s14;
	[sflag:s0] =	ssyncset.done $0x0  }
0x10e: {  	s18 =	simm.s32 $0x200;
	s19 =	simm.s32 @!p1 $0x80;
	[sflag:s0] =	ssyncadd.s32 $0xFFFFF000  }
0x10f: {  	[tilespmem:s14], [sflag:$0x1] =	stream.indirect.gather @!p1 [hbm4b:s6+s19], $0x20, s18, s19, $0xb8;
	[tilespmem:$0xC280] =	vst v63  }
0x110: {  	s20 =	simm.s32 $0x1100;
	s17 =	simm.s32 $0x2;
	_ =	swait.ge [sflag:s1], $0x1000  }
0x111: {  	s18 =	simm.s32 $0x280;
	s14 =	sand.u32 $0x3000, s28;
	[sflag:s1] =	ssyncset.done $0x0  }
0x112: {  	s19 =	simm.s32 $0x5000;
	s14 =	sadd.s32 $0x2000, s14;
	[sflag:s1] =	ssyncadd.s32 $0xFFFFF000  }
.LBB2_23:
0x113: {  	[spmem:s2] =	stream.indirect.scatter.add.f32 [tilespmem:s14], [sflag:$0x2], $0x20, s16, s25, $0xb8;
	[tilespmem:$0xC280] =	vst v63  }
0x114: {  	s14 =	smov.u32 s17;
	s17 =	sadd.s32 $0x1, s17;
	s16 =	smov.u32 s20  }
0x115: {  	p2 =	sgt.u32 s14, $0x1C;
	p1 =	sne.s32 s17, $0x20;
	_ =	swait.ge [sflag:s0], $0x1000  }
0x116: {  	s14 =	sand.u32 @!p2 $0x3000, s19;
	s28 =	simm.s32 @!p2 $0x80;
	[sflag:s0] =	ssyncset.done $0x0  }
.Ltmp13:
0x117: {  	s14 =	sadd.s32 @!p2 $0x2000, s14;
	[sflag:s0] =	ssyncadd.s32 $0xFFFFF000;
	(pc) =	sbr.rel @p1 .LBB2_23-.Ltmp13, $4  }
0x118: {  	[tilespmem:s14], [sflag:$0x1] =	stream.indirect.gather @!p2 [hbm4b:s6+s28], $0x20, s18, s28, $0xb8;
	[tilespmem:$0xC280] =	vst v63  }
0x119: {  	s14 =	sadd.s32 $0xFFFFD000, s19;
	s18 =	sadd.s32 $0x80, s18;
	_ =	swait.ge [sflag:s1], $0x1000  }
0x11a: {  	s19 =	sadd.s32 $0x1000, s19;
	s14 =	sand.u32 $0x3000, s14;
	[sflag:s1] =	ssyncset.done $0x0  }
0x11b: {  	s20 =	sadd.s32 $0x80, s20;
	s14 =	sadd.s32 $0x2000, s14;
	[sflag:s1] =	ssyncadd.s32 $0xFFFFF000  }
0x11c: {  	s15 =	sadd.s32 $0x1, s15  }
0x11d: {  	p1 =	sne.s32 s15, $0x8  }
.Ltmp14:
0x11e: {  	_ = 	snop;
	(pc) =	sbr.rel @p1 .LBB2_22-.Ltmp14, $4  }
0x11f: {  	[spmem:s2] =	stream.indirect.scatter.add.f32 [tilespmem:s14], [sflag:$0x2], $0x20, s16, s25, $0xb8;
	[tilespmem:$0xC280] =	vst v63  }
0x120: {  	_ =	swait.ge [sflag:s0], $0x1000  }
0x121: {  	[sflag:s0] =	ssyncset.done $0x0  }
0x122: {  	[sflag:s0] =	ssyncadd.s32 $0xFFFFF000  }
0x123: {  	s14 =	sadd.s32 $0x0, s7;
	[bflag:$0x0] =	sbarrier.arrive $0xFFFF  }
0x124: {  	p1 =	sgt.u32 s14, $0x139;
	s28 =	rddreg [dreg:$0x14]  }
0x125: {  	s16 =	rddreg [dreg:$0x15];
	s14 =	sshll.u32 @!p1 s7, $0x6  }
0x126: {  	s15 =	sshrl.u32 @!p1 s28, $0x3;
	s18 =	simm.s32 @!p1 $0x3;
	s14 =	sor.u32 @!p1 $0x1C03, s14  }
0x127: {  	[hbm:s16], [sflag:s14] =	dma.local @!p1 [spmem:s15], $0x80  }
0x128: {  	s17 =	simm.s32 $0x20;
	s19 =	sadd.s32 $0x10, s7;
	_ =	swait.ge @!p1 [sflag:s18], $0x80  }
0x129: {  	s15 =	sadd.s32 $0x4000, s28;
	s16 =	sadd.s32 $0x800, s16;
	[sflag:s18] =	ssyncset.done @!p1 $0x0  }
.LBB2_26:
0x12a: {  	s14 =	smov.u32 s17;
	s17 =	sadd.s32 $0x10, s17  }
0x12b: {  	[sflag:s18] =	ssyncadd.s32 @!p1 $0xFFFFFF80;
	p1 =	sgt.u32 s19, $0x139;
	p2 =	sne.s32 s17, $0x140  }
.Ltmp15:
0x12c: {  	s18 =	sshll.u32 @!p1 s7, $0x6;
	s19 =	sshrl.u32 @!p1 s15, $0x3;
	(pc) =	sbr.rel @p2 .LBB2_26-.Ltmp15, $4  }
0x12d: {  	s20 =	sor.u32 @!p1 $0x1C03, s18;
	s18 =	simm.s32 @!p1 $0x3  }
0x12e: {  	[hbm:s16], [sflag:s20] =	dma.local @!p1 [spmem:s19], $0x80  }
0x12f: {  	s15 =	sadd.s32 $0x4000, s15;
	_ =	swait.ge @!p1 [sflag:s18], $0x80  }
0x130: {  	s19 =	sadd.s32 s14, s7;
	s16 =	sadd.s32 $0x800, s16;
	[sflag:s18] =	ssyncset.done @!p1 $0x0  }
0x131: {  	p2 =	sgt.u32 s19, $0x139  }
0x132: {  	[sflag:s18] =	ssyncadd.s32 @!p1 $0xFFFFFF80;
	s14 =	sshll.u32 @!p2 s7, $0x6  }
0x133: {  	s15 =	sshrl.u32 @!p2 s15, $0x3;
	s17 =	simm.s32 @!p2 $0x3;
	s14 =	sor.u32 @!p2 $0x1C03, s14  }
0x134: {  	[hbm:s16], [sflag:s14] =	dma.local @!p2 [spmem:s15], $0x80  }
0x135: {  	_ =	swait.ge @!p2 [sflag:s17], $0x80  }
0x136: {  	s20 =	sadd.s32 $0x0, s7;
	[sflag:s17] =	ssyncset.done @!p2 $0x0  }
0x137: {  	p1 =	sgt.u32 s20, $0x139;
	[sflag:s17] =	ssyncadd.s32 @!p2 $0xFFFFFF80  }
0x138: {  	s18 =	simm.s32 @!p1 $0x3;
	s14 =	simm.s32 @!p1 $0x7000;
	[bflag:$0x0] =	sbarrier.arrive $0xFFFF  }
0x139: {  	[spmem:s28] =	stream.linear.scatter @!p1 [tilespmem:s14], [sflag:$0x3], $0x400, $0x38;
	[tilespmem:$0xC280] =	vst v63  }
0x13a: {  	s16 =	simm.s32 $0x10;
	_ =	swait.ge @!p1 [sflag:s18], $0x400  }
0x13b: {  	s15 =	sadd.s32 $0x4000, s28;
	s17 =	simm.s32 $0x20;
	[sflag:s18] =	ssyncset.done @!p1 $0x0  }
.LBB2_28:
0x13c: {  	s14 =	sadd.s32 s16, s7;
	s16 =	smov.u32 s17;
	s17 =	sadd.s32 $0x10, s17  }
0x13d: {  	[sflag:s18] =	ssyncadd.s32 @!p1 $0xFFFFFC00;
	p2 =	sne.s32 s17, $0x140  }
.Ltmp16:
0x13e: {  	p1 =	sgt.u32 s14, $0x139;
	(pc) =	sbr.rel @p2 .LBB2_28-.Ltmp16, $4  }
0x13f: {  	s14 =	simm.s32 @!p1 $0x7000;
	s18 =	simm.s32 @!p1 $0x3  }
0x140: {  	[spmem:s15] =	stream.linear.scatter @!p1 [tilespmem:s14], [sflag:$0x3], $0x400, $0x38;
	[tilespmem:$0xC280] =	vst v63  }
0x141: {  	_ =	swait.ge @!p1 [sflag:s18], $0x400  }
0x142: {  	s15 =	sadd.s32 $0x4000, s15;
	[sflag:s18] =	ssyncset.done @!p1 $0x0  }
0x143: {  	s14 =	sadd.s32 s16, s7  }
0x144: {  	p2 =	sgt.u32 s14, $0x139  }
0x145: {  	[sflag:s18] =	ssyncadd.s32 @!p1 $0xFFFFFC00;
	s14 =	simm.s32 @!p2 $0x7000;
	s16 =	simm.s32 @!p2 $0x3  }
0x146: {  	[spmem:s15] =	stream.linear.scatter @!p2 [tilespmem:s14], [sflag:$0x3], $0x400, $0x38;
	[tilespmem:$0xC280] =	vst v63  }
0x147: {  	_ =	swait.ge @!p2 [sflag:s16], $0x400  }
0x148: {  	[sflag:s16] =	ssyncset.done @!p2 $0x0  }
0x149: {  	[sflag:s16] =	ssyncadd.s32 @!p2 $0xFFFFFC00  }
0x14a: {  	s15 =	simm.s32 $0x0;
	[bflag:$0x0] =	sbarrier.arrive $0xFFFF  }
.LBB2_30:
0x14b: {  	s14 =	sshll.u32 s15, $0x9;
	s16 =	rddreg [dreg:$0x12]  }
0x14c: {  	s28 =	rddreg [dreg:$0xf];
	s14 =	sadd.s32 s16, s14  }
0x14d: {  	s16 =	sadd.s32 s28, s14  }
0x14e: {  	[tilespmem:s3], [sflag:$0x3] =	stream.linear.gather [hbm4b:s16+s3], $0x1000, $0x38;
	[tilespmem:$0xC280] =	vst v63  }
0x14f: {  	_ =	swait.ge [sflag:s22], $0x1000  }
0x150: {  	[sflag:s22] =	ssyncset.done $0x0;
	s11 =	rddreg [dreg:$0x10]  }
0x151: {  	[sflag:s22] =	ssyncadd.s32 $0xFFFFF000;
	s14 =	sadd.s32 s11, s14  }
0x152: {  	[tilespmem:s9], [sflag:$0x3] =	stream.linear.gather [hbm4b:s14+s3], $0x1000, $0x38;
	[tilespmem:$0xC280] =	vst v63  }
0x153: {  	_ =	swait.ge [sflag:s22], $0x1000  }
0x154: {  	[sflag:s22] =	ssyncset.done $0x0  }
0x155: {  	s17 =	simm.s32 $0x2000;
	[sflag:s22] =	ssyncadd.s32 $0xFFFFF000  }
0x156: {  	[tilespmem:s17], [sflag:$0x1] =	stream.indirect.gather [hbm4b:s8+s25], $0x20, s3, s25, $0xb8;
	[tilespmem:$0xC280] =	vst v63  }
0x157: {  	s16 =	simm.s32 $0x3000  }
0x158: {  	[tilespmem:s16], [sflag:$0x1] =	stream.indirect.gather [hbm4b:s8+s25], $0x20, s25, s25, $0xb8;
	[tilespmem:$0xC280] =	vst v63  }
0x159: {  	s18 =	simm.s32 $0x100;
	s14 =	simm.s32 $0x4000  }
0x15a: {  	[tilespmem:s14], [sflag:$0x1] =	stream.indirect.gather [hbm4b:s8+s25], $0x20, s18, s25, $0xb8;
	[tilespmem:$0xC280] =	vst v63  }
0x15b: {  	s19 =	simm.s32 $0x180;
	s20 =	simm.s32 $0x1;
	s18 =	simm.s32 $0x5000  }
0x15c: {  	[tilespmem:s18], [sflag:$0x1] =	stream.indirect.gather [hbm4b:s8+s25], $0x20, s19, s25, $0xb8;
	[tilespmem:$0xC280] =	vst v63  }
0x15d: {  	_ =	swait.ge [sflag:s20], $0x1000  }
0x15e: {  	[sflag:s20] =	ssyncset.done $0x0  }
0x15f: {  	p1 =	por $0x0, $0x0;
	[sflag:s20] =	ssyncadd.s32 $0xFFFFF000  }
0x160: {  	[spmem:s2] =	stream.indirect.scatter.add.f32 [tilespmem:s17], [sflag:$0x2], $0x20, s9, s25, $0xb8;
	[tilespmem:$0xC280] =	vst v63  }
0x161: {  	s28 =	simm.s32 $0x1000;
	s14 =	sand.u32 @!p1 $0x3000, s14;
	_ =	swait.ge [sflag:s0], $0x1000  }
0x162: {  	s16 =	simm.s32 $0x1080;
	s14 =	sadd.s32 @!p1 $0x2000, s14;
	[sflag:s0] =	ssyncset.done $0x0  }
0x163: {  	s18 =	simm.s32 $0x200;
	s19 =	simm.s32 @!p1 $0x80;
	[sflag:s0] =	ssyncadd.s32 $0xFFFFF000  }
0x164: {  	[tilespmem:s14], [sflag:$0x1] =	stream.indirect.gather @!p1 [hbm4b:s8+s19], $0x20, s18, s19, $0xb8;
	[tilespmem:$0xC280] =	vst v63  }
0x165: {  	s20 =	simm.s32 $0x1100;
	s17 =	simm.s32 $0x2;
	_ =	swait.ge [sflag:s1], $0x1000  }
0x166: {  	s18 =	simm.s32 $0x280;
	s14 =	sand.u32 $0x3000, s28;
	[sflag:s1] =	ssyncset.done $0x0  }
0x167: {  	s19 =	simm.s32 $0x5000;
	s14 =	sadd.s32 $0x2000, s14;
	[sflag:s1] =	ssyncadd.s32 $0xFFFFF000  }
.LBB2_31:
0x168: {  	[spmem:s2] =	stream.indirect.scatter.add.f32 [tilespmem:s14], [sflag:$0x2], $0x20, s16, s25, $0xb8;
	[tilespmem:$0xC280] =	vst v63  }
0x169: {  	s14 =	smov.u32 s17;
	s17 =	sadd.s32 $0x1, s17;
	s16 =	smov.u32 s20  }
0x16a: {  	p2 =	sgt.u32 s14, $0x1C;
	p1 =	sne.s32 s17, $0x20;
	_ =	swait.ge [sflag:s0], $0x1000  }
0x16b: {  	s14 =	sand.u32 @!p2 $0x3000, s19;
	s28 =	simm.s32 @!p2 $0x80;
	[sflag:s0] =	ssyncset.done $0x0  }
.Ltmp17:
0x16c: {  	s14 =	sadd.s32 @!p2 $0x2000, s14;
	[sflag:s0] =	ssyncadd.s32 $0xFFFFF000;
	(pc) =	sbr.rel @p1 .LBB2_31-.Ltmp17, $4  }
0x16d: {  	[tilespmem:s14], [sflag:$0x1] =	stream.indirect.gather @!p2 [hbm4b:s8+s28], $0x20, s18, s28, $0xb8;
	[tilespmem:$0xC280] =	vst v63  }
0x16e: {  	s14 =	sadd.s32 $0xFFFFD000, s19;
	s18 =	sadd.s32 $0x80, s18;
	_ =	swait.ge [sflag:s1], $0x1000  }
0x16f: {  	s19 =	sadd.s32 $0x1000, s19;
	s14 =	sand.u32 $0x3000, s14;
	[sflag:s1] =	ssyncset.done $0x0  }
0x170: {  	s20 =	sadd.s32 $0x80, s20;
	s14 =	sadd.s32 $0x2000, s14;
	[sflag:s1] =	ssyncadd.s32 $0xFFFFF000  }
0x171: {  	s15 =	sadd.s32 $0x1, s15  }
0x172: {  	p1 =	sne.s32 s15, $0x8  }
.Ltmp18:
0x173: {  	_ = 	snop;
	(pc) =	sbr.rel @p1 .LBB2_30-.Ltmp18, $4  }
0x174: {  	[spmem:s2] =	stream.indirect.scatter.add.f32 [tilespmem:s14], [sflag:$0x2], $0x20, s16, s25, $0xb8;
	[tilespmem:$0xC280] =	vst v63  }
0x175: {  	_ =	swait.ge [sflag:s0], $0x1000  }
0x176: {  	[sflag:s0] =	ssyncset.done $0x0  }
0x177: {  	[sflag:s0] =	ssyncadd.s32 $0xFFFFF000  }
0x178: {  	s14 =	sadd.s32 $0x0, s7;
	[bflag:$0x0] =	sbarrier.arrive $0xFFFF  }
0x179: {  	p1 =	sgt.u32 s14, $0x139;
	s11 =	rddreg [dreg:$0x14]  }
0x17a: {  	s16 =	rddreg [dreg:$0x16];
	s14 =	sshll.u32 @!p1 s7, $0x6  }
0x17b: {  	s15 =	sshrl.u32 @!p1 s11, $0x3;
	s18 =	simm.s32 @!p1 $0x3;
	s14 =	sor.u32 @!p1 $0x1C03, s14  }
0x17c: {  	[hbm:s16], [sflag:s14] =	dma.local @!p1 [spmem:s15], $0x80  }
0x17d: {  	s17 =	simm.s32 $0x20;
	s19 =	sadd.s32 $0x10, s7;
	_ =	swait.ge @!p1 [sflag:s18], $0x80  }
0x17e: {  	s15 =	sadd.s32 $0x4000, s11;
	s16 =	sadd.s32 $0x800, s16;
	[sflag:s18] =	ssyncset.done @!p1 $0x0  }
.LBB2_34:
0x17f: {  	s14 =	smov.u32 s17;
	s17 =	sadd.s32 $0x10, s17  }
0x180: {  	[sflag:s18] =	ssyncadd.s32 @!p1 $0xFFFFFF80;
	p1 =	sgt.u32 s19, $0x139;
	p2 =	sne.s32 s17, $0x140  }
.Ltmp19:
0x181: {  	s18 =	sshll.u32 @!p1 s7, $0x6;
	s19 =	sshrl.u32 @!p1 s15, $0x3;
	(pc) =	sbr.rel @p2 .LBB2_34-.Ltmp19, $4  }
0x182: {  	s20 =	sor.u32 @!p1 $0x1C03, s18;
	s18 =	simm.s32 @!p1 $0x3  }
0x183: {  	[hbm:s16], [sflag:s20] =	dma.local @!p1 [spmem:s19], $0x80  }
0x184: {  	s15 =	sadd.s32 $0x4000, s15;
	_ =	swait.ge @!p1 [sflag:s18], $0x80  }
0x185: {  	s19 =	sadd.s32 s14, s7;
	s16 =	sadd.s32 $0x800, s16;
	[sflag:s18] =	ssyncset.done @!p1 $0x0  }
0x186: {  	p2 =	sgt.u32 s19, $0x139  }
0x187: {  	[sflag:s18] =	ssyncadd.s32 @!p1 $0xFFFFFF80;
	s14 =	sshll.u32 @!p2 s7, $0x6  }
0x188: {  	s15 =	sshrl.u32 @!p2 s15, $0x3;
	s17 =	simm.s32 @!p2 $0x3;
	s14 =	sor.u32 @!p2 $0x1C03, s14  }
0x189: {  	[hbm:s16], [sflag:s14] =	dma.local @!p2 [spmem:s15], $0x80  }
0x18a: {  	_ =	swait.ge @!p2 [sflag:s17], $0x80  }
0x18b: {  	[sflag:s17] =	ssyncset.done @!p2 $0x0  }
0x18c: {  	[sflag:s17] =	ssyncadd.s32 @!p2 $0xFFFFFF80  }
.LBB2_36:
0x18d: {  	s14 =	sadd.s32 $0x0, s7  }
0x18e: {  	[dreg:$0x1b] =	wrdreg s10;
	s16 =	simm.s32 $0x10;
	p1 =	sgt.u32 s14, $0x139  }
0x18f: {  	[bflag:$0x0] =	sbarrier.arrive $0xFFFF;
	s14 =	simm.s32 @!p1 $0x7000;
	s18 =	simm.s32 @!p1 $0x3  }
0x190: {  	[spmem:s11] =	stream.linear.scatter @!p1 [tilespmem:s14], [sflag:$0x3], $0x400, $0x38;
	[tilespmem:$0xC280] =	vst v63  }
0x191: {  	s17 =	simm.s32 $0x20;
	s15 =	sadd.s32 $0x4000, s11;
	_ =	swait.ge @!p1 [sflag:s18], $0x400  }
0x192: {  	s10 =	simm.s32 $0x1680;
	s11 =	simm.s32 $0x1600;
	[sflag:s18] =	ssyncset.done @!p1 $0x0  }
.LBB2_37:
0x193: {  	s14 =	sadd.s32 s16, s7;
	s16 =	smov.u32 s17;
	s17 =	sadd.s32 $0x10, s17  }
0x194: {  	[sflag:s18] =	ssyncadd.s32 @!p1 $0xFFFFFC00;
	p2 =	sne.s32 s17, $0x140  }
.Ltmp20:
0x195: {  	p1 =	sgt.u32 s14, $0x139;
	(pc) =	sbr.rel @p2 .LBB2_37-.Ltmp20, $4  }
0x196: {  	s14 =	simm.s32 @!p1 $0x7000;
	s18 =	simm.s32 @!p1 $0x3  }
0x197: {  	[spmem:s15] =	stream.linear.scatter @!p1 [tilespmem:s14], [sflag:$0x3], $0x400, $0x38;
	[tilespmem:$0xC280] =	vst v63  }
0x198: {  	_ =	swait.ge @!p1 [sflag:s18], $0x400  }
0x199: {  	s15 =	sadd.s32 $0x4000, s15;
	[sflag:s18] =	ssyncset.done @!p1 $0x0  }
0x19a: {  	s14 =	sadd.s32 s16, s7  }
0x19b: {  	p2 =	sgt.u32 s14, $0x139  }
0x19c: {  	[sflag:s18] =	ssyncadd.s32 @!p1 $0xFFFFFC00;
	s14 =	simm.s32 @!p2 $0x7000;
	s16 =	simm.s32 @!p2 $0x3  }
0x19d: {  	[spmem:s15] =	stream.linear.scatter @!p2 [tilespmem:s14], [sflag:$0x3], $0x400, $0x38;
	[tilespmem:$0xC280] =	vst v63  }
0x19e: {  	_ =	swait.ge @!p2 [sflag:s16], $0x400  }
0x19f: {  	[sflag:s16] =	ssyncset.done @!p2 $0x0  }
0x1a0: {  	[sflag:s16] =	ssyncadd.s32 @!p2 $0xFFFFFC00  }
0x1a1: {  	[bflag:$0x0] =	sbarrier.arrive $0xFFFF  }
0x1a2: {  	s19 =	rddreg [dreg:$0x4]  }
0x1a3: {  	s14 =	sadd.s32 $0x0, s19  }
0x1a4: {  	[tilespmem:s9], [sflag:$0x3] =	stream.linear.gather [hbm4b:s14+s3], $0x1000, $0x38;
	[tilespmem:$0xC280] =	vst v63  }
0x1a5: {  	_ =	swait.ge [sflag:s22], $0x1000  }
0x1a6: {  	[sflag:s22] =	ssyncset.done $0x0  }
0x1a7: {  	[sflag:s22] =	ssyncadd.s32 $0xFFFFF000  }
0x1a8: {  	[spmem:s2] =	stream.indirect.scatter.add.f32 [tilespmem:s23], [sflag:$0x2], $0x20, s9, s25, $0xb8;
	[tilespmem:$0xC280] =	vst v63  }
0x1a9: {  	s20 =	rddreg [dreg:$0x5]  }
0x1aa: {  	[spmem:s2] =	stream.indirect.scatter.add.f32 [tilespmem:s23], [sflag:$0x2], $0x20, s20, s25, $0xb8;
	[tilespmem:$0xC280] =	vst v63  }
0x1ab: {  	s3 =	rddreg [dreg:$0x6]  }
0x1ac: {  	[spmem:s2] =	stream.indirect.scatter.add.f32 [tilespmem:s23], [sflag:$0x2], $0x20, s3, s25, $0xb8;
	[tilespmem:$0xC280] =	vst v63  }
0x1ad: {  	s9 =	rddreg [dreg:$0x7]  }
0x1ae: {  	[spmem:s2] =	stream.indirect.scatter.add.f32 [tilespmem:s23], [sflag:$0x2], $0x20, s9, s25, $0xb8;
	[tilespmem:$0xC280] =	vst v63  }
0x1af: {  	s16 =	rddreg [dreg:$0x8]  }
0x1b0: {  	[spmem:s2] =	stream.indirect.scatter.add.f32 [tilespmem:s23], [sflag:$0x2], $0x20, s16, s25, $0xb8;
	[tilespmem:$0xC280] =	vst v63  }
0x1b1: {  	s17 =	rddreg [dreg:$0x9]  }
0x1b2: {  	[spmem:s2] =	stream.indirect.scatter.add.f32 [tilespmem:s23], [sflag:$0x2], $0x20, s17, s25, $0xb8;
	[tilespmem:$0xC280] =	vst v63  }
0x1b3: {  	s18 =	rddreg [dreg:$0xa]  }
0x1b4: {  	[spmem:s2] =	stream.indirect.scatter.add.f32 [tilespmem:s23], [sflag:$0x2], $0x20, s18, s25, $0xb8;
	[tilespmem:$0xC280] =	vst v63  }
0x1b5: {  	s19 =	rddreg [dreg:$0xb]  }
0x1b6: {  	[spmem:s2] =	stream.indirect.scatter.add.f32 [tilespmem:s23], [sflag:$0x2], $0x20, s19, s25, $0xb8;
	[tilespmem:$0xC280] =	vst v63  }
0x1b7: {  	s20 =	rddreg [dreg:$0xc]  }
0x1b8: {  	[spmem:s2] =	stream.indirect.scatter.add.f32 [tilespmem:s23], [sflag:$0x2], $0x20, s20, s25, $0xb8;
	[tilespmem:$0xC280] =	vst v63  }
0x1b9: {  	s3 =	rddreg [dreg:$0xd]  }
0x1ba: {  	[spmem:s2] =	stream.indirect.scatter.add.f32 [tilespmem:s23], [sflag:$0x2], $0x20, s3, s25, $0xb8;
	[tilespmem:$0xC280] =	vst v63  }
0x1bb: {  	s9 =	rddreg [dreg:$0xe]  }
0x1bc: {  	[spmem:s2] =	stream.indirect.scatter.add.f32 [tilespmem:s23], [sflag:$0x2], $0x20, s9, s25, $0xb8;
	[tilespmem:$0xC280] =	vst v63  }
0x1bd: {  	s18 =	simm.s32 $0x1580  }
0x1be: {  	[spmem:s2] =	stream.indirect.scatter.add.f32 [tilespmem:s23], [sflag:$0x2], $0x20, s18, s25, $0xb8;
	[tilespmem:$0xC280] =	vst v63  }
0x1bf: {  	_ = 	snop  }
0x1c0: {  	[spmem:s2] =	stream.indirect.scatter.add.f32 [tilespmem:s23], [sflag:$0x2], $0x20, s11, s25, $0xb8;
	[tilespmem:$0xC280] =	vst v63  }
0x1c1: {  	_ = 	snop  }
0x1c2: {  	[spmem:s2] =	stream.indirect.scatter.add.f32 [tilespmem:s23], [sflag:$0x2], $0x20, s10, s25, $0xb8;
	[tilespmem:$0xC280] =	vst v63  }
0x1c3: {  	s28 =	simm.s32 $0x1700  }
0x1c4: {  	[spmem:s2] =	stream.indirect.scatter.add.f32 [tilespmem:s23], [sflag:$0x2], $0x20, s28, s25, $0xb8;
	[tilespmem:$0xC280] =	vst v63  }
0x1c5: {  	_ = 	snop  }
0x1c6: {  	[spmem:s2] =	stream.indirect.scatter.add.f32 [tilespmem:s23], [sflag:$0x2], $0x20, s29, s25, $0xb8;
	[tilespmem:$0xC280] =	vst v63  }
0x1c7: {  	_ = 	snop  }
0x1c8: {  	[spmem:s2] =	stream.indirect.scatter.add.f32 [tilespmem:s23], [sflag:$0x2], $0x20, s30, s25, $0xb8;
	[tilespmem:$0xC280] =	vst v63  }
0x1c9: {  	_ = 	snop  }
0x1ca: {  	[spmem:s2] =	stream.indirect.scatter.add.f32 [tilespmem:s23], [sflag:$0x2], $0x20, s31, s25, $0xb8;
	[tilespmem:$0xC280] =	vst v63  }
0x1cb: {  	s11 =	simm.s32 $0x1900  }
0x1cc: {  	[spmem:s2] =	stream.indirect.scatter.add.f32 [tilespmem:s23], [sflag:$0x2], $0x20, s11, s25, $0xb8;
	[tilespmem:$0xC280] =	vst v63  }
0x1cd: {  	s14 =	simm.s32 $0x1980  }
0x1ce: {  	[spmem:s2] =	stream.indirect.scatter.add.f32 [tilespmem:s23], [sflag:$0x2], $0x20, s14, s25, $0xb8;
	[tilespmem:$0xC280] =	vst v63  }
0x1cf: {  	_ = 	snop  }
0x1d0: {  	[spmem:s2] =	stream.indirect.scatter.add.f32 [tilespmem:s23], [sflag:$0x2], $0x20, s12, s25, $0xb8;
	[tilespmem:$0xC280] =	vst v63  }
0x1d1: {  	_ = 	snop  }
0x1d2: {  	[spmem:s2] =	stream.indirect.scatter.add.f32 [tilespmem:s23], [sflag:$0x2], $0x20, s26, s25, $0xb8;
	[tilespmem:$0xC280] =	vst v63  }
0x1d3: {  	_ = 	snop  }
0x1d4: {  	[spmem:s2] =	stream.indirect.scatter.add.f32 [tilespmem:s23], [sflag:$0x2], $0x20, s21, s25, $0xb8;
	[tilespmem:$0xC280] =	vst v63  }
0x1d5: {  	s15 =	simm.s32 $0x1B80  }
0x1d6: {  	[spmem:s2] =	stream.indirect.scatter.add.f32 [tilespmem:s23], [sflag:$0x2], $0x20, s15, s25, $0xb8;
	[tilespmem:$0xC280] =	vst v63  }
0x1d7: {  	_ = 	snop  }
0x1d8: {  	[spmem:s2] =	stream.indirect.scatter.add.f32 [tilespmem:s23], [sflag:$0x2], $0x20, s13, s25, $0xb8;
	[tilespmem:$0xC280] =	vst v63  }
0x1d9: {  	s16 =	simm.s32 $0x1C80  }
0x1da: {  	[spmem:s2] =	stream.indirect.scatter.add.f32 [tilespmem:s23], [sflag:$0x2], $0x20, s16, s25, $0xb8;
	[tilespmem:$0xC280] =	vst v63  }
0x1db: {  	s19 =	simm.s32 $0x1D00  }
0x1dc: {  	[spmem:s2] =	stream.indirect.scatter.add.f32 [tilespmem:s23], [sflag:$0x2], $0x20, s19, s25, $0xb8;
	[tilespmem:$0xC280] =	vst v63  }
0x1dd: {  	s3 =	simm.s32 $0x1D80  }
0x1de: {  	[spmem:s2] =	stream.indirect.scatter.add.f32 [tilespmem:s23], [sflag:$0x2], $0x20, s3, s25, $0xb8;
	[tilespmem:$0xC280] =	vst v63  }
0x1df: {  	s17 =	simm.s32 $0x1E00  }
0x1e0: {  	[spmem:s2] =	stream.indirect.scatter.add.f32 [tilespmem:s23], [sflag:$0x2], $0x20, s17, s25, $0xb8;
	[tilespmem:$0xC280] =	vst v63  }
0x1e1: {  	s15 =	simm.s32 $0x1E80  }
0x1e2: {  	[spmem:s2] =	stream.indirect.scatter.add.f32 [tilespmem:s23], [sflag:$0x2], $0x20, s15, s25, $0xb8;
	[tilespmem:$0xC280] =	vst v63  }
0x1e3: {  	s16 =	simm.s32 $0x1F00  }
0x1e4: {  	[spmem:s2] =	stream.indirect.scatter.add.f32 [tilespmem:s23], [sflag:$0x2], $0x20, s16, s25, $0xb8;
	[tilespmem:$0xC280] =	vst v63  }
0x1e5: {  	s17 =	simm.s32 $0x1F80  }
0x1e6: {  	[spmem:s2] =	stream.indirect.scatter.add.f32 [tilespmem:s23], [sflag:$0x2], $0x20, s17, s25, $0xb8;
	[tilespmem:$0xC280] =	vst v63  }
0x1e7: {  	_ =	swait.ge [sflag:s0], $0x1000  }
0x1e8: {  	[sflag:s0] =	ssyncset.done $0x0  }
0x1e9: {  	[sflag:s0] =	ssyncadd.s32 $0xFFFFF000  }
0x1ea: {  	_ =	swait.ge [sflag:s0], $0x1000  }
0x1eb: {  	[sflag:s0] =	ssyncset.done $0x0  }
0x1ec: {  	[sflag:s0] =	ssyncadd.s32 $0xFFFFF000  }
0x1ed: {  	_ =	swait.ge [sflag:s0], $0x1000  }
0x1ee: {  	[sflag:s0] =	ssyncset.done $0x0  }
0x1ef: {  	[sflag:s0] =	ssyncadd.s32 $0xFFFFF000  }
0x1f0: {  	_ =	swait.ge [sflag:s0], $0x1000  }
0x1f1: {  	[sflag:s0] =	ssyncset.done $0x0  }
0x1f2: {  	[sflag:s0] =	ssyncadd.s32 $0xFFFFF000  }
0x1f3: {  	_ =	swait.ge [sflag:s0], $0x1000  }
0x1f4: {  	[sflag:s0] =	ssyncset.done $0x0  }
0x1f5: {  	[sflag:s0] =	ssyncadd.s32 $0xFFFFF000  }
0x1f6: {  	_ =	swait.ge [sflag:s0], $0x1000  }
0x1f7: {  	[sflag:s0] =	ssyncset.done $0x0  }
0x1f8: {  	[sflag:s0] =	ssyncadd.s32 $0xFFFFF000  }
0x1f9: {  	_ =	swait.ge [sflag:s0], $0x1000  }
0x1fa: {  	[sflag:s0] =	ssyncset.done $0x0  }
0x1fb: {  	[sflag:s0] =	ssyncadd.s32 $0xFFFFF000  }
0x1fc: {  	_ =	swait.ge [sflag:s0], $0x1000  }
0x1fd: {  	[sflag:s0] =	ssyncset.done $0x0  }
0x1fe: {  	[sflag:s0] =	ssyncadd.s32 $0xFFFFF000  }
0x1ff: {  	_ =	swait.ge [sflag:s0], $0x1000  }
0x200: {  	[sflag:s0] =	ssyncset.done $0x0  }
0x201: {  	[sflag:s0] =	ssyncadd.s32 $0xFFFFF000  }
0x202: {  	_ =	swait.ge [sflag:s0], $0x1000  }
0x203: {  	[sflag:s0] =	ssyncset.done $0x0  }
0x204: {  	[sflag:s0] =	ssyncadd.s32 $0xFFFFF000  }
0x205: {  	_ =	swait.ge [sflag:s0], $0x1000  }
0x206: {  	[sflag:s0] =	ssyncset.done $0x0  }
0x207: {  	[sflag:s0] =	ssyncadd.s32 $0xFFFFF000  }
0x208: {  	_ =	swait.ge [sflag:s0], $0x1000  }
0x209: {  	[sflag:s0] =	ssyncset.done $0x0  }
0x20a: {  	[sflag:s0] =	ssyncadd.s32 $0xFFFFF000  }
0x20b: {  	_ =	swait.ge [sflag:s0], $0x1000  }
0x20c: {  	[sflag:s0] =	ssyncset.done $0x0  }
0x20d: {  	[sflag:s0] =	ssyncadd.s32 $0xFFFFF000  }
0x20e: {  	_ =	swait.ge [sflag:s0], $0x1000  }
0x20f: {  	[sflag:s0] =	ssyncset.done $0x0  }
0x210: {  	[sflag:s0] =	ssyncadd.s32 $0xFFFFF000  }
0x211: {  	_ =	swait.ge [sflag:s0], $0x1000  }
0x212: {  	[sflag:s0] =	ssyncset.done $0x0  }
0x213: {  	[sflag:s0] =	ssyncadd.s32 $0xFFFFF000  }
0x214: {  	_ =	swait.ge [sflag:s0], $0x1000  }
0x215: {  	[sflag:s0] =	ssyncset.done $0x0  }
0x216: {  	[sflag:s0] =	ssyncadd.s32 $0xFFFFF000  }
0x217: {  	_ =	swait.ge [sflag:s0], $0x1000  }
0x218: {  	[sflag:s0] =	ssyncset.done $0x0  }
0x219: {  	[sflag:s0] =	ssyncadd.s32 $0xFFFFF000  }
0x21a: {  	_ =	swait.ge [sflag:s0], $0x1000  }
0x21b: {  	[sflag:s0] =	ssyncset.done $0x0  }
0x21c: {  	[sflag:s0] =	ssyncadd.s32 $0xFFFFF000  }
0x21d: {  	_ =	swait.ge [sflag:s0], $0x1000  }
0x21e: {  	[sflag:s0] =	ssyncset.done $0x0  }
0x21f: {  	[sflag:s0] =	ssyncadd.s32 $0xFFFFF000  }
0x220: {  	_ =	swait.ge [sflag:s0], $0x1000  }
0x221: {  	[sflag:s0] =	ssyncset.done $0x0  }
0x222: {  	[sflag:s0] =	ssyncadd.s32 $0xFFFFF000  }
0x223: {  	_ =	swait.ge [sflag:s0], $0x1000  }
0x224: {  	[sflag:s0] =	ssyncset.done $0x0  }
0x225: {  	[sflag:s0] =	ssyncadd.s32 $0xFFFFF000  }
0x226: {  	_ =	swait.ge [sflag:s0], $0x1000  }
0x227: {  	[sflag:s0] =	ssyncset.done $0x0  }
0x228: {  	[sflag:s0] =	ssyncadd.s32 $0xFFFFF000  }
0x229: {  	_ =	swait.ge [sflag:s0], $0x1000  }
0x22a: {  	[sflag:s0] =	ssyncset.done $0x0  }
0x22b: {  	[sflag:s0] =	ssyncadd.s32 $0xFFFFF000  }
0x22c: {  	_ =	swait.ge [sflag:s0], $0x1000  }
0x22d: {  	[sflag:s0] =	ssyncset.done $0x0  }
0x22e: {  	[sflag:s0] =	ssyncadd.s32 $0xFFFFF000  }
0x22f: {  	_ =	swait.ge [sflag:s0], $0x1000  }
0x230: {  	[sflag:s0] =	ssyncset.done $0x0  }
0x231: {  	[sflag:s0] =	ssyncadd.s32 $0xFFFFF000  }
0x232: {  	_ =	swait.ge [sflag:s0], $0x1000  }
0x233: {  	[sflag:s0] =	ssyncset.done $0x0  }
0x234: {  	[sflag:s0] =	ssyncadd.s32 $0xFFFFF000  }
0x235: {  	_ =	swait.ge [sflag:s0], $0x1000  }
0x236: {  	[sflag:s0] =	ssyncset.done $0x0  }
0x237: {  	[sflag:s0] =	ssyncadd.s32 $0xFFFFF000  }
0x238: {  	_ =	swait.ge [sflag:s0], $0x1000  }
0x239: {  	[sflag:s0] =	ssyncset.done $0x0  }
0x23a: {  	[sflag:s0] =	ssyncadd.s32 $0xFFFFF000  }
0x23b: {  	_ =	swait.ge [sflag:s0], $0x1000  }
0x23c: {  	[sflag:s0] =	ssyncset.done $0x0  }
0x23d: {  	[sflag:s0] =	ssyncadd.s32 $0xFFFFF000  }
0x23e: {  	_ =	swait.ge [sflag:s0], $0x1000  }
0x23f: {  	[sflag:s0] =	ssyncset.done $0x0  }
0x240: {  	[sflag:s0] =	ssyncadd.s32 $0xFFFFF000  }
0x241: {  	_ =	swait.ge [sflag:s0], $0x1000  }
0x242: {  	s20 =	simm.s32 $0x1000;
	[sflag:s0] =	ssyncset.done $0x0  }
0x243: {  	s9 =	simm.s32 $0x1680;
	s10 =	simm.s32 $0x1600;
	[sflag:s0] =	ssyncadd.s32 $0xFFFFF000  }
0x244: {  	s11 =	simm.s32 $0x1C80;
	s15 =	simm.s32 $0x200;
	_ =	swait.ge [sflag:s0], $0x1000  }
0x245: {  	s16 =	simm.s32 $0x400;
	s17 =	rddreg [dreg:$0x4];
	[sflag:s0] =	ssyncset.done $0x0  }
.LBB2_39:
0x246: {  	[sflag:s0] =	ssyncadd.s32 $0xFFFFF000;
	s17 =	sadd.s32 s15, s17  }
0x247: {  	[tilespmem:s20], [sflag:$0x3] =	stream.linear.gather [hbm4b:s17+s24], $0x1000, $0x38;
	[tilespmem:$0xC280] =	vst v63  }
0x248: {  	_ =	swait.ge [sflag:s22], $0x1000  }
0x249: {  	[sflag:s22] =	ssyncset.done $0x0  }
0x24a: {  	s14 =	smov.u32 s16;
	[sflag:s22] =	ssyncadd.s32 $0xFFFFF000  }
0x24b: {  	[spmem:s2] =	stream.indirect.scatter.add.f32 [tilespmem:s23], [sflag:$0x2], $0x20, s20, s25, $0xb8;
	[tilespmem:$0xC280] =	vst v63  }
0x24c: {  	s15 =	smov.u32 s14;
	s14 =	rddreg [dreg:$0x5]  }
0x24d: {  	[spmem:s2] =	stream.indirect.scatter.add.f32 [tilespmem:s23], [sflag:$0x2], $0x20, s14, s25, $0xb8;
	[tilespmem:$0xC280] =	vst v63  }
0x24e: {  	s17 =	rddreg [dreg:$0x6]  }
0x24f: {  	[spmem:s2] =	stream.indirect.scatter.add.f32 [tilespmem:s23], [sflag:$0x2], $0x20, s17, s25, $0xb8;
	[tilespmem:$0xC280] =	vst v63  }
0x250: {  	s14 =	rddreg [dreg:$0x7]  }
0x251: {  	[spmem:s2] =	stream.indirect.scatter.add.f32 [tilespmem:s23], [sflag:$0x2], $0x20, s14, s25, $0xb8;
	[tilespmem:$0xC280] =	vst v63  }
0x252: {  	s17 =	rddreg [dreg:$0x8]  }
0x253: {  	[spmem:s2] =	stream.indirect.scatter.add.f32 [tilespmem:s23], [sflag:$0x2], $0x20, s17, s25, $0xb8;
	[tilespmem:$0xC280] =	vst v63  }
0x254: {  	s14 =	rddreg [dreg:$0x9]  }
0x255: {  	[spmem:s2] =	stream.indirect.scatter.add.f32 [tilespmem:s23], [sflag:$0x2], $0x20, s14, s25, $0xb8;
	[tilespmem:$0xC280] =	vst v63  }
0x256: {  	s17 =	rddreg [dreg:$0xa]  }
0x257: {  	[spmem:s2] =	stream.indirect.scatter.add.f32 [tilespmem:s23], [sflag:$0x2], $0x20, s17, s25, $0xb8;
	[tilespmem:$0xC280] =	vst v63  }
0x258: {  	s14 =	rddreg [dreg:$0xb]  }
0x259: {  	[spmem:s2] =	stream.indirect.scatter.add.f32 [tilespmem:s23], [sflag:$0x2], $0x20, s14, s25, $0xb8;
	[tilespmem:$0xC280] =	vst v63  }
0x25a: {  	s17 =	rddreg [dreg:$0xc]  }
0x25b: {  	[spmem:s2] =	stream.indirect.scatter.add.f32 [tilespmem:s23], [sflag:$0x2], $0x20, s17, s25, $0xb8;
	[tilespmem:$0xC280] =	vst v63  }
0x25c: {  	s14 =	rddreg [dreg:$0xd]  }
0x25d: {  	[spmem:s2] =	stream.indirect.scatter.add.f32 [tilespmem:s23], [sflag:$0x2], $0x20, s14, s25, $0xb8;
	[tilespmem:$0xC280] =	vst v63  }
0x25e: {  	s17 =	rddreg [dreg:$0xe]  }
0x25f: {  	[spmem:s2] =	stream.indirect.scatter.add.f32 [tilespmem:s23], [sflag:$0x2], $0x20, s17, s25, $0xb8;
	[tilespmem:$0xC280] =	vst v63  }
0x260: {  	_ = 	snop  }
0x261: {  	[spmem:s2] =	stream.indirect.scatter.add.f32 [tilespmem:s23], [sflag:$0x2], $0x20, s18, s25, $0xb8;
	[tilespmem:$0xC280] =	vst v63  }
0x262: {  	_ = 	snop  }
0x263: {  	[spmem:s2] =	stream.indirect.scatter.add.f32 [tilespmem:s23], [sflag:$0x2], $0x20, s10, s25, $0xb8;
	[tilespmem:$0xC280] =	vst v63  }
0x264: {  	_ = 	snop  }
0x265: {  	[spmem:s2] =	stream.indirect.scatter.add.f32 [tilespmem:s23], [sflag:$0x2], $0x20, s9, s25, $0xb8;
	[tilespmem:$0xC280] =	vst v63  }
0x266: {  	_ = 	snop  }
0x267: {  	[spmem:s2] =	stream.indirect.scatter.add.f32 [tilespmem:s23], [sflag:$0x2], $0x20, s28, s25, $0xb8;
	[tilespmem:$0xC280] =	vst v63  }
0x268: {  	_ = 	snop  }
0x269: {  	[spmem:s2] =	stream.indirect.scatter.add.f32 [tilespmem:s23], [sflag:$0x2], $0x20, s29, s25, $0xb8;
	[tilespmem:$0xC280] =	vst v63  }
0x26a: {  	_ = 	snop  }
0x26b: {  	[spmem:s2] =	stream.indirect.scatter.add.f32 [tilespmem:s23], [sflag:$0x2], $0x20, s30, s25, $0xb8;
	[tilespmem:$0xC280] =	vst v63  }
0x26c: {  	_ = 	snop  }
0x26d: {  	[spmem:s2] =	stream.indirect.scatter.add.f32 [tilespmem:s23], [sflag:$0x2], $0x20, s31, s25, $0xb8;
	[tilespmem:$0xC280] =	vst v63  }
0x26e: {  	s17 =	simm.s32 $0x1900  }
0x26f: {  	[spmem:s2] =	stream.indirect.scatter.add.f32 [tilespmem:s23], [sflag:$0x2], $0x20, s17, s25, $0xb8;
	[tilespmem:$0xC280] =	vst v63  }
0x270: {  	s17 =	simm.s32 $0x1980  }
0x271: {  	[spmem:s2] =	stream.indirect.scatter.add.f32 [tilespmem:s23], [sflag:$0x2], $0x20, s17, s25, $0xb8;
	[tilespmem:$0xC280] =	vst v63  }
0x272: {  	_ = 	snop  }
0x273: {  	[spmem:s2] =	stream.indirect.scatter.add.f32 [tilespmem:s23], [sflag:$0x2], $0x20, s12, s25, $0xb8;
	[tilespmem:$0xC280] =	vst v63  }
0x274: {  	_ = 	snop  }
0x275: {  	[spmem:s2] =	stream.indirect.scatter.add.f32 [tilespmem:s23], [sflag:$0x2], $0x20, s26, s25, $0xb8;
	[tilespmem:$0xC280] =	vst v63  }
0x276: {  	_ = 	snop  }
0x277: {  	[spmem:s2] =	stream.indirect.scatter.add.f32 [tilespmem:s23], [sflag:$0x2], $0x20, s21, s25, $0xb8;
	[tilespmem:$0xC280] =	vst v63  }
0x278: {  	s17 =	simm.s32 $0x1B80  }
0x279: {  	[spmem:s2] =	stream.indirect.scatter.add.f32 [tilespmem:s23], [sflag:$0x2], $0x20, s17, s25, $0xb8;
	[tilespmem:$0xC280] =	vst v63  }
0x27a: {  	_ = 	snop  }
0x27b: {  	[spmem:s2] =	stream.indirect.scatter.add.f32 [tilespmem:s23], [sflag:$0x2], $0x20, s13, s25, $0xb8;
	[tilespmem:$0xC280] =	vst v63  }
0x27c: {  	_ = 	snop  }
0x27d: {  	[spmem:s2] =	stream.indirect.scatter.add.f32 [tilespmem:s23], [sflag:$0x2], $0x20, s11, s25, $0xb8;
	[tilespmem:$0xC280] =	vst v63  }
0x27e: {  	_ = 	snop  }
0x27f: {  	[spmem:s2] =	stream.indirect.scatter.add.f32 [tilespmem:s23], [sflag:$0x2], $0x20, s19, s25, $0xb8;
	[tilespmem:$0xC280] =	vst v63  }
0x280: {  	_ = 	snop  }
0x281: {  	[spmem:s2] =	stream.indirect.scatter.add.f32 [tilespmem:s23], [sflag:$0x2], $0x20, s3, s25, $0xb8;
	[tilespmem:$0xC280] =	vst v63  }
0x282: {  	s17 =	simm.s32 $0x1E00  }
0x283: {  	[spmem:s2] =	stream.indirect.scatter.add.f32 [tilespmem:s23], [sflag:$0x2], $0x20, s17, s25, $0xb8;
	[tilespmem:$0xC280] =	vst v63  }
0x284: {  	s17 =	simm.s32 $0x1E80  }
0x285: {  	[spmem:s2] =	stream.indirect.scatter.add.f32 [tilespmem:s23], [sflag:$0x2], $0x20, s17, s25, $0xb8;
	[tilespmem:$0xC280] =	vst v63  }
0x286: {  	s17 =	simm.s32 $0x1F00  }
0x287: {  	[spmem:s2] =	stream.indirect.scatter.add.f32 [tilespmem:s23], [sflag:$0x2], $0x20, s17, s25, $0xb8;
	[tilespmem:$0xC280] =	vst v63  }
0x288: {  	s17 =	simm.s32 $0x1F80  }
0x289: {  	[spmem:s2] =	stream.indirect.scatter.add.f32 [tilespmem:s23], [sflag:$0x2], $0x20, s17, s25, $0xb8;
	[tilespmem:$0xC280] =	vst v63  }
0x28a: {  	_ =	swait.ge [sflag:s0], $0x1000  }
0x28b: {  	[sflag:s0] =	ssyncset.done $0x0  }
0x28c: {  	[sflag:s0] =	ssyncadd.s32 $0xFFFFF000  }
0x28d: {  	_ =	swait.ge [sflag:s0], $0x1000  }
0x28e: {  	[sflag:s0] =	ssyncset.done $0x0  }
0x28f: {  	[sflag:s0] =	ssyncadd.s32 $0xFFFFF000  }
0x290: {  	_ =	swait.ge [sflag:s0], $0x1000  }
0x291: {  	[sflag:s0] =	ssyncset.done $0x0  }
0x292: {  	[sflag:s0] =	ssyncadd.s32 $0xFFFFF000  }
0x293: {  	_ =	swait.ge [sflag:s0], $0x1000  }
0x294: {  	[sflag:s0] =	ssyncset.done $0x0  }
0x295: {  	[sflag:s0] =	ssyncadd.s32 $0xFFFFF000  }
0x296: {  	_ =	swait.ge [sflag:s0], $0x1000  }
0x297: {  	[sflag:s0] =	ssyncset.done $0x0  }
0x298: {  	[sflag:s0] =	ssyncadd.s32 $0xFFFFF000  }
0x299: {  	_ =	swait.ge [sflag:s0], $0x1000  }
0x29a: {  	[sflag:s0] =	ssyncset.done $0x0  }
0x29b: {  	[sflag:s0] =	ssyncadd.s32 $0xFFFFF000  }
0x29c: {  	_ =	swait.ge [sflag:s0], $0x1000  }
0x29d: {  	[sflag:s0] =	ssyncset.done $0x0  }
0x29e: {  	[sflag:s0] =	ssyncadd.s32 $0xFFFFF000  }
0x29f: {  	_ =	swait.ge [sflag:s0], $0x1000  }
0x2a0: {  	[sflag:s0] =	ssyncset.done $0x0  }
0x2a1: {  	[sflag:s0] =	ssyncadd.s32 $0xFFFFF000  }
0x2a2: {  	_ =	swait.ge [sflag:s0], $0x1000  }
0x2a3: {  	[sflag:s0] =	ssyncset.done $0x0  }
0x2a4: {  	[sflag:s0] =	ssyncadd.s32 $0xFFFFF000  }
0x2a5: {  	_ =	swait.ge [sflag:s0], $0x1000  }
0x2a6: {  	[sflag:s0] =	ssyncset.done $0x0  }
0x2a7: {  	[sflag:s0] =	ssyncadd.s32 $0xFFFFF000  }
0x2a8: {  	_ =	swait.ge [sflag:s0], $0x1000  }
0x2a9: {  	[sflag:s0] =	ssyncset.done $0x0  }
0x2aa: {  	[sflag:s0] =	ssyncadd.s32 $0xFFFFF000  }
0x2ab: {  	_ =	swait.ge [sflag:s0], $0x1000  }
0x2ac: {  	[sflag:s0] =	ssyncset.done $0x0  }
0x2ad: {  	[sflag:s0] =	ssyncadd.s32 $0xFFFFF000  }
0x2ae: {  	_ =	swait.ge [sflag:s0], $0x1000  }
0x2af: {  	[sflag:s0] =	ssyncset.done $0x0  }
0x2b0: {  	[sflag:s0] =	ssyncadd.s32 $0xFFFFF000  }
0x2b1: {  	_ =	swait.ge [sflag:s0], $0x1000  }
0x2b2: {  	[sflag:s0] =	ssyncset.done $0x0  }
0x2b3: {  	[sflag:s0] =	ssyncadd.s32 $0xFFFFF000  }
0x2b4: {  	_ =	swait.ge [sflag:s0], $0x1000  }
0x2b5: {  	[sflag:s0] =	ssyncset.done $0x0  }
0x2b6: {  	[sflag:s0] =	ssyncadd.s32 $0xFFFFF000  }
0x2b7: {  	_ =	swait.ge [sflag:s0], $0x1000  }
0x2b8: {  	[sflag:s0] =	ssyncset.done $0x0  }
0x2b9: {  	[sflag:s0] =	ssyncadd.s32 $0xFFFFF000  }
0x2ba: {  	_ =	swait.ge [sflag:s0], $0x1000  }
0x2bb: {  	[sflag:s0] =	ssyncset.done $0x0  }
0x2bc: {  	[sflag:s0] =	ssyncadd.s32 $0xFFFFF000  }
0x2bd: {  	_ =	swait.ge [sflag:s0], $0x1000  }
0x2be: {  	[sflag:s0] =	ssyncset.done $0x0  }
0x2bf: {  	[sflag:s0] =	ssyncadd.s32 $0xFFFFF000  }
0x2c0: {  	_ =	swait.ge [sflag:s0], $0x1000  }
0x2c1: {  	[sflag:s0] =	ssyncset.done $0x0  }
0x2c2: {  	[sflag:s0] =	ssyncadd.s32 $0xFFFFF000  }
0x2c3: {  	_ =	swait.ge [sflag:s0], $0x1000  }
0x2c4: {  	[sflag:s0] =	ssyncset.done $0x0  }
0x2c5: {  	[sflag:s0] =	ssyncadd.s32 $0xFFFFF000  }
0x2c6: {  	_ =	swait.ge [sflag:s0], $0x1000  }
0x2c7: {  	[sflag:s0] =	ssyncset.done $0x0  }
0x2c8: {  	[sflag:s0] =	ssyncadd.s32 $0xFFFFF000  }
0x2c9: {  	_ =	swait.ge [sflag:s0], $0x1000  }
0x2ca: {  	[sflag:s0] =	ssyncset.done $0x0  }
0x2cb: {  	[sflag:s0] =	ssyncadd.s32 $0xFFFFF000  }
0x2cc: {  	_ =	swait.ge [sflag:s0], $0x1000  }
0x2cd: {  	[sflag:s0] =	ssyncset.done $0x0  }
0x2ce: {  	[sflag:s0] =	ssyncadd.s32 $0xFFFFF000  }
0x2cf: {  	_ =	swait.ge [sflag:s0], $0x1000  }
0x2d0: {  	[sflag:s0] =	ssyncset.done $0x0  }
0x2d1: {  	[sflag:s0] =	ssyncadd.s32 $0xFFFFF000  }
0x2d2: {  	_ =	swait.ge [sflag:s0], $0x1000  }
0x2d3: {  	[sflag:s0] =	ssyncset.done $0x0  }
0x2d4: {  	[sflag:s0] =	ssyncadd.s32 $0xFFFFF000  }
0x2d5: {  	_ =	swait.ge [sflag:s0], $0x1000  }
0x2d6: {  	[sflag:s0] =	ssyncset.done $0x0  }
0x2d7: {  	[sflag:s0] =	ssyncadd.s32 $0xFFFFF000  }
0x2d8: {  	_ =	swait.ge [sflag:s0], $0x1000  }
0x2d9: {  	[sflag:s0] =	ssyncset.done $0x0  }
0x2da: {  	[sflag:s0] =	ssyncadd.s32 $0xFFFFF000  }
0x2db: {  	_ =	swait.ge [sflag:s0], $0x1000  }
0x2dc: {  	[sflag:s0] =	ssyncset.done $0x0  }
0x2dd: {  	[sflag:s0] =	ssyncadd.s32 $0xFFFFF000  }
0x2de: {  	_ =	swait.ge [sflag:s0], $0x1000  }
0x2df: {  	[sflag:s0] =	ssyncset.done $0x0  }
0x2e0: {  	[sflag:s0] =	ssyncadd.s32 $0xFFFFF000  }
0x2e1: {  	_ =	swait.ge [sflag:s0], $0x1000  }
0x2e2: {  	[sflag:s0] =	ssyncset.done $0x0  }
0x2e3: {  	p1 =	sne.s32 s16, $0x600;
	[sflag:s0] =	ssyncadd.s32 $0xFFFFF000  }
.Ltmp21:
0x2e4: {  	_ =	swait.ge [sflag:s0], $0x1000;
	(pc) =	sbr.rel @p1 .LBB2_39-.Ltmp21, $4  }
0x2e5: {  	[sflag:s0] =	ssyncset.done $0x0  }
0x2e6: {  	[sflag:s0] =	ssyncadd.s32 $0xFFFFF000  }
0x2e7: {  	_ =	swait.ge [sflag:s0], $0x1000  }
0x2e8: {  	s16 =	sadd.s32 $0x200, s16;
	s17 =	rddreg [dreg:$0x4];
	[sflag:s0] =	ssyncset.done $0x0  }
0x2e9: {  	[sflag:s0] =	ssyncadd.s32 $0xFFFFF000;
	s14 =	sadd.s32 s15, s17  }
0x2ea: {  	[tilespmem:s20], [sflag:$0x3] =	stream.linear.gather [hbm4b:s14+s24], $0x1000, $0x38;
	[tilespmem:$0xC280] =	vst v63  }
0x2eb: {  	_ =	swait.ge [sflag:s22], $0x1000  }
0x2ec: {  	[sflag:s22] =	ssyncset.done $0x0  }
0x2ed: {  	[sflag:s22] =	ssyncadd.s32 $0xFFFFF000  }
0x2ee: {  	[spmem:s2] =	stream.indirect.scatter.add.f32 [tilespmem:s23], [sflag:$0x2], $0x20, s20, s25, $0xb8;
	[tilespmem:$0xC280] =	vst v63  }
0x2ef: {  	s15 =	rddreg [dreg:$0x5]  }
0x2f0: {  	[spmem:s2] =	stream.indirect.scatter.add.f32 [tilespmem:s23], [sflag:$0x2], $0x20, s15, s25, $0xb8;
	[tilespmem:$0xC280] =	vst v63  }
0x2f1: {  	s16 =	rddreg [dreg:$0x6]  }
0x2f2: {  	[spmem:s2] =	stream.indirect.scatter.add.f32 [tilespmem:s23], [sflag:$0x2], $0x20, s16, s25, $0xb8;
	[tilespmem:$0xC280] =	vst v63  }
0x2f3: {  	s17 =	rddreg [dreg:$0x7]  }
0x2f4: {  	[spmem:s2] =	stream.indirect.scatter.add.f32 [tilespmem:s23], [sflag:$0x2], $0x20, s17, s25, $0xb8;
	[tilespmem:$0xC280] =	vst v63  }
0x2f5: {  	s20 =	rddreg [dreg:$0x8]  }
0x2f6: {  	[spmem:s2] =	stream.indirect.scatter.add.f32 [tilespmem:s23], [sflag:$0x2], $0x20, s20, s25, $0xb8;
	[tilespmem:$0xC280] =	vst v63  }
0x2f7: {  	s16 =	rddreg [dreg:$0x9]  }
0x2f8: {  	[spmem:s2] =	stream.indirect.scatter.add.f32 [tilespmem:s23], [sflag:$0x2], $0x20, s16, s25, $0xb8;
	[tilespmem:$0xC280] =	vst v63  }
0x2f9: {  	s17 =	rddreg [dreg:$0xa]  }
0x2fa: {  	[spmem:s2] =	stream.indirect.scatter.add.f32 [tilespmem:s23], [sflag:$0x2], $0x20, s17, s25, $0xb8;
	[tilespmem:$0xC280] =	vst v63  }
0x2fb: {  	s20 =	rddreg [dreg:$0xb]  }
0x2fc: {  	[spmem:s2] =	stream.indirect.scatter.add.f32 [tilespmem:s23], [sflag:$0x2], $0x20, s20, s25, $0xb8;
	[tilespmem:$0xC280] =	vst v63  }
0x2fd: {  	s16 =	rddreg [dreg:$0xc]  }
0x2fe: {  	[spmem:s2] =	stream.indirect.scatter.add.f32 [tilespmem:s23], [sflag:$0x2], $0x20, s16, s25, $0xb8;
	[tilespmem:$0xC280] =	vst v63  }
0x2ff: {  	s17 =	rddreg [dreg:$0xd]  }
0x300: {  	[spmem:s2] =	stream.indirect.scatter.add.f32 [tilespmem:s23], [sflag:$0x2], $0x20, s17, s25, $0xb8;
	[tilespmem:$0xC280] =	vst v63  }
0x301: {  	s20 =	rddreg [dreg:$0xe]  }
0x302: {  	[spmem:s2] =	stream.indirect.scatter.add.f32 [tilespmem:s23], [sflag:$0x2], $0x20, s20, s25, $0xb8;
	[tilespmem:$0xC280] =	vst v63  }
0x303: {  	_ = 	snop  }
0x304: {  	[spmem:s2] =	stream.indirect.scatter.add.f32 [tilespmem:s23], [sflag:$0x2], $0x20, s18, s25, $0xb8;
	[tilespmem:$0xC280] =	vst v63  }
0x305: {  	_ = 	snop  }
0x306: {  	[spmem:s2] =	stream.indirect.scatter.add.f32 [tilespmem:s23], [sflag:$0x2], $0x20, s10, s25, $0xb8;
	[tilespmem:$0xC280] =	vst v63  }
0x307: {  	_ = 	snop  }
0x308: {  	[spmem:s2] =	stream.indirect.scatter.add.f32 [tilespmem:s23], [sflag:$0x2], $0x20, s9, s25, $0xb8;
	[tilespmem:$0xC280] =	vst v63  }
0x309: {  	_ = 	snop  }
0x30a: {  	[spmem:s2] =	stream.indirect.scatter.add.f32 [tilespmem:s23], [sflag:$0x2], $0x20, s28, s25, $0xb8;
	[tilespmem:$0xC280] =	vst v63  }
0x30b: {  	_ = 	snop  }
0x30c: {  	[spmem:s2] =	stream.indirect.scatter.add.f32 [tilespmem:s23], [sflag:$0x2], $0x20, s29, s25, $0xb8;
	[tilespmem:$0xC280] =	vst v63  }
0x30d: {  	_ = 	snop  }
0x30e: {  	[spmem:s2] =	stream.indirect.scatter.add.f32 [tilespmem:s23], [sflag:$0x2], $0x20, s30, s25, $0xb8;
	[tilespmem:$0xC280] =	vst v63  }
0x30f: {  	_ = 	snop  }
0x310: {  	[spmem:s2] =	stream.indirect.scatter.add.f32 [tilespmem:s23], [sflag:$0x2], $0x20, s31, s25, $0xb8;
	[tilespmem:$0xC280] =	vst v63  }
0x311: {  	s14 =	simm.s32 $0x1900  }
0x312: {  	[spmem:s2] =	stream.indirect.scatter.add.f32 [tilespmem:s23], [sflag:$0x2], $0x20, s14, s25, $0xb8;
	[tilespmem:$0xC280] =	vst v63  }
0x313: {  	s15 =	simm.s32 $0x1980  }
0x314: {  	[spmem:s2] =	stream.indirect.scatter.add.f32 [tilespmem:s23], [sflag:$0x2], $0x20, s15, s25, $0xb8;
	[tilespmem:$0xC280] =	vst v63  }
0x315: {  	_ = 	snop  }
0x316: {  	[spmem:s2] =	stream.indirect.scatter.add.f32 [tilespmem:s23], [sflag:$0x2], $0x20, s12, s25, $0xb8;
	[tilespmem:$0xC280] =	vst v63  }
0x317: {  	_ = 	snop  }
0x318: {  	[spmem:s2] =	stream.indirect.scatter.add.f32 [tilespmem:s23], [sflag:$0x2], $0x20, s26, s25, $0xb8;
	[tilespmem:$0xC280] =	vst v63  }
0x319: {  	_ = 	snop  }
0x31a: {  	[spmem:s2] =	stream.indirect.scatter.add.f32 [tilespmem:s23], [sflag:$0x2], $0x20, s21, s25, $0xb8;
	[tilespmem:$0xC280] =	vst v63  }
0x31b: {  	s16 =	simm.s32 $0x1B80  }
0x31c: {  	[spmem:s2] =	stream.indirect.scatter.add.f32 [tilespmem:s23], [sflag:$0x2], $0x20, s16, s25, $0xb8;
	[tilespmem:$0xC280] =	vst v63  }
0x31d: {  	_ = 	snop  }
0x31e: {  	[spmem:s2] =	stream.indirect.scatter.add.f32 [tilespmem:s23], [sflag:$0x2], $0x20, s13, s25, $0xb8;
	[tilespmem:$0xC280] =	vst v63  }
0x31f: {  	_ = 	snop  }
0x320: {  	[spmem:s2] =	stream.indirect.scatter.add.f32 [tilespmem:s23], [sflag:$0x2], $0x20, s11, s25, $0xb8;
	[tilespmem:$0xC280] =	vst v63  }
0x321: {  	_ = 	snop  }
0x322: {  	[spmem:s2] =	stream.indirect.scatter.add.f32 [tilespmem:s23], [sflag:$0x2], $0x20, s19, s25, $0xb8;
	[tilespmem:$0xC280] =	vst v63  }
0x323: {  	_ = 	snop  }
0x324: {  	[spmem:s2] =	stream.indirect.scatter.add.f32 [tilespmem:s23], [sflag:$0x2], $0x20, s3, s25, $0xb8;
	[tilespmem:$0xC280] =	vst v63  }
0x325: {  	s17 =	simm.s32 $0x1E00  }
0x326: {  	[spmem:s2] =	stream.indirect.scatter.add.f32 [tilespmem:s23], [sflag:$0x2], $0x20, s17, s25, $0xb8;
	[tilespmem:$0xC280] =	vst v63  }
0x327: {  	s18 =	simm.s32 $0x1E80  }
0x328: {  	[spmem:s2] =	stream.indirect.scatter.add.f32 [tilespmem:s23], [sflag:$0x2], $0x20, s18, s25, $0xb8;
	[tilespmem:$0xC280] =	vst v63  }
0x329: {  	s19 =	simm.s32 $0x1F00  }
0x32a: {  	[spmem:s2] =	stream.indirect.scatter.add.f32 [tilespmem:s23], [sflag:$0x2], $0x20, s19, s25, $0xb8;
	[tilespmem:$0xC280] =	vst v63  }
0x32b: {  	s20 =	simm.s32 $0x1F80  }
0x32c: {  	[spmem:s2] =	stream.indirect.scatter.add.f32 [tilespmem:s23], [sflag:$0x2], $0x20, s20, s25, $0xb8;
	[tilespmem:$0xC280] =	vst v63  }
0x32d: {  	_ =	swait.ge [sflag:s0], $0x1000  }
0x32e: {  	[sflag:s0] =	ssyncset.done $0x0  }
0x32f: {  	[sflag:s0] =	ssyncadd.s32 $0xFFFFF000  }
0x330: {  	_ =	swait.ge [sflag:s0], $0x1000  }
0x331: {  	[sflag:s0] =	ssyncset.done $0x0  }
0x332: {  	[sflag:s0] =	ssyncadd.s32 $0xFFFFF000  }
0x333: {  	_ =	swait.ge [sflag:s0], $0x1000  }
0x334: {  	[sflag:s0] =	ssyncset.done $0x0  }
0x335: {  	[sflag:s0] =	ssyncadd.s32 $0xFFFFF000  }
0x336: {  	_ =	swait.ge [sflag:s0], $0x1000  }
0x337: {  	[sflag:s0] =	ssyncset.done $0x0  }
0x338: {  	[sflag:s0] =	ssyncadd.s32 $0xFFFFF000  }
0x339: {  	_ =	swait.ge [sflag:s0], $0x1000  }
0x33a: {  	[sflag:s0] =	ssyncset.done $0x0  }
0x33b: {  	[sflag:s0] =	ssyncadd.s32 $0xFFFFF000  }
0x33c: {  	_ =	swait.ge [sflag:s0], $0x1000  }
0x33d: {  	[sflag:s0] =	ssyncset.done $0x0  }
0x33e: {  	[sflag:s0] =	ssyncadd.s32 $0xFFFFF000  }
0x33f: {  	_ =	swait.ge [sflag:s0], $0x1000  }
0x340: {  	[sflag:s0] =	ssyncset.done $0x0  }
0x341: {  	[sflag:s0] =	ssyncadd.s32 $0xFFFFF000  }
0x342: {  	_ =	swait.ge [sflag:s0], $0x1000  }
0x343: {  	[sflag:s0] =	ssyncset.done $0x0  }
0x344: {  	[sflag:s0] =	ssyncadd.s32 $0xFFFFF000  }
0x345: {  	_ =	swait.ge [sflag:s0], $0x1000  }
0x346: {  	[sflag:s0] =	ssyncset.done $0x0  }
0x347: {  	[sflag:s0] =	ssyncadd.s32 $0xFFFFF000  }
0x348: {  	_ =	swait.ge [sflag:s0], $0x1000  }
0x349: {  	[sflag:s0] =	ssyncset.done $0x0  }
0x34a: {  	[sflag:s0] =	ssyncadd.s32 $0xFFFFF000  }
0x34b: {  	_ =	swait.ge [sflag:s0], $0x1000  }
0x34c: {  	[sflag:s0] =	ssyncset.done $0x0  }
0x34d: {  	[sflag:s0] =	ssyncadd.s32 $0xFFFFF000  }
0x34e: {  	_ =	swait.ge [sflag:s0], $0x1000  }
0x34f: {  	[sflag:s0] =	ssyncset.done $0x0  }
0x350: {  	[sflag:s0] =	ssyncadd.s32 $0xFFFFF000  }
0x351: {  	_ =	swait.ge [sflag:s0], $0x1000  }
0x352: {  	[sflag:s0] =	ssyncset.done $0x0  }
0x353: {  	[sflag:s0] =	ssyncadd.s32 $0xFFFFF000  }
0x354: {  	_ =	swait.ge [sflag:s0], $0x1000  }
0x355: {  	[sflag:s0] =	ssyncset.done $0x0  }
0x356: {  	[sflag:s0] =	ssyncadd.s32 $0xFFFFF000  }
0x357: {  	_ =	swait.ge [sflag:s0], $0x1000  }
0x358: {  	[sflag:s0] =	ssyncset.done $0x0  }
0x359: {  	[sflag:s0] =	ssyncadd.s32 $0xFFFFF000  }
0x35a: {  	_ =	swait.ge [sflag:s0], $0x1000  }
0x35b: {  	[sflag:s0] =	ssyncset.done $0x0  }
0x35c: {  	[sflag:s0] =	ssyncadd.s32 $0xFFFFF000  }
0x35d: {  	_ =	swait.ge [sflag:s0], $0x1000  }
0x35e: {  	[sflag:s0] =	ssyncset.done $0x0  }
0x35f: {  	[sflag:s0] =	ssyncadd.s32 $0xFFFFF000  }
0x360: {  	_ =	swait.ge [sflag:s0], $0x1000  }
0x361: {  	[sflag:s0] =	ssyncset.done $0x0  }
0x362: {  	[sflag:s0] =	ssyncadd.s32 $0xFFFFF000  }
0x363: {  	_ =	swait.ge [sflag:s0], $0x1000  }
0x364: {  	[sflag:s0] =	ssyncset.done $0x0  }
0x365: {  	[sflag:s0] =	ssyncadd.s32 $0xFFFFF000  }
0x366: {  	_ =	swait.ge [sflag:s0], $0x1000  }
0x367: {  	[sflag:s0] =	ssyncset.done $0x0  }
0x368: {  	[sflag:s0] =	ssyncadd.s32 $0xFFFFF000  }
0x369: {  	_ =	swait.ge [sflag:s0], $0x1000  }
0x36a: {  	[sflag:s0] =	ssyncset.done $0x0  }
0x36b: {  	[sflag:s0] =	ssyncadd.s32 $0xFFFFF000  }
0x36c: {  	_ =	swait.ge [sflag:s0], $0x1000  }
0x36d: {  	[sflag:s0] =	ssyncset.done $0x0  }
0x36e: {  	[sflag:s0] =	ssyncadd.s32 $0xFFFFF000  }
0x36f: {  	_ =	swait.ge [sflag:s0], $0x1000  }
0x370: {  	[sflag:s0] =	ssyncset.done $0x0  }
0x371: {  	[sflag:s0] =	ssyncadd.s32 $0xFFFFF000  }
0x372: {  	_ =	swait.ge [sflag:s0], $0x1000  }
0x373: {  	[sflag:s0] =	ssyncset.done $0x0  }
0x374: {  	[sflag:s0] =	ssyncadd.s32 $0xFFFFF000  }
0x375: {  	_ =	swait.ge [sflag:s0], $0x1000  }
0x376: {  	[sflag:s0] =	ssyncset.done $0x0  }
0x377: {  	[sflag:s0] =	ssyncadd.s32 $0xFFFFF000  }
0x378: {  	_ =	swait.ge [sflag:s0], $0x1000  }
0x379: {  	[sflag:s0] =	ssyncset.done $0x0  }
0x37a: {  	[sflag:s0] =	ssyncadd.s32 $0xFFFFF000  }
0x37b: {  	_ =	swait.ge [sflag:s0], $0x1000  }
0x37c: {  	[sflag:s0] =	ssyncset.done $0x0  }
0x37d: {  	[sflag:s0] =	ssyncadd.s32 $0xFFFFF000  }
0x37e: {  	_ =	swait.ge [sflag:s0], $0x1000  }
0x37f: {  	[sflag:s0] =	ssyncset.done $0x0  }
0x380: {  	[sflag:s0] =	ssyncadd.s32 $0xFFFFF000  }
0x381: {  	_ =	swait.ge [sflag:s0], $0x1000  }
0x382: {  	[sflag:s0] =	ssyncset.done $0x0  }
0x383: {  	[sflag:s0] =	ssyncadd.s32 $0xFFFFF000  }
0x384: {  	_ =	swait.ge [sflag:s0], $0x1000  }
0x385: {  	[sflag:s0] =	ssyncset.done $0x0  }
0x386: {  	[sflag:s0] =	ssyncadd.s32 $0xFFFFF000  }
0x387: {  	_ =	swait.ge [sflag:s0], $0x1000  }
0x388: {  	[sflag:s0] =	ssyncset.done $0x0  }
0x389: {  	[sflag:s0] =	ssyncadd.s32 $0xFFFFF000  }
.Ltmp22:
0x38a: {  	_ =	swait.ge [sflag:s0], $0x1000;
	(pc) =	sbr.rel @p0 .LBB2_44-.Ltmp22, $4  }
0x38b: {  	[sflag:s0] =	ssyncset.done $0x0  }
0x38c: {  	[sflag:s0] =	ssyncadd.s32 $0xFFFFF000  }
0x38d: {  	s28 =	sadd.s32 $0x0, s7;
	[bflag:$0x0] =	sbarrier.arrive $0xFFFF  }
0x38e: {  	s9 =	simm.s32 $0x1000;
	p1 =	sgt.u32 s28, $0x139  }
0x38f: {  	s11 =	rddreg [dreg:$0x14]  }
0x390: {  	s14 =	sshll.u32 @!p1 s7, $0x6;
	s18 =	simm.s32 @!p1 $0x3;
	s16 =	rddreg [dreg:$0x1a]  }
0x391: {  	s17 =	simm.s32 $0x20;
	s15 =	sshrl.u32 @!p1 s11, $0x3;
	s14 =	sor.u32 @!p1 $0x1C03, s14  }
0x392: {  	[hbm:s16], [sflag:s14] =	dma.local @!p1 [spmem:s15], $0x80  }
0x393: {  	s19 =	sadd.s32 $0x10, s7;
	s15 =	sadd.s32 $0x4000, s11;
	_ =	swait.ge @!p1 [sflag:s18], $0x80  }
0x394: {  	s16 =	sadd.s32 $0x800, s16;
	[sflag:s18] =	ssyncset.done @!p1 $0x0;
	s10 =	rddreg [dreg:$0x1b]  }
.LBB2_42:
0x395: {  	s14 =	smov.u32 s17;
	s17 =	sadd.s32 $0x10, s17  }
0x396: {  	[sflag:s18] =	ssyncadd.s32 @!p1 $0xFFFFFF80;
	p1 =	sgt.u32 s19, $0x139;
	p2 =	seq.s32 s17, $0x140  }
.Ltmp23:
0x397: {  	s18 =	sshll.u32 @!p1 s7, $0x6;
	s19 =	sshrl.u32 @!p1 s15, $0x3;
	(pc) =	sbr.rel @!p2 .LBB2_42-.Ltmp23, $4  }
0x398: {  	s20 =	sor.u32 @!p1 $0x1C03, s18;
	s18 =	simm.s32 @!p1 $0x3  }
0x399: {  	[hbm:s16], [sflag:s20] =	dma.local @!p1 [spmem:s19], $0x80  }
0x39a: {  	s15 =	sadd.s32 $0x4000, s15;
	_ =	swait.ge @!p1 [sflag:s18], $0x80  }
0x39b: {  	s19 =	sadd.s32 s14, s7;
	s16 =	sadd.s32 $0x800, s16;
	[sflag:s18] =	ssyncset.done @!p1 $0x0  }
0x39c: {  	p2 =	sgt.u32 s19, $0x139  }
0x39d: {  	[sflag:s18] =	ssyncadd.s32 @!p1 $0xFFFFFF80;
	s14 =	sshll.u32 @!p2 s7, $0x6;
	s15 =	sshrl.u32 @!p2 s15, $0x3  }
.Ltmp24:
0x39e: {  	s17 =	simm.s32 @!p2 $0x3;
	s14 =	sor.u32 @!p2 $0x1C03, s14;
	(pc) =	sbr.rel .LBB2_47-.Ltmp24, $4  }
0x39f: {  	[hbm:s16], [sflag:s14] =	dma.local @!p2 [spmem:s15], $0x80  }
0x3a0: {  	_ =	swait.ge @!p2 [sflag:s17], $0x80  }
0x3a1: {  	[sflag:s17] =	ssyncset.done @!p2 $0x0  }
0x3a2: {  	s3 =	simm.s32 $0x0;
	[sflag:s17] =	ssyncadd.s32 @!p2 $0xFFFFFF80  }
.LBB2_44:
0x3a3: {  	s11 =	rddreg [dreg:$0x14]  }
0x3a4: {  	s14 =	sshll.u32 @!p1 s7, $0x6;
	s18 =	simm.s32 @!p1 $0x3;
	s16 =	rddreg [dreg:$0x19]  }
0x3a5: {  	s17 =	simm.s32 $0x20;
	s15 =	sshrl.u32 @!p1 s11, $0x3;
	s14 =	sor.u32 @!p1 $0x1C03, s14  }
0x3a6: {  	[hbm:s16], [sflag:s14] =	dma.local @!p1 [spmem:s15], $0x80  }
0x3a7: {  	s19 =	sadd.s32 $0x10, s7;
	s15 =	sadd.s32 $0x4000, s11;
	_ =	swait.ge @!p1 [sflag:s18], $0x80  }
0x3a8: {  	s16 =	sadd.s32 $0x800, s16;
	[sflag:s18] =	ssyncset.done @!p1 $0x0;
	s10 =	rddreg [dreg:$0x1b]  }
.LBB2_45:
0x3a9: {  	s14 =	smov.u32 s17;
	s17 =	sadd.s32 $0x10, s17  }
0x3aa: {  	[sflag:s18] =	ssyncadd.s32 @!p1 $0xFFFFFF80;
	p1 =	sgt.u32 s19, $0x139;
	p2 =	sne.s32 s17, $0x140  }
.Ltmp25:
0x3ab: {  	s18 =	sshll.u32 @!p1 s7, $0x6;
	s19 =	sshrl.u32 @!p1 s15, $0x3;
	(pc) =	sbr.rel @p2 .LBB2_45-.Ltmp25, $4  }
0x3ac: {  	s20 =	sor.u32 @!p1 $0x1C03, s18;
	s18 =	simm.s32 @!p1 $0x3  }
0x3ad: {  	[hbm:s16], [sflag:s20] =	dma.local @!p1 [spmem:s19], $0x80  }
0x3ae: {  	s15 =	sadd.s32 $0x4000, s15;
	_ =	swait.ge @!p1 [sflag:s18], $0x80  }
0x3af: {  	s19 =	sadd.s32 s14, s7;
	s16 =	sadd.s32 $0x800, s16;
	[sflag:s18] =	ssyncset.done @!p1 $0x0  }
0x3b0: {  	p2 =	sgt.u32 s19, $0x139  }
0x3b1: {  	[sflag:s18] =	ssyncadd.s32 @!p1 $0xFFFFFF80;
	s14 =	sshll.u32 @!p2 s7, $0x6;
	s15 =	sshrl.u32 @!p2 s15, $0x3  }
.Ltmp26:
0x3b2: {  	s17 =	simm.s32 @!p2 $0x3;
	s14 =	sor.u32 @!p2 $0x1C03, s14;
	(pc) =	sbr.rel .LBB2_47-.Ltmp26, $4  }
0x3b3: {  	[hbm:s16], [sflag:s14] =	dma.local @!p2 [spmem:s15], $0x80  }
0x3b4: {  	_ =	swait.ge @!p2 [sflag:s17], $0x80  }
0x3b5: {  	[sflag:s17] =	ssyncset.done @!p2 $0x0  }
0x3b6: {  	s3 =	simm.s32 $0x0;
	[sflag:s17] =	ssyncadd.s32 @!p2 $0xFFFFFF80  }
.LBB2_48:
0x3b7: {  	_ =	sfence.sel $0x180000  }
0x3b8: {  	[bflag:$0x0] =	sbarrier.arrive $0xFFFF  }
0x3b9: {  	_ =	strace $0x9000004A  }
0x3ba: {  	[bflag:$0x2] =	sbarrier.arrive $0xFFFF  }
0x3bb: {  	p0 =	sne.s32 s7, $0x0;
	s0 =	rddreg [dreg:$0x3]  }
0x3bc: {  	s0 =	sadd.s32 @!p0 $0x100000, s0  }
0x3bd: {  	[sflag:s0] =	ssyncadd.tile.s32 @!p0 $0x1;
	_ =	shalt  }
.Lfunc_end2:
_tile_overlayer_lowered:
.L_overlay_start_2:
0x3be: {  	(tag) =	ssettag $0x2  }
0x3bf: {  	s0 =	rddreg [dreg:$0x0];
	s2 =	stileid.u32  }
0x3c0: {  	s1 =	rddreg [dreg:$0x1];
	p0 =	sne.s32 s2, $0x0  }
0x3c1: {  	s3 =	rddreg [dreg:$0x2];
	[bflag:$0x3] =	sbarrier.arrive $0xFFFF;
	s2 =	simm.s32 @!p0 $0x1C03  }
0x3c2: {  	[timem:s3], [sflag:s2] =	dma.local @!p0 [hbm:s0], s1  }
0x3c3: {  	s0 =	simm.s32 @!p0 $0x3  }
0x3c4: {  	_ =	swait.ge @!p0 [sflag:s0], s1  }
0x3c5: {  	s1 =	ssub.s32 @!p0 $0x0, s1;
	[sflag:s0] =	ssyncset.done @!p0 $0x0  }
0x3c6: {  	[sflag:s0] =	ssyncadd.s32 @!p0 s1  }
0x3c7: {  	[bflag:$0x3] =	sbarrier.arrive $0xFFFF  }
0x3c8: {  	_ =	shalt  }

// kernel: kernel.8.cloned.1.call-start
scs
__scs_entry_jumppad:
0x0: {  	(pc) =	sbr.rel $0x88, $3  }
0x1: {  	(tag) =	ssettag $0x0;
	lr =	simm.s32 $0x1  }
0x2: {  	[smem:$0x3F8C] =	sst lr;
	_ =	strace $0xD0000000  }
0x3: {  	_ = 	snop  }
0x4: {  	_ = 	snop  }
0x5: {  	_ = 	snop  }
0x6: {  	_ = 	snop  }
0x7: {  	_ = 	snop  }
__scs_overlays_trampoline_lowered:
0x8: {  	[smem:$0x3F9B] =	sst s0  }
0x9: {  	[smem:$0x3F9C] =	sst s1  }
0xa: {  	[smem:$0x3F9D] =	sst s2  }
0xb: {  	[smem:$0x3F9E] =	sst s3  }
0xc: {  	[smem:$0x3F9F] =	sst s4  }
0xd: {  	[smem:$0x3FA0] =	sst s5  }
0xe: {  	[smem:$0x3FA1] =	sst s6  }
0xf: {  	[smem:$0x3FA2] =	sst s7  }
0x10: {  	[smem:$0x3FA3] =	sst s8  }
0x11: {  	[smem:$0x3FA4] =	sst s9;
	s0 =	simm.s32 @!p0 $0x0  }
0x12: {  	s1 =	sld [smem:$0x3F8A];
	s0 =	simm.s32 @p0 $0x1  }
0x13: {  	[smem:$0x3FA5] =	sst s0;
	s0 =	simm.s32 @!p1 $0x0  }
0x14: {  	s2 =	sld [smem:$0x3F89];
	s0 =	simm.s32 @p1 $0x1  }
0x15: {  	[smem:$0x3FA6] =	sst s0;
	s0 =	simm.s32 @!p2 $0x0  }
0x16: {  	s3 =	sld [smem:$0x3FDB];
	s0 =	simm.s32 @p2 $0x1  }
0x17: {  	s4 =	simm.s32 $0x1BF5;
	[smem:$0x3FA8] =	sst s0  }
0x18: {  	s0 =	sld [smem:$0x3F8B];
	_ =	swait.ge [sflag:s4], $0x0  }
0x19: {  	s7 =	sld [smem:$0x3F8C]  }
0x1a: {  	s8 =	sadd.s32 $0xFFFFE003, lr  }
0x1b: {  	s9 =	sadd.s32 $0xFFFFFEF7, lr;
	s5 =	simm.s32 $0xFFFFFFFF;
	p2 =	slt.u32 s8, $0xFFFFF086  }
0x1c: {  	p1 =	slt.u32 s9, $0xF7A;
	s5 =	simm.s32 @!p2 $0x0  }
0x1d: {  	s5 =	simm.s32 @p1 $0x1;
	p0 =	seq.s32 s7, s2  }
0x1e: {  	s7 =	smul.u32 @!p0 $0xF7A, s2;
	p2 =	seq.s32 @!p0 s5, $0x0  }
0x1f: {  	s9 =	smul.u32 $0xF7A, s1;
	s8 =	simm.s32 @!p0 $0x1BF5;
	p2 =	por !p2, p0  }
0x20: {  	[sflag:s8] =	ssyncset.s32 @!p0 $0xFFFFF086;
	s6 =	sadd.s32 @!p0 s3, s7;
	s7 =	simm.s32 @!p0 $0x108  }
0x21: {  	s3 =	sadd.s32 s3, s9;
	s6 =	sadd.s32 @!p0 $0x88, s6;
	s7 =	simm.s32 @p2 $0x1082  }
0x22: {  	[simem:s7], [sflag:s8] =	dma.local @!p0 [hbm:s6], $0xF7A  }
0x23: {  	s9 =	sor.u32 $0xD0000000, s2;
	s6 =	simm.s32 $0x108;
	_ =	swait.ge @!p0 [sflag:s8], $0x0  }
0x24: {  	s3 =	sadd.s32 $0x88, s3;
	s6 =	simm.s32 @!p1 $0x1082;
	[sflag:s4] =	ssyncset.s32 $0xFFFFF086  }
0x25: {  	[simem:s6], [sflag:s4] =	dma.local [hbm:s3], $0xF7A  }
0x26: {  	[smem:$0x3F8C] =	sst s1;
	(tag) =	ssettag s2;
	_ =	strace s9  }
0x27: {  	s1 =	sld [smem:$0x3F9C]  }
0x28: {  	s2 =	sld [smem:$0x3F9D]  }
0x29: {  	s4 =	sld [smem:$0x3F9F]  }
0x2a: {  	p0 =	seq.s32 s5, $0x0;
	s5 =	sld [smem:$0x3FA0]  }
0x2b: {  	s6 =	sld [smem:$0x3FA1]  }
0x2c: {  	s7 =	sld [smem:$0x3FA2]  }
0x2d: {  	s3 =	simm.s32 $0x108;
	s8 =	sld [smem:$0x3FA3]  }
0x2e: {  	s3 =	simm.s32 @!p0 $0x1082;
	s9 =	sld [smem:$0x3FA4]  }
0x2f: {  	lr =	sadd.s32 s0, s3;
	s0 =	sld [smem:$0x3F9B]  }
0x30: {  	s3 =	sld [smem:$0x3F9E]  }
0x31: {  	[smem:$0x3FA7] =	sst s10  }
0x32: {  	s10 =	sld [smem:$0x3FA5];
	_ =	sdelay $0x3  }
0x33: {  	p0 =	seq.s32 s10, $0x1;
	s10 =	sld [smem:$0x3FA7];
	_ =	sdelay $0x3  }
0x34: {  	[smem:$0x3FA7] =	sst s10  }
0x35: {  	s10 =	sld [smem:$0x3FA6];
	_ =	sdelay $0x3  }
0x36: {  	p1 =	seq.s32 s10, $0x1;
	s10 =	sld [smem:$0x3FA7];
	_ =	sdelay $0x3  }
0x37: {  	[smem:$0x3FA7] =	sst s10  }
0x38: {  	s10 =	sld [smem:$0x3FA8]  }
0x39: {  	_ = 	snop;
	(pc) =	sbr.ind lr, $3  }
0x3a: {  	_ = 	snop  }
0x3b: {  	_ = 	snop  }
0x3c: {  	p2 =	seq.s32 s10, $0x1;
	s10 =	sld [smem:$0x3FA7]  }
0x3d: {  	_ =	shalt  }
0x3e: {  	_ =	shalt  }
0x3f: {  	_ =	shalt  }
0x40: {  	_ =	shalt  }
0x41: {  	_ =	shalt  }
0x42: {  	_ =	shalt  }
0x43: {  	_ =	shalt  }
0x44: {  	_ =	shalt  }
0x45: {  	_ =	shalt  }
0x46: {  	_ =	shalt  }
0x47: {  	_ =	shalt  }
0x48: {  	_ =	shalt  }
0x49: {  	_ =	shalt  }
0x4a: {  	_ =	shalt  }
0x4b: {  	_ =	shalt  }
0x4c: {  	_ =	shalt  }
0x4d: {  	_ =	shalt  }
0x4e: {  	_ =	shalt  }
0x4f: {  	_ =	shalt  }
0x50: {  	_ =	shalt  }
0x51: {  	_ =	shalt  }
0x52: {  	_ =	shalt  }
0x53: {  	_ =	shalt  }
0x54: {  	_ =	shalt  }
0x55: {  	_ =	shalt  }
0x56: {  	_ =	shalt  }
0x57: {  	_ =	shalt  }
0x58: {  	_ =	shalt  }
0x59: {  	_ =	shalt  }
0x5a: {  	_ =	shalt  }
0x5b: {  	_ =	shalt  }
0x5c: {  	_ =	shalt  }
0x5d: {  	_ =	shalt  }
0x5e: {  	_ =	shalt  }
0x5f: {  	_ =	shalt  }
0x60: {  	_ =	shalt  }
0x61: {  	_ =	shalt  }
0x62: {  	_ =	shalt  }
0x63: {  	_ =	shalt  }
0x64: {  	_ =	shalt  }
0x65: {  	_ =	shalt  }
0x66: {  	_ =	shalt  }
0x67: {  	_ =	shalt  }
0x68: {  	_ =	shalt  }
0x69: {  	_ =	shalt  }
0x6a: {  	_ =	shalt  }
0x6b: {  	_ =	shalt  }
0x6c: {  	_ =	shalt  }
0x6d: {  	_ =	shalt  }
0x6e: {  	_ =	shalt  }
0x6f: {  	_ =	shalt  }
0x70: {  	_ =	shalt  }
0x71: {  	_ =	shalt  }
0x72: {  	_ =	shalt  }
0x73: {  	_ =	shalt  }
0x74: {  	_ =	shalt  }
0x75: {  	_ =	shalt  }
0x76: {  	_ =	shalt  }
0x77: {  	_ =	shalt  }
0x78: {  	_ =	shalt  }
0x79: {  	_ =	shalt  }
0x7a: {  	_ =	shalt  }
0x7b: {  	_ =	shalt  }
0x7c: {  	_ =	shalt  }
0x7d: {  	_ =	shalt  }
0x7e: {  	_ =	shalt  }
0x7f: {  	_ =	shalt  }
0x80: {  	_ =	shalt  }
0x81: {  	_ =	shalt  }
0x82: {  	_ =	shalt  }
0x83: {  	_ =	shalt  }
0x84: {  	_ =	shalt  }
0x85: {  	_ =	shalt  }
0x86: {  	_ =	shalt  }
0x87: {  	_ =	shalt  }
.Lfunc_end0:
.L_simem_size_0:
called_computation_lowered:
.L_overlay_start_0:
0x88: {  	s2 =	sld [smem:$0x3FD9]  }
0x89: {  	s3 =	sld [smem:$0x3FFE];
	_ =	sdelay $0x1  }
0x8a: {  	s1 =	srdreg.scid  }
0x8b: {  	s0 =	sand.u32 $0x1, s1  }
0x8c: {  	s16 =	sshll.u32 s0, $0xA;
	s2 =	sadd.s32 s3, s2  }
0x8d: {  	s2 =	sadd.s32 s2, s16  }
0x8e: {  	[smem:$0x3FB3] =	sst s2  }
0x8f: {  	_ = 	snop  }
0x90: {  	(tm) =	ssettm $0x1  }
0x91: {  	s17 =	sld [smem:$0x3FFB];
	_ =	sdelay $0x3  }
0x92: {  	_ =	strace s17  }
0x93: {  	s2 =	sld [smem:$0x3FFC];
	_ =	sdelay $0x3  }
0x94: {  	_ =	strace s2  }
0x95: {  	s2 =	sld [smem:$0x3FFD];
	_ =	sdelay $0x3  }
0x96: {  	_ =	strace s2  }
0x97: {  	_ =	strace $0x8FFFFFFF  }
0x98: {  	s18 =	sld [smem:$0x3FDB];
	_ =	sdelay $0x1  }
0x99: {  	s19 =	simm.s32 $_scs_section_size  }
0x9a: {  	s4 =	simm.s32 $_size__tile_overlayer_lowered;
	s5 =	simm.s32 $_tile_overlayer_lowered  }
0x9b: {  	s22 =	simm.s32 $0x1BFF;
	s21 =	sshll.u32 s5, $0x1;
	s2 =	sadd.s32 s19, s18  }
0x9c: {  	s6 =	simm.s32 $0x0;
	s20 =	sshll.u32 s4, $0x1;
	s4 =	sadd.s32 s21, s2  }
0x9d: {  	[timem:s6], [sflag:s22] =	dma.local [hbm:s4], s20  }
0x9e: {  	_ =	swait.ge [sflag:s22], s20  }
0x9f: {  	s3 =	ssub.s32 $0x0, s20;
	[sflag:s22] =	ssyncset.done $0x0  }
0xa0: {  	[sflag:s22] =	ssyncadd.s32 s3;
	_ =	sdelay $0x1  }
0xa1: {  	s23 =	simm.s32 $0x1B8B  }
0xa2: {  	_ =	swait.ge [sflag:s23], $0x1  }
0xa3: {  	[sflag:s23] =	ssyncset.done $0x0  }
0xa4: {  	s25 =	simm.s32 $0x1B8E;
	s24 =	sld [smem:$0x3FFE];
	[sflag:s23] =	ssyncadd.s32 $0xFFFFFFFF  }
0xa5: {  	s26 =	simm.s32 $execute0_lowered;
	[smem:$0x3FD2] =	sst s25  }
0xa6: {  	s4 =	sshll.u32 s26, $0x1;
	_ =	strace $0x80000046;
	[dreg:$0x1] =	wrdreg $0xFFFFFFFF  }
0xa7: {  	s28 =	simm.s32 $_size_execute0_lowered;
	s2 =	sadd.s32 s2, s4;
	[dreg:$0x0] =	wrdreg $0x0  }
0xa8: {  	s4 =	sshll.u32 s28, $0x1;
	[dreg:$0x2] =	wrdreg s2  }
0xa9: {  	[dreg:$0x3] =	wrdreg s4  }
0xaa: {  	[dreg:$0x4] =	wrdreg $0xC0  }
0xab: {  	_ =	task [dreg:s6], $0x5FFFF  }
0xac: {  	[dreg:$0x1] =	wrdreg $0xFFFFFFFF  }
0xad: {  	[dreg:$0x0] =	wrdreg $0x60  }
0xae: {  	[dreg:$0x2] =	wrdreg s24  }
0xaf: {  	[dreg:$0x3] =	wrdreg $0x4A000  }
0xb0: {  	[dreg:$0x4] =	wrdreg $0x9  }
0xb1: {  	_ =	task.clear_ibuf [dreg:s6], $0x5FFFF;
	_ =	strace $0x90000046  }
0xb2: {  	s29 =	simm.s32 $0x9;
	_ =	strace $0x80000048  }
0xb3: {  	_ =	swait.ge [sflag:s29], $0x1  }
0xb4: {  	[sflag:s29] =	ssyncadd.s32 $0xFFFFFFFF  }
0xb5: {  	_ =	strace $0x90000048  }
0xb6: {  	_ =	sfence  }
0xb7: {  	s30 =	sld [smem:$0x0];
	_ =	sdelay $0x2  }
0xb8: {  	s31 =	sshll.u32 s1, $0xD;
	s1 =	sshrl.u32 s1, $0x2  }
0xb9: {  	s3 =	sand.u32 $0x4000, s31;
	s1 =	sadd.s32 s1, s30  }
0xba: {  	s0 =	sor.u32 s3, s0;
	s1 =	sshll.u32 s1, $0x11  }
0xbb: {  	s0 =	sor.u32 s1, s0  }
0xbc: {  	s0 =	sadd.s32 $0x8F2B, s0  }
0xbd: {  	[sflag:s0] =	ssyncadd.remote.s32 $0x1  }
0xbe: {  	_ =	sfence.sel $0xFFFF  }
0xbf: {  	[dreg:$0x0] =	wrdreg $0xFFFFFFFF;
	(pc) =	sbr.abs _section_cstart, $3  }
0xc0: {  	[dreg:$0x1] =	wrdreg $0xFFFFFFFF  }
0xc1: {  	_ =	task.clear_ibuf [dreg:s6], $0x2FFFF;
	_ =	strace $0x9FFFFFFF  }
0xc2: {  	(tm) =	ssettm $0x7FFFFFFF  }
0xc3: {  	_ =	shalt  }
tec
execute0_lowered:
.L_overlay_start_1:
0x0: {  	(tag) =	ssettag $0x1  }
0x1: {  	s0 =	rddreg [dreg:$0x0]  }
0x2: {  	s1 =	rddreg [dreg:$0x1];
	s2 =	simm.s32 $0x0  }
0x3: {  	s8 =	srdreg.scid;
	[smem:$0x7FF] =	sst s2;
	s6 =	sadd.s32 $0x78E00, s0  }
0x4: {  	s9 =	sadd.s32 $0x68C00, s0;
	_ =	strace $0x80000047;
	[dreg:$0xe] =	wrdreg s6  }
0x5: {  	s16 =	simm.s32 $0x1080;
	s11 =	sadd.s32 $0x68A00, s0;
	[dreg:$0x10] =	wrdreg s9  }
0x6: {  	s18 =	simm.s32 $0x1100;
	s13 =	sadd.s32 $0x68E00, s0;
	[dreg:$0x11] =	wrdreg s11  }
0x7: {  	s20 =	simm.s32 $0x1180;
	s22 =	simm.s32 $0x1200;
	[dreg:$0xf] =	wrdreg s13  }
0x8: {  	s24 =	simm.s32 $0x1280;
	s31 =	simm.s32 $0x1880;
	[dreg:$0x4] =	wrdreg s16  }
0x9: {  	s3 =	sadd.s32 $0x50200, s0;
	s4 =	sadd.s32 $0x37A00, s0;
	[dreg:$0x5] =	wrdreg s18  }
0xa: {  	s5 =	sadd.s32 $0x1F200, s0;
	s7 =	sadd.s32 $0x6A00, s0;
	[dreg:$0x6] =	wrdreg s20  }
0xb: {  	s8 =	sand.u32 $0x1, s8;
	s6 =	stileid.u32;
	[dreg:$0x7] =	wrdreg s22  }
0xc: {  	s10 =	ssub.s32 $0x2, s8;
	s28 =	sshll.u32 s8, $0xF;
	[dreg:$0x8] =	wrdreg s24  }
0xd: {  	p0 =	sne.s32 s8, $0x0;
	s22 =	simm.s32 $0x3;
	s8 =	simm.s32 $0x1000  }
0xe: {  	s25 =	sshll.u32 s6, $0x6;
	s26 =	sshrl.u32 s10, $0x1;
	s12 =	sshll.u32 s6, $0xC  }
0xf: {  	s0 =	sadd.s32 s25, s0;
	[dreg:$0x12] =	wrdreg s12;
	s25 =	simm.s32 $0x1300  }
0x10: {  	s9 =	ssub.s32 s10, s26;
	s26 =	simm.s32 $0x1380;
	[dreg:$0x9] =	wrdreg s25  }
0x11: {  	s10 =	sadd.s32 s28, s13;
	s28 =	simm.s32 $0x1400;
	[dreg:$0xa] =	wrdreg s26  }
0x12: {  	s11 =	simm.s32 $0x1B80;
	s9 =	smax.u32 s9, $0x1;
	[dreg:$0xb] =	wrdreg s28  }
0x13: {  	s29 =	sshll.u32 s6, $0xB;
	s15 =	sadd.s32 $0xD2600, s0;
	[dreg:$0x13] =	wrdreg s9  }
0x14: {  	s24 =	simm.s32 $0x0;
	s14 =	sadd.s32 s29, s10;
	[dreg:$0x15] =	wrdreg s15  }
0x15: {  	s30 =	sshrl.u32 s29, $0x2;
	s17 =	sadd.s32 $0xB9E00, s0;
	[dreg:$0x3] =	wrdreg s14  }
0x16: {  	s13 =	simm.s32 $0x1C00;
	s19 =	sadd.s32 $0x103600, s0;
	[dreg:$0x16] =	wrdreg s17  }
0x17: {  	s12 =	sadd.s32 s30, s1;
	s21 =	sadd.s32 $0xEAE00, s0;
	[dreg:$0x17] =	wrdreg s19  }
0x18: {  	s23 =	sadd.s32 $0x88E00, s0;
	s0 =	sadd.s32 $0xA1600, s0;
	[dreg:$0x18] =	wrdreg s21  }
.Ltmp0:
0x19: {  	s29 =	simm.s32 $0x1480;
	[dreg:$0x19] =	wrdreg s23;
	(pc) =	sbr.rel .LBB2_1-.Ltmp0, $4  }
0x1a: {  	s30 =	simm.s32 $0x1500;
	s25 =	simm.s32 $0x80;
	[dreg:$0x1a] =	wrdreg s0  }
0x1b: {  	s10 =	simm.s32 $0x1;
	s26 =	simm.s32 $0x1B00;
	[dreg:$0xc] =	wrdreg s29  }
0x1c: {  	s23 =	simm.s32 $0x4000;
	[dreg:$0xd] =	wrdreg s30;
	s21 =	simm.s32 $0x2  }
0x1d: {  	s0 =	simm.s32 $0x0;
	[dreg:$0x14] =	wrdreg s12;
	s15 =	simm.s32 $0x1C80  }
.LBB2_47:
0x1e: {  	s0 =	sadd.s32 $0x1, s0;
	s14 =	rddreg [dreg:$0x13]  }
0x1f: {  	p1 =	sne.s32 s0, s14  }
.Ltmp1:
0x20: {  	_ = 	snop;
	(pc) =	sbr.rel @!p1 .LBB2_48-.Ltmp1, $1  }
0x21: {  	_ =	sdelay $0x3  }
.LBB2_1:
0x22: {  	s14 =	rddreg [dreg:$0x10];
	s16 =	simm.s32 $0x4800  }
0x23: {  	[tilespmem:s16], [sflag:$0x3] =	stream.linear.gather [hbm4b:s14+s2], $0x200, $0x38;
	[tilespmem:$0x10D80] =	vst v63  }
0x24: {  	_ =	swait.ge [sflag:s22], $0x200  }
0x25: {  	[sflag:s22] =	ssyncset.done $0x0  }
.Ltmp2:
0x26: {  	s30 =	rddreg [dreg:$0x11];
	[sflag:s22] =	ssyncadd.s32 $0xFFFFFE00;
	(pc) =	sbr.rel @p0 .LBB2_19-.Ltmp2, $4  }
0x27: {  	[tilespmem:s23], [sflag:$0x3] =	stream.linear.gather [hbm4b:s30+s2], $0x800, $0x38;
	[tilespmem:$0x10D80] =	vst v63  }
0x28: {  	_ =	swait.ge [sflag:s22], $0x800  }
0x29: {  	[sflag:s22] =	ssyncset.done $0x0  }
0x2a: {  	[sflag:s22] =	ssyncadd.s32 $0xFFFFF800  }
0x2b: {  	s14 =	sadd.s32 $0x0, s6  }
0x2c: {  	p1 =	sgt.u32 s14, $0x61B  }
0x2d: {  	s14 =	simm.s32 @!p1 $0x4800;
	s18 =	simm.s32 @!p1 $0x3  }
0x2e: {  	[spmem:s12] =	stream.linear.scatter @!p1 [tilespmem:s14], [sflag:$0x3], $0x200, $0x38;
	[tilespmem:$0x10D80] =	vst v63  }
0x2f: {  	s16 =	simm.s32 $0x10;
	_ =	swait.ge @!p1 [sflag:s18], $0x200  }
0x30: {  	s17 =	simm.s32 $0x20;
	s14 =	sadd.s32 $0x2000, s12;
	[sflag:s18] =	ssyncset.done @!p1 $0x0  }
.LBB2_3:
0x31: {  	s19 =	sadd.s32 s16, s6;
	s16 =	smov.u32 s17;
	s17 =	sadd.s32 $0x10, s17  }
0x32: {  	[sflag:s18] =	ssyncadd.s32 @!p1 $0xFFFFFE00;
	p2 =	sne.s32 s17, $0x620  }
.Ltmp3:
0x33: {  	p1 =	sgt.u32 s19, $0x61B;
	(pc) =	sbr.rel @p2 .LBB2_3-.Ltmp3, $4  }
0x34: {  	s19 =	simm.s32 @!p1 $0x4800;
	s18 =	simm.s32 @!p1 $0x3  }
0x35: {  	[spmem:s14] =	stream.linear.scatter @!p1 [tilespmem:s19], [sflag:$0x3], $0x200, $0x38;
	[tilespmem:$0x10D80] =	vst v63  }
0x36: {  	_ =	swait.ge @!p1 [sflag:s18], $0x200  }
0x37: {  	s14 =	sadd.s32 $0x2000, s14;
	[sflag:s18] =	ssyncset.done @!p1 $0x0  }
0x38: {  	s16 =	sadd.s32 s16, s6  }
0x39: {  	p2 =	sgt.u32 s16, $0x61B  }
0x3a: {  	[sflag:s18] =	ssyncadd.s32 @!p1 $0xFFFFFE00;
	s16 =	simm.s32 @!p2 $0x4800;
	s17 =	simm.s32 @!p2 $0x3  }
0x3b: {  	[spmem:s14] =	stream.linear.scatter @!p2 [tilespmem:s16], [sflag:$0x3], $0x200, $0x38;
	[tilespmem:$0x10D80] =	vst v63  }
0x3c: {  	_ =	swait.ge @!p2 [sflag:s17], $0x200  }
0x3d: {  	[sflag:s17] =	ssyncset.done @!p2 $0x0  }
0x3e: {  	[sflag:s17] =	ssyncadd.s32 @!p2 $0xFFFFFE00  }
0x3f: {  	s16 =	simm.s32 $0x0;
	[bflag:$0x0] =	sbarrier.arrive $0xFFFF  }
.LBB2_5:
0x40: {  	s14 =	sshll.u32 s16, $0x9;
	s17 =	rddreg [dreg:$0x12]  }
0x41: {  	s20 =	rddreg [dreg:$0xe];
	s14 =	sadd.s32 s17, s14  }
0x42: {  	s17 =	sadd.s32 s20, s14  }
0x43: {  	[tilespmem:s2], [sflag:$0x3] =	stream.linear.gather [hbm4b:s17+s2], $0x1000, $0x38;
	[tilespmem:$0x10D80] =	vst v63  }
0x44: {  	_ =	swait.ge [sflag:s22], $0x1000  }
0x45: {  	[sflag:s22] =	ssyncset.done $0x0;
	s29 =	rddreg [dreg:$0xf]  }
0x46: {  	[sflag:s22] =	ssyncadd.s32 $0xFFFFF000;
	s14 =	sadd.s32 s29, s14  }
0x47: {  	[tilespmem:s8], [sflag:$0x3] =	stream.linear.gather [hbm4b:s14+s2], $0x1000, $0x38;
	[tilespmem:$0x10D80] =	vst v63  }
0x48: {  	_ =	swait.ge [sflag:s22], $0x1000  }
0x49: {  	[sflag:s22] =	ssyncset.done $0x0  }
0x4a: {  	s30 =	simm.s32 $0x2000;
	[sflag:s22] =	ssyncadd.s32 $0xFFFFF000  }
0x4b: {  	[tilespmem:s30], [sflag:$0x1] =	stream.indirect.gather [hbm4b:s3+s25], $0x10, s2, s25, $0xb8;
	[tilespmem:$0x10D80] =	vst v63  }
0x4c: {  	s9 =	simm.s32 $0x2800  }
0x4d: {  	[tilespmem:s9], [sflag:$0x1] =	stream.indirect.gather [hbm4b:s3+s25], $0x10, s25, s25, $0xb8;
	[tilespmem:$0x10D80] =	vst v63  }
0x4e: {  	s12 =	simm.s32 $0x100;
	s18 =	simm.s32 $0x3000  }
0x4f: {  	[tilespmem:s18], [sflag:$0x1] =	stream.indirect.gather [hbm4b:s3+s25], $0x10, s12, s25, $0xb8;
	[tilespmem:$0x10D80] =	vst v63  }
0x50: {  	s19 =	simm.s32 $0x180;
	s20 =	simm.s32 $0x3800;
	s29 =	simm.s32 $0x1  }
0x51: {  	[tilespmem:s20], [sflag:$0x1] =	stream.indirect.gather [hbm4b:s3+s25], $0x10, s19, s25, $0xb8;
	[tilespmem:$0x10D80] =	vst v63  }
0x52: {  	_ =	swait.ge [sflag:s29], $0x800  }
0x53: {  	p1 =	por $0x0, $0x0;
	s14 =	simm.s32 $0x4000;
	[sflag:s29] =	ssyncset.done $0x0  }
0x54: {  	s28 =	simm.s32 @!p1 $0x80;
	s14 =	sand.u32 @!p1 $0x3000, s14;
	[sflag:s29] =	ssyncadd.s32 $0xFFFFF800  }
0x55: {  	[spmem:s1] =	stream.indirect.scatter.add.bf16 [tilespmem:s30], [sflag:$0x2], $0x10, s8, s25, $0xb8;
	[tilespmem:$0x10D80] =	vst v63  }
0x56: {  	s17 =	simm.s32 $0x1080;
	s14 =	sshrl.u32 @!p1 s14, $0x1;
	_ =	swait.ge [sflag:s21], $0x800  }
0x57: {  	s14 =	sor.u32 @!p1 $0x2000, s14;
	s18 =	simm.s32 $0x2;
	[sflag:s21] =	ssyncset.done $0x0  }
0x58: {  	s19 =	simm.s32 $0x200;
	s20 =	simm.s32 $0x1000;
	[sflag:s21] =	ssyncadd.s32 $0xFFFFF800  }
0x59: {  	[tilespmem:s14], [sflag:$0x1] =	stream.indirect.gather @!p1 [hbm4b:s3+s28], $0x10, s19, s28, $0xb8;
	[tilespmem:$0x10D80] =	vst v63  }
0x5a: {  	s30 =	sand.u32 $0x3000, s20;
	s20 =	simm.s32 $0x5000;
	_ =	swait.ge [sflag:s10], $0x800  }
0x5b: {  	s19 =	simm.s32 $0x280;
	s14 =	sshrl.u32 s30, $0x1;
	[sflag:s10] =	ssyncset.done $0x0  }
0x5c: {  	s28 =	sor.u32 $0x2000, s14;
	s14 =	simm.s32 $0x1100;
	[sflag:s10] =	ssyncadd.s32 $0xFFFFF800  }
.LBB2_6:
0x5d: {  	[spmem:s1] =	stream.indirect.scatter.add.bf16 [tilespmem:s28], [sflag:$0x2], $0x10, s17, s25, $0xb8;
	[tilespmem:$0x10D80] =	vst v63  }
0x5e: {  	s17 =	smov.u32 s14  }
0x5f: {  	p2 =	sgt.u32 s18, $0x1C;
	s18 =	sadd.s32 $0x1, s18;
	_ =	swait.ge [sflag:s21], $0x800  }
0x60: {  	s28 =	sand.u32 @!p2 $0x3000, s20;
	p1 =	sne.s32 s18, $0x20;
	[sflag:s21] =	ssyncset.done $0x0  }
0x61: {  	s29 =	sadd.s32 $0xFFFFD000, s20;
	s28 =	sshrl.u32 @!p2 s28, $0x1;
	[sflag:s21] =	ssyncadd.s32 $0xFFFFF800  }
.Ltmp4:
0x62: {  	s30 =	simm.s32 @!p2 $0x80;
	s28 =	sor.u32 @!p2 $0x2000, s28;
	(pc) =	sbr.rel @p1 .LBB2_6-.Ltmp4, $4  }
0x63: {  	[tilespmem:s28], [sflag:$0x1] =	stream.indirect.gather @!p2 [hbm4b:s3+s30], $0x10, s19, s30, $0xb8;
	[tilespmem:$0x10D80] =	vst v63  }
0x64: {  	s28 =	sand.u32 $0x3000, s29;
	s19 =	sadd.s32 $0x80, s19;
	_ =	swait.ge [sflag:s10], $0x800  }
0x65: {  	s20 =	sadd.s32 $0x1000, s20;
	s28 =	sshrl.u32 s28, $0x1;
	[sflag:s10] =	ssyncset.done $0x0  }
0x66: {  	s14 =	sadd.s32 $0x80, s14;
	s28 =	sor.u32 $0x2000, s28;
	[sflag:s10] =	ssyncadd.s32 $0xFFFFF800  }
0x67: {  	s16 =	sadd.s32 $0x1, s16  }
0x68: {  	p1 =	seq.s32 s16, $0x8  }
.Ltmp5:
0x69: {  	_ = 	snop;
	(pc) =	sbr.rel @!p1 .LBB2_5-.Ltmp5, $4  }
0x6a: {  	[spmem:s1] =	stream.indirect.scatter.add.bf16 [tilespmem:s28], [sflag:$0x2], $0x10, s17, s25, $0xb8;
	[tilespmem:$0x10D80] =	vst v63  }
0x6b: {  	_ =	swait.ge [sflag:s21], $0x800  }
0x6c: {  	[sflag:s21] =	ssyncset.done $0x0  }
0x6d: {  	[sflag:s21] =	ssyncadd.s32 $0xFFFFF800  }
0x6e: {  	s14 =	sadd.s32 $0x0, s6;
	[bflag:$0x0] =	sbarrier.arrive $0xFFFF  }
0x6f: {  	p1 =	sgt.u32 s14, $0x61B;
	s29 =	rddreg [dreg:$0x14]  }
0x70: {  	s20 =	rddreg [dreg:$0x17];
	s14 =	sshll.u32 @!p1 s6, $0x6  }
0x71: {  	s16 =	sshrl.u32 @!p1 s29, $0x3;
	s18 =	simm.s32 @!p1 $0x3;
	s14 =	sor.u32 @!p1 $0x1C03, s14  }
0x72: {  	[hbm:s20], [sflag:s14] =	dma.local @!p1 [spmem:s16], $0x40  }
0x73: {  	s17 =	simm.s32 $0x20;
	s19 =	sadd.s32 $0x10, s6;
	_ =	swait.ge @!p1 [sflag:s18], $0x40  }
0x74: {  	s14 =	sadd.s32 $0x2000, s29;
	s16 =	sadd.s32 $0x400, s20;
	[sflag:s18] =	ssyncset.done @!p1 $0x0  }
.LBB2_9:
0x75: {  	[sflag:s18] =	ssyncadd.s32 @!p1 $0xFFFFFFC0  }
0x76: {  	p1 =	sgt.u32 s19, $0x61B;
	s19 =	smov.u32 s17;
	s17 =	sadd.s32 $0x10, s17  }
0x77: {  	p2 =	sne.s32 s17, $0x620  }
.Ltmp6:
0x78: {  	s18 =	sshll.u32 @!p1 s6, $0x6;
	s20 =	sshrl.u32 @!p1 s14, $0x3;
	(pc) =	sbr.rel @p2 .LBB2_9-.Ltmp6, $4  }
0x79: {  	s28 =	sor.u32 @!p1 $0x1C03, s18;
	s18 =	simm.s32 @!p1 $0x3  }
0x7a: {  	[hbm:s16], [sflag:s28] =	dma.local @!p1 [spmem:s20], $0x40  }
0x7b: {  	s14 =	sadd.s32 $0x2000, s14;
	_ =	swait.ge @!p1 [sflag:s18], $0x40  }
0x7c: {  	s19 =	sadd.s32 s19, s6;
	s16 =	sadd.s32 $0x400, s16;
	[sflag:s18] =	ssyncset.done @!p1 $0x0  }
0x7d: {  	p2 =	sgt.u32 s19, $0x61B  }
0x7e: {  	[sflag:s18] =	ssyncadd.s32 @!p1 $0xFFFFFFC0;
	s17 =	sshll.u32 @!p2 s6, $0x6  }
0x7f: {  	s14 =	sshrl.u32 @!p2 s14, $0x3;
	s18 =	simm.s32 @!p2 $0x3;
	s17 =	sor.u32 @!p2 $0x1C03, s17  }
0x80: {  	[hbm:s16], [sflag:s17] =	dma.local @!p2 [spmem:s14], $0x40  }
0x81: {  	_ =	swait.ge @!p2 [sflag:s18], $0x40  }
0x82: {  	s30 =	sadd.s32 $0x0, s6;
	[sflag:s18] =	ssyncset.done @!p2 $0x0  }
0x83: {  	p1 =	sgt.u32 s30, $0x61B;
	[sflag:s18] =	ssyncadd.s32 @!p2 $0xFFFFFFC0  }
0x84: {  	s14 =	simm.s32 @!p1 $0x4800;
	s18 =	simm.s32 @!p1 $0x3;
	[bflag:$0x0] =	sbarrier.arrive $0xFFFF  }
0x85: {  	[spmem:s29] =	stream.linear.scatter @!p1 [tilespmem:s14], [sflag:$0x3], $0x200, $0x38;
	[tilespmem:$0x10D80] =	vst v63  }
0x86: {  	s16 =	simm.s32 $0x10;
	_ =	swait.ge @!p1 [sflag:s18], $0x200  }
0x87: {  	s17 =	simm.s32 $0x20;
	s14 =	sadd.s32 $0x2000, s29;
	[sflag:s18] =	ssyncset.done @!p1 $0x0  }
.LBB2_11:
0x88: {  	s19 =	sadd.s32 s16, s6;
	s16 =	smov.u32 s17;
	s17 =	sadd.s32 $0x10, s17  }
0x89: {  	[sflag:s18] =	ssyncadd.s32 @!p1 $0xFFFFFE00;
	p2 =	sne.s32 s17, $0x620  }
.Ltmp7:
0x8a: {  	p1 =	sgt.u32 s19, $0x61B;
	(pc) =	sbr.rel @p2 .LBB2_11-.Ltmp7, $4  }
0x8b: {  	s19 =	simm.s32 @!p1 $0x4800;
	s18 =	simm.s32 @!p1 $0x3  }
0x8c: {  	[spmem:s14] =	stream.linear.scatter @!p1 [tilespmem:s19], [sflag:$0x3], $0x200, $0x38;
	[tilespmem:$0x10D80] =	vst v63  }
0x8d: {  	_ =	swait.ge @!p1 [sflag:s18], $0x200  }
0x8e: {  	s14 =	sadd.s32 $0x2000, s14;
	[sflag:s18] =	ssyncset.done @!p1 $0x0  }
0x8f: {  	s16 =	sadd.s32 s16, s6  }
0x90: {  	p2 =	sgt.u32 s16, $0x61B  }
0x91: {  	[sflag:s18] =	ssyncadd.s32 @!p1 $0xFFFFFE00;
	s16 =	simm.s32 @!p2 $0x4800;
	s17 =	simm.s32 @!p2 $0x3  }
0x92: {  	[spmem:s14] =	stream.linear.scatter @!p2 [tilespmem:s16], [sflag:$0x3], $0x200, $0x38;
	[tilespmem:$0x10D80] =	vst v63  }
0x93: {  	_ =	swait.ge @!p2 [sflag:s17], $0x200  }
0x94: {  	[sflag:s17] =	ssyncset.done @!p2 $0x0  }
0x95: {  	[sflag:s17] =	ssyncadd.s32 @!p2 $0xFFFFFE00  }
0x96: {  	s16 =	simm.s32 $0x0;
	[bflag:$0x0] =	sbarrier.arrive $0xFFFF  }
.LBB2_13:
0x97: {  	s14 =	sshll.u32 s16, $0x9;
	s17 =	rddreg [dreg:$0x12]  }
0x98: {  	s20 =	rddreg [dreg:$0xe];
	s14 =	sadd.s32 s17, s14  }
0x99: {  	s17 =	sadd.s32 s20, s14  }
0x9a: {  	[tilespmem:s2], [sflag:$0x3] =	stream.linear.gather [hbm4b:s17+s2], $0x1000, $0x38;
	[tilespmem:$0x10D80] =	vst v63  }
0x9b: {  	_ =	swait.ge [sflag:s22], $0x1000  }
0x9c: {  	[sflag:s22] =	ssyncset.done $0x0;
	s29 =	rddreg [dreg:$0xf]  }
0x9d: {  	[sflag:s22] =	ssyncadd.s32 $0xFFFFF000;
	s14 =	sadd.s32 s29, s14  }
0x9e: {  	[tilespmem:s8], [sflag:$0x3] =	stream.linear.gather [hbm4b:s14+s2], $0x1000, $0x38;
	[tilespmem:$0x10D80] =	vst v63  }
0x9f: {  	_ =	swait.ge [sflag:s22], $0x1000  }
0xa0: {  	[sflag:s22] =	ssyncset.done $0x0  }
0xa1: {  	s30 =	simm.s32 $0x2000;
	[sflag:s22] =	ssyncadd.s32 $0xFFFFF000  }
0xa2: {  	[tilespmem:s30], [sflag:$0x1] =	stream.indirect.gather [hbm4b:s4+s25], $0x10, s2, s25, $0xb8;
	[tilespmem:$0x10D80] =	vst v63  }
0xa3: {  	s9 =	simm.s32 $0x2800  }
0xa4: {  	[tilespmem:s9], [sflag:$0x1] =	stream.indirect.gather [hbm4b:s4+s25], $0x10, s25, s25, $0xb8;
	[tilespmem:$0x10D80] =	vst v63  }
0xa5: {  	s12 =	simm.s32 $0x100;
	s18 =	simm.s32 $0x3000  }
0xa6: {  	[tilespmem:s18], [sflag:$0x1] =	stream.indirect.gather [hbm4b:s4+s25], $0x10, s12, s25, $0xb8;
	[tilespmem:$0x10D80] =	vst v63  }
0xa7: {  	s19 =	simm.s32 $0x180;
	s20 =	simm.s32 $0x3800;
	s29 =	simm.s32 $0x1  }
0xa8: {  	[tilespmem:s20], [sflag:$0x1] =	stream.indirect.gather [hbm4b:s4+s25], $0x10, s19, s25, $0xb8;
	[tilespmem:$0x10D80] =	vst v63  }
0xa9: {  	_ =	swait.ge [sflag:s29], $0x800  }
0xaa: {  	p1 =	por $0x0, $0x0;
	s14 =	simm.s32 $0x4000;
	[sflag:s29] =	ssyncset.done $0x0  }
0xab: {  	s28 =	simm.s32 @!p1 $0x80;
	s14 =	sand.u32 @!p1 $0x3000, s14;
	[sflag:s29] =	ssyncadd.s32 $0xFFFFF800  }
0xac: {  	[spmem:s1] =	stream.indirect.scatter.add.bf16 [tilespmem:s30], [sflag:$0x2], $0x10, s8, s25, $0xb8;
	[tilespmem:$0x10D80] =	vst v63  }
0xad: {  	s17 =	simm.s32 $0x1080;
	s14 =	sshrl.u32 @!p1 s14, $0x1;
	_ =	swait.ge [sflag:s21], $0x800  }
0xae: {  	s14 =	sor.u32 @!p1 $0x2000, s14;
	s18 =	simm.s32 $0x2;
	[sflag:s21] =	ssyncset.done $0x0  }
0xaf: {  	s19 =	simm.s32 $0x200;
	s20 =	simm.s32 $0x1000;
	[sflag:s21] =	ssyncadd.s32 $0xFFFFF800  }
0xb0: {  	[tilespmem:s14], [sflag:$0x1] =	stream.indirect.gather @!p1 [hbm4b:s4+s28], $0x10, s19, s28, $0xb8;
	[tilespmem:$0x10D80] =	vst v63  }
0xb1: {  	s30 =	sand.u32 $0x3000, s20;
	s20 =	simm.s32 $0x5000;
	_ =	swait.ge [sflag:s10], $0x800  }
0xb2: {  	s19 =	simm.s32 $0x280;
	s14 =	sshrl.u32 s30, $0x1;
	[sflag:s10] =	ssyncset.done $0x0  }
0xb3: {  	s28 =	sor.u32 $0x2000, s14;
	s14 =	simm.s32 $0x1100;
	[sflag:s10] =	ssyncadd.s32 $0xFFFFF800  }
.LBB2_14:
0xb4: {  	[spmem:s1] =	stream.indirect.scatter.add.bf16 [tilespmem:s28], [sflag:$0x2], $0x10, s17, s25, $0xb8;
	[tilespmem:$0x10D80] =	vst v63  }
0xb5: {  	s17 =	smov.u32 s14  }
0xb6: {  	p2 =	sgt.u32 s18, $0x1C;
	s18 =	sadd.s32 $0x1, s18;
	_ =	swait.ge [sflag:s21], $0x800  }
0xb7: {  	s28 =	sand.u32 @!p2 $0x3000, s20;
	p1 =	sne.s32 s18, $0x20;
	[sflag:s21] =	ssyncset.done $0x0  }
0xb8: {  	s29 =	sadd.s32 $0xFFFFD000, s20;
	s28 =	sshrl.u32 @!p2 s28, $0x1;
	[sflag:s21] =	ssyncadd.s32 $0xFFFFF800  }
.Ltmp8:
0xb9: {  	s30 =	simm.s32 @!p2 $0x80;
	s28 =	sor.u32 @!p2 $0x2000, s28;
	(pc) =	sbr.rel @p1 .LBB2_14-.Ltmp8, $4  }
0xba: {  	[tilespmem:s28], [sflag:$0x1] =	stream.indirect.gather @!p2 [hbm4b:s4+s30], $0x10, s19, s30, $0xb8;
	[tilespmem:$0x10D80] =	vst v63  }
0xbb: {  	s28 =	sand.u32 $0x3000, s29;
	s19 =	sadd.s32 $0x80, s19;
	_ =	swait.ge [sflag:s10], $0x800  }
0xbc: {  	s20 =	sadd.s32 $0x1000, s20;
	s28 =	sshrl.u32 s28, $0x1;
	[sflag:s10] =	ssyncset.done $0x0  }
0xbd: {  	s14 =	sadd.s32 $0x80, s14;
	s28 =	sor.u32 $0x2000, s28;
	[sflag:s10] =	ssyncadd.s32 $0xFFFFF800  }
0xbe: {  	s16 =	sadd.s32 $0x1, s16  }
0xbf: {  	p1 =	sne.s32 s16, $0x8  }
.Ltmp9:
0xc0: {  	_ = 	snop;
	(pc) =	sbr.rel @p1 .LBB2_13-.Ltmp9, $4  }
0xc1: {  	[spmem:s1] =	stream.indirect.scatter.add.bf16 [tilespmem:s28], [sflag:$0x2], $0x10, s17, s25, $0xb8;
	[tilespmem:$0x10D80] =	vst v63  }
0xc2: {  	_ =	swait.ge [sflag:s21], $0x800  }
0xc3: {  	[sflag:s21] =	ssyncset.done $0x0  }
0xc4: {  	[sflag:s21] =	ssyncadd.s32 $0xFFFFF800  }
0xc5: {  	s14 =	sadd.s32 $0x0, s6;
	[bflag:$0x0] =	sbarrier.arrive $0xFFFF  }
0xc6: {  	p1 =	sgt.u32 s14, $0x61B;
	s9 =	rddreg [dreg:$0x14]  }
0xc7: {  	s20 =	rddreg [dreg:$0x18];
	s14 =	sshll.u32 @!p1 s6, $0x6  }
0xc8: {  	s16 =	sshrl.u32 @!p1 s9, $0x3;
	s18 =	simm.s32 @!p1 $0x3;
	s14 =	sor.u32 @!p1 $0x1C03, s14  }
0xc9: {  	[hbm:s20], [sflag:s14] =	dma.local @!p1 [spmem:s16], $0x40  }
0xca: {  	s17 =	simm.s32 $0x20;
	s19 =	sadd.s32 $0x10, s6;
	_ =	swait.ge @!p1 [sflag:s18], $0x40  }
0xcb: {  	s14 =	sadd.s32 $0x2000, s9;
	s16 =	sadd.s32 $0x400, s20;
	[sflag:s18] =	ssyncset.done @!p1 $0x0  }
.LBB2_17:
0xcc: {  	[sflag:s18] =	ssyncadd.s32 @!p1 $0xFFFFFFC0  }
0xcd: {  	p1 =	sgt.u32 s19, $0x61B;
	s19 =	smov.u32 s17;
	s17 =	sadd.s32 $0x10, s17  }
0xce: {  	p2 =	sne.s32 s17, $0x620  }
.Ltmp10:
0xcf: {  	s18 =	sshll.u32 @!p1 s6, $0x6;
	s20 =	sshrl.u32 @!p1 s14, $0x3;
	(pc) =	sbr.rel @p2 .LBB2_17-.Ltmp10, $4  }
0xd0: {  	s28 =	sor.u32 @!p1 $0x1C03, s18;
	s18 =	simm.s32 @!p1 $0x3  }
0xd1: {  	[hbm:s16], [sflag:s28] =	dma.local @!p1 [spmem:s20], $0x40  }
0xd2: {  	s14 =	sadd.s32 $0x2000, s14;
	_ =	swait.ge @!p1 [sflag:s18], $0x40  }
0xd3: {  	s19 =	sadd.s32 s19, s6;
	s16 =	sadd.s32 $0x400, s16;
	[sflag:s18] =	ssyncset.done @!p1 $0x0  }
0xd4: {  	p2 =	sgt.u32 s19, $0x61B  }
0xd5: {  	[sflag:s18] =	ssyncadd.s32 @!p1 $0xFFFFFFC0;
	s17 =	sshll.u32 @!p2 s6, $0x6  }
0xd6: {  	s14 =	sshrl.u32 @!p2 s14, $0x3;
	s18 =	simm.s32 @!p2 $0x3;
	s17 =	sor.u32 @!p2 $0x1C03, s17  }
0xd7: {  	[hbm:s16], [sflag:s17] =	dma.local @!p2 [spmem:s14], $0x40  }
0xd8: {  	_ =	swait.ge @!p2 [sflag:s18], $0x40  }
0xd9: {  	[sflag:s18] =	ssyncset.done @!p2 $0x0  }
0xda: {  	[sflag:s18] =	ssyncadd.s32 @!p2 $0xFFFFFFC0  }
0xdb: {  	[bflag:$0x0] =	sbarrier.arrive $0xFFFF  }
0xdc: {  	[bflag:$0x0] =	sbarrier.arrive $0xFFFF  }
.Ltmp11:
0xdd: {  	[bflag:$0x0] =	sbarrier.arrive $0xFFFF;
	(pc) =	sbr.rel .LBB2_36-.Ltmp11, $4  }
0xde: {  	[bflag:$0x0] =	sbarrier.arrive $0xFFFF  }
0xdf: {  	[bflag:$0x0] =	sbarrier.arrive $0xFFFF  }
0xe0: {  	[bflag:$0x0] =	sbarrier.arrive $0xFFFF  }
0xe1: {  	s20 =	simm.s32 $0x1580;
	s28 =	simm.s32 $0x1600;
	s30 =	simm.s32 $0x1680  }
.LBB2_19:
0xe2: {  	[bflag:$0x0] =	sbarrier.arrive $0xFFFF  }
0xe3: {  	[bflag:$0x0] =	sbarrier.arrive $0xFFFF  }
0xe4: {  	[bflag:$0x0] =	sbarrier.arrive $0xFFFF  }
0xe5: {  	s14 =	sadd.s32 $0x0, s6;
	[bflag:$0x0] =	sbarrier.arrive $0xFFFF  }
0xe6: {  	p1 =	sgt.u32 s14, $0x61B;
	[bflag:$0x0] =	sbarrier.arrive $0xFFFF  }
0xe7: {  	s14 =	simm.s32 @!p1 $0x4800;
	s18 =	simm.s32 @!p1 $0x3;
	[bflag:$0x0] =	sbarrier.arrive $0xFFFF  }
0xe8: {  	[spmem:s12] =	stream.linear.scatter @!p1 [tilespmem:s14], [sflag:$0x3], $0x200, $0x38;
	[tilespmem:$0x10D80] =	vst v63  }
0xe9: {  	s16 =	simm.s32 $0x10;
	_ =	swait.ge @!p1 [sflag:s18], $0x200  }
0xea: {  	s17 =	simm.s32 $0x20;
	s14 =	sadd.s32 $0x2000, s12;
	[sflag:s18] =	ssyncset.done @!p1 $0x0  }
.LBB2_20:
0xeb: {  	s19 =	sadd.s32 s16, s6;
	s16 =	smov.u32 s17;
	s17 =	sadd.s32 $0x10, s17  }
0xec: {  	[sflag:s18] =	ssyncadd.s32 @!p1 $0xFFFFFE00;
	p2 =	sne.s32 s17, $0x620  }
.Ltmp12:
0xed: {  	p1 =	sgt.u32 s19, $0x61B;
	(pc) =	sbr.rel @p2 .LBB2_20-.Ltmp12, $4  }
0xee: {  	s19 =	simm.s32 @!p1 $0x4800;
	s18 =	simm.s32 @!p1 $0x3  }
0xef: {  	[spmem:s14] =	stream.linear.scatter @!p1 [tilespmem:s19], [sflag:$0x3], $0x200, $0x38;
	[tilespmem:$0x10D80] =	vst v63  }
0xf0: {  	_ =	swait.ge @!p1 [sflag:s18], $0x200  }
0xf1: {  	s14 =	sadd.s32 $0x2000, s14;
	[sflag:s18] =	ssyncset.done @!p1 $0x0  }
0xf2: {  	s16 =	sadd.s32 s16, s6  }
0xf3: {  	p2 =	sgt.u32 s16, $0x61B  }
0xf4: {  	[sflag:s18] =	ssyncadd.s32 @!p1 $0xFFFFFE00;
	s16 =	simm.s32 @!p2 $0x4800;
	s17 =	simm.s32 @!p2 $0x3  }
0xf5: {  	[spmem:s14] =	stream.linear.scatter @!p2 [tilespmem:s16], [sflag:$0x3], $0x200, $0x38;
	[tilespmem:$0x10D80] =	vst v63  }
0xf6: {  	_ =	swait.ge @!p2 [sflag:s17], $0x200  }
0xf7: {  	[sflag:s17] =	ssyncset.done @!p2 $0x0  }
0xf8: {  	[sflag:s17] =	ssyncadd.s32 @!p2 $0xFFFFFE00  }
0xf9: {  	s16 =	simm.s32 $0x0;
	[bflag:$0x0] =	sbarrier.arrive $0xFFFF  }
.LBB2_22:
0xfa: {  	s14 =	sshll.u32 s16, $0x9;
	s17 =	rddreg [dreg:$0x12]  }
0xfb: {  	s20 =	rddreg [dreg:$0xe];
	s14 =	sadd.s32 s17, s14  }
0xfc: {  	s17 =	sadd.s32 s20, s14  }
0xfd: {  	[tilespmem:s2], [sflag:$0x3] =	stream.linear.gather [hbm4b:s17+s2], $0x1000, $0x38;
	[tilespmem:$0x10D80] =	vst v63  }
0xfe: {  	_ =	swait.ge [sflag:s22], $0x1000  }
0xff: {  	[sflag:s22] =	ssyncset.done $0x0;
	s29 =	rddreg [dreg:$0xf]  }
0x100: {  	[sflag:s22] =	ssyncadd.s32 $0xFFFFF000;
	s14 =	sadd.s32 s29, s14  }
0x101: {  	[tilespmem:s8], [sflag:$0x3] =	stream.linear.gather [hbm4b:s14+s2], $0x1000, $0x38;
	[tilespmem:$0x10D80] =	vst v63  }
0x102: {  	_ =	swait.ge [sflag:s22], $0x1000  }
0x103: {  	[sflag:s22] =	ssyncset.done $0x0  }
0x104: {  	s30 =	simm.s32 $0x2000;
	[sflag:s22] =	ssyncadd.s32 $0xFFFFF000  }
0x105: {  	[tilespmem:s30], [sflag:$0x1] =	stream.indirect.gather [hbm4b:s5+s25], $0x10, s2, s25, $0xb8;
	[tilespmem:$0x10D80] =	vst v63  }
0x106: {  	s9 =	simm.s32 $0x2800  }
0x107: {  	[tilespmem:s9], [sflag:$0x1] =	stream.indirect.gather [hbm4b:s5+s25], $0x10, s25, s25, $0xb8;
	[tilespmem:$0x10D80] =	vst v63  }
0x108: {  	s12 =	simm.s32 $0x100;
	s18 =	simm.s32 $0x3000  }
0x109: {  	[tilespmem:s18], [sflag:$0x1] =	stream.indirect.gather [hbm4b:s5+s25], $0x10, s12, s25, $0xb8;
	[tilespmem:$0x10D80] =	vst v63  }
0x10a: {  	s19 =	simm.s32 $0x180;
	s20 =	simm.s32 $0x3800;
	s29 =	simm.s32 $0x1  }
0x10b: {  	[tilespmem:s20], [sflag:$0x1] =	stream.indirect.gather [hbm4b:s5+s25], $0x10, s19, s25, $0xb8;
	[tilespmem:$0x10D80] =	vst v63  }
0x10c: {  	_ =	swait.ge [sflag:s29], $0x800  }
0x10d: {  	p1 =	por $0x0, $0x0;
	s14 =	simm.s32 $0x4000;
	[sflag:s29] =	ssyncset.done $0x0  }
0x10e: {  	s28 =	simm.s32 @!p1 $0x80;
	s14 =	sand.u32 @!p1 $0x3000, s14;
	[sflag:s29] =	ssyncadd.s32 $0xFFFFF800  }
0x10f: {  	[spmem:s1] =	stream.indirect.scatter.add.bf16 [tilespmem:s30], [sflag:$0x2], $0x10, s8, s25, $0xb8;
	[tilespmem:$0x10D80] =	vst v63  }
0x110: {  	s17 =	simm.s32 $0x1080;
	s14 =	sshrl.u32 @!p1 s14, $0x1;
	_ =	swait.ge [sflag:s21], $0x800  }
0x111: {  	s14 =	sor.u32 @!p1 $0x2000, s14;
	s18 =	simm.s32 $0x2;
	[sflag:s21] =	ssyncset.done $0x0  }
0x112: {  	s19 =	simm.s32 $0x200;
	s20 =	simm.s32 $0x1000;
	[sflag:s21] =	ssyncadd.s32 $0xFFFFF800  }
0x113: {  	[tilespmem:s14], [sflag:$0x1] =	stream.indirect.gather @!p1 [hbm4b:s5+s28], $0x10, s19, s28, $0xb8;
	[tilespmem:$0x10D80] =	vst v63  }
0x114: {  	s30 =	sand.u32 $0x3000, s20;
	s20 =	simm.s32 $0x5000;
	_ =	swait.ge [sflag:s10], $0x800  }
0x115: {  	s19 =	simm.s32 $0x280;
	s14 =	sshrl.u32 s30, $0x1;
	[sflag:s10] =	ssyncset.done $0x0  }
0x116: {  	s28 =	sor.u32 $0x2000, s14;
	s14 =	simm.s32 $0x1100;
	[sflag:s10] =	ssyncadd.s32 $0xFFFFF800  }
.LBB2_23:
0x117: {  	[spmem:s1] =	stream.indirect.scatter.add.bf16 [tilespmem:s28], [sflag:$0x2], $0x10, s17, s25, $0xb8;
	[tilespmem:$0x10D80] =	vst v63  }
0x118: {  	s17 =	smov.u32 s14  }
0x119: {  	p2 =	sgt.u32 s18, $0x1C;
	s18 =	sadd.s32 $0x1, s18;
	_ =	swait.ge [sflag:s21], $0x800  }
0x11a: {  	s28 =	sand.u32 @!p2 $0x3000, s20;
	p1 =	sne.s32 s18, $0x20;
	[sflag:s21] =	ssyncset.done $0x0  }
0x11b: {  	s29 =	sadd.s32 $0xFFFFD000, s20;
	s28 =	sshrl.u32 @!p2 s28, $0x1;
	[sflag:s21] =	ssyncadd.s32 $0xFFFFF800  }
.Ltmp13:
0x11c: {  	s30 =	simm.s32 @!p2 $0x80;
	s28 =	sor.u32 @!p2 $0x2000, s28;
	(pc) =	sbr.rel @p1 .LBB2_23-.Ltmp13, $4  }
0x11d: {  	[tilespmem:s28], [sflag:$0x1] =	stream.indirect.gather @!p2 [hbm4b:s5+s30], $0x10, s19, s30, $0xb8;
	[tilespmem:$0x10D80] =	vst v63  }
0x11e: {  	s28 =	sand.u32 $0x3000, s29;
	s19 =	sadd.s32 $0x80, s19;
	_ =	swait.ge [sflag:s10], $0x800  }
0x11f: {  	s20 =	sadd.s32 $0x1000, s20;
	s28 =	sshrl.u32 s28, $0x1;
	[sflag:s10] =	ssyncset.done $0x0  }
0x120: {  	s14 =	sadd.s32 $0x80, s14;
	s28 =	sor.u32 $0x2000, s28;
	[sflag:s10] =	ssyncadd.s32 $0xFFFFF800  }
0x121: {  	s16 =	sadd.s32 $0x1, s16  }
0x122: {  	p1 =	sne.s32 s16, $0x8  }
.Ltmp14:
0x123: {  	_ = 	snop;
	(pc) =	sbr.rel @p1 .LBB2_22-.Ltmp14, $4  }
0x124: {  	[spmem:s1] =	stream.indirect.scatter.add.bf16 [tilespmem:s28], [sflag:$0x2], $0x10, s17, s25, $0xb8;
	[tilespmem:$0x10D80] =	vst v63  }
0x125: {  	_ =	swait.ge [sflag:s21], $0x800  }
0x126: {  	[sflag:s21] =	ssyncset.done $0x0  }
0x127: {  	[sflag:s21] =	ssyncadd.s32 $0xFFFFF800  }
0x128: {  	s14 =	sadd.s32 $0x0, s6;
	[bflag:$0x0] =	sbarrier.arrive $0xFFFF  }
0x129: {  	p1 =	sgt.u32 s14, $0x61B;
	s29 =	rddreg [dreg:$0x14]  }
0x12a: {  	s20 =	rddreg [dreg:$0x15];
	s14 =	sshll.u32 @!p1 s6, $0x6  }
0x12b: {  	s16 =	sshrl.u32 @!p1 s29, $0x3;
	s18 =	simm.s32 @!p1 $0x3;
	s14 =	sor.u32 @!p1 $0x1C03, s14  }
0x12c: {  	[hbm:s20], [sflag:s14] =	dma.local @!p1 [spmem:s16], $0x40  }
0x12d: {  	s17 =	simm.s32 $0x20;
	s19 =	sadd.s32 $0x10, s6;
	_ =	swait.ge @!p1 [sflag:s18], $0x40  }
0x12e: {  	s14 =	sadd.s32 $0x2000, s29;
	s16 =	sadd.s32 $0x400, s20;
	[sflag:s18] =	ssyncset.done @!p1 $0x0  }
.LBB2_26:
0x12f: {  	[sflag:s18] =	ssyncadd.s32 @!p1 $0xFFFFFFC0  }
0x130: {  	p1 =	sgt.u32 s19, $0x61B;
	s19 =	smov.u32 s17;
	s17 =	sadd.s32 $0x10, s17  }
0x131: {  	p2 =	sne.s32 s17, $0x620  }
.Ltmp15:
0x132: {  	s18 =	sshll.u32 @!p1 s6, $0x6;
	s20 =	sshrl.u32 @!p1 s14, $0x3;
	(pc) =	sbr.rel @p2 .LBB2_26-.Ltmp15, $4  }
0x133: {  	s28 =	sor.u32 @!p1 $0x1C03, s18;
	s18 =	simm.s32 @!p1 $0x3  }
0x134: {  	[hbm:s16], [sflag:s28] =	dma.local @!p1 [spmem:s20], $0x40  }
0x135: {  	s14 =	sadd.s32 $0x2000, s14;
	_ =	swait.ge @!p1 [sflag:s18], $0x40  }
0x136: {  	s19 =	sadd.s32 s19, s6;
	s16 =	sadd.s32 $0x400, s16;
	[sflag:s18] =	ssyncset.done @!p1 $0x0  }
0x137: {  	p2 =	sgt.u32 s19, $0x61B  }
0x138: {  	[sflag:s18] =	ssyncadd.s32 @!p1 $0xFFFFFFC0;
	s17 =	sshll.u32 @!p2 s6, $0x6  }
0x139: {  	s14 =	sshrl.u32 @!p2 s14, $0x3;
	s18 =	simm.s32 @!p2 $0x3;
	s17 =	sor.u32 @!p2 $0x1C03, s17  }
0x13a: {  	[hbm:s16], [sflag:s17] =	dma.local @!p2 [spmem:s14], $0x40  }
0x13b: {  	_ =	swait.ge @!p2 [sflag:s18], $0x40  }
0x13c: {  	s30 =	sadd.s32 $0x0, s6;
	[sflag:s18] =	ssyncset.done @!p2 $0x0  }
0x13d: {  	p1 =	sgt.u32 s30, $0x61B;
	[sflag:s18] =	ssyncadd.s32 @!p2 $0xFFFFFFC0  }
0x13e: {  	s14 =	simm.s32 @!p1 $0x4800;
	s18 =	simm.s32 @!p1 $0x3;
	[bflag:$0x0] =	sbarrier.arrive $0xFFFF  }
0x13f: {  	[spmem:s29] =	stream.linear.scatter @!p1 [tilespmem:s14], [sflag:$0x3], $0x200, $0x38;
	[tilespmem:$0x10D80] =	vst v63  }
0x140: {  	s16 =	simm.s32 $0x10;
	_ =	swait.ge @!p1 [sflag:s18], $0x200  }
0x141: {  	s17 =	simm.s32 $0x20;
	s14 =	sadd.s32 $0x2000, s29;
	[sflag:s18] =	ssyncset.done @!p1 $0x0  }
.LBB2_28:
0x142: {  	s19 =	sadd.s32 s16, s6;
	s16 =	smov.u32 s17;
	s17 =	sadd.s32 $0x10, s17  }
0x143: {  	[sflag:s18] =	ssyncadd.s32 @!p1 $0xFFFFFE00;
	p2 =	sne.s32 s17, $0x620  }
.Ltmp16:
0x144: {  	p1 =	sgt.u32 s19, $0x61B;
	(pc) =	sbr.rel @p2 .LBB2_28-.Ltmp16, $4  }
0x145: {  	s19 =	simm.s32 @!p1 $0x4800;
	s18 =	simm.s32 @!p1 $0x3  }
0x146: {  	[spmem:s14] =	stream.linear.scatter @!p1 [tilespmem:s19], [sflag:$0x3], $0x200, $0x38;
	[tilespmem:$0x10D80] =	vst v63  }
0x147: {  	_ =	swait.ge @!p1 [sflag:s18], $0x200  }
0x148: {  	s14 =	sadd.s32 $0x2000, s14;
	[sflag:s18] =	ssyncset.done @!p1 $0x0  }
0x149: {  	s16 =	sadd.s32 s16, s6  }
0x14a: {  	p2 =	sgt.u32 s16, $0x61B  }
0x14b: {  	[sflag:s18] =	ssyncadd.s32 @!p1 $0xFFFFFE00;
	s16 =	simm.s32 @!p2 $0x4800;
	s17 =	simm.s32 @!p2 $0x3  }
0x14c: {  	[spmem:s14] =	stream.linear.scatter @!p2 [tilespmem:s16], [sflag:$0x3], $0x200, $0x38;
	[tilespmem:$0x10D80] =	vst v63  }
0x14d: {  	_ =	swait.ge @!p2 [sflag:s17], $0x200  }
0x14e: {  	[sflag:s17] =	ssyncset.done @!p2 $0x0  }
0x14f: {  	[sflag:s17] =	ssyncadd.s32 @!p2 $0xFFFFFE00  }
0x150: {  	s16 =	simm.s32 $0x0;
	[bflag:$0x0] =	sbarrier.arrive $0xFFFF  }
.LBB2_30:
0x151: {  	s14 =	sshll.u32 s16, $0x9;
	s17 =	rddreg [dreg:$0x12]  }
0x152: {  	s20 =	rddreg [dreg:$0xe];
	s14 =	sadd.s32 s17, s14  }
0x153: {  	s17 =	sadd.s32 s20, s14  }
0x154: {  	[tilespmem:s2], [sflag:$0x3] =	stream.linear.gather [hbm4b:s17+s2], $0x1000, $0x38;
	[tilespmem:$0x10D80] =	vst v63  }
0x155: {  	_ =	swait.ge [sflag:s22], $0x1000  }
0x156: {  	[sflag:s22] =	ssyncset.done $0x0;
	s29 =	rddreg [dreg:$0xf]  }
0x157: {  	[sflag:s22] =	ssyncadd.s32 $0xFFFFF000;
	s14 =	sadd.s32 s29, s14  }
0x158: {  	[tilespmem:s8], [sflag:$0x3] =	stream.linear.gather [hbm4b:s14+s2], $0x1000, $0x38;
	[tilespmem:$0x10D80] =	vst v63  }
0x159: {  	_ =	swait.ge [sflag:s22], $0x1000  }
0x15a: {  	[sflag:s22] =	ssyncset.done $0x0  }
0x15b: {  	s30 =	simm.s32 $0x2000;
	[sflag:s22] =	ssyncadd.s32 $0xFFFFF000  }
0x15c: {  	[tilespmem:s30], [sflag:$0x1] =	stream.indirect.gather [hbm4b:s7+s25], $0x10, s2, s25, $0xb8;
	[tilespmem:$0x10D80] =	vst v63  }
0x15d: {  	s9 =	simm.s32 $0x2800  }
0x15e: {  	[tilespmem:s9], [sflag:$0x1] =	stream.indirect.gather [hbm4b:s7+s25], $0x10, s25, s25, $0xb8;
	[tilespmem:$0x10D80] =	vst v63  }
0x15f: {  	s12 =	simm.s32 $0x100;
	s18 =	simm.s32 $0x3000  }
0x160: {  	[tilespmem:s18], [sflag:$0x1] =	stream.indirect.gather [hbm4b:s7+s25], $0x10, s12, s25, $0xb8;
	[tilespmem:$0x10D80] =	vst v63  }
0x161: {  	s19 =	simm.s32 $0x180;
	s20 =	simm.s32 $0x3800;
	s29 =	simm.s32 $0x1  }
0x162: {  	[tilespmem:s20], [sflag:$0x1] =	stream.indirect.gather [hbm4b:s7+s25], $0x10, s19, s25, $0xb8;
	[tilespmem:$0x10D80] =	vst v63  }
0x163: {  	_ =	swait.ge [sflag:s29], $0x800  }
0x164: {  	p1 =	por $0x0, $0x0;
	s14 =	simm.s32 $0x4000;
	[sflag:s29] =	ssyncset.done $0x0  }
0x165: {  	s28 =	simm.s32 @!p1 $0x80;
	s14 =	sand.u32 @!p1 $0x3000, s14;
	[sflag:s29] =	ssyncadd.s32 $0xFFFFF800  }
0x166: {  	[spmem:s1] =	stream.indirect.scatter.add.bf16 [tilespmem:s30], [sflag:$0x2], $0x10, s8, s25, $0xb8;
	[tilespmem:$0x10D80] =	vst v63  }
0x167: {  	s17 =	simm.s32 $0x1080;
	s14 =	sshrl.u32 @!p1 s14, $0x1;
	_ =	swait.ge [sflag:s21], $0x800  }
0x168: {  	s14 =	sor.u32 @!p1 $0x2000, s14;
	s18 =	simm.s32 $0x2;
	[sflag:s21] =	ssyncset.done $0x0  }
0x169: {  	s19 =	simm.s32 $0x200;
	s20 =	simm.s32 $0x1000;
	[sflag:s21] =	ssyncadd.s32 $0xFFFFF800  }
0x16a: {  	[tilespmem:s14], [sflag:$0x1] =	stream.indirect.gather @!p1 [hbm4b:s7+s28], $0x10, s19, s28, $0xb8;
	[tilespmem:$0x10D80] =	vst v63  }
0x16b: {  	s30 =	sand.u32 $0x3000, s20;
	s20 =	simm.s32 $0x5000;
	_ =	swait.ge [sflag:s10], $0x800  }
0x16c: {  	s19 =	simm.s32 $0x280;
	s14 =	sshrl.u32 s30, $0x1;
	[sflag:s10] =	ssyncset.done $0x0  }
0x16d: {  	s28 =	sor.u32 $0x2000, s14;
	s14 =	simm.s32 $0x1100;
	[sflag:s10] =	ssyncadd.s32 $0xFFFFF800  }
.LBB2_31:
0x16e: {  	[spmem:s1] =	stream.indirect.scatter.add.bf16 [tilespmem:s28], [sflag:$0x2], $0x10, s17, s25, $0xb8;
	[tilespmem:$0x10D80] =	vst v63  }
0x16f: {  	s17 =	smov.u32 s14  }
0x170: {  	p2 =	sgt.u32 s18, $0x1C;
	s18 =	sadd.s32 $0x1, s18;
	_ =	swait.ge [sflag:s21], $0x800  }
0x171: {  	s28 =	sand.u32 @!p2 $0x3000, s20;
	p1 =	sne.s32 s18, $0x20;
	[sflag:s21] =	ssyncset.done $0x0  }
0x172: {  	s29 =	sadd.s32 $0xFFFFD000, s20;
	s28 =	sshrl.u32 @!p2 s28, $0x1;
	[sflag:s21] =	ssyncadd.s32 $0xFFFFF800  }
.Ltmp17:
0x173: {  	s30 =	simm.s32 @!p2 $0x80;
	s28 =	sor.u32 @!p2 $0x2000, s28;
	(pc) =	sbr.rel @p1 .LBB2_31-.Ltmp17, $4  }
0x174: {  	[tilespmem:s28], [sflag:$0x1] =	stream.indirect.gather @!p2 [hbm4b:s7+s30], $0x10, s19, s30, $0xb8;
	[tilespmem:$0x10D80] =	vst v63  }
0x175: {  	s28 =	sand.u32 $0x3000, s29;
	s19 =	sadd.s32 $0x80, s19;
	_ =	swait.ge [sflag:s10], $0x800  }
0x176: {  	s20 =	sadd.s32 $0x1000, s20;
	s28 =	sshrl.u32 s28, $0x1;
	[sflag:s10] =	ssyncset.done $0x0  }
0x177: {  	s14 =	sadd.s32 $0x80, s14;
	s28 =	sor.u32 $0x2000, s28;
	[sflag:s10] =	ssyncadd.s32 $0xFFFFF800  }
0x178: {  	s16 =	sadd.s32 $0x1, s16  }
0x179: {  	p1 =	sne.s32 s16, $0x8  }
.Ltmp18:
0x17a: {  	_ = 	snop;
	(pc) =	sbr.rel @p1 .LBB2_30-.Ltmp18, $4  }
0x17b: {  	[spmem:s1] =	stream.indirect.scatter.add.bf16 [tilespmem:s28], [sflag:$0x2], $0x10, s17, s25, $0xb8;
	[tilespmem:$0x10D80] =	vst v63  }
0x17c: {  	_ =	swait.ge [sflag:s21], $0x800  }
0x17d: {  	[sflag:s21] =	ssyncset.done $0x0  }
0x17e: {  	[sflag:s21] =	ssyncadd.s32 $0xFFFFF800  }
0x17f: {  	s14 =	sadd.s32 $0x0, s6;
	[bflag:$0x0] =	sbarrier.arrive $0xFFFF  }
0x180: {  	p1 =	sgt.u32 s14, $0x61B;
	s9 =	rddreg [dreg:$0x14]  }
0x181: {  	s20 =	rddreg [dreg:$0x16];
	s14 =	sshll.u32 @!p1 s6, $0x6  }
0x182: {  	s16 =	sshrl.u32 @!p1 s9, $0x3;
	s18 =	simm.s32 @!p1 $0x3;
	s14 =	sor.u32 @!p1 $0x1C03, s14  }
0x183: {  	[hbm:s20], [sflag:s14] =	dma.local @!p1 [spmem:s16], $0x40  }
0x184: {  	s17 =	simm.s32 $0x20;
	s19 =	sadd.s32 $0x10, s6;
	_ =	swait.ge @!p1 [sflag:s18], $0x40  }
0x185: {  	s14 =	sadd.s32 $0x2000, s9;
	s16 =	sadd.s32 $0x400, s20;
	[sflag:s18] =	ssyncset.done @!p1 $0x0  }
.LBB2_34:
0x186: {  	[sflag:s18] =	ssyncadd.s32 @!p1 $0xFFFFFFC0  }
0x187: {  	p1 =	sgt.u32 s19, $0x61B;
	s19 =	smov.u32 s17;
	s17 =	sadd.s32 $0x10, s17  }
0x188: {  	p2 =	sne.s32 s17, $0x620  }
.Ltmp19:
0x189: {  	s18 =	sshll.u32 @!p1 s6, $0x6;
	s20 =	sshrl.u32 @!p1 s14, $0x3;
	(pc) =	sbr.rel @p2 .LBB2_34-.Ltmp19, $4  }
0x18a: {  	s28 =	sor.u32 @!p1 $0x1C03, s18;
	s18 =	simm.s32 @!p1 $0x3  }
0x18b: {  	[hbm:s16], [sflag:s28] =	dma.local @!p1 [spmem:s20], $0x40  }
0x18c: {  	s14 =	sadd.s32 $0x2000, s14;
	_ =	swait.ge @!p1 [sflag:s18], $0x40  }
0x18d: {  	s19 =	sadd.s32 s19, s6;
	s16 =	sadd.s32 $0x400, s16;
	[sflag:s18] =	ssyncset.done @!p1 $0x0  }
0x18e: {  	p2 =	sgt.u32 s19, $0x61B  }
0x18f: {  	[sflag:s18] =	ssyncadd.s32 @!p1 $0xFFFFFFC0;
	s17 =	sshll.u32 @!p2 s6, $0x6  }
0x190: {  	s14 =	sshrl.u32 @!p2 s14, $0x3;
	s18 =	simm.s32 @!p2 $0x3;
	s17 =	sor.u32 @!p2 $0x1C03, s17  }
0x191: {  	[hbm:s16], [sflag:s17] =	dma.local @!p2 [spmem:s14], $0x40  }
0x192: {  	_ =	swait.ge @!p2 [sflag:s18], $0x40  }
0x193: {  	s20 =	simm.s32 $0x1580;
	[sflag:s18] =	ssyncset.done @!p2 $0x0  }
0x194: {  	s28 =	simm.s32 $0x1600;
	s30 =	simm.s32 $0x1680;
	[sflag:s18] =	ssyncadd.s32 @!p2 $0xFFFFFFC0  }
.LBB2_36:
0x195: {  	s14 =	sadd.s32 $0x0, s6  }
0x196: {  	[dreg:$0x1b] =	wrdreg s0;
	p1 =	sgt.u32 s14, $0x61B  }
0x197: {  	[bflag:$0x0] =	sbarrier.arrive $0xFFFF;
	s14 =	simm.s32 @!p1 $0x4800;
	s18 =	simm.s32 @!p1 $0x3  }
0x198: {  	[spmem:s9] =	stream.linear.scatter @!p1 [tilespmem:s14], [sflag:$0x3], $0x200, $0x38;
	[tilespmem:$0x10D80] =	vst v63  }
0x199: {  	s16 =	simm.s32 $0x10;
	_ =	swait.ge @!p1 [sflag:s18], $0x200  }
0x19a: {  	s17 =	simm.s32 $0x20;
	s14 =	sadd.s32 $0x2000, s9;
	[sflag:s18] =	ssyncset.done @!p1 $0x0  }
.LBB2_37:
0x19b: {  	s19 =	sadd.s32 s16, s6;
	s16 =	smov.u32 s17;
	s17 =	sadd.s32 $0x10, s17  }
0x19c: {  	[sflag:s18] =	ssyncadd.s32 @!p1 $0xFFFFFE00;
	p2 =	sne.s32 s17, $0x620  }
.Ltmp20:
0x19d: {  	p1 =	sgt.u32 s19, $0x61B;
	(pc) =	sbr.rel @p2 .LBB2_37-.Ltmp20, $4  }
0x19e: {  	s19 =	simm.s32 @!p1 $0x4800;
	s18 =	simm.s32 @!p1 $0x3  }
0x19f: {  	[spmem:s14] =	stream.linear.scatter @!p1 [tilespmem:s19], [sflag:$0x3], $0x200, $0x38;
	[tilespmem:$0x10D80] =	vst v63  }
0x1a0: {  	_ =	swait.ge @!p1 [sflag:s18], $0x200  }
0x1a1: {  	s14 =	sadd.s32 $0x2000, s14;
	[sflag:s18] =	ssyncset.done @!p1 $0x0  }
0x1a2: {  	s16 =	sadd.s32 s16, s6  }
0x1a3: {  	p2 =	sgt.u32 s16, $0x61B  }
0x1a4: {  	[sflag:s18] =	ssyncadd.s32 @!p1 $0xFFFFFE00;
	s16 =	simm.s32 @!p2 $0x4800;
	s17 =	simm.s32 @!p2 $0x3  }
0x1a5: {  	[spmem:s14] =	stream.linear.scatter @!p2 [tilespmem:s16], [sflag:$0x3], $0x200, $0x38;
	[tilespmem:$0x10D80] =	vst v63  }
0x1a6: {  	_ =	swait.ge @!p2 [sflag:s17], $0x200  }
0x1a7: {  	[sflag:s17] =	ssyncset.done @!p2 $0x0  }
0x1a8: {  	[sflag:s17] =	ssyncadd.s32 @!p2 $0xFFFFFE00  }
0x1a9: {  	[bflag:$0x0] =	sbarrier.arrive $0xFFFF  }
0x1aa: {  	s19 =	rddreg [dreg:$0x3]  }
0x1ab: {  	s14 =	sadd.s32 $0x0, s19  }
0x1ac: {  	[tilespmem:s8], [sflag:$0x3] =	stream.linear.gather [hbm4b:s14+s2], $0x1000, $0x38;
	[tilespmem:$0x10D80] =	vst v63  }
0x1ad: {  	_ =	swait.ge [sflag:s22], $0x1000  }
0x1ae: {  	[sflag:s22] =	ssyncset.done $0x0  }
0x1af: {  	[sflag:s22] =	ssyncadd.s32 $0xFFFFF000  }
0x1b0: {  	[spmem:s1] =	stream.indirect.scatter.add.bf16 [tilespmem:s23], [sflag:$0x2], $0x10, s8, s25, $0xb8;
	[tilespmem:$0x10D80] =	vst v63  }
0x1b1: {  	s0 =	rddreg [dreg:$0x4]  }
0x1b2: {  	[spmem:s1] =	stream.indirect.scatter.add.bf16 [tilespmem:s23], [sflag:$0x2], $0x10, s0, s25, $0xb8;
	[tilespmem:$0x10D80] =	vst v63  }
0x1b3: {  	s2 =	rddreg [dreg:$0x5]  }
0x1b4: {  	[spmem:s1] =	stream.indirect.scatter.add.bf16 [tilespmem:s23], [sflag:$0x2], $0x10, s2, s25, $0xb8;
	[tilespmem:$0x10D80] =	vst v63  }
0x1b5: {  	s8 =	rddreg [dreg:$0x6]  }
0x1b6: {  	[spmem:s1] =	stream.indirect.scatter.add.bf16 [tilespmem:s23], [sflag:$0x2], $0x10, s8, s25, $0xb8;
	[tilespmem:$0x10D80] =	vst v63  }
0x1b7: {  	s9 =	rddreg [dreg:$0x7]  }
0x1b8: {  	[spmem:s1] =	stream.indirect.scatter.add.bf16 [tilespmem:s23], [sflag:$0x2], $0x10, s9, s25, $0xb8;
	[tilespmem:$0x10D80] =	vst v63  }
0x1b9: {  	s12 =	rddreg [dreg:$0x8]  }
0x1ba: {  	[spmem:s1] =	stream.indirect.scatter.add.bf16 [tilespmem:s23], [sflag:$0x2], $0x10, s12, s25, $0xb8;
	[tilespmem:$0x10D80] =	vst v63  }
0x1bb: {  	s17 =	rddreg [dreg:$0x9]  }
0x1bc: {  	[spmem:s1] =	stream.indirect.scatter.add.bf16 [tilespmem:s23], [sflag:$0x2], $0x10, s17, s25, $0xb8;
	[tilespmem:$0x10D80] =	vst v63  }
0x1bd: {  	s18 =	rddreg [dreg:$0xa]  }
0x1be: {  	[spmem:s1] =	stream.indirect.scatter.add.bf16 [tilespmem:s23], [sflag:$0x2], $0x10, s18, s25, $0xb8;
	[tilespmem:$0x10D80] =	vst v63  }
0x1bf: {  	s19 =	rddreg [dreg:$0xb]  }
0x1c0: {  	[spmem:s1] =	stream.indirect.scatter.add.bf16 [tilespmem:s23], [sflag:$0x2], $0x10, s19, s25, $0xb8;
	[tilespmem:$0x10D80] =	vst v63  }
0x1c1: {  	s0 =	rddreg [dreg:$0xc]  }
0x1c2: {  	[spmem:s1] =	stream.indirect.scatter.add.bf16 [tilespmem:s23], [sflag:$0x2], $0x10, s0, s25, $0xb8;
	[tilespmem:$0x10D80] =	vst v63  }
0x1c3: {  	s2 =	rddreg [dreg:$0xd]  }
0x1c4: {  	[spmem:s1] =	stream.indirect.scatter.add.bf16 [tilespmem:s23], [sflag:$0x2], $0x10, s2, s25, $0xb8;
	[tilespmem:$0x10D80] =	vst v63  }
0x1c5: {  	_ = 	snop  }
0x1c6: {  	[spmem:s1] =	stream.indirect.scatter.add.bf16 [tilespmem:s23], [sflag:$0x2], $0x10, s20, s25, $0xb8;
	[tilespmem:$0x10D80] =	vst v63  }
0x1c7: {  	_ = 	snop  }
0x1c8: {  	[spmem:s1] =	stream.indirect.scatter.add.bf16 [tilespmem:s23], [sflag:$0x2], $0x10, s28, s25, $0xb8;
	[tilespmem:$0x10D80] =	vst v63  }
0x1c9: {  	_ = 	snop  }
0x1ca: {  	[spmem:s1] =	stream.indirect.scatter.add.bf16 [tilespmem:s23], [sflag:$0x2], $0x10, s30, s25, $0xb8;
	[tilespmem:$0x10D80] =	vst v63  }
0x1cb: {  	s19 =	simm.s32 $0x1700  }
0x1cc: {  	[spmem:s1] =	stream.indirect.scatter.add.bf16 [tilespmem:s23], [sflag:$0x2], $0x10, s19, s25, $0xb8;
	[tilespmem:$0x10D80] =	vst v63  }
0x1cd: {  	s8 =	simm.s32 $0x1780  }
0x1ce: {  	[spmem:s1] =	stream.indirect.scatter.add.bf16 [tilespmem:s23], [sflag:$0x2], $0x10, s8, s25, $0xb8;
	[tilespmem:$0x10D80] =	vst v63  }
0x1cf: {  	s29 =	simm.s32 $0x1800  }
0x1d0: {  	[spmem:s1] =	stream.indirect.scatter.add.bf16 [tilespmem:s23], [sflag:$0x2], $0x10, s29, s25, $0xb8;
	[tilespmem:$0x10D80] =	vst v63  }
0x1d1: {  	_ = 	snop  }
0x1d2: {  	[spmem:s1] =	stream.indirect.scatter.add.bf16 [tilespmem:s23], [sflag:$0x2], $0x10, s31, s25, $0xb8;
	[tilespmem:$0x10D80] =	vst v63  }
0x1d3: {  	s0 =	simm.s32 $0x1900  }
0x1d4: {  	[spmem:s1] =	stream.indirect.scatter.add.bf16 [tilespmem:s23], [sflag:$0x2], $0x10, s0, s25, $0xb8;
	[tilespmem:$0x10D80] =	vst v63  }
0x1d5: {  	s9 =	simm.s32 $0x1980  }
0x1d6: {  	[spmem:s1] =	stream.indirect.scatter.add.bf16 [tilespmem:s23], [sflag:$0x2], $0x10, s9, s25, $0xb8;
	[tilespmem:$0x10D80] =	vst v63  }
0x1d7: {  	s12 =	simm.s32 $0x1A00  }
0x1d8: {  	[spmem:s1] =	stream.indirect.scatter.add.bf16 [tilespmem:s23], [sflag:$0x2], $0x10, s12, s25, $0xb8;
	[tilespmem:$0x10D80] =	vst v63  }
0x1d9: {  	s12 =	simm.s32 $0x1A80  }
0x1da: {  	[spmem:s1] =	stream.indirect.scatter.add.bf16 [tilespmem:s23], [sflag:$0x2], $0x10, s12, s25, $0xb8;
	[tilespmem:$0x10D80] =	vst v63  }
0x1db: {  	_ = 	snop  }
0x1dc: {  	[spmem:s1] =	stream.indirect.scatter.add.bf16 [tilespmem:s23], [sflag:$0x2], $0x10, s26, s25, $0xb8;
	[tilespmem:$0x10D80] =	vst v63  }
0x1dd: {  	_ = 	snop  }
0x1de: {  	[spmem:s1] =	stream.indirect.scatter.add.bf16 [tilespmem:s23], [sflag:$0x2], $0x10, s11, s25, $0xb8;
	[tilespmem:$0x10D80] =	vst v63  }
0x1df: {  	_ = 	snop  }
0x1e0: {  	[spmem:s1] =	stream.indirect.scatter.add.bf16 [tilespmem:s23], [sflag:$0x2], $0x10, s13, s25, $0xb8;
	[tilespmem:$0x10D80] =	vst v63  }
0x1e1: {  	_ = 	snop  }
0x1e2: {  	[spmem:s1] =	stream.indirect.scatter.add.bf16 [tilespmem:s23], [sflag:$0x2], $0x10, s15, s25, $0xb8;
	[tilespmem:$0x10D80] =	vst v63  }
0x1e3: {  	s14 =	simm.s32 $0x1D00  }
0x1e4: {  	[spmem:s1] =	stream.indirect.scatter.add.bf16 [tilespmem:s23], [sflag:$0x2], $0x10, s14, s25, $0xb8;
	[tilespmem:$0x10D80] =	vst v63  }
0x1e5: {  	s2 =	simm.s32 $0x1D80  }
0x1e6: {  	[spmem:s1] =	stream.indirect.scatter.add.bf16 [tilespmem:s23], [sflag:$0x2], $0x10, s2, s25, $0xb8;
	[tilespmem:$0x10D80] =	vst v63  }
0x1e7: {  	s8 =	simm.s32 $0x1E00  }
0x1e8: {  	[spmem:s1] =	stream.indirect.scatter.add.bf16 [tilespmem:s23], [sflag:$0x2], $0x10, s8, s25, $0xb8;
	[tilespmem:$0x10D80] =	vst v63  }
0x1e9: {  	s16 =	simm.s32 $0x1E80  }
0x1ea: {  	[spmem:s1] =	stream.indirect.scatter.add.bf16 [tilespmem:s23], [sflag:$0x2], $0x10, s16, s25, $0xb8;
	[tilespmem:$0x10D80] =	vst v63  }
0x1eb: {  	s17 =	simm.s32 $0x1F00  }
0x1ec: {  	[spmem:s1] =	stream.indirect.scatter.add.bf16 [tilespmem:s23], [sflag:$0x2], $0x10, s17, s25, $0xb8;
	[tilespmem:$0x10D80] =	vst v63  }
0x1ed: {  	s18 =	simm.s32 $0x1F80  }
0x1ee: {  	[spmem:s1] =	stream.indirect.scatter.add.bf16 [tilespmem:s23], [sflag:$0x2], $0x10, s18, s25, $0xb8;
	[tilespmem:$0x10D80] =	vst v63  }
0x1ef: {  	_ =	swait.ge [sflag:s21], $0x800  }
0x1f0: {  	[sflag:s21] =	ssyncset.done $0x0  }
0x1f1: {  	[sflag:s21] =	ssyncadd.s32 $0xFFFFF800  }
0x1f2: {  	_ =	swait.ge [sflag:s21], $0x800  }
0x1f3: {  	[sflag:s21] =	ssyncset.done $0x0  }
0x1f4: {  	[sflag:s21] =	ssyncadd.s32 $0xFFFFF800  }
0x1f5: {  	_ =	swait.ge [sflag:s21], $0x800  }
0x1f6: {  	[sflag:s21] =	ssyncset.done $0x0  }
0x1f7: {  	[sflag:s21] =	ssyncadd.s32 $0xFFFFF800  }
0x1f8: {  	_ =	swait.ge [sflag:s21], $0x800  }
0x1f9: {  	[sflag:s21] =	ssyncset.done $0x0  }
0x1fa: {  	[sflag:s21] =	ssyncadd.s32 $0xFFFFF800  }
0x1fb: {  	_ =	swait.ge [sflag:s21], $0x800  }
0x1fc: {  	[sflag:s21] =	ssyncset.done $0x0  }
0x1fd: {  	[sflag:s21] =	ssyncadd.s32 $0xFFFFF800  }
0x1fe: {  	_ =	swait.ge [sflag:s21], $0x800  }
0x1ff: {  	[sflag:s21] =	ssyncset.done $0x0  }
0x200: {  	[sflag:s21] =	ssyncadd.s32 $0xFFFFF800  }
0x201: {  	_ =	swait.ge [sflag:s21], $0x800  }
0x202: {  	[sflag:s21] =	ssyncset.done $0x0  }
0x203: {  	[sflag:s21] =	ssyncadd.s32 $0xFFFFF800  }
0x204: {  	_ =	swait.ge [sflag:s21], $0x800  }
0x205: {  	[sflag:s21] =	ssyncset.done $0x0  }
0x206: {  	[sflag:s21] =	ssyncadd.s32 $0xFFFFF800  }
0x207: {  	_ =	swait.ge [sflag:s21], $0x800  }
0x208: {  	[sflag:s21] =	ssyncset.done $0x0  }
0x209: {  	[sflag:s21] =	ssyncadd.s32 $0xFFFFF800  }
0x20a: {  	_ =	swait.ge [sflag:s21], $0x800  }
0x20b: {  	[sflag:s21] =	ssyncset.done $0x0  }
0x20c: {  	[sflag:s21] =	ssyncadd.s32 $0xFFFFF800  }
0x20d: {  	_ =	swait.ge [sflag:s21], $0x800  }
0x20e: {  	[sflag:s21] =	ssyncset.done $0x0  }
0x20f: {  	[sflag:s21] =	ssyncadd.s32 $0xFFFFF800  }
0x210: {  	_ =	swait.ge [sflag:s21], $0x800  }
0x211: {  	[sflag:s21] =	ssyncset.done $0x0  }
0x212: {  	[sflag:s21] =	ssyncadd.s32 $0xFFFFF800  }
0x213: {  	_ =	swait.ge [sflag:s21], $0x800  }
0x214: {  	[sflag:s21] =	ssyncset.done $0x0  }
0x215: {  	[sflag:s21] =	ssyncadd.s32 $0xFFFFF800  }
0x216: {  	_ =	swait.ge [sflag:s21], $0x800  }
0x217: {  	[sflag:s21] =	ssyncset.done $0x0  }
0x218: {  	[sflag:s21] =	ssyncadd.s32 $0xFFFFF800  }
0x219: {  	_ =	swait.ge [sflag:s21], $0x800  }
0x21a: {  	[sflag:s21] =	ssyncset.done $0x0  }
0x21b: {  	[sflag:s21] =	ssyncadd.s32 $0xFFFFF800  }
0x21c: {  	_ =	swait.ge [sflag:s21], $0x800  }
0x21d: {  	[sflag:s21] =	ssyncset.done $0x0  }
0x21e: {  	[sflag:s21] =	ssyncadd.s32 $0xFFFFF800  }
0x21f: {  	_ =	swait.ge [sflag:s21], $0x800  }
0x220: {  	[sflag:s21] =	ssyncset.done $0x0  }
0x221: {  	[sflag:s21] =	ssyncadd.s32 $0xFFFFF800  }
0x222: {  	_ =	swait.ge [sflag:s21], $0x800  }
0x223: {  	[sflag:s21] =	ssyncset.done $0x0  }
0x224: {  	[sflag:s21] =	ssyncadd.s32 $0xFFFFF800  }
0x225: {  	_ =	swait.ge [sflag:s21], $0x800  }
0x226: {  	[sflag:s21] =	ssyncset.done $0x0  }
0x227: {  	[sflag:s21] =	ssyncadd.s32 $0xFFFFF800  }
0x228: {  	_ =	swait.ge [sflag:s21], $0x800  }
0x229: {  	[sflag:s21] =	ssyncset.done $0x0  }
0x22a: {  	[sflag:s21] =	ssyncadd.s32 $0xFFFFF800  }
0x22b: {  	_ =	swait.ge [sflag:s21], $0x800  }
0x22c: {  	[sflag:s21] =	ssyncset.done $0x0  }
0x22d: {  	[sflag:s21] =	ssyncadd.s32 $0xFFFFF800  }
0x22e: {  	_ =	swait.ge [sflag:s21], $0x800  }
0x22f: {  	[sflag:s21] =	ssyncset.done $0x0  }
0x230: {  	[sflag:s21] =	ssyncadd.s32 $0xFFFFF800  }
0x231: {  	_ =	swait.ge [sflag:s21], $0x800  }
0x232: {  	[sflag:s21] =	ssyncset.done $0x0  }
0x233: {  	[sflag:s21] =	ssyncadd.s32 $0xFFFFF800  }
0x234: {  	_ =	swait.ge [sflag:s21], $0x800  }
0x235: {  	[sflag:s21] =	ssyncset.done $0x0  }
0x236: {  	[sflag:s21] =	ssyncadd.s32 $0xFFFFF800  }
0x237: {  	_ =	swait.ge [sflag:s21], $0x800  }
0x238: {  	[sflag:s21] =	ssyncset.done $0x0  }
0x239: {  	[sflag:s21] =	ssyncadd.s32 $0xFFFFF800  }
0x23a: {  	_ =	swait.ge [sflag:s21], $0x800  }
0x23b: {  	[sflag:s21] =	ssyncset.done $0x0  }
0x23c: {  	[sflag:s21] =	ssyncadd.s32 $0xFFFFF800  }
0x23d: {  	_ =	swait.ge [sflag:s21], $0x800  }
0x23e: {  	[sflag:s21] =	ssyncset.done $0x0  }
0x23f: {  	[sflag:s21] =	ssyncadd.s32 $0xFFFFF800  }
0x240: {  	_ =	swait.ge [sflag:s21], $0x800  }
0x241: {  	[sflag:s21] =	ssyncset.done $0x0  }
0x242: {  	[sflag:s21] =	ssyncadd.s32 $0xFFFFF800  }
0x243: {  	_ =	swait.ge [sflag:s21], $0x800  }
0x244: {  	[sflag:s21] =	ssyncset.done $0x0  }
0x245: {  	[sflag:s21] =	ssyncadd.s32 $0xFFFFF800  }
0x246: {  	_ =	swait.ge [sflag:s21], $0x800  }
0x247: {  	[sflag:s21] =	ssyncset.done $0x0  }
0x248: {  	[sflag:s21] =	ssyncadd.s32 $0xFFFFF800  }
0x249: {  	_ =	swait.ge [sflag:s21], $0x800  }
0x24a: {  	[sflag:s21] =	ssyncset.done $0x0  }
0x24b: {  	s0 =	simm.s32 $0x1000;
	[sflag:s21] =	ssyncadd.s32 $0xFFFFF800  }
0x24c: {  	s9 =	simm.s32 $0x1D00;
	s16 =	simm.s32 $0x200;
	_ =	swait.ge [sflag:s21], $0x800  }
0x24d: {  	s17 =	simm.s32 $0x400;
	s14 =	rddreg [dreg:$0x3];
	[sflag:s21] =	ssyncset.done $0x0  }
.LBB2_39:
0x24e: {  	[sflag:s21] =	ssyncadd.s32 $0xFFFFF800;
	s14 =	sadd.s32 s16, s14  }
0x24f: {  	[tilespmem:s0], [sflag:$0x3] =	stream.linear.gather [hbm4b:s14+s24], $0x1000, $0x38;
	[tilespmem:$0x10D80] =	vst v63  }
0x250: {  	_ =	swait.ge [sflag:s22], $0x1000  }
0x251: {  	[sflag:s22] =	ssyncset.done $0x0  }
0x252: {  	[sflag:s22] =	ssyncadd.s32 $0xFFFFF000  }
0x253: {  	[spmem:s1] =	stream.indirect.scatter.add.bf16 [tilespmem:s23], [sflag:$0x2], $0x10, s0, s25, $0xb8;
	[tilespmem:$0x10D80] =	vst v63  }
0x254: {  	s18 =	smov.u32 s17;
	s14 =	rddreg [dreg:$0x4]  }
0x255: {  	[spmem:s1] =	stream.indirect.scatter.add.bf16 [tilespmem:s23], [sflag:$0x2], $0x10, s14, s25, $0xb8;
	[tilespmem:$0x10D80] =	vst v63  }
0x256: {  	s16 =	smov.u32 s18;
	s18 =	rddreg [dreg:$0x5]  }
0x257: {  	[spmem:s1] =	stream.indirect.scatter.add.bf16 [tilespmem:s23], [sflag:$0x2], $0x10, s18, s25, $0xb8;
	[tilespmem:$0x10D80] =	vst v63  }
0x258: {  	s14 =	rddreg [dreg:$0x6]  }
0x259: {  	[spmem:s1] =	stream.indirect.scatter.add.bf16 [tilespmem:s23], [sflag:$0x2], $0x10, s14, s25, $0xb8;
	[tilespmem:$0x10D80] =	vst v63  }
0x25a: {  	s18 =	rddreg [dreg:$0x7]  }
0x25b: {  	[spmem:s1] =	stream.indirect.scatter.add.bf16 [tilespmem:s23], [sflag:$0x2], $0x10, s18, s25, $0xb8;
	[tilespmem:$0x10D80] =	vst v63  }
0x25c: {  	s14 =	rddreg [dreg:$0x8]  }
0x25d: {  	[spmem:s1] =	stream.indirect.scatter.add.bf16 [tilespmem:s23], [sflag:$0x2], $0x10, s14, s25, $0xb8;
	[tilespmem:$0x10D80] =	vst v63  }
0x25e: {  	s18 =	rddreg [dreg:$0x9]  }
0x25f: {  	[spmem:s1] =	stream.indirect.scatter.add.bf16 [tilespmem:s23], [sflag:$0x2], $0x10, s18, s25, $0xb8;
	[tilespmem:$0x10D80] =	vst v63  }
0x260: {  	s14 =	rddreg [dreg:$0xa]  }
0x261: {  	[spmem:s1] =	stream.indirect.scatter.add.bf16 [tilespmem:s23], [sflag:$0x2], $0x10, s14, s25, $0xb8;
	[tilespmem:$0x10D80] =	vst v63  }
0x262: {  	s18 =	rddreg [dreg:$0xb]  }
0x263: {  	[spmem:s1] =	stream.indirect.scatter.add.bf16 [tilespmem:s23], [sflag:$0x2], $0x10, s18, s25, $0xb8;
	[tilespmem:$0x10D80] =	vst v63  }
0x264: {  	s14 =	rddreg [dreg:$0xc]  }
0x265: {  	[spmem:s1] =	stream.indirect.scatter.add.bf16 [tilespmem:s23], [sflag:$0x2], $0x10, s14, s25, $0xb8;
	[tilespmem:$0x10D80] =	vst v63  }
0x266: {  	s18 =	rddreg [dreg:$0xd]  }
0x267: {  	[spmem:s1] =	stream.indirect.scatter.add.bf16 [tilespmem:s23], [sflag:$0x2], $0x10, s18, s25, $0xb8;
	[tilespmem:$0x10D80] =	vst v63  }
0x268: {  	_ = 	snop  }
0x269: {  	[spmem:s1] =	stream.indirect.scatter.add.bf16 [tilespmem:s23], [sflag:$0x2], $0x10, s20, s25, $0xb8;
	[tilespmem:$0x10D80] =	vst v63  }
0x26a: {  	_ = 	snop  }
0x26b: {  	[spmem:s1] =	stream.indirect.scatter.add.bf16 [tilespmem:s23], [sflag:$0x2], $0x10, s28, s25, $0xb8;
	[tilespmem:$0x10D80] =	vst v63  }
0x26c: {  	_ = 	snop  }
0x26d: {  	[spmem:s1] =	stream.indirect.scatter.add.bf16 [tilespmem:s23], [sflag:$0x2], $0x10, s30, s25, $0xb8;
	[tilespmem:$0x10D80] =	vst v63  }
0x26e: {  	_ = 	snop  }
0x26f: {  	[spmem:s1] =	stream.indirect.scatter.add.bf16 [tilespmem:s23], [sflag:$0x2], $0x10, s19, s25, $0xb8;
	[tilespmem:$0x10D80] =	vst v63  }
0x270: {  	s18 =	simm.s32 $0x1780  }
0x271: {  	[spmem:s1] =	stream.indirect.scatter.add.bf16 [tilespmem:s23], [sflag:$0x2], $0x10, s18, s25, $0xb8;
	[tilespmem:$0x10D80] =	vst v63  }
0x272: {  	_ = 	snop  }
0x273: {  	[spmem:s1] =	stream.indirect.scatter.add.bf16 [tilespmem:s23], [sflag:$0x2], $0x10, s29, s25, $0xb8;
	[tilespmem:$0x10D80] =	vst v63  }
0x274: {  	_ = 	snop  }
0x275: {  	[spmem:s1] =	stream.indirect.scatter.add.bf16 [tilespmem:s23], [sflag:$0x2], $0x10, s31, s25, $0xb8;
	[tilespmem:$0x10D80] =	vst v63  }
0x276: {  	s14 =	simm.s32 $0x1900  }
0x277: {  	[spmem:s1] =	stream.indirect.scatter.add.bf16 [tilespmem:s23], [sflag:$0x2], $0x10, s14, s25, $0xb8;
	[tilespmem:$0x10D80] =	vst v63  }
0x278: {  	s14 =	simm.s32 $0x1980  }
0x279: {  	[spmem:s1] =	stream.indirect.scatter.add.bf16 [tilespmem:s23], [sflag:$0x2], $0x10, s14, s25, $0xb8;
	[tilespmem:$0x10D80] =	vst v63  }
0x27a: {  	s14 =	simm.s32 $0x1A00  }
0x27b: {  	[spmem:s1] =	stream.indirect.scatter.add.bf16 [tilespmem:s23], [sflag:$0x2], $0x10, s14, s25, $0xb8;
	[tilespmem:$0x10D80] =	vst v63  }
0x27c: {  	_ = 	snop  }
0x27d: {  	[spmem:s1] =	stream.indirect.scatter.add.bf16 [tilespmem:s23], [sflag:$0x2], $0x10, s12, s25, $0xb8;
	[tilespmem:$0x10D80] =	vst v63  }
0x27e: {  	_ = 	snop  }
0x27f: {  	[spmem:s1] =	stream.indirect.scatter.add.bf16 [tilespmem:s23], [sflag:$0x2], $0x10, s26, s25, $0xb8;
	[tilespmem:$0x10D80] =	vst v63  }
0x280: {  	_ = 	snop  }
0x281: {  	[spmem:s1] =	stream.indirect.scatter.add.bf16 [tilespmem:s23], [sflag:$0x2], $0x10, s11, s25, $0xb8;
	[tilespmem:$0x10D80] =	vst v63  }
0x282: {  	_ = 	snop  }
0x283: {  	[spmem:s1] =	stream.indirect.scatter.add.bf16 [tilespmem:s23], [sflag:$0x2], $0x10, s13, s25, $0xb8;
	[tilespmem:$0x10D80] =	vst v63  }
0x284: {  	_ = 	snop  }
0x285: {  	[spmem:s1] =	stream.indirect.scatter.add.bf16 [tilespmem:s23], [sflag:$0x2], $0x10, s15, s25, $0xb8;
	[tilespmem:$0x10D80] =	vst v63  }
0x286: {  	_ = 	snop  }
0x287: {  	[spmem:s1] =	stream.indirect.scatter.add.bf16 [tilespmem:s23], [sflag:$0x2], $0x10, s9, s25, $0xb8;
	[tilespmem:$0x10D80] =	vst v63  }
0x288: {  	_ = 	snop  }
0x289: {  	[spmem:s1] =	stream.indirect.scatter.add.bf16 [tilespmem:s23], [sflag:$0x2], $0x10, s2, s25, $0xb8;
	[tilespmem:$0x10D80] =	vst v63  }
0x28a: {  	_ = 	snop  }
0x28b: {  	[spmem:s1] =	stream.indirect.scatter.add.bf16 [tilespmem:s23], [sflag:$0x2], $0x10, s8, s25, $0xb8;
	[tilespmem:$0x10D80] =	vst v63  }
0x28c: {  	s14 =	simm.s32 $0x1E80  }
0x28d: {  	[spmem:s1] =	stream.indirect.scatter.add.bf16 [tilespmem:s23], [sflag:$0x2], $0x10, s14, s25, $0xb8;
	[tilespmem:$0x10D80] =	vst v63  }
0x28e: {  	s14 =	simm.s32 $0x1F00  }
0x28f: {  	[spmem:s1] =	stream.indirect.scatter.add.bf16 [tilespmem:s23], [sflag:$0x2], $0x10, s14, s25, $0xb8;
	[tilespmem:$0x10D80] =	vst v63  }
0x290: {  	s14 =	simm.s32 $0x1F80  }
0x291: {  	[spmem:s1] =	stream.indirect.scatter.add.bf16 [tilespmem:s23], [sflag:$0x2], $0x10, s14, s25, $0xb8;
	[tilespmem:$0x10D80] =	vst v63  }
0x292: {  	_ =	swait.ge [sflag:s21], $0x800  }
0x293: {  	[sflag:s21] =	ssyncset.done $0x0  }
0x294: {  	[sflag:s21] =	ssyncadd.s32 $0xFFFFF800  }
0x295: {  	_ =	swait.ge [sflag:s21], $0x800  }
0x296: {  	[sflag:s21] =	ssyncset.done $0x0  }
0x297: {  	[sflag:s21] =	ssyncadd.s32 $0xFFFFF800  }
0x298: {  	_ =	swait.ge [sflag:s21], $0x800  }
0x299: {  	[sflag:s21] =	ssyncset.done $0x0  }
0x29a: {  	[sflag:s21] =	ssyncadd.s32 $0xFFFFF800  }
0x29b: {  	_ =	swait.ge [sflag:s21], $0x800  }
0x29c: {  	[sflag:s21] =	ssyncset.done $0x0  }
0x29d: {  	[sflag:s21] =	ssyncadd.s32 $0xFFFFF800  }
0x29e: {  	_ =	swait.ge [sflag:s21], $0x800  }
0x29f: {  	[sflag:s21] =	ssyncset.done $0x0  }
0x2a0: {  	[sflag:s21] =	ssyncadd.s32 $0xFFFFF800  }
0x2a1: {  	_ =	swait.ge [sflag:s21], $0x800  }
0x2a2: {  	[sflag:s21] =	ssyncset.done $0x0  }
0x2a3: {  	[sflag:s21] =	ssyncadd.s32 $0xFFFFF800  }
0x2a4: {  	_ =	swait.ge [sflag:s21], $0x800  }
0x2a5: {  	[sflag:s21] =	ssyncset.done $0x0  }
0x2a6: {  	[sflag:s21] =	ssyncadd.s32 $0xFFFFF800  }
0x2a7: {  	_ =	swait.ge [sflag:s21], $0x800  }
0x2a8: {  	[sflag:s21] =	ssyncset.done $0x0  }
0x2a9: {  	[sflag:s21] =	ssyncadd.s32 $0xFFFFF800  }
0x2aa: {  	_ =	swait.ge [sflag:s21], $0x800  }
0x2ab: {  	[sflag:s21] =	ssyncset.done $0x0  }
0x2ac: {  	[sflag:s21] =	ssyncadd.s32 $0xFFFFF800  }
0x2ad: {  	_ =	swait.ge [sflag:s21], $0x800  }
0x2ae: {  	[sflag:s21] =	ssyncset.done $0x0  }
0x2af: {  	[sflag:s21] =	ssyncadd.s32 $0xFFFFF800  }
0x2b0: {  	_ =	swait.ge [sflag:s21], $0x800  }
0x2b1: {  	[sflag:s21] =	ssyncset.done $0x0  }
0x2b2: {  	[sflag:s21] =	ssyncadd.s32 $0xFFFFF800  }
0x2b3: {  	_ =	swait.ge [sflag:s21], $0x800  }
0x2b4: {  	[sflag:s21] =	ssyncset.done $0x0  }
0x2b5: {  	[sflag:s21] =	ssyncadd.s32 $0xFFFFF800  }
0x2b6: {  	_ =	swait.ge [sflag:s21], $0x800  }
0x2b7: {  	[sflag:s21] =	ssyncset.done $0x0  }
0x2b8: {  	[sflag:s21] =	ssyncadd.s32 $0xFFFFF800  }
0x2b9: {  	_ =	swait.ge [sflag:s21], $0x800  }
0x2ba: {  	[sflag:s21] =	ssyncset.done $0x0  }
0x2bb: {  	[sflag:s21] =	ssyncadd.s32 $0xFFFFF800  }
0x2bc: {  	_ =	swait.ge [sflag:s21], $0x800  }
0x2bd: {  	[sflag:s21] =	ssyncset.done $0x0  }
0x2be: {  	[sflag:s21] =	ssyncadd.s32 $0xFFFFF800  }
0x2bf: {  	_ =	swait.ge [sflag:s21], $0x800  }
0x2c0: {  	[sflag:s21] =	ssyncset.done $0x0  }
0x2c1: {  	[sflag:s21] =	ssyncadd.s32 $0xFFFFF800  }
0x2c2: {  	_ =	swait.ge [sflag:s21], $0x800  }
0x2c3: {  	[sflag:s21] =	ssyncset.done $0x0  }
0x2c4: {  	[sflag:s21] =	ssyncadd.s32 $0xFFFFF800  }
0x2c5: {  	_ =	swait.ge [sflag:s21], $0x800  }
0x2c6: {  	[sflag:s21] =	ssyncset.done $0x0  }
0x2c7: {  	[sflag:s21] =	ssyncadd.s32 $0xFFFFF800  }
0x2c8: {  	_ =	swait.ge [sflag:s21], $0x800  }
0x2c9: {  	[sflag:s21] =	ssyncset.done $0x0  }
0x2ca: {  	[sflag:s21] =	ssyncadd.s32 $0xFFFFF800  }
0x2cb: {  	_ =	swait.ge [sflag:s21], $0x800  }
0x2cc: {  	[sflag:s21] =	ssyncset.done $0x0  }
0x2cd: {  	[sflag:s21] =	ssyncadd.s32 $0xFFFFF800  }
0x2ce: {  	_ =	swait.ge [sflag:s21], $0x800  }
0x2cf: {  	[sflag:s21] =	ssyncset.done $0x0  }
0x2d0: {  	[sflag:s21] =	ssyncadd.s32 $0xFFFFF800  }
0x2d1: {  	_ =	swait.ge [sflag:s21], $0x800  }
0x2d2: {  	[sflag:s21] =	ssyncset.done $0x0  }
0x2d3: {  	[sflag:s21] =	ssyncadd.s32 $0xFFFFF800  }
0x2d4: {  	_ =	swait.ge [sflag:s21], $0x800  }
0x2d5: {  	[sflag:s21] =	ssyncset.done $0x0  }
0x2d6: {  	[sflag:s21] =	ssyncadd.s32 $0xFFFFF800  }
0x2d7: {  	_ =	swait.ge [sflag:s21], $0x800  }
0x2d8: {  	[sflag:s21] =	ssyncset.done $0x0  }
0x2d9: {  	[sflag:s21] =	ssyncadd.s32 $0xFFFFF800  }
0x2da: {  	_ =	swait.ge [sflag:s21], $0x800  }
0x2db: {  	[sflag:s21] =	ssyncset.done $0x0  }
0x2dc: {  	[sflag:s21] =	ssyncadd.s32 $0xFFFFF800  }
0x2dd: {  	_ =	swait.ge [sflag:s21], $0x800  }
0x2de: {  	[sflag:s21] =	ssyncset.done $0x0  }
0x2df: {  	[sflag:s21] =	ssyncadd.s32 $0xFFFFF800  }
0x2e0: {  	_ =	swait.ge [sflag:s21], $0x800  }
0x2e1: {  	[sflag:s21] =	ssyncset.done $0x0  }
0x2e2: {  	[sflag:s21] =	ssyncadd.s32 $0xFFFFF800  }
0x2e3: {  	_ =	swait.ge [sflag:s21], $0x800  }
0x2e4: {  	[sflag:s21] =	ssyncset.done $0x0  }
0x2e5: {  	[sflag:s21] =	ssyncadd.s32 $0xFFFFF800  }
0x2e6: {  	_ =	swait.ge [sflag:s21], $0x800  }
0x2e7: {  	[sflag:s21] =	ssyncset.done $0x0  }
0x2e8: {  	[sflag:s21] =	ssyncadd.s32 $0xFFFFF800  }
0x2e9: {  	_ =	swait.ge [sflag:s21], $0x800  }
0x2ea: {  	[sflag:s21] =	ssyncset.done $0x0  }
0x2eb: {  	p1 =	sne.s32 s17, $0x600;
	[sflag:s21] =	ssyncadd.s32 $0xFFFFF800  }
.Ltmp21:
0x2ec: {  	_ =	swait.ge [sflag:s21], $0x800;
	(pc) =	sbr.rel @p1 .LBB2_39-.Ltmp21, $4  }
0x2ed: {  	[sflag:s21] =	ssyncset.done $0x0  }
0x2ee: {  	[sflag:s21] =	ssyncadd.s32 $0xFFFFF800  }
0x2ef: {  	_ =	swait.ge [sflag:s21], $0x800  }
0x2f0: {  	s17 =	sadd.s32 $0x200, s17;
	s14 =	rddreg [dreg:$0x3];
	[sflag:s21] =	ssyncset.done $0x0  }
0x2f1: {  	[sflag:s21] =	ssyncadd.s32 $0xFFFFF800;
	s14 =	sadd.s32 s16, s14  }
0x2f2: {  	[tilespmem:s0], [sflag:$0x3] =	stream.linear.gather [hbm4b:s14+s24], $0x1000, $0x38;
	[tilespmem:$0x10D80] =	vst v63  }
0x2f3: {  	_ =	swait.ge [sflag:s22], $0x1000  }
0x2f4: {  	[sflag:s22] =	ssyncset.done $0x0  }
0x2f5: {  	[sflag:s22] =	ssyncadd.s32 $0xFFFFF000  }
0x2f6: {  	[spmem:s1] =	stream.indirect.scatter.add.bf16 [tilespmem:s23], [sflag:$0x2], $0x10, s0, s25, $0xb8;
	[tilespmem:$0x10D80] =	vst v63  }
0x2f7: {  	s17 =	rddreg [dreg:$0x4]  }
0x2f8: {  	[spmem:s1] =	stream.indirect.scatter.add.bf16 [tilespmem:s23], [sflag:$0x2], $0x10, s17, s25, $0xb8;
	[tilespmem:$0x10D80] =	vst v63  }
0x2f9: {  	s0 =	rddreg [dreg:$0x5]  }
0x2fa: {  	[spmem:s1] =	stream.indirect.scatter.add.bf16 [tilespmem:s23], [sflag:$0x2], $0x10, s0, s25, $0xb8;
	[tilespmem:$0x10D80] =	vst v63  }
0x2fb: {  	s17 =	rddreg [dreg:$0x6]  }
0x2fc: {  	[spmem:s1] =	stream.indirect.scatter.add.bf16 [tilespmem:s23], [sflag:$0x2], $0x10, s17, s25, $0xb8;
	[tilespmem:$0x10D80] =	vst v63  }
0x2fd: {  	s0 =	rddreg [dreg:$0x7]  }
0x2fe: {  	[spmem:s1] =	stream.indirect.scatter.add.bf16 [tilespmem:s23], [sflag:$0x2], $0x10, s0, s25, $0xb8;
	[tilespmem:$0x10D80] =	vst v63  }
0x2ff: {  	s17 =	rddreg [dreg:$0x8]  }
0x300: {  	[spmem:s1] =	stream.indirect.scatter.add.bf16 [tilespmem:s23], [sflag:$0x2], $0x10, s17, s25, $0xb8;
	[tilespmem:$0x10D80] =	vst v63  }
0x301: {  	s0 =	rddreg [dreg:$0x9]  }
0x302: {  	[spmem:s1] =	stream.indirect.scatter.add.bf16 [tilespmem:s23], [sflag:$0x2], $0x10, s0, s25, $0xb8;
	[tilespmem:$0x10D80] =	vst v63  }
0x303: {  	s17 =	rddreg [dreg:$0xa]  }
0x304: {  	[spmem:s1] =	stream.indirect.scatter.add.bf16 [tilespmem:s23], [sflag:$0x2], $0x10, s17, s25, $0xb8;
	[tilespmem:$0x10D80] =	vst v63  }
0x305: {  	s0 =	rddreg [dreg:$0xb]  }
0x306: {  	[spmem:s1] =	stream.indirect.scatter.add.bf16 [tilespmem:s23], [sflag:$0x2], $0x10, s0, s25, $0xb8;
	[tilespmem:$0x10D80] =	vst v63  }
0x307: {  	s17 =	rddreg [dreg:$0xc]  }
0x308: {  	[spmem:s1] =	stream.indirect.scatter.add.bf16 [tilespmem:s23], [sflag:$0x2], $0x10, s17, s25, $0xb8;
	[tilespmem:$0x10D80] =	vst v63  }
0x309: {  	s0 =	rddreg [dreg:$0xd]  }
0x30a: {  	[spmem:s1] =	stream.indirect.scatter.add.bf16 [tilespmem:s23], [sflag:$0x2], $0x10, s0, s25, $0xb8;
	[tilespmem:$0x10D80] =	vst v63  }
0x30b: {  	_ = 	snop  }
0x30c: {  	[spmem:s1] =	stream.indirect.scatter.add.bf16 [tilespmem:s23], [sflag:$0x2], $0x10, s20, s25, $0xb8;
	[tilespmem:$0x10D80] =	vst v63  }
0x30d: {  	_ = 	snop  }
0x30e: {  	[spmem:s1] =	stream.indirect.scatter.add.bf16 [tilespmem:s23], [sflag:$0x2], $0x10, s28, s25, $0xb8;
	[tilespmem:$0x10D80] =	vst v63  }
0x30f: {  	_ = 	snop  }
0x310: {  	[spmem:s1] =	stream.indirect.scatter.add.bf16 [tilespmem:s23], [sflag:$0x2], $0x10, s30, s25, $0xb8;
	[tilespmem:$0x10D80] =	vst v63  }
0x311: {  	_ = 	snop  }
0x312: {  	[spmem:s1] =	stream.indirect.scatter.add.bf16 [tilespmem:s23], [sflag:$0x2], $0x10, s19, s25, $0xb8;
	[tilespmem:$0x10D80] =	vst v63  }
0x313: {  	_ = 	snop  }
0x314: {  	[spmem:s1] =	stream.indirect.scatter.add.bf16 [tilespmem:s23], [sflag:$0x2], $0x10, s18, s25, $0xb8;
	[tilespmem:$0x10D80] =	vst v63  }
0x315: {  	_ = 	snop  }
0x316: {  	[spmem:s1] =	stream.indirect.scatter.add.bf16 [tilespmem:s23], [sflag:$0x2], $0x10, s29, s25, $0xb8;
	[tilespmem:$0x10D80] =	vst v63  }
0x317: {  	_ = 	snop  }
0x318: {  	[spmem:s1] =	stream.indirect.scatter.add.bf16 [tilespmem:s23], [sflag:$0x2], $0x10, s31, s25, $0xb8;
	[tilespmem:$0x10D80] =	vst v63  }
0x319: {  	s17 =	simm.s32 $0x1900  }
0x31a: {  	[spmem:s1] =	stream.indirect.scatter.add.bf16 [tilespmem:s23], [sflag:$0x2], $0x10, s17, s25, $0xb8;
	[tilespmem:$0x10D80] =	vst v63  }
0x31b: {  	s18 =	simm.s32 $0x1980  }
0x31c: {  	[spmem:s1] =	stream.indirect.scatter.add.bf16 [tilespmem:s23], [sflag:$0x2], $0x10, s18, s25, $0xb8;
	[tilespmem:$0x10D80] =	vst v63  }
0x31d: {  	s19 =	simm.s32 $0x1A00  }
0x31e: {  	[spmem:s1] =	stream.indirect.scatter.add.bf16 [tilespmem:s23], [sflag:$0x2], $0x10, s19, s25, $0xb8;
	[tilespmem:$0x10D80] =	vst v63  }
0x31f: {  	_ = 	snop  }
0x320: {  	[spmem:s1] =	stream.indirect.scatter.add.bf16 [tilespmem:s23], [sflag:$0x2], $0x10, s12, s25, $0xb8;
	[tilespmem:$0x10D80] =	vst v63  }
0x321: {  	_ = 	snop  }
0x322: {  	[spmem:s1] =	stream.indirect.scatter.add.bf16 [tilespmem:s23], [sflag:$0x2], $0x10, s26, s25, $0xb8;
	[tilespmem:$0x10D80] =	vst v63  }
0x323: {  	_ = 	snop  }
0x324: {  	[spmem:s1] =	stream.indirect.scatter.add.bf16 [tilespmem:s23], [sflag:$0x2], $0x10, s11, s25, $0xb8;
	[tilespmem:$0x10D80] =	vst v63  }
0x325: {  	_ = 	snop  }
0x326: {  	[spmem:s1] =	stream.indirect.scatter.add.bf16 [tilespmem:s23], [sflag:$0x2], $0x10, s13, s25, $0xb8;
	[tilespmem:$0x10D80] =	vst v63  }
0x327: {  	_ = 	snop  }
0x328: {  	[spmem:s1] =	stream.indirect.scatter.add.bf16 [tilespmem:s23], [sflag:$0x2], $0x10, s15, s25, $0xb8;
	[tilespmem:$0x10D80] =	vst v63  }
0x329: {  	_ = 	snop  }
0x32a: {  	[spmem:s1] =	stream.indirect.scatter.add.bf16 [tilespmem:s23], [sflag:$0x2], $0x10, s9, s25, $0xb8;
	[tilespmem:$0x10D80] =	vst v63  }
0x32b: {  	_ = 	snop  }
0x32c: {  	[spmem:s1] =	stream.indirect.scatter.add.bf16 [tilespmem:s23], [sflag:$0x2], $0x10, s2, s25, $0xb8;
	[tilespmem:$0x10D80] =	vst v63  }
0x32d: {  	_ = 	snop  }
0x32e: {  	[spmem:s1] =	stream.indirect.scatter.add.bf16 [tilespmem:s23], [sflag:$0x2], $0x10, s8, s25, $0xb8;
	[tilespmem:$0x10D80] =	vst v63  }
0x32f: {  	s20 =	simm.s32 $0x1E80  }
0x330: {  	[spmem:s1] =	stream.indirect.scatter.add.bf16 [tilespmem:s23], [sflag:$0x2], $0x10, s20, s25, $0xb8;
	[tilespmem:$0x10D80] =	vst v63  }
0x331: {  	s28 =	simm.s32 $0x1F00  }
0x332: {  	[spmem:s1] =	stream.indirect.scatter.add.bf16 [tilespmem:s23], [sflag:$0x2], $0x10, s28, s25, $0xb8;
	[tilespmem:$0x10D80] =	vst v63  }
0x333: {  	s29 =	simm.s32 $0x1F80  }
0x334: {  	[spmem:s1] =	stream.indirect.scatter.add.bf16 [tilespmem:s23], [sflag:$0x2], $0x10, s29, s25, $0xb8;
	[tilespmem:$0x10D80] =	vst v63  }
0x335: {  	_ =	swait.ge [sflag:s21], $0x800  }
0x336: {  	[sflag:s21] =	ssyncset.done $0x0  }
0x337: {  	[sflag:s21] =	ssyncadd.s32 $0xFFFFF800  }
0x338: {  	_ =	swait.ge [sflag:s21], $0x800  }
0x339: {  	[sflag:s21] =	ssyncset.done $0x0  }
0x33a: {  	[sflag:s21] =	ssyncadd.s32 $0xFFFFF800  }
0x33b: {  	_ =	swait.ge [sflag:s21], $0x800  }
0x33c: {  	[sflag:s21] =	ssyncset.done $0x0  }
0x33d: {  	[sflag:s21] =	ssyncadd.s32 $0xFFFFF800  }
0x33e: {  	_ =	swait.ge [sflag:s21], $0x800  }
0x33f: {  	[sflag:s21] =	ssyncset.done $0x0  }
0x340: {  	[sflag:s21] =	ssyncadd.s32 $0xFFFFF800  }
0x341: {  	_ =	swait.ge [sflag:s21], $0x800  }
0x342: {  	[sflag:s21] =	ssyncset.done $0x0  }
0x343: {  	[sflag:s21] =	ssyncadd.s32 $0xFFFFF800  }
0x344: {  	_ =	swait.ge [sflag:s21], $0x800  }
0x345: {  	[sflag:s21] =	ssyncset.done $0x0  }
0x346: {  	[sflag:s21] =	ssyncadd.s32 $0xFFFFF800  }
0x347: {  	_ =	swait.ge [sflag:s21], $0x800  }
0x348: {  	[sflag:s21] =	ssyncset.done $0x0  }
0x349: {  	[sflag:s21] =	ssyncadd.s32 $0xFFFFF800  }
0x34a: {  	_ =	swait.ge [sflag:s21], $0x800  }
0x34b: {  	[sflag:s21] =	ssyncset.done $0x0  }
0x34c: {  	[sflag:s21] =	ssyncadd.s32 $0xFFFFF800  }
0x34d: {  	_ =	swait.ge [sflag:s21], $0x800  }
0x34e: {  	[sflag:s21] =	ssyncset.done $0x0  }
0x34f: {  	[sflag:s21] =	ssyncadd.s32 $0xFFFFF800  }
0x350: {  	_ =	swait.ge [sflag:s21], $0x800  }
0x351: {  	[sflag:s21] =	ssyncset.done $0x0  }
0x352: {  	[sflag:s21] =	ssyncadd.s32 $0xFFFFF800  }
0x353: {  	_ =	swait.ge [sflag:s21], $0x800  }
0x354: {  	[sflag:s21] =	ssyncset.done $0x0  }
0x355: {  	[sflag:s21] =	ssyncadd.s32 $0xFFFFF800  }
0x356: {  	_ =	swait.ge [sflag:s21], $0x800  }
0x357: {  	[sflag:s21] =	ssyncset.done $0x0  }
0x358: {  	[sflag:s21] =	ssyncadd.s32 $0xFFFFF800  }
0x359: {  	_ =	swait.ge [sflag:s21], $0x800  }
0x35a: {  	[sflag:s21] =	ssyncset.done $0x0  }
0x35b: {  	[sflag:s21] =	ssyncadd.s32 $0xFFFFF800  }
0x35c: {  	_ =	swait.ge [sflag:s21], $0x800  }
0x35d: {  	[sflag:s21] =	ssyncset.done $0x0  }
0x35e: {  	[sflag:s21] =	ssyncadd.s32 $0xFFFFF800  }
0x35f: {  	_ =	swait.ge [sflag:s21], $0x800  }
0x360: {  	[sflag:s21] =	ssyncset.done $0x0  }
0x361: {  	[sflag:s21] =	ssyncadd.s32 $0xFFFFF800  }
0x362: {  	_ =	swait.ge [sflag:s21], $0x800  }
0x363: {  	[sflag:s21] =	ssyncset.done $0x0  }
0x364: {  	[sflag:s21] =	ssyncadd.s32 $0xFFFFF800  }
0x365: {  	_ =	swait.ge [sflag:s21], $0x800  }
0x366: {  	[sflag:s21] =	ssyncset.done $0x0  }
0x367: {  	[sflag:s21] =	ssyncadd.s32 $0xFFFFF800  }
0x368: {  	_ =	swait.ge [sflag:s21], $0x800  }
0x369: {  	[sflag:s21] =	ssyncset.done $0x0  }
0x36a: {  	[sflag:s21] =	ssyncadd.s32 $0xFFFFF800  }
0x36b: {  	_ =	swait.ge [sflag:s21], $0x800  }
0x36c: {  	[sflag:s21] =	ssyncset.done $0x0  }
0x36d: {  	[sflag:s21] =	ssyncadd.s32 $0xFFFFF800  }
0x36e: {  	_ =	swait.ge [sflag:s21], $0x800  }
0x36f: {  	[sflag:s21] =	ssyncset.done $0x0  }
0x370: {  	[sflag:s21] =	ssyncadd.s32 $0xFFFFF800  }
0x371: {  	_ =	swait.ge [sflag:s21], $0x800  }
0x372: {  	[sflag:s21] =	ssyncset.done $0x0  }
0x373: {  	[sflag:s21] =	ssyncadd.s32 $0xFFFFF800  }
0x374: {  	_ =	swait.ge [sflag:s21], $0x800  }
0x375: {  	[sflag:s21] =	ssyncset.done $0x0  }
0x376: {  	[sflag:s21] =	ssyncadd.s32 $0xFFFFF800  }
0x377: {  	_ =	swait.ge [sflag:s21], $0x800  }
0x378: {  	[sflag:s21] =	ssyncset.done $0x0  }
0x379: {  	[sflag:s21] =	ssyncadd.s32 $0xFFFFF800  }
0x37a: {  	_ =	swait.ge [sflag:s21], $0x800  }
0x37b: {  	[sflag:s21] =	ssyncset.done $0x0  }
0x37c: {  	[sflag:s21] =	ssyncadd.s32 $0xFFFFF800  }
0x37d: {  	_ =	swait.ge [sflag:s21], $0x800  }
0x37e: {  	[sflag:s21] =	ssyncset.done $0x0  }
0x37f: {  	[sflag:s21] =	ssyncadd.s32 $0xFFFFF800  }
0x380: {  	_ =	swait.ge [sflag:s21], $0x800  }
0x381: {  	[sflag:s21] =	ssyncset.done $0x0  }
0x382: {  	[sflag:s21] =	ssyncadd.s32 $0xFFFFF800  }
0x383: {  	_ =	swait.ge [sflag:s21], $0x800  }
0x384: {  	[sflag:s21] =	ssyncset.done $0x0  }
0x385: {  	[sflag:s21] =	ssyncadd.s32 $0xFFFFF800  }
0x386: {  	_ =	swait.ge [sflag:s21], $0x800  }
0x387: {  	[sflag:s21] =	ssyncset.done $0x0  }
0x388: {  	[sflag:s21] =	ssyncadd.s32 $0xFFFFF800  }
0x389: {  	_ =	swait.ge [sflag:s21], $0x800  }
0x38a: {  	[sflag:s21] =	ssyncset.done $0x0  }
0x38b: {  	[sflag:s21] =	ssyncadd.s32 $0xFFFFF800  }
0x38c: {  	_ =	swait.ge [sflag:s21], $0x800  }
0x38d: {  	[sflag:s21] =	ssyncset.done $0x0  }
0x38e: {  	[sflag:s21] =	ssyncadd.s32 $0xFFFFF800  }
0x38f: {  	_ =	swait.ge [sflag:s21], $0x800  }
0x390: {  	[sflag:s21] =	ssyncset.done $0x0  }
0x391: {  	[sflag:s21] =	ssyncadd.s32 $0xFFFFF800  }
.Ltmp22:
0x392: {  	_ =	swait.ge [sflag:s21], $0x800;
	(pc) =	sbr.rel @p0 .LBB2_44-.Ltmp22, $4  }
0x393: {  	[sflag:s21] =	ssyncset.done $0x0  }
0x394: {  	[sflag:s21] =	ssyncadd.s32 $0xFFFFF800  }
0x395: {  	s30 =	sadd.s32 $0x0, s6;
	[bflag:$0x0] =	sbarrier.arrive $0xFFFF  }
0x396: {  	p1 =	sgt.u32 s30, $0x61B;
	s8 =	simm.s32 $0x1000  }
0x397: {  	s12 =	rddreg [dreg:$0x14]  }
0x398: {  	s14 =	sshll.u32 @!p1 s6, $0x6;
	s18 =	simm.s32 @!p1 $0x3;
	s20 =	rddreg [dreg:$0x1a]  }
0x399: {  	s17 =	simm.s32 $0x20;
	s16 =	sshrl.u32 @!p1 s12, $0x3;
	s14 =	sor.u32 @!p1 $0x1C03, s14  }
0x39a: {  	[hbm:s20], [sflag:s14] =	dma.local @!p1 [spmem:s16], $0x40  }
0x39b: {  	s19 =	sadd.s32 $0x10, s6;
	s14 =	sadd.s32 $0x2000, s12;
	_ =	swait.ge @!p1 [sflag:s18], $0x40  }
0x39c: {  	s16 =	sadd.s32 $0x400, s20;
	[sflag:s18] =	ssyncset.done @!p1 $0x0;
	s0 =	rddreg [dreg:$0x1b]  }
.LBB2_42:
0x39d: {  	[sflag:s18] =	ssyncadd.s32 @!p1 $0xFFFFFFC0  }
0x39e: {  	p1 =	sgt.u32 s19, $0x61B;
	s19 =	smov.u32 s17;
	s17 =	sadd.s32 $0x10, s17  }
0x39f: {  	p2 =	seq.s32 s17, $0x620  }
.Ltmp23:
0x3a0: {  	s18 =	sshll.u32 @!p1 s6, $0x6;
	s20 =	sshrl.u32 @!p1 s14, $0x3;
	(pc) =	sbr.rel @!p2 .LBB2_42-.Ltmp23, $4  }
0x3a1: {  	s28 =	sor.u32 @!p1 $0x1C03, s18;
	s18 =	simm.s32 @!p1 $0x3  }
0x3a2: {  	[hbm:s16], [sflag:s28] =	dma.local @!p1 [spmem:s20], $0x40  }
0x3a3: {  	s14 =	sadd.s32 $0x2000, s14;
	_ =	swait.ge @!p1 [sflag:s18], $0x40  }
0x3a4: {  	s19 =	sadd.s32 s19, s6;
	s16 =	sadd.s32 $0x400, s16;
	[sflag:s18] =	ssyncset.done @!p1 $0x0  }
0x3a5: {  	p2 =	sgt.u32 s19, $0x61B  }
0x3a6: {  	[sflag:s18] =	ssyncadd.s32 @!p1 $0xFFFFFFC0;
	s17 =	sshll.u32 @!p2 s6, $0x6;
	s14 =	sshrl.u32 @!p2 s14, $0x3  }
.Ltmp24:
0x3a7: {  	s18 =	simm.s32 @!p2 $0x3;
	s17 =	sor.u32 @!p2 $0x1C03, s17;
	(pc) =	sbr.rel .LBB2_47-.Ltmp24, $4  }
0x3a8: {  	[hbm:s16], [sflag:s17] =	dma.local @!p2 [spmem:s14], $0x40  }
0x3a9: {  	_ =	swait.ge @!p2 [sflag:s18], $0x40  }
0x3aa: {  	[sflag:s18] =	ssyncset.done @!p2 $0x0  }
0x3ab: {  	s2 =	simm.s32 $0x0;
	[sflag:s18] =	ssyncadd.s32 @!p2 $0xFFFFFFC0  }
.LBB2_44:
0x3ac: {  	s12 =	rddreg [dreg:$0x14]  }
0x3ad: {  	s14 =	sshll.u32 @!p1 s6, $0x6;
	s18 =	simm.s32 @!p1 $0x3;
	s20 =	rddreg [dreg:$0x19]  }
0x3ae: {  	s17 =	simm.s32 $0x20;
	s16 =	sshrl.u32 @!p1 s12, $0x3;
	s14 =	sor.u32 @!p1 $0x1C03, s14  }
0x3af: {  	[hbm:s20], [sflag:s14] =	dma.local @!p1 [spmem:s16], $0x40  }
0x3b0: {  	s19 =	sadd.s32 $0x10, s6;
	s14 =	sadd.s32 $0x2000, s12;
	_ =	swait.ge @!p1 [sflag:s18], $0x40  }
0x3b1: {  	s16 =	sadd.s32 $0x400, s20;
	[sflag:s18] =	ssyncset.done @!p1 $0x0;
	s0 =	rddreg [dreg:$0x1b]  }
.LBB2_45:
0x3b2: {  	[sflag:s18] =	ssyncadd.s32 @!p1 $0xFFFFFFC0  }
0x3b3: {  	p1 =	sgt.u32 s19, $0x61B;
	s19 =	smov.u32 s17;
	s17 =	sadd.s32 $0x10, s17  }
0x3b4: {  	p2 =	sne.s32 s17, $0x620  }
.Ltmp25:
0x3b5: {  	s18 =	sshll.u32 @!p1 s6, $0x6;
	s20 =	sshrl.u32 @!p1 s14, $0x3;
	(pc) =	sbr.rel @p2 .LBB2_45-.Ltmp25, $4  }
0x3b6: {  	s28 =	sor.u32 @!p1 $0x1C03, s18;
	s18 =	simm.s32 @!p1 $0x3  }
0x3b7: {  	[hbm:s16], [sflag:s28] =	dma.local @!p1 [spmem:s20], $0x40  }
0x3b8: {  	s14 =	sadd.s32 $0x2000, s14;
	_ =	swait.ge @!p1 [sflag:s18], $0x40  }
0x3b9: {  	s19 =	sadd.s32 s19, s6;
	s16 =	sadd.s32 $0x400, s16;
	[sflag:s18] =	ssyncset.done @!p1 $0x0  }
0x3ba: {  	p2 =	sgt.u32 s19, $0x61B  }
0x3bb: {  	[sflag:s18] =	ssyncadd.s32 @!p1 $0xFFFFFFC0;
	s17 =	sshll.u32 @!p2 s6, $0x6;
	s14 =	sshrl.u32 @!p2 s14, $0x3  }
.Ltmp26:
0x3bc: {  	s18 =	simm.s32 @!p2 $0x3;
	s17 =	sor.u32 @!p2 $0x1C03, s17;
	(pc) =	sbr.rel .LBB2_47-.Ltmp26, $4  }
0x3bd: {  	[hbm:s16], [sflag:s17] =	dma.local @!p2 [spmem:s14], $0x40  }
0x3be: {  	_ =	swait.ge @!p2 [sflag:s18], $0x40  }
0x3bf: {  	[sflag:s18] =	ssyncset.done @!p2 $0x0  }
0x3c0: {  	s2 =	simm.s32 $0x0;
	[sflag:s18] =	ssyncadd.s32 @!p2 $0xFFFFFFC0  }
.LBB2_48:
0x3c1: {  	_ =	sfence.sel $0x180000  }
0x3c2: {  	[bflag:$0x0] =	sbarrier.arrive $0xFFFF  }
0x3c3: {  	_ =	strace $0x90000047  }
0x3c4: {  	[bflag:$0x2] =	sbarrier.arrive $0xFFFF  }
0x3c5: {  	p0 =	sne.s32 s6, $0x0;
	s0 =	rddreg [dreg:$0x2]  }
0x3c6: {  	s0 =	sadd.s32 @!p0 $0x100000, s0  }
0x3c7: {  	[sflag:s0] =	ssyncadd.tile.s32 @!p0 $0x1;
	_ =	shalt  }
.Lfunc_end2:
_tile_overlayer_lowered:
.L_overlay_start_2:
0x3c8: {  	(tag) =	ssettag $0x2  }
0x3c9: {  	s0 =	rddreg [dreg:$0x0];
	s2 =	stileid.u32  }
0x3ca: {  	s1 =	rddreg [dreg:$0x1];
	p0 =	sne.s32 s2, $0x0  }
0x3cb: {  	s3 =	rddreg [dreg:$0x2];
	[bflag:$0x3] =	sbarrier.arrive $0xFFFF;
	s2 =	simm.s32 @!p0 $0x1C03  }
0x3cc: {  	[timem:s3], [sflag:s2] =	dma.local @!p0 [hbm:s0], s1  }
0x3cd: {  	s0 =	simm.s32 @!p0 $0x3  }
0x3ce: {  	_ =	swait.ge @!p0 [sflag:s0], s1  }
0x3cf: {  	s1 =	ssub.s32 @!p0 $0x0, s1;
	[sflag:s0] =	ssyncset.done @!p0 $0x0  }
0x3d0: {  	[sflag:s0] =	ssyncadd.s32 @!p0 s1  }
0x3d1: {  	[bflag:$0x3] =	sbarrier.arrive $0xFFFF  }
0x3d2: {  	_ =	shalt  }

</sc_bundles>
